<compile_context>
chip_gen: v7x
topology: tpu7x:2x2x1
jax: 0.10.2.dev20260603
libtpu: 0.0.44.dev20260713+nightly
codegen_flags: <defaults>
</compile_context>

<pallas_src>
import functools

import jax
import jax.numpy as jnp
from jax import lax
from jax.experimental import pallas as pl
from jax.experimental.pallas import tpu as pltpu
from jax.experimental.pallas import tpu_sc as plsc

N = 10000
E = 320000
D = 128
DI = 256
DS = 16


def _sc_mesh():
    return plsc.VectorSubcoreMesh(core_axis_name="c", subcore_axis_name="s")


_NW = 32
_PER_W = E // _NW
_CHUNK = 80
_NCHUNK = _PER_W // _CHUNK
_ROWS_PER_TILE = N // 16


def _make_gather_body(nchunk):
    def body(table_hbm, idx2d_hbm, out_hbm, ibuf, rb0, rb1, s0, s1):
        c = lax.axis_index("c")
        s = lax.axis_index("s")
        wid = s * 2 + c
        pltpu.sync_copy(idx2d_hbm.at[wid], ibuf)
        rbase = wid * nchunk * _CHUNK
        dummy = table_hbm.at[pl.ds(0, _CHUNK)]
        pltpu.async_copy(table_hbm.at[ibuf.at[0]], rb0, s0)

        @pl.loop(0, nchunk // 2)
        def _(i):
            j0 = 2 * i
            pltpu.async_copy(table_hbm.at[ibuf.at[j0 + 1]], rb1, s1)
            pltpu.make_async_copy(dummy, rb0, s0).wait()
            pltpu.sync_copy(rb0, out_hbm.at[pl.ds(rbase + j0 * _CHUNK, _CHUNK)])

            @pl.when(j0 + 2 < nchunk)
            def _():
                pltpu.async_copy(table_hbm.at[ibuf.at[j0 + 2]], rb0, s0)

            pltpu.make_async_copy(dummy, rb1, s1).wait()
            pltpu.sync_copy(rb1,
                            out_hbm.at[pl.ds(rbase + (j0 + 1) * _CHUNK, _CHUNK)])

        if nchunk % 2 == 1:
            pltpu.make_async_copy(dummy, rb0, s0).wait()
            pltpu.sync_copy(rb0,
                            out_hbm.at[pl.ds(rbase + (nchunk - 1) * _CHUNK, _CHUNK)])

    return body


def _sc_gather(table, idx):
    m = idx.shape[0]
    nchunk = m // (_NW * _CHUNK)
    return pl.kernel(
        _make_gather_body(nchunk),
        out_type=jax.ShapeDtypeStruct((m, D), jnp.float32),
        mesh=_sc_mesh(),
        scratch_types=[
            pltpu.VMEM((nchunk, _CHUNK), jnp.int32),
            pltpu.VMEM((_CHUNK, D), jnp.float32),
            pltpu.VMEM((_CHUNK, D), jnp.float32),
            pltpu.SemaphoreType.DMA,
            pltpu.SemaphoreType.DMA,
        ],
    )(table, idx.reshape(_NW, nchunk, _CHUNK))


_HALF = N // 2
_ACC_ROWS = 5008
_TROWS = 312
_PER_W_SC = E // 16
_NCHUNK_SC = _PER_W_SC // _CHUNK


def _sc_scatter_body(msg_hbm, dst2d_hbm, zeros_hbm, out_hbm, ibuf, mb0, mb1,
                     acc, s0, s1):
    c = lax.axis_index("c")
    s = lax.axis_index("s")
    row0 = s * _TROWS
    lo = c * _HALF
    pltpu.sync_copy(zeros_hbm, mb0)
    for k in range(3):
        pltpu.sync_copy(mb0, acc.at[pl.ds(row0 + k * _CHUNK, _CHUNK)])
    pltpu.sync_copy(mb0.at[pl.ds(0, 72)], acc.at[pl.ds(row0 + 240, 72)])

    @pl.when(s == 0)
    def _():
        pltpu.sync_copy(mb0.at[pl.ds(0, 16)], acc.at[pl.ds(16 * _TROWS, 16)])

    pltpu.sync_copy(dst2d_hbm.at[s], ibuf)

    @pl.loop(0, _NCHUNK_SC)
    def _(j):
        for i in range(_CHUNK // 16):
            v = ibuf[j, pl.ds(i * 16, 16)] - lo
            inr = (v >= 0) & (v < _HALF)
            ibuf[j, pl.ds(i * 16, 16)] = jnp.where(inr, v, _HALF)

    plsc.subcore_barrier()

    base = s * _PER_W_SC
    dummy = msg_hbm.at[pl.ds(0, _CHUNK)]
    pltpu.async_copy(msg_hbm.at[pl.ds(base, _CHUNK)], mb0, s0)

    @pl.loop(0, _NCHUNK_SC // 2)
    def _(i):
        j0 = 2 * i
        pltpu.async_copy(msg_hbm.at[pl.ds(base + (j0 + 1) * _CHUNK, _CHUNK)],
                         mb1, s1)
        pltpu.make_async_copy(dummy, mb0, s0).wait()
        pltpu.sync_copy(mb0, acc.at[ibuf.at[j0]], add=True)

        @pl.when(j0 + 2 < _NCHUNK_SC)
        def _():
            pltpu.async_copy(msg_hbm.at[pl.ds(base + (j0 + 2) * _CHUNK, _CHUNK)],
                             mb0, s0)

        pltpu.make_async_copy(dummy, mb1, s1).wait()
        pltpu.sync_copy(mb1, acc.at[ibuf.at[j0 + 1]], add=True)

    plsc.subcore_barrier()
    pltpu.sync_copy(acc.at[pl.ds(row0, _TROWS)],
                    out_hbm.at[c, pl.ds(row0, _TROWS)])

    @pl.when(s == 0)
    def _():
        pltpu.sync_copy(acc.at[pl.ds(16 * _TROWS, 16)],
                        out_hbm.at[c, pl.ds(16 * _TROWS, 16)])


def _sc_scatter_add(msg, dst, zeros312):
    return pl.kernel(
        _sc_scatter_body,
        out_type=jax.ShapeDtypeStruct((2, _ACC_ROWS, D), jnp.float32),
        mesh=_sc_mesh(),
        scratch_types=[
            pltpu.VMEM((_NCHUNK_SC, _CHUNK), jnp.int32),
            pltpu.VMEM((_CHUNK, D), jnp.float32),
            pltpu.VMEM((_CHUNK, D), jnp.float32),
            pltpu.VMEM_SHARED((_ACC_ROWS, D), jnp.float32),
            pltpu.SemaphoreType.DMA,
            pltpu.SemaphoreType.DMA,
        ],
    )(msg, dst.reshape(16, _NCHUNK_SC, _CHUNK), zeros312)



def _bn_kernel(x_ref, g_ref, b_ref, o_ref):
    xv = x_ref[...]
    m = jnp.mean(xv, axis=0, keepdims=True)
    v = jnp.mean((xv - m) ** 2, axis=0, keepdims=True)
    o_ref[...] = (xv - m) / jnp.sqrt(v + 1e-5) * g_ref[...] + b_ref[...]


def _tc_batch_norm_x(x, g, b):
    return pl.pallas_call(
        _bn_kernel,
        out_shape=jax.ShapeDtypeStruct((N, D), jnp.float32),
    )(x, g.reshape(1, D), b.reshape(1, D))


_EA_R = 4000
_EA_G = E // _EA_R


def _ea_stats_kernel(ea_ref, o_ref):
    @pl.when(pl.program_id(0) == 0)
    def _():
        o_ref[...] = jnp.zeros_like(o_ref)

    ev = ea_ref[...]
    o_ref[0:1, :] += jnp.sum(ev, axis=0, keepdims=True)
    o_ref[1:2, :] += jnp.sum(ev * ev, axis=0, keepdims=True)


def _tc_ea_stats(ea):
    return pl.pallas_call(
        _ea_stats_kernel,
        grid=(_EA_G,),
        in_specs=[pl.BlockSpec((_EA_R, D), lambda i: (i, 0))],
        out_specs=pl.BlockSpec((8, D), lambda i: (0, 0)),
        out_shape=jax.ShapeDtypeStruct((8, D), jnp.float32),
    )(ea)


def _bdot(x, w):
    return jnp.dot(x.astype(jnp.bfloat16), w,
                   preferred_element_type=jnp.float32)


def _edge_msg_kernel(ea_ref, gx_ref, m_ref, v_ref, g_ref, bb_ref, w_ref,
                     b_ref, o_ref):
    ean = ((ea_ref[...] - m_ref[...]) / jnp.sqrt(v_ref[...] + 1e-5)
           * g_ref[...] + bb_ref[...])
    e = _bdot(ean, w_ref[...])
    o_ref[...] = jnp.maximum(e + b_ref[...] + gx_ref[...], 0.0)


def _tc_edge_msg(ea, gx, m, v, g, bb, w, b):
    return pl.pallas_call(
        _edge_msg_kernel,
        grid=(_EA_G,),
        in_specs=[
            pl.BlockSpec((_EA_R, D), lambda i: (i, 0)),
            pl.BlockSpec((_EA_R, D), lambda i: (i, 0)),
            pl.BlockSpec((1, D), lambda i: (0, 0)),
            pl.BlockSpec((1, D), lambda i: (0, 0)),
            pl.BlockSpec((1, D), lambda i: (0, 0)),
            pl.BlockSpec((1, D), lambda i: (0, 0)),
            pl.BlockSpec((D, D), lambda i: (0, 0)),
            pl.BlockSpec((1, D), lambda i: (0, 0)),
        ],
        out_specs=pl.BlockSpec((_EA_R, D), lambda i: (i, 0)),
        out_shape=jax.ShapeDtypeStruct((E, D), jnp.float32),
    )(ea, gx, m, v, g, bb, w, b)


def _node_mlp_kernel(xn_ref, a0_ref, w1_ref, b1_ref, w2_ref, b2_ref, o_ref):
    h = xn_ref[...] + a0_ref[...]
    hm = _bdot(h, w1_ref[...]) + b1_ref[...]
    hm = jnp.where(hm >= 0, hm, 0.01 * hm)
    h2 = _bdot(hm, w2_ref[...]) + b2_ref[...]
    o_ref[...] = jnp.maximum(h2, 0.0)


def _tc_node_mlp(xn, a0, w1, b1, w2, b2):
    return pl.pallas_call(
        _node_mlp_kernel,
        out_shape=jax.ShapeDtypeStruct((N, D), jnp.float32),
    )(xn, a0, w1, b1.reshape(1, D), w2, b2.reshape(1, D))


_MB_R = 2000
_MB_G = N // _MB_R


def _mamba_pre_kernel(h_ref, hh_ref, m3_ref, lng_ref, lnb_ref, inw_ref,
                      convt_ref, convb_ref, xproj_ref, dtp_ref, dtb_ref,
                      sel_ref, delta_ref, u_ref, gz_ref, bc_ref):
    def ln(v):
        m = jnp.mean(v, axis=1, keepdims=True)
        var = jnp.mean((v - m) ** 2, axis=1, keepdims=True)
        return (v - m) / jnp.sqrt(var + 1e-5) * lng_ref[...] + lnb_ref[...]

    hv = ln(h_ref[...])
    hh = ln(hh_ref[...])
    xz = _bdot(hv, inw_ref[...])
    u0 = xz[:, :DI]
    z = xz[:, DI:]
    u0h = _bdot(hh, inw_ref[...])[:, :DI]

    y = u0 * convt_ref[3:4, :]
    for k in (1, 2, 3):
        shifted = jnp.concatenate([u0h[8 - k:, :], u0[:-k, :]], axis=0)
        y = y + shifted * convt_ref[3 - k:4 - k, :] * m3_ref[:, k - 1:k]
    y = y + convb_ref[...]
    u = y * jax.nn.sigmoid(y)
    xdbl = _bdot(u, xproj_ref[...])
    dpre = _bdot(xdbl, dtp_ref[...])
    delta_ref[...] = jax.nn.softplus(dpre + dtb_ref[...])
    u_ref[...] = u
    gz_ref[...] = z * jax.nn.sigmoid(z)
    bc_ref[...] = jnp.dot(xdbl, sel_ref[...], precision=lax.Precision.HIGHEST,
                          preferred_element_type=jnp.float32)


def _tc_mamba_pre(h, m3, lng, lnb, inw, convt, convb, xprojp, dtp, dtb, sel):
    halo_spec = pl.BlockSpec((8, D), lambda i: (jnp.maximum(i * (_MB_R // 8) - 1, 0), 0))
    full = lambda shape: pl.BlockSpec(shape, lambda i: tuple(0 for _ in shape))
    return pl.pallas_call(
        _mamba_pre_kernel,
        grid=(_MB_G,),
        in_specs=[
            pl.BlockSpec((_MB_R, D), lambda i: (i, 0)),
            halo_spec,
            pl.BlockSpec((_MB_R, 8), lambda i: (i, 0)),
            full((1, D)), full((1, D)), full((D, 2 * DI)),
            full((8, DI)), full((1, DI)), full((DI, D)),
            full((D, DI)), full((1, DI)), full((D, 32)),
        ],
        out_specs=[
            pl.BlockSpec((_MB_R, DI), lambda i: (i, 0)),
            pl.BlockSpec((_MB_R, DI), lambda i: (i, 0)),
            pl.BlockSpec((_MB_R, DI), lambda i: (i, 0)),
            pl.BlockSpec((_MB_R, 32), lambda i: (i, 0)),
        ],
        out_shape=[
            jax.ShapeDtypeStruct((N, DI), jnp.float32),
            jax.ShapeDtypeStruct((N, DI), jnp.float32),
            jax.ShapeDtypeStruct((N, DI), jnp.float32),
            jax.ShapeDtypeStruct((N, 32), jnp.float32),
        ],
    )(h, h, m3, lng, lnb, inw, convt, convb, xprojp, dtp, dtb, sel)


_SC_T = 40
_SC_G = N // _SC_T


def _scan_kernel(delta_ref, u_ref, bct_ref, keep_ref, at_ref, ys_ref, st_ref):
    @pl.when(pl.program_id(0) == 0)
    def _():
        st_ref[...] = jnp.zeros_like(st_ref)

    st = st_ref[...]
    at = at_ref[...]
    rows = []
    for k in range(_SC_T):
        d = delta_ref[k:k + 1, :]
        dak = jnp.exp(d * at)
        duk = d * u_ref[k:k + 1, :]
        bc = bct_ref[0, :, k:k + 1]
        cc = bct_ref[0, :, _SC_T + k:_SC_T + k + 1]
        kp = keep_ref[0, 0:1, k:k + 1].reshape(1, 1)
        st = dak * (st * kp) + duk * bc
        rows.append(jnp.sum(st * cc, axis=0, keepdims=True))
    ys_ref[...] = jnp.concatenate(rows, axis=0)
    st_ref[...] = st


def _tc_scan(delta, u, bct, keep, at):
    return pl.pallas_call(
        _scan_kernel,
        grid=(_SC_G,),
        in_specs=[
            pl.BlockSpec((_SC_T, DI), lambda i: (i, 0)),
            pl.BlockSpec((_SC_T, DI), lambda i: (i, 0)),
            pl.BlockSpec((1, DS, 2 * _SC_T), lambda i: (i, 0, 0)),
            pl.BlockSpec((1, 1, _SC_T), lambda i: (i, 0, 0)),
            pl.BlockSpec((DS, DI), lambda i: (0, 0)),
        ],
        out_specs=pl.BlockSpec((_SC_T, DI), lambda i: (i, 0)),
        out_shape=jax.ShapeDtypeStruct((N, DI), jnp.float32),
        scratch_shapes=[pltpu.VMEM((DS, DI), jnp.float32)],
    )(delta, u, bct, keep, at)


def _mamba_post_kernel(ys_ref, u_ref, gz_ref, dp_ref, ow_ref, hres_ref, o_ref):
    v = (ys_ref[...] + u_ref[...] * dp_ref[...]) * gz_ref[...]
    o_ref[...] = _bdot(v, ow_ref[...]) + hres_ref[...]


def _tc_mamba_post(ys, u, gz, dp, ow, hres):
    full = lambda shape: pl.BlockSpec(shape, lambda i: tuple(0 for _ in shape))
    return pl.pallas_call(
        _mamba_post_kernel,
        grid=(_MB_G,),
        in_specs=[
            pl.BlockSpec((_MB_R, DI), lambda i: (i, 0)),
            pl.BlockSpec((_MB_R, DI), lambda i: (i, 0)),
            pl.BlockSpec((_MB_R, DI), lambda i: (i, 0)),
            full((1, DI)), full((DI, D)),
            pl.BlockSpec((_MB_R, D), lambda i: (i, 0)),
        ],
        out_specs=pl.BlockSpec((_MB_R, D), lambda i: (i, 0)),
        out_shape=jax.ShapeDtypeStruct((N, D), jnp.float32),
    )(ys, u, gz, dp, ow, hres)


_CL_R = 4000
_CL_G = E // _CL_R


def _cls_kernel(gs_ref, gd_ref, g1_ref, b1g_ref, w1_ref, b1_ref, g2_ref,
                b2g_ref, w2_ref, b2_ref, g3_ref, b3g_ref, w3_ref, b3_ref,
                o_ref):
    def ln(v, g, b):
        m = jnp.mean(v, axis=1, keepdims=True)
        var = jnp.mean((v - m) ** 2, axis=1, keepdims=True)
        return (v - m) / jnp.sqrt(var + 1e-5) * g + b

    rep = jnp.concatenate([gs_ref[...], gd_ref[...]], axis=1)
    zz = ln(rep, g1_ref[...], b1g_ref[...])
    zz = _bdot(zz, w1_ref[...]) + b1_ref[...]
    zz = jnp.where(zz >= 0, zz, 0.01 * zz)
    zz = ln(zz, g2_ref[...], b2g_ref[...])
    zz = _bdot(zz, w2_ref[...]) + b2_ref[...]
    zz = jnp.where(zz >= 0, zz, 0.01 * zz)
    zz = ln(zz, g3_ref[...], b3g_ref[...])
    zz = _bdot(zz, w3_ref[...]) + b3_ref[...]
    o_ref[...] = zz[:, :2]


def _tc_classifier(gsd, params):
    m = gsd.shape[0] // 2
    grid_n = m // _CL_R
    full = lambda shape: pl.BlockSpec(shape, lambda i: tuple(0 for _ in shape))
    in_specs = [
        pl.BlockSpec((_CL_R, D), lambda i: (i, 0)),
        pl.BlockSpec((_CL_R, D), lambda i, g=grid_n: (i + g, 0)),
        full((1, 2 * D)), full((1, 2 * D)), full((2 * D, 2 * D)), full((1, 2 * D)),
        full((1, 2 * D)), full((1, 2 * D)), full((2 * D, D)), full((1, D)),
        full((1, D)), full((1, D)), full((D, D)), full((1, D)),
    ]
    return pl.pallas_call(
        _cls_kernel,
        grid=(grid_n,),
        in_specs=in_specs,
        out_specs=pl.BlockSpec((_CL_R, 2), lambda i: (i, 0)),
        out_shape=jax.ShapeDtypeStruct((m, 2), jnp.float32),
    )(gsd, gsd, *params)



def kernel(x, edge_index, edge_attr, batch, bn_node_g, bn_node_b, bn_edge_g,
           bn_edge_b, gine_lin_W, gine_lin_b, mlp_W1, mlp_b1, mlp_W2, mlp_b2,
           ln_g, ln_b, in_W, conv_W, conv_b, xproj_W, dt_W, dt_b, A_log,
           D_param, out_W, cls_ln1_g, cls_ln1_b, cls_W1, cls_b1, cls_ln2_g,
           cls_ln2_b, cls_W2, cls_b2, cls_ln3_g, cls_ln3_b, cls_W3, cls_b3):
    f32 = jnp.float32
    src = edge_index[0].astype(jnp.int32)
    dst = edge_index[1].astype(jnp.int32)

    bf16 = jnp.bfloat16
    xn = _tc_batch_norm_x(x, bn_node_g, bn_node_b)
    stats = _tc_ea_stats(edge_attr)
    ea_mean = stats[0] / E
    ea_var = stats[1] / E - ea_mean * ea_mean

    gx = _sc_gather(xn, src)
    msg = _tc_edge_msg(edge_attr, gx, ea_mean.reshape(1, D),
                       ea_var.reshape(1, D), bn_edge_g.reshape(1, D),
                       bn_edge_b.reshape(1, D), gine_lin_W.astype(bf16),
                       gine_lin_b.reshape(1, D))
    zeros80 = jnp.zeros((_CHUNK, D), f32)
    aggr = _sc_scatter_add(msg, dst, zeros80)
    aggr_c = jnp.concatenate([aggr[0, :_HALF], aggr[1, :_HALF]], axis=0)
    h = _tc_node_mlp(xn, aggr_c, mlp_W1.astype(bf16), mlp_b1,
                     mlp_W2.astype(bf16), mlp_b2)

    bprev1 = jnp.concatenate([batch[:1] - 1, batch[:-1]])
    bprev2 = jnp.concatenate([batch[:2] - 1, batch[:-2]])
    bprev3 = jnp.concatenate([batch[:3] - 1, batch[:-3]])
    m3 = jnp.zeros((N, 8), f32)
    m3 = m3.at[:, 0].set((batch == bprev1).astype(f32))
    m3 = m3.at[:, 1].set((batch == bprev2).astype(f32))
    m3 = m3.at[:, 2].set((batch == bprev3).astype(f32))
    keep = (batch == bprev1).astype(f32).reshape(_SC_G, 1, _SC_T)

    at = -jnp.exp(A_log).T
    convt = jnp.zeros((8, DI), f32).at[:4].set(conv_W.T)
    xprojp = jnp.zeros((DI, D), f32).at[:, :40].set(xproj_W).astype(bf16)
    dtp = jnp.zeros((D, DI), f32).at[:8].set(dt_W).astype(bf16)
    sel = jnp.zeros((D, 32), f32)
    sel = sel.at[8 + jnp.arange(16), jnp.arange(16)].set(1.0)
    sel = sel.at[24 + jnp.arange(16), 16 + jnp.arange(16)].set(1.0)
    lng = ln_g.reshape(1, D)
    lnb = ln_b.reshape(1, D)
    convb = conv_b.reshape(1, DI)
    dtb = dt_b.reshape(1, DI)
    dp = D_param.reshape(1, DI)

    in_Wb = in_W.astype(bf16)
    out_Wb = out_W.astype(bf16)

    def mamba_block(hcur):
        delta, u, gz, bc = _tc_mamba_pre(hcur, m3, lng, lnb, in_Wb, convt,
                                         convb, xprojp, dtp, dtb, sel)
        bg = bc[:, :16].reshape(_SC_G, _SC_T, DS).transpose(0, 2, 1)
        cg = bc[:, 16:32].reshape(_SC_G, _SC_T, DS).transpose(0, 2, 1)
        bct = jnp.concatenate([bg, cg], axis=2)
        ys = _tc_scan(delta, u, bct, keep, at)
        return _tc_mamba_post(ys, u, gz, dp, out_Wb, hcur)

    h = mamba_block(h)
    h = mamba_block(h)

    eh = E // 2
    g1 = _sc_gather(h, jnp.concatenate([src[:eh], dst[:eh]]))
    g2 = _sc_gather(h, jnp.concatenate([src[eh:], dst[eh:]]))
    w3p = jnp.zeros((D, D), f32).at[:, :2].set(cls_W3).astype(bf16)
    b3p = jnp.zeros((1, D), f32).at[0, :2].set(cls_b3)
    params = (
        cls_ln1_g.reshape(1, 2 * D), cls_ln1_b.reshape(1, 2 * D),
        cls_W1.astype(bf16),
        cls_b1.reshape(1, 2 * D), cls_ln2_g.reshape(1, 2 * D),
        cls_ln2_b.reshape(1, 2 * D), cls_W2.astype(bf16),
        cls_b2.reshape(1, D),
        cls_ln3_g.reshape(1, D), cls_ln3_b.reshape(1, D), w3p, b3p,
    )
    return jnp.concatenate(
        [_tc_classifier(g1, params), _tc_classifier(g2, params)], axis=0)

# --- scband reference (transcript-rebuilt; emitter-appended) ---
"""Pipeline reference for scband-edge-gnn-17162689315092 (READ-ONLY COPY).

The authoritative reference and input builder live on the scoring server;
editing this copy changes nothing except your own understanding.
"""

import jax, jax.numpy as jnp
import numpy as np


def _leaky(x):
    return jnp.where(x >= 0, x, 0.01 * x)


def _layer_norm(x, g, b, eps=1e-5):
    m = x.mean(-1, keepdims=True)
    v = ((x - m) ** 2).mean(-1, keepdims=True)
    return (x - m) / jnp.sqrt(v + eps) * g + b


def _batch_norm(x, g, b, eps=1e-5):
    m = x.mean(0, keepdims=True)
    v = ((x - m) ** 2).mean(0, keepdims=True)
    return (x - m) / jnp.sqrt(v + eps) * g + b


def _mamba(xs, in_W, conv_W, conv_b, xproj_W, dt_W, dt_b, A_log, D_param, out_W):
    Bb, L, Dm = xs.shape
    di = in_W.shape[1] // 2
    ds = A_log.shape[1]
    dtr = dt_W.shape[0]
    K = conv_W.shape[1]
    xz = xs @ in_W
    u0, z = xz[..., :di], xz[..., di:]
    xp = jnp.pad(u0, ((0, 0), (K - 1, 0), (0, 0)))
    y = jnp.zeros_like(u0)
    for k in range(K):
        y = y + xp[:, k:k + L, :] * conv_W[:, k][None, None, :]
    y = y + conv_b
    u = jax.nn.silu(y)
    xdbl = u @ xproj_W
    delta = jax.nn.softplus(xdbl[..., :dtr] @ dt_W + dt_b)
    Bm = xdbl[..., dtr:dtr + ds]
    Cm = xdbl[..., dtr + ds:]
    A = -jnp.exp(A_log)

    def step(h, ins):
        d_t, B_t, C_t, u_t = ins
        dA = jnp.exp(d_t[..., None] * A[None, :, :])
        h = dA * h + d_t[..., None] * B_t[:, None, :] * u_t[..., None]
        return h, (h * C_t[:, None, :]).sum(-1)

    _, ys = jax.lax.scan(step, jnp.zeros((Bb, di, ds), xs.dtype),
                         (delta.swapaxes(0, 1), Bm.swapaxes(0, 1), Cm.swapaxes(0, 1), u.swapaxes(0, 1)))
    ys = ys.swapaxes(0, 1)
    ys = ys + u * D_param
    ys = ys * jax.nn.silu(z)
    return ys @ out_W


def _residual_mamba(x, ln_g, ln_b, *mp):
    return x + _mamba(_layer_norm(x, ln_g, ln_b), *mp)


def setup_inputs(seed: int = 0):
    key = jax.random.key(seed)
    ks = jax.random.split(key, 32)
    N, E, D, H, B = 10000, 320000, 128, 128, 8
    di, ds, dtr = 2 * H, 16, 8
    inp = {}
    inp['x'] = jax.random.normal(ks[0], (N, D), jnp.float32)
    inp['edge_index'] = jax.random.randint(ks[1], (2, E), 0, N)
    inp['edge_attr'] = jax.random.normal(ks[2], (E, D), jnp.float32)
    inp['batch'] = jnp.sort(jax.random.randint(ks[3], (N,), 0, B))
    inp['bn_node_g'] = jnp.ones((D,)); inp['bn_node_b'] = jnp.zeros((D,))
    inp['bn_edge_g'] = jnp.ones((D,)); inp['bn_edge_b'] = jnp.zeros((D,))
    inp['gine_lin_W'] = jax.random.normal(ks[4], (D, D)) * 0.05
    inp['gine_lin_b'] = jnp.zeros((D,))
    inp['mlp_W1'] = jax.random.normal(ks[5], (D, H)) * 0.05
    inp['mlp_b1'] = jnp.zeros((H,))
    inp['mlp_W2'] = jax.random.normal(ks[6], (H, H)) * 0.05
    inp['mlp_b2'] = jnp.zeros((H,))
    inp['ln_g'] = jnp.ones((H,)); inp['ln_b'] = jnp.zeros((H,))
    inp['in_W'] = jax.random.normal(ks[7], (H, 2 * di)) * 0.05
    inp['conv_W'] = jax.random.normal(ks[8], (di, 4)) * 0.1
    inp['conv_b'] = jnp.zeros((di,))
    inp['xproj_W'] = jax.random.normal(ks[9], (di, dtr + 2 * ds)) * 0.05
    inp['dt_W'] = jax.random.normal(ks[10], (dtr, di)) * 0.05
    inp['dt_b'] = jnp.zeros((di,))
    inp['A_log'] = jnp.log(jnp.tile(jnp.arange(1, ds + 1, dtype=jnp.float32)[None, :], (di, 1)))
    inp['D_param'] = jnp.ones((di,))
    inp['out_W'] = jax.random.normal(ks[11], (di, H)) * 0.05
    inp['cls_ln1_g'] = jnp.ones((2 * H,)); inp['cls_ln1_b'] = jnp.zeros((2 * H,))
    inp['cls_W1'] = jax.random.normal(ks[12], (2 * H, 2 * H)) * 0.05
    inp['cls_b1'] = jnp.zeros((2 * H,))
    inp['cls_ln2_g'] = jnp.ones((2 * H,)); inp['cls_ln2_b'] = jnp.zeros((2 * H,))
    inp['cls_W2'] = jax.random.normal(ks[13], (2 * H, H)) * 0.05
    inp['cls_b2'] = jnp.zeros((H,))
    inp['cls_ln3_g'] = jnp.ones((H,)); inp['cls_ln3_b'] = jnp.zeros((H,))
    inp['cls_W3'] = jax.random.normal(ks[14], (H, 2)) * 0.05
    inp['cls_b3'] = jnp.zeros((2,))
    return inp


def reference(x, edge_index, edge_attr, batch, bn_node_g, bn_node_b, bn_edge_g, bn_edge_b,
              gine_lin_W, gine_lin_b, mlp_W1, mlp_b1, mlp_W2, mlp_b2,
              ln_g, ln_b, in_W, conv_W, conv_b, xproj_W, dt_W, dt_b, A_log, D_param, out_W,
              cls_ln1_g, cls_ln1_b, cls_W1, cls_b1, cls_ln2_g, cls_ln2_b, cls_W2, cls_b2,
              cls_ln3_g, cls_ln3_b, cls_W3, cls_b3):
    N = x.shape[0]
    Bn = 8
    counts = jnp.bincount(batch, length=Bn)
    max_len = N
    offsets = jnp.concatenate([jnp.zeros((1,), counts.dtype), jnp.cumsum(counts)[:-1]])
    pos = jnp.arange(N) - offsets[batch]
    bj = batch
    src, dst = edge_index[0], edge_index[1]
    xn = _batch_norm(x, bn_node_g, bn_node_b)
    ea = _batch_norm(edge_attr, bn_edge_g, bn_edge_b)
    # GINEConv (eps=0): mlp(x + sum_j relu(x_j + lin(e_ij)))
    e = ea @ gine_lin_W + gine_lin_b
    msg = jax.nn.relu(xn[src] + e)
    aggr = jax.ops.segment_sum(msg, dst, num_segments=N)
    h = xn + aggr
    h = _leaky(h @ mlp_W1 + mlp_b1) @ mlp_W2 + mlp_b2
    h = jax.nn.relu(h)
    dense = jnp.zeros((Bn, max_len, h.shape[1]), h.dtype).at[bj, pos].set(h)
    mp = (in_W, conv_W, conv_b, xproj_W, dt_W, dt_b, A_log, D_param, out_W)
    blk = _residual_mamba(dense, ln_g, ln_b, *mp)
    blk = _residual_mamba(blk, ln_g, ln_b, *mp)
    h = blk[bj, pos]
    rep = jnp.concatenate([h[src], h[dst]], axis=-1)
    zz = _layer_norm(rep, cls_ln1_g, cls_ln1_b)
    zz = _leaky(zz @ cls_W1 + cls_b1)
    zz = _layer_norm(zz, cls_ln2_g, cls_ln2_b)
    zz = _leaky(zz @ cls_W2 + cls_b2)
    zz = _layer_norm(zz, cls_ln3_g, cls_ln3_b)
    return zz @ cls_W3 + cls_b3

if __name__ == "__main__":
    import jax
    _d = setup_inputs()
    print(jax.jit(kernel)(*tuple(_d.values())))

</pallas_src>

<mosaic_0001>
#map = affine_map<(d0, d1) -> (0, 0)>
#map1 = affine_map<(d0, d1) -> (0, 0, 0)>
module attributes {stable_mosaic.version = 14 : i64} {
  func.func @body(%arg0: i32, %arg1: i32, %arg2: memref<10000x128xf32, #tpu.memory_space<hbm>>, %arg3: memref<32x125x80xi32, #tpu.memory_space<hbm>>, %arg4: memref<320000x128xf32, #tpu.memory_space<hbm>>, %arg5: memref<125x80xi32, #tpu.memory_space<vmem>>, %arg6: memref<80x128xf32, #tpu.memory_space<vmem>>, %arg7: memref<80x128xf32, #tpu.memory_space<vmem>>, %arg8: memref<!tpu.dma_semaphore, #tpu.memory_space<semaphore_mem>>, %arg9: memref<!tpu.dma_semaphore, #tpu.memory_space<semaphore_mem>>) attributes {dimension_semantics = [#tpu.dimension_semantics<core_parallel>, #tpu.dimension_semantics<subcore_parallel>], iteration_bounds = array<i64: 2, 16>, scalar_prefetch = 0 : i64, scratch_operands = 5 : i64, tpu.core_type = #tpu.core_type<sc_vector_subcore>, window_params = [{transform_indices = #map}, {transform_indices = #map1}, {transform_indices = #map}]} {
    %mul3A = arith.constant 2 : i32
    %mul3A_0 = arith.muli %arg1, %mul3A : i32
    %add3A = arith.addi %mul3A_0, %arg0 : i32
    "tpu.region"() ({
      %run_scoped3A = tpu.sem_alloc : memref<!tpu.dma_semaphore, #tpu.memory_space<semaphore_mem>>
      %dma_start3A_22 = arith.constant 0 : i32
      %dma_start3A_23 = arith.constant 0 : i32
      %dma_start3A_24 = tpu.memref_slice %arg3[%add3A, %dma_start3A_22, %dma_start3A_23] : memref<32x125x80xi32, #tpu.memory_space<hbm>> -> memref<1x125x80xi32, #tpu.memory_space<hbm>>
      %dma_start3A_25 = tpu.memref_squeeze %dma_start3A_24 : memref<1x125x80xi32, #tpu.memory_space<hbm>> -> memref<125x80xi32, #tpu.memory_space<hbm>>
      %dma_start3A_26 = arith.constant 0 : i32
      %dma_start3A_27 = arith.constant 0 : i32
      %dma_start3A_28 = tpu.memref_slice %arg3[%add3A, %dma_start3A_26, %dma_start3A_27] : memref<32x125x80xi32, #tpu.memory_space<hbm>> -> memref<1x125x80xi32, #tpu.memory_space<hbm>>
      %dma_start3A_29 = tpu.memref_squeeze %dma_start3A_28 : memref<1x125x80xi32, #tpu.memory_space<hbm>> -> memref<125x80xi32, #tpu.memory_space<hbm>>
      tpu.enqueue_dma source(%dma_start3A_29 : memref<125x80xi32, #tpu.memory_space<hbm>>) target(%arg5 : memref<125x80xi32, #tpu.memory_space<vmem>>) target_semaphore(%run_scoped3A : memref<!tpu.dma_semaphore, #tpu.memory_space<semaphore_mem>>)
      %dma_wait3A_30 = arith.constant 0 : i32
      %dma_wait3A_31 = arith.constant 0 : i32
      %dma_wait3A_32 = tpu.memref_slice %arg3[%add3A, %dma_wait3A_30, %dma_wait3A_31] : memref<32x125x80xi32, #tpu.memory_space<hbm>> -> memref<1x125x80xi32, #tpu.memory_space<hbm>>
      %dma_wait3A_33 = tpu.memref_squeeze %dma_wait3A_32 : memref<1x125x80xi32, #tpu.memory_space<hbm>> -> memref<125x80xi32, #tpu.memory_space<hbm>>
      %dma_wait3A_34 = arith.constant 0 : i32
      %dma_wait3A_35 = arith.constant 0 : i32
      %dma_wait3A_36 = tpu.memref_slice %arg3[%add3A, %dma_wait3A_34, %dma_wait3A_35] : memref<32x125x80xi32, #tpu.memory_space<hbm>> -> memref<1x125x80xi32, #tpu.memory_space<hbm>>
      %dma_wait3A_37 = tpu.memref_squeeze %dma_wait3A_36 : memref<1x125x80xi32, #tpu.memory_space<hbm>> -> memref<125x80xi32, #tpu.memory_space<hbm>>
      tpu.wait_dma2 semaphore(%run_scoped3A : memref<!tpu.dma_semaphore, #tpu.memory_space<semaphore_mem>>) src(%dma_wait3A_37 : memref<125x80xi32, #tpu.memory_space<hbm>>) dst(%arg5 : memref<125x80xi32, #tpu.memory_space<vmem>>)
      tpu.yield
    }) : () -> ()
    %mul3A_1 = arith.constant 125 : i32
    %mul3A_2 = arith.muli %add3A, %mul3A_1 : i32
    %mul3A_3 = arith.constant 80 : i32
    %mul3A_4 = arith.muli %mul3A_2, %mul3A_3 : i32
    %dma_start3A = arith.constant 0 : i32
    %dma_start3A_5 = arith.constant 0 : i32
    %dma_start3A_6 = tpu.memref_slice %arg5[%dma_start3A, %dma_start3A_5] : memref<125x80xi32, #tpu.memory_space<vmem>> -> memref<1x80xi32, #tpu.memory_space<vmem>>
    %dma_start3A_7 = tpu.memref_squeeze %dma_start3A_6 : memref<1x80xi32, #tpu.memory_space<vmem>> -> memref<80xi32, #tpu.memory_space<vmem>>
    %dma_start3A_8 = arith.constant 0 : i32
    %dma_start3A_9 = arith.constant 0 : i32
    %dma_start3A_10 = tpu.memref_slice %arg2[%dma_start3A_8, %dma_start3A_9] : memref<10000x128xf32, #tpu.memory_space<hbm>> -> memref<10000x128xf32, #tpu.memory_space<hbm>>
    tpu.enqueue_indirect_dma source(%dma_start3A_10 : memref<10000x128xf32, #tpu.memory_space<hbm>>) target(%arg6 : memref<80x128xf32, #tpu.memory_space<vmem>>) offsets(%dma_start3A_7 : memref<80xi32, #tpu.memory_space<vmem>>) semaphore(%arg8 : memref<!tpu.dma_semaphore, #tpu.memory_space<semaphore_mem>>)
    %scan3A = arith.constant 0 : i32
    %scan3A_11 = arith.constant 62 : i32
    %scan3A_12 = arith.addi %scan3A, %scan3A_11 : i32
    %scan3A_13 = arith.constant 1 : i32
    scf.for %scan3A_22 = %scan3A to %scan3A_12 step %scan3A_13  : i32 {
      %mul3A_23 = arith.constant 1 : i32
      %mul3A_24 = arith.muli %scan3A_22, %mul3A_23 : i32
      %add3A_25 = arith.constant 0 : i32
      %add3A_26 = arith.addi %add3A_25, %mul3A_24 : i32
      %mul3A_27 = arith.constant 2 : i32
      %mul3A_28 = arith.muli %mul3A_27, %add3A_26 : i32
      %add3A_29 = arith.constant 1 : i32
      %add3A_30 = arith.addi %mul3A_28, %add3A_29 : i32
      %dma_start3A_31 = arith.constant 0 : i32
      %dma_start3A_32 = tpu.memref_slice %arg5[%add3A_30, %dma_start3A_31] : memref<125x80xi32, #tpu.memory_space<vmem>> -> memref<1x80xi32, #tpu.memory_space<vmem>>
      %dma_start3A_33 = tpu.memref_squeeze %dma_start3A_32 : memref<1x80xi32, #tpu.memory_space<vmem>> -> memref<80xi32, #tpu.memory_space<vmem>>
      %dma_start3A_34 = arith.constant 0 : i32
      %dma_start3A_35 = arith.constant 0 : i32
      %dma_start3A_36 = tpu.memref_slice %arg2[%dma_start3A_34, %dma_start3A_35] : memref<10000x128xf32, #tpu.memory_space<hbm>> -> memref<10000x128xf32, #tpu.memory_space<hbm>>
      tpu.enqueue_indirect_dma source(%dma_start3A_36 : memref<10000x128xf32, #tpu.memory_space<hbm>>) target(%arg7 : memref<80x128xf32, #tpu.memory_space<vmem>>) offsets(%dma_start3A_33 : memref<80xi32, #tpu.memory_space<vmem>>) semaphore(%arg9 : memref<!tpu.dma_semaphore, #tpu.memory_space<semaphore_mem>>)
      %dma_wait3A_37 = arith.constant 0 : i32
      %dma_wait3A_38 = arith.constant 0 : i32
      %dma_wait3A_39 = tpu.memref_slice %arg2[%dma_wait3A_37, %dma_wait3A_38] : memref<10000x128xf32, #tpu.memory_space<hbm>> -> memref<80x128xf32, #tpu.memory_space<hbm>>
      %dma_wait3A_40 = arith.constant 0 : i32
      %dma_wait3A_41 = arith.constant 0 : i32
      %dma_wait3A_42 = tpu.memref_slice %arg2[%dma_wait3A_40, %dma_wait3A_41] : memref<10000x128xf32, #tpu.memory_space<hbm>> -> memref<80x128xf32, #tpu.memory_space<hbm>>
      tpu.wait_dma2 semaphore(%arg8 : memref<!tpu.dma_semaphore, #tpu.memory_space<semaphore_mem>>) src(%dma_wait3A_42 : memref<80x128xf32, #tpu.memory_space<hbm>>) dst(%arg6 : memref<80x128xf32, #tpu.memory_space<vmem>>)
      %mul3A_43 = arith.constant 80 : i32
      %mul3A_44 = arith.muli %mul3A_28, %mul3A_43 : i32
      %add3A_45 = arith.addi %mul3A_4, %mul3A_44 : i32
      "tpu.region"() ({
        %run_scoped3A = tpu.sem_alloc : memref<!tpu.dma_semaphore, #tpu.memory_space<semaphore_mem>>
        %dma_start3A_61 = arith.constant 0 : i32
        %dma_start3A_62 = tpu.memref_slice %arg4[%add3A_45, %dma_start3A_61] : memref<320000x128xf32, #tpu.memory_space<hbm>> -> memref<80x128xf32, #tpu.memory_space<hbm>>
        %dma_start3A_63 = arith.constant 0 : i32
        %dma_start3A_64 = tpu.memref_slice %arg4[%add3A_45, %dma_start3A_63] : memref<320000x128xf32, #tpu.memory_space<hbm>> -> memref<80x128xf32, #tpu.memory_space<hbm>>
        tpu.enqueue_dma source(%arg6 : memref<80x128xf32, #tpu.memory_space<vmem>>) target(%dma_start3A_64 : memref<80x128xf32, #tpu.memory_space<hbm>>) target_semaphore(%run_scoped3A : memref<!tpu.dma_semaphore, #tpu.memory_space<semaphore_mem>>)
        %dma_wait3A_65 = arith.constant 0 : i32
        %dma_wait3A_66 = tpu.memref_slice %arg4[%add3A_45, %dma_wait3A_65] : memref<320000x128xf32, #tpu.memory_space<hbm>> -> memref<80x128xf32, #tpu.memory_space<hbm>>
        %dma_wait3A_67 = arith.constant 0 : i32
        %dma_wait3A_68 = tpu.memref_slice %arg4[%add3A_45, %dma_wait3A_67] : memref<320000x128xf32, #tpu.memory_space<hbm>> -> memref<80x128xf32, #tpu.memory_space<hbm>>
        tpu.wait_dma2 semaphore(%run_scoped3A : memref<!tpu.dma_semaphore, #tpu.memory_space<semaphore_mem>>) src(%arg6 : memref<80x128xf32, #tpu.memory_space<vmem>>) dst(%dma_wait3A_68 : memref<80x128xf32, #tpu.memory_space<hbm>>)
        tpu.yield
      }) : () -> ()
      %add3A_46 = arith.constant 2 : i32
      %add3A_47 = arith.addi %mul3A_28, %add3A_46 : i32
      %lt3A = arith.constant 125 : i32
      %lt3A_48 = arith.cmpi slt, %add3A_47, %lt3A : i32
      %convert_element_type3A = arith.extui %lt3A_48 : i1 to i32
      %cond3A = arith.constant 0 : i32
      %cond3A_49 = arith.cmpi ne, %convert_element_type3A, %cond3A : i32
      scf.if %cond3A_49 {
        %add3A_61 = arith.constant 2 : i32
        %add3A_62 = arith.addi %mul3A_28, %add3A_61 : i32
        %dma_start3A_63 = arith.constant 0 : i32
        %dma_start3A_64 = tpu.memref_slice %arg5[%add3A_62, %dma_start3A_63] : memref<125x80xi32, #tpu.memory_space<vmem>> -> memref<1x80xi32, #tpu.memory_space<vmem>>
        %dma_start3A_65 = tpu.memref_squeeze %dma_start3A_64 : memref<1x80xi32, #tpu.memory_space<vmem>> -> memref<80xi32, #tpu.memory_space<vmem>>
        %dma_start3A_66 = arith.constant 0 : i32
        %dma_start3A_67 = arith.constant 0 : i32
        %dma_start3A_68 = tpu.memref_slice %arg2[%dma_start3A_66, %dma_start3A_67] : memref<10000x128xf32, #tpu.memory_space<hbm>> -> memref<10000x128xf32, #tpu.memory_space<hbm>>
        tpu.enqueue_indirect_dma source(%dma_start3A_68 : memref<10000x128xf32, #tpu.memory_space<hbm>>) target(%arg6 : memref<80x128xf32, #tpu.memory_space<vmem>>) offsets(%dma_start3A_65 : memref<80xi32, #tpu.memory_space<vmem>>) semaphore(%arg8 : memref<!tpu.dma_semaphore, #tpu.memory_space<semaphore_mem>>)
      } else {
      }
      %dma_wait3A_50 = arith.constant 0 : i32
      %dma_wait3A_51 = arith.constant 0 : i32
      %dma_wait3A_52 = tpu.memref_slice %arg2[%dma_wait3A_50, %dma_wait3A_51] : memref<10000x128xf32, #tpu.memory_space<hbm>> -> memref<80x128xf32, #tpu.memory_space<hbm>>
      %dma_wait3A_53 = arith.constant 0 : i32
      %dma_wait3A_54 = arith.constant 0 : i32
      %dma_wait3A_55 = tpu.memref_slice %arg2[%dma_wait3A_53, %dma_wait3A_54] : memref<10000x128xf32, #tpu.memory_space<hbm>> -> memref<80x128xf32, #tpu.memory_space<hbm>>
      tpu.wait_dma2 semaphore(%arg9 : memref<!tpu.dma_semaphore, #tpu.memory_space<semaphore_mem>>) src(%dma_wait3A_55 : memref<80x128xf32, #tpu.memory_space<hbm>>) dst(%arg7 : memref<80x128xf32, #tpu.memory_space<vmem>>)
      %add3A_56 = arith.constant 1 : i32
      %add3A_57 = arith.addi %mul3A_28, %add3A_56 : i32
      %mul3A_58 = arith.constant 80 : i32
      %mul3A_59 = arith.muli %add3A_57, %mul3A_58 : i32
      %add3A_60 = arith.addi %mul3A_4, %mul3A_59 : i32
      "tpu.region"() ({
        %run_scoped3A = tpu.sem_alloc : memref<!tpu.dma_semaphore, #tpu.memory_space<semaphore_mem>>
        %dma_start3A_61 = arith.constant 0 : i32
        %dma_start3A_62 = tpu.memref_slice %arg4[%add3A_60, %dma_start3A_61] : memref<320000x128xf32, #tpu.memory_space<hbm>> -> memref<80x128xf32, #tpu.memory_space<hbm>>
        %dma_start3A_63 = arith.constant 0 : i32
        %dma_start3A_64 = tpu.memref_slice %arg4[%add3A_60, %dma_start3A_63] : memref<320000x128xf32, #tpu.memory_space<hbm>> -> memref<80x128xf32, #tpu.memory_space<hbm>>
        tpu.enqueue_dma source(%arg7 : memref<80x128xf32, #tpu.memory_space<vmem>>) target(%dma_start3A_64 : memref<80x128xf32, #tpu.memory_space<hbm>>) target_semaphore(%run_scoped3A : memref<!tpu.dma_semaphore, #tpu.memory_space<semaphore_mem>>)
        %dma_wait3A_65 = arith.constant 0 : i32
        %dma_wait3A_66 = tpu.memref_slice %arg4[%add3A_60, %dma_wait3A_65] : memref<320000x128xf32, #tpu.memory_space<hbm>> -> memref<80x128xf32, #tpu.memory_space<hbm>>
        %dma_wait3A_67 = arith.constant 0 : i32
        %dma_wait3A_68 = tpu.memref_slice %arg4[%add3A_60, %dma_wait3A_67] : memref<320000x128xf32, #tpu.memory_space<hbm>> -> memref<80x128xf32, #tpu.memory_space<hbm>>
        tpu.wait_dma2 semaphore(%run_scoped3A : memref<!tpu.dma_semaphore, #tpu.memory_space<semaphore_mem>>) src(%arg7 : memref<80x128xf32, #tpu.memory_space<vmem>>) dst(%dma_wait3A_68 : memref<80x128xf32, #tpu.memory_space<hbm>>)
        tpu.yield
      }) : () -> ()
    }
    %scan3A_14 = arith.constant 62 : i32
    %dma_wait3A = arith.constant 0 : i32
    %dma_wait3A_15 = arith.constant 0 : i32
    %dma_wait3A_16 = tpu.memref_slice %arg2[%dma_wait3A, %dma_wait3A_15] : memref<10000x128xf32, #tpu.memory_space<hbm>> -> memref<80x128xf32, #tpu.memory_space<hbm>>
    %dma_wait3A_17 = arith.constant 0 : i32
    %dma_wait3A_18 = arith.constant 0 : i32
    %dma_wait3A_19 = tpu.memref_slice %arg2[%dma_wait3A_17, %dma_wait3A_18] : memref<10000x128xf32, #tpu.memory_space<hbm>> -> memref<80x128xf32, #tpu.memory_space<hbm>>
    tpu.wait_dma2 semaphore(%arg8 : memref<!tpu.dma_semaphore, #tpu.memory_space<semaphore_mem>>) src(%dma_wait3A_19 : memref<80x128xf32, #tpu.memory_space<hbm>>) dst(%arg6 : memref<80x128xf32, #tpu.memory_space<vmem>>)
    %add3A_20 = arith.constant 9920 : i32
    %add3A_21 = arith.addi %mul3A_4, %add3A_20 : i32
    "tpu.region"() ({
      %run_scoped3A = tpu.sem_alloc : memref<!tpu.dma_semaphore, #tpu.memory_space<semaphore_mem>>
      %dma_start3A_22 = arith.constant 0 : i32
      %dma_start3A_23 = tpu.memref_slice %arg4[%add3A_21, %dma_start3A_22] : memref<320000x128xf32, #tpu.memory_space<hbm>> -> memref<80x128xf32, #tpu.memory_space<hbm>>
      %dma_start3A_24 = arith.constant 0 : i32
      %dma_start3A_25 = tpu.memref_slice %arg4[%add3A_21, %dma_start3A_24] : memref<320000x128xf32, #tpu.memory_space<hbm>> -> memref<80x128xf32, #tpu.memory_space<hbm>>
      tpu.enqueue_dma source(%arg6 : memref<80x128xf32, #tpu.memory_space<vmem>>) target(%dma_start3A_25 : memref<80x128xf32, #tpu.memory_space<hbm>>) target_semaphore(%run_scoped3A : memref<!tpu.dma_semaphore, #tpu.memory_space<semaphore_mem>>)
      %dma_wait3A_26 = arith.constant 0 : i32
      %dma_wait3A_27 = tpu.memref_slice %arg4[%add3A_21, %dma_wait3A_26] : memref<320000x128xf32, #tpu.memory_space<hbm>> -> memref<80x128xf32, #tpu.memory_space<hbm>>
      %dma_wait3A_28 = arith.constant 0 : i32
      %dma_wait3A_29 = tpu.memref_slice %arg4[%add3A_21, %dma_wait3A_28] : memref<320000x128xf32, #tpu.memory_space<hbm>> -> memref<80x128xf32, #tpu.memory_space<hbm>>
      tpu.wait_dma2 semaphore(%run_scoped3A : memref<!tpu.dma_semaphore, #tpu.memory_space<semaphore_mem>>) src(%arg6 : memref<80x128xf32, #tpu.memory_space<vmem>>) dst(%dma_wait3A_29 : memref<80x128xf32, #tpu.memory_space<hbm>>)
      tpu.yield
    }) : () -> ()
    return
  }
}

#map = affine_map<(d0, d1) -> (0, 0)>
#map1 = affine_map<(d0, d1) -> (0, 0, 0)>
module attributes {stable_mosaic.version = 14 : i64} {
  func.func @body(%arg0: i32, %arg1: i32, %arg2: memref<10000x128xf32, #tpu.memory_space<hbm>>, %arg3: memref<32x125x80xi32, #tpu.memory_space<hbm>>, %arg4: memref<320000x128xf32, #tpu.memory_space<hbm>>, %arg5: memref<125x80xi32, #tpu.memory_space<vmem>>, %arg6: memref<80x128xf32, #tpu.memory_space<vmem>>, %arg7: memref<80x128xf32, #tpu.memory_space<vmem>>, %arg8: memref<!tpu.dma_semaphore, #tpu.memory_space<semaphore_mem>>, %arg9: memref<!tpu.dma_semaphore, #tpu.memory_space<semaphore_mem>>) attributes {dimension_semantics = [#tpu.dimension_semantics<core_parallel>, #tpu.dimension_semantics<subcore_parallel>], iteration_bounds = array<i64: 2, 16>, scalar_prefetch = 0 : i64, scratch_operands = 5 : i64, tpu.core_type = #tpu.core_type<sc_vector_subcore>, window_params = [{transform_indices = #map}, {transform_indices = #map1}, {transform_indices = #map}]} {
    %mul3A = arith.constant 2 : i32
    %mul3A_0 = arith.muli %arg1, %mul3A : i32
    %add3A = arith.addi %mul3A_0, %arg0 : i32
    "tpu.region"() ({
      %run_scoped3A = tpu.sem_alloc : memref<!tpu.dma_semaphore, #tpu.memory_space<semaphore_mem>>
      %dma_start3A_22 = arith.constant 0 : i32
      %dma_start3A_23 = arith.constant 0 : i32
      %dma_start3A_24 = tpu.memref_slice %arg3[%add3A, %dma_start3A_22, %dma_start3A_23] : memref<32x125x80xi32, #tpu.memory_space<hbm>> -> memref<1x125x80xi32, #tpu.memory_space<hbm>>
      %dma_start3A_25 = tpu.memref_squeeze %dma_start3A_24 : memref<1x125x80xi32, #tpu.memory_space<hbm>> -> memref<125x80xi32, #tpu.memory_space<hbm>>
      %dma_start3A_26 = arith.constant 0 : i32
      %dma_start3A_27 = arith.constant 0 : i32
      %dma_start3A_28 = tpu.memref_slice %arg3[%add3A, %dma_start3A_26, %dma_start3A_27] : memref<32x125x80xi32, #tpu.memory_space<hbm>> -> memref<1x125x80xi32, #tpu.memory_space<hbm>>
      %dma_start3A_29 = tpu.memref_squeeze %dma_start3A_28 : memref<1x125x80xi32, #tpu.memory_space<hbm>> -> memref<125x80xi32, #tpu.memory_space<hbm>>
      tpu.enqueue_dma source(%dma_start3A_29 : memref<125x80xi32, #tpu.memory_space<hbm>>) target(%arg5 : memref<125x80xi32, #tpu.memory_space<vmem>>) target_semaphore(%run_scoped3A : memref<!tpu.dma_semaphore, #tpu.memory_space<semaphore_mem>>)
      %dma_wait3A_30 = arith.constant 0 : i32
      %dma_wait3A_31 = arith.constant 0 : i32
      %dma_wait3A_32 = tpu.memref_slice %arg3[%add3A, %dma_wait3A_30, %dma_wait3A_31] : memref<32x125x80xi32, #tpu.memory_space<hbm>> -> memref<1x125x80xi32, #tpu.memory_space<hbm>>
      %dma_wait3A_33 = tpu.memref_squeeze %dma_wait3A_32 : memref<1x125x80xi32, #tpu.memory_space<hbm>> -> memref<125x80xi32, #tpu.memory_space<hbm>>
      %dma_wait3A_34 = arith.constant 0 : i32
      %dma_wait3A_35 = arith.constant 0 : i32
      %dma_wait3A_36 = tpu.memref_slice %arg3[%add3A, %dma_wait3A_34, %dma_wait3A_35] : memref<32x125x80xi32, #tpu.memory_space<hbm>> -> memref<1x125x80xi32, #tpu.memory_space<hbm>>
      %dma_wait3A_37 = tpu.memref_squeeze %dma_wait3A_36 : memref<1x125x80xi32, #tpu.memory_space<hbm>> -> memref<125x80xi32, #tpu.memory_space<hbm>>
      tpu.wait_dma2 semaphore(%run_scoped3A : memref<!tpu.dma_semaphore, #tpu.memory_space<semaphore_mem>>) src(%dma_wait3A_37 : memref<125x80xi32, #tpu.memory_space<hbm>>) dst(%arg5 : memref<125x80xi32, #tpu.memory_space<vmem>>)
      tpu.yield
    }) : () -> ()
    %mul3A_1 = arith.constant 125 : i32
    %mul3A_2 = arith.muli %add3A, %mul3A_1 : i32
    %mul3A_3 = arith.constant 80 : i32
    %mul3A_4 = arith.muli %mul3A_2, %mul3A_3 : i32
    %dma_start3A = arith.constant 0 : i32
    %dma_start3A_5 = arith.constant 0 : i32
    %dma_start3A_6 = tpu.memref_slice %arg5[%dma_start3A, %dma_start3A_5] : memref<125x80xi32, #tpu.memory_space<vmem>> -> memref<1x80xi32, #tpu.memory_space<vmem>>
    %dma_start3A_7 = tpu.memref_squeeze %dma_start3A_6 : memref<1x80xi32, #tpu.memory_space<vmem>> -> memref<80xi32, #tpu.memory_space<vmem>>
    %dma_start3A_8 = arith.constant 0 : i32
    %dma_start3A_9 = arith.constant 0 : i32
    %dma_start3A_10 = tpu.memref_slice %arg2[%dma_start3A_8, %dma_start3A_9] : memref<10000x128xf32, #tpu.memory_space<hbm>> -> memref<10000x128xf32, #tpu.memory_space<hbm>>
    tpu.enqueue_indirect_dma source(%dma_start3A_10 : memref<10000x128xf32, #tpu.memory_space<hbm>>) target(%arg6 : memref<80x128xf32, #tpu.memory_space<vmem>>) offsets(%dma_start3A_7 : memref<80xi32, #tpu.memory_space<vmem>>) semaphore(%arg8 : memref<!tpu.dma_semaphore, #tpu.memory_space<semaphore_mem>>)
    %scan3A = arith.constant 0 : i32
    %scan3A_11 = arith.constant 62 : i32
    %scan3A_12 = arith.addi %scan3A, %scan3A_11 : i32
    %scan3A_13 = arith.constant 1 : i32
    scf.for %scan3A_22 = %scan3A to %scan3A_12 step %scan3A_13  : i32 {
      %mul3A_23 = arith.constant 1 : i32
      %mul3A_24 = arith.muli %scan3A_22, %mul3A_23 : i32
      %add3A_25 = arith.constant 0 : i32
      %add3A_26 = arith.addi %add3A_25, %mul3A_24 : i32
      %mul3A_27 = arith.constant 2 : i32
      %mul3A_28 = arith.muli %mul3A_27, %add3A_26 : i32
      %add3A_29 = arith.constant 1 : i32
      %add3A_30 = arith.addi %mul3A_28, %add3A_29 : i32
      %dma_start3A_31 = arith.constant 0 : i32
      %dma_start3A_32 = tpu.memref_slice %arg5[%add3A_30, %dma_start3A_31] : memref<125x80xi32, #tpu.memory_space<vmem>> -> memref<1x80xi32, #tpu.memory_space<vmem>>
      %dma_start3A_33 = tpu.memref_squeeze %dma_start3A_32 : memref<1x80xi32, #tpu.memory_space<vmem>> -> memref<80xi32, #tpu.memory_space<vmem>>
      %dma_start3A_34 = arith.constant 0 : i32
      %dma_start3A_35 = arith.constant 0 : i32
      %dma_start3A_36 = tpu.memref_slice %arg2[%dma_start3A_34, %dma_start3A_35] : memref<10000x128xf32, #tpu.memory_space<hbm>> -> memref<10000x128xf32, #tpu.memory_space<hbm>>
      tpu.enqueue_indirect_dma source(%dma_start3A_36 : memref<10000x128xf32, #tpu.memory_space<hbm>>) target(%arg7 : memref<80x128xf32, #tpu.memory_space<vmem>>) offsets(%dma_start3A_33 : memref<80xi32, #tpu.memory_space<vmem>>) semaphore(%arg9 : memref<!tpu.dma_semaphore, #tpu.memory_space<semaphore_mem>>)
      %dma_wait3A_37 = arith.constant 0 : i32
      %dma_wait3A_38 = arith.constant 0 : i32
      %dma_wait3A_39 = tpu.memref_slice %arg2[%dma_wait3A_37, %dma_wait3A_38] : memref<10000x128xf32, #tpu.memory_space<hbm>> -> memref<80x128xf32, #tpu.memory_space<hbm>>
      %dma_wait3A_40 = arith.constant 0 : i32
      %dma_wait3A_41 = arith.constant 0 : i32
      %dma_wait3A_42 = tpu.memref_slice %arg2[%dma_wait3A_40, %dma_wait3A_41] : memref<10000x128xf32, #tpu.memory_space<hbm>> -> memref<80x128xf32, #tpu.memory_space<hbm>>
      tpu.wait_dma2 semaphore(%arg8 : memref<!tpu.dma_semaphore, #tpu.memory_space<semaphore_mem>>) src(%dma_wait3A_42 : memref<80x128xf32, #tpu.memory_space<hbm>>) dst(%arg6 : memref<80x128xf32, #tpu.memory_space<vmem>>)
      %mul3A_43 = arith.constant 80 : i32
      %mul3A_44 = arith.muli %mul3A_28, %mul3A_43 : i32
      %add3A_45 = arith.addi %mul3A_4, %mul3A_44 : i32
      "tpu.region"() ({
        %run_scoped3A = tpu.sem_alloc : memref<!tpu.dma_semaphore, #tpu.memory_space<semaphore_mem>>
        %dma_start3A_61 = arith.constant 0 : i32
        %dma_start3A_62 = tpu.memref_slice %arg4[%add3A_45, %dma_start3A_61] : memref<320000x128xf32, #tpu.memory_space<hbm>> -> memref<80x128xf32, #tpu.memory_space<hbm>>
        %dma_start3A_63 = arith.constant 0 : i32
        %dma_start3A_64 = tpu.memref_slice %arg4[%add3A_45, %dma_start3A_63] : memref<320000x128xf32, #tpu.memory_space<hbm>> -> memref<80x128xf32, #tpu.memory_space<hbm>>
        tpu.enqueue_dma source(%arg6 : memref<80x128xf32, #tpu.memory_space<vmem>>) target(%dma_start3A_64 : memref<80x128xf32, #tpu.memory_space<hbm>>) target_semaphore(%run_scoped3A : memref<!tpu.dma_semaphore, #tpu.memory_space<semaphore_mem>>)
        %dma_wait3A_65 = arith.constant 0 : i32
        %dma_wait3A_66 = tpu.memref_slice %arg4[%add3A_45, %dma_wait3A_65] : memref<320000x128xf32, #tpu.memory_space<hbm>> -> memref<80x128xf32, #tpu.memory_space<hbm>>
        %dma_wait3A_67 = arith.constant 0 : i32
        %dma_wait3A_68 = tpu.memref_slice %arg4[%add3A_45, %dma_wait3A_67] : memref<320000x128xf32, #tpu.memory_space<hbm>> -> memref<80x128xf32, #tpu.memory_space<hbm>>
        tpu.wait_dma2 semaphore(%run_scoped3A : memref<!tpu.dma_semaphore, #tpu.memory_space<semaphore_mem>>) src(%arg6 : memref<80x128xf32, #tpu.memory_space<vmem>>) dst(%dma_wait3A_68 : memref<80x128xf32, #tpu.memory_space<hbm>>)
        tpu.yield
      }) : () -> ()
      %add3A_46 = arith.constant 2 : i32
      %add3A_47 = arith.addi %mul3A_28, %add3A_46 : i32
      %lt3A = arith.constant 125 : i32
      %lt3A_48 = arith.cmpi slt, %add3A_47, %lt3A : i32
      %convert_element_type3A = arith.extui %lt3A_48 : i1 to i32
      %cond3A = arith.constant 0 : i32
      %cond3A_49 = arith.cmpi ne, %convert_element_type3A, %cond3A : i32
      scf.if %cond3A_49 {
        %add3A_61 = arith.constant 2 : i32
        %add3A_62 = arith.addi %mul3A_28, %add3A_61 : i32
        %dma_start3A_63 = arith.constant 0 : i32
        %dma_start3A_64 = tpu.memref_slice %arg5[%add3A_62, %dma_start3A_63] : memref<125x80xi32, #tpu.memory_space<vmem>> -> memref<1x80xi32, #tpu.memory_space<vmem>>
        %dma_start3A_65 = tpu.memref_squeeze %dma_start3A_64 : memref<1x80xi32, #tpu.memory_space<vmem>> -> memref<80xi32, #tpu.memory_space<vmem>>
        %dma_start3A_66 = arith.constant 0 : i32
        %dma_start3A_67 = arith.constant 0 : i32
        %dma_start3A_68 = tpu.memref_slice %arg2[%dma_start3A_66, %dma_start3A_67] : memref<10000x128xf32, #tpu.memory_space<hbm>> -> memref<10000x128xf32, #tpu.memory_space<hbm>>
        tpu.enqueue_indirect_dma source(%dma_start3A_68 : memref<10000x128xf32, #tpu.memory_space<hbm>>) target(%arg6 : memref<80x128xf32, #tpu.memory_space<vmem>>) offsets(%dma_start3A_65 : memref<80xi32, #tpu.memory_space<vmem>>) semaphore(%arg8 : memref<!tpu.dma_semaphore, #tpu.memory_space<semaphore_mem>>)
      } else {
      }
      %dma_wait3A_50 = arith.constant 0 : i32
      %dma_wait3A_51 = arith.constant 0 : i32
      %dma_wait3A_52 = tpu.memref_slice %arg2[%dma_wait3A_50, %dma_wait3A_51] : memref<10000x128xf32, #tpu.memory_space<hbm>> -> memref<80x128xf32, #tpu.memory_space<hbm>>
      %dma_wait3A_53 = arith.constant 0 : i32
      %dma_wait3A_54 = arith.constant 0 : i32
      %dma_wait3A_55 = tpu.memref_slice %arg2[%dma_wait3A_53, %dma_wait3A_54] : memref<10000x128xf32, #tpu.memory_space<hbm>> -> memref<80x128xf32, #tpu.memory_space<hbm>>
      tpu.wait_dma2 semaphore(%arg9 : memref<!tpu.dma_semaphore, #tpu.memory_space<semaphore_mem>>) src(%dma_wait3A_55 : memref<80x128xf32, #tpu.memory_space<hbm>>) dst(%arg7 : memref<80x128xf32, #tpu.memory_space<vmem>>)
      %add3A_56 = arith.constant 1 : i32
      %add3A_57 = arith.addi %mul3A_28, %add3A_56 : i32
      %mul3A_58 = arith.constant 80 : i32
      %mul3A_59 = arith.muli %add3A_57, %mul3A_58 : i32
      %add3A_60 = arith.addi %mul3A_4, %mul3A_59 : i32
      "tpu.region"() ({
        %run_scoped3A = tpu.sem_alloc : memref<!tpu.dma_semaphore, #tpu.memory_space<semaphore_mem>>
        %dma_start3A_61 = arith.constant 0 : i32
        %dma_start3A_62 = tpu.memref_slice %arg4[%add3A_60, %dma_start3A_61] : memref<320000x128xf32, #tpu.memory_space<hbm>> -> memref<80x128xf32, #tpu.memory_space<hbm>>
        %dma_start3A_63 = arith.constant 0 : i32
        %dma_start3A_64 = tpu.memref_slice %arg4[%add3A_60, %dma_start3A_63] : memref<320000x128xf32, #tpu.memory_space<hbm>> -> memref<80x128xf32, #tpu.memory_space<hbm>>
        tpu.enqueue_dma source(%arg7 : memref<80x128xf32, #tpu.memory_space<vmem>>) target(%dma_start3A_64 : memref<80x128xf32, #tpu.memory_space<hbm>>) target_semaphore(%run_scoped3A : memref<!tpu.dma_semaphore, #tpu.memory_space<semaphore_mem>>)
        %dma_wait3A_65 = arith.constant 0 : i32
        %dma_wait3A_66 = tpu.memref_slice %arg4[%add3A_60, %dma_wait3A_65] : memref<320000x128xf32, #tpu.memory_space<hbm>> -> memref<80x128xf32, #tpu.memory_space<hbm>>
        %dma_wait3A_67 = arith.constant 0 : i32
        %dma_wait3A_68 = tpu.memref_slice %arg4[%add3A_60, %dma_wait3A_67] : memref<320000x128xf32, #tpu.memory_space<hbm>> -> memref<80x128xf32, #tpu.memory_space<hbm>>
        tpu.wait_dma2 semaphore(%run_scoped3A : memref<!tpu.dma_semaphore, #tpu.memory_space<semaphore_mem>>) src(%arg7 : memref<80x128xf32, #tpu.memory_space<vmem>>) dst(%dma_wait3A_68 : memref<80x128xf32, #tpu.memory_space<hbm>>)
        tpu.yield
      }) : () -> ()
    }
    %scan3A_14 = arith.constant 62 : i32
    %dma_wait3A = arith.constant 0 : i32
    %dma_wait3A_15 = arith.constant 0 : i32
    %dma_wait3A_16 = tpu.memref_slice %arg2[%dma_wait3A, %dma_wait3A_15] : memref<10000x128xf32, #tpu.memory_space<hbm>> -> memref<80x128xf32, #tpu.memory_space<hbm>>
    %dma_wait3A_17 = arith.constant 0 : i32
    %dma_wait3A_18 = arith.constant 0 : i32
    %dma_wait3A_19 = tpu.memref_slice %arg2[%dma_wait3A_17, %dma_wait3A_18] : memref<10000x128xf32, #tpu.memory_space<hbm>> -> memref<80x128xf32, #tpu.memory_space<hbm>>
    tpu.wait_dma2 semaphore(%arg8 : memref<!tpu.dma_semaphore, #tpu.memory_space<semaphore_mem>>) src(%dma_wait3A_19 : memref<80x128xf32, #tpu.memory_space<hbm>>) dst(%arg6 : memref<80x128xf32, #tpu.memory_space<vmem>>)
    %add3A_20 = arith.constant 9920 : i32
    %add3A_21 = arith.addi %mul3A_4, %add3A_20 : i32
    "tpu.region"() ({
      %run_scoped3A = tpu.sem_alloc : memref<!tpu.dma_semaphore, #tpu.memory_space<semaphore_mem>>
      %dma_start3A_22 = arith.constant 0 : i32
      %dma_start3A_23 = tpu.memref_slice %arg4[%add3A_21, %dma_start3A_22] : memref<320000x128xf32, #tpu.memory_space<hbm>> -> memref<80x128xf32, #tpu.memory_space<hbm>>
      %dma_start3A_24 = arith.constant 0 : i32
      %dma_start3A_25 = tpu.memref_slice %arg4[%add3A_21, %dma_start3A_24] : memref<320000x128xf32, #tpu.memory_space<hbm>> -> memref<80x128xf32, #tpu.memory_space<hbm>>
      tpu.enqueue_dma source(%arg6 : memref<80x128xf32, #tpu.memory_space<vmem>>) target(%dma_start3A_25 : memref<80x128xf32, #tpu.memory_space<hbm>>) target_semaphore(%run_scoped3A : memref<!tpu.dma_semaphore, #tpu.memory_space<semaphore_mem>>)
      %dma_wait3A_26 = arith.constant 0 : i32
      %dma_wait3A_27 = tpu.memref_slice %arg4[%add3A_21, %dma_wait3A_26] : memref<320000x128xf32, #tpu.memory_space<hbm>> -> memref<80x128xf32, #tpu.memory_space<hbm>>
      %dma_wait3A_28 = arith.constant 0 : i32
      %dma_wait3A_29 = tpu.memref_slice %arg4[%add3A_21, %dma_wait3A_28] : memref<320000x128xf32, #tpu.memory_space<hbm>> -> memref<80x128xf32, #tpu.memory_space<hbm>>
      tpu.wait_dma2 semaphore(%run_scoped3A : memref<!tpu.dma_semaphore, #tpu.memory_space<semaphore_mem>>) src(%arg6 : memref<80x128xf32, #tpu.memory_space<vmem>>) dst(%dma_wait3A_29 : memref<80x128xf32, #tpu.memory_space<hbm>>)
      tpu.yield
    }) : () -> ()
    return
  }
}

#map = affine_map<(d0, d1) -> (0, 0)>
#map1 = affine_map<(d0, d1) -> (0, 0, 0)>
module attributes {stable_mosaic.version = 14 : i64} {
  func.func @_sc_scatter_body(%arg0: i32, %arg1: i32, %arg2: memref<320000x128xf32, #tpu.memory_space<hbm>>, %arg3: memref<16x250x80xi32, #tpu.memory_space<hbm>>, %arg4: memref<80x128xf32, #tpu.memory_space<hbm>>, %arg5: memref<2x5008x128xf32, #tpu.memory_space<hbm>>, %arg6: memref<250x80xi32, #tpu.memory_space<vmem>>, %arg7: memref<80x128xf32, #tpu.memory_space<vmem>>, %arg8: memref<80x128xf32, #tpu.memory_space<vmem>>, %arg9: memref<5008x128xf32, #tpu.memory_space<vmem_shared>>, %arg10: memref<!tpu.dma_semaphore, #tpu.memory_space<semaphore_mem>>, %arg11: memref<!tpu.dma_semaphore, #tpu.memory_space<semaphore_mem>>) attributes {dimension_semantics = [#tpu.dimension_semantics<core_parallel>, #tpu.dimension_semantics<subcore_parallel>], iteration_bounds = array<i64: 2, 16>, scalar_prefetch = 0 : i64, scratch_operands = 6 : i64, tpu.core_type = #tpu.core_type<sc_vector_subcore>, window_params = [{transform_indices = #map}, {transform_indices = #map1}, {transform_indices = #map}, {transform_indices = #map1}]} {
    %mul3A = arith.constant 312 : i32
    %mul3A_0 = arith.muli %arg1, %mul3A : i32
    %mul3A_1 = arith.constant 5000 : i32
    %mul3A_2 = arith.muli %arg0, %mul3A_1 : i32
    "tpu.region"() ({
      %run_scoped3A = tpu.sem_alloc : memref<!tpu.dma_semaphore, #tpu.memory_space<semaphore_mem>>
      tpu.enqueue_dma source(%arg4 : memref<80x128xf32, #tpu.memory_space<hbm>>) target(%arg7 : memref<80x128xf32, #tpu.memory_space<vmem>>) target_semaphore(%run_scoped3A : memref<!tpu.dma_semaphore, #tpu.memory_space<semaphore_mem>>)
      tpu.wait_dma2 semaphore(%run_scoped3A : memref<!tpu.dma_semaphore, #tpu.memory_space<semaphore_mem>>) src(%arg4 : memref<80x128xf32, #tpu.memory_space<hbm>>) dst(%arg7 : memref<80x128xf32, #tpu.memory_space<vmem>>)
      tpu.yield
    }) : () -> ()
    %add3A = arith.constant 0 : i32
    %add3A_3 = arith.addi %mul3A_0, %add3A : i32
    "tpu.region"() ({
      %run_scoped3A = tpu.sem_alloc : memref<!tpu.dma_semaphore, #tpu.memory_space<semaphore_mem>>
      %dma_start3A_32 = arith.constant 0 : i32
      %dma_start3A_33 = tpu.memref_slice %arg9[%add3A_3, %dma_start3A_32] : memref<5008x128xf32, #tpu.memory_space<vmem_shared>> -> memref<80x128xf32, #tpu.memory_space<vmem_shared>>
      %dma_start3A_34 = arith.constant 0 : i32
      %dma_start3A_35 = tpu.memref_slice %arg9[%add3A_3, %dma_start3A_34] : memref<5008x128xf32, #tpu.memory_space<vmem_shared>> -> memref<80x128xf32, #tpu.memory_space<vmem_shared>>
      tpu.enqueue_dma source(%arg7 : memref<80x128xf32, #tpu.memory_space<vmem>>) target(%dma_start3A_35 : memref<80x128xf32, #tpu.memory_space<vmem_shared>>) target_semaphore(%run_scoped3A : memref<!tpu.dma_semaphore, #tpu.memory_space<semaphore_mem>>)
      %dma_wait3A = arith.constant 0 : i32
      %dma_wait3A_36 = tpu.memref_slice %arg9[%add3A_3, %dma_wait3A] : memref<5008x128xf32, #tpu.memory_space<vmem_shared>> -> memref<80x128xf32, #tpu.memory_space<vmem_shared>>
      %dma_wait3A_37 = arith.constant 0 : i32
      %dma_wait3A_38 = tpu.memref_slice %arg9[%add3A_3, %dma_wait3A_37] : memref<5008x128xf32, #tpu.memory_space<vmem_shared>> -> memref<80x128xf32, #tpu.memory_space<vmem_shared>>
      tpu.wait_dma2 semaphore(%run_scoped3A : memref<!tpu.dma_semaphore, #tpu.memory_space<semaphore_mem>>) src(%arg7 : memref<80x128xf32, #tpu.memory_space<vmem>>) dst(%dma_wait3A_38 : memref<80x128xf32, #tpu.memory_space<vmem_shared>>)
      tpu.yield
    }) : () -> ()
    %add3A_4 = arith.constant 80 : i32
    %add3A_5 = arith.addi %mul3A_0, %add3A_4 : i32
    "tpu.region"() ({
      %run_scoped3A = tpu.sem_alloc : memref<!tpu.dma_semaphore, #tpu.memory_space<semaphore_mem>>
      %dma_start3A_32 = arith.constant 0 : i32
      %dma_start3A_33 = tpu.memref_slice %arg9[%add3A_5, %dma_start3A_32] : memref<5008x128xf32, #tpu.memory_space<vmem_shared>> -> memref<80x128xf32, #tpu.memory_space<vmem_shared>>
      %dma_start3A_34 = arith.constant 0 : i32
      %dma_start3A_35 = tpu.memref_slice %arg9[%add3A_5, %dma_start3A_34] : memref<5008x128xf32, #tpu.memory_space<vmem_shared>> -> memref<80x128xf32, #tpu.memory_space<vmem_shared>>
      tpu.enqueue_dma source(%arg7 : memref<80x128xf32, #tpu.memory_space<vmem>>) target(%dma_start3A_35 : memref<80x128xf32, #tpu.memory_space<vmem_shared>>) target_semaphore(%run_scoped3A : memref<!tpu.dma_semaphore, #tpu.memory_space<semaphore_mem>>)
      %dma_wait3A = arith.constant 0 : i32
      %dma_wait3A_36 = tpu.memref_slice %arg9[%add3A_5, %dma_wait3A] : memref<5008x128xf32, #tpu.memory_space<vmem_shared>> -> memref<80x128xf32, #tpu.memory_space<vmem_shared>>
      %dma_wait3A_37 = arith.constant 0 : i32
      %dma_wait3A_38 = tpu.memref_slice %arg9[%add3A_5, %dma_wait3A_37] : memref<5008x128xf32, #tpu.memory_space<vmem_shared>> -> memref<80x128xf32, #tpu.memory_space<vmem_shared>>
      tpu.wait_dma2 semaphore(%run_scoped3A : memref<!tpu.dma_semaphore, #tpu.memory_space<semaphore_mem>>) src(%arg7 : memref<80x128xf32, #tpu.memory_space<vmem>>) dst(%dma_wait3A_38 : memref<80x128xf32, #tpu.memory_space<vmem_shared>>)
      tpu.yield
    }) : () -> ()
    %add3A_6 = arith.constant 160 : i32
    %add3A_7 = arith.addi %mul3A_0, %add3A_6 : i32
    "tpu.region"() ({
      %run_scoped3A = tpu.sem_alloc : memref<!tpu.dma_semaphore, #tpu.memory_space<semaphore_mem>>
      %dma_start3A_32 = arith.constant 0 : i32
      %dma_start3A_33 = tpu.memref_slice %arg9[%add3A_7, %dma_start3A_32] : memref<5008x128xf32, #tpu.memory_space<vmem_shared>> -> memref<80x128xf32, #tpu.memory_space<vmem_shared>>
      %dma_start3A_34 = arith.constant 0 : i32
      %dma_start3A_35 = tpu.memref_slice %arg9[%add3A_7, %dma_start3A_34] : memref<5008x128xf32, #tpu.memory_space<vmem_shared>> -> memref<80x128xf32, #tpu.memory_space<vmem_shared>>
      tpu.enqueue_dma source(%arg7 : memref<80x128xf32, #tpu.memory_space<vmem>>) target(%dma_start3A_35 : memref<80x128xf32, #tpu.memory_space<vmem_shared>>) target_semaphore(%run_scoped3A : memref<!tpu.dma_semaphore, #tpu.memory_space<semaphore_mem>>)
      %dma_wait3A = arith.constant 0 : i32
      %dma_wait3A_36 = tpu.memref_slice %arg9[%add3A_7, %dma_wait3A] : memref<5008x128xf32, #tpu.memory_space<vmem_shared>> -> memref<80x128xf32, #tpu.memory_space<vmem_shared>>
      %dma_wait3A_37 = arith.constant 0 : i32
      %dma_wait3A_38 = tpu.memref_slice %arg9[%add3A_7, %dma_wait3A_37] : memref<5008x128xf32, #tpu.memory_space<vmem_shared>> -> memref<80x128xf32, #tpu.memory_space<vmem_shared>>
      tpu.wait_dma2 semaphore(%run_scoped3A : memref<!tpu.dma_semaphore, #tpu.memory_space<semaphore_mem>>) src(%arg7 : memref<80x128xf32, #tpu.memory_space<vmem>>) dst(%dma_wait3A_38 : memref<80x128xf32, #tpu.memory_space<vmem_shared>>)
      tpu.yield
    }) : () -> ()
    %add3A_8 = arith.constant 240 : i32
    %add3A_9 = arith.addi %mul3A_0, %add3A_8 : i32
    "tpu.region"() ({
      %run_scoped3A = tpu.sem_alloc : memref<!tpu.dma_semaphore, #tpu.memory_space<semaphore_mem>>
      %dma_start3A_32 = arith.constant 0 : i32
      %dma_start3A_33 = arith.constant 0 : i32
      %dma_start3A_34 = tpu.memref_slice %arg7[%dma_start3A_32, %dma_start3A_33] : memref<80x128xf32, #tpu.memory_space<vmem>> -> memref<72x128xf32, #tpu.memory_space<vmem>>
      %dma_start3A_35 = arith.constant 0 : i32
      %dma_start3A_36 = tpu.memref_slice %arg9[%add3A_9, %dma_start3A_35] : memref<5008x128xf32, #tpu.memory_space<vmem_shared>> -> memref<72x128xf32, #tpu.memory_space<vmem_shared>>
      %dma_start3A_37 = arith.constant 0 : i32
      %dma_start3A_38 = tpu.memref_slice %arg9[%add3A_9, %dma_start3A_37] : memref<5008x128xf32, #tpu.memory_space<vmem_shared>> -> memref<72x128xf32, #tpu.memory_space<vmem_shared>>
      %dma_start3A_39 = arith.constant 0 : i32
      %dma_start3A_40 = arith.constant 0 : i32
      %dma_start3A_41 = tpu.memref_slice %arg7[%dma_start3A_39, %dma_start3A_40] : memref<80x128xf32, #tpu.memory_space<vmem>> -> memref<72x128xf32, #tpu.memory_space<vmem>>
      tpu.enqueue_dma source(%dma_start3A_41 : memref<72x128xf32, #tpu.memory_space<vmem>>) target(%dma_start3A_38 : memref<72x128xf32, #tpu.memory_space<vmem_shared>>) target_semaphore(%run_scoped3A : memref<!tpu.dma_semaphore, #tpu.memory_space<semaphore_mem>>)
      %dma_wait3A = arith.constant 0 : i32
      %dma_wait3A_42 = arith.constant 0 : i32
      %dma_wait3A_43 = tpu.memref_slice %arg7[%dma_wait3A, %dma_wait3A_42] : memref<80x128xf32, #tpu.memory_space<vmem>> -> memref<72x128xf32, #tpu.memory_space<vmem>>
      %dma_wait3A_44 = arith.constant 0 : i32
      %dma_wait3A_45 = tpu.memref_slice %arg9[%add3A_9, %dma_wait3A_44] : memref<5008x128xf32, #tpu.memory_space<vmem_shared>> -> memref<72x128xf32, #tpu.memory_space<vmem_shared>>
      %dma_wait3A_46 = arith.constant 0 : i32
      %dma_wait3A_47 = tpu.memref_slice %arg9[%add3A_9, %dma_wait3A_46] : memref<5008x128xf32, #tpu.memory_space<vmem_shared>> -> memref<72x128xf32, #tpu.memory_space<vmem_shared>>
      %dma_wait3A_48 = arith.constant 0 : i32
      %dma_wait3A_49 = arith.constant 0 : i32
      %dma_wait3A_50 = tpu.memref_slice %arg7[%dma_wait3A_48, %dma_wait3A_49] : memref<80x128xf32, #tpu.memory_space<vmem>> -> memref<72x128xf32, #tpu.memory_space<vmem>>
      tpu.wait_dma2 semaphore(%run_scoped3A : memref<!tpu.dma_semaphore, #tpu.memory_space<semaphore_mem>>) src(%dma_wait3A_50 : memref<72x128xf32, #tpu.memory_space<vmem>>) dst(%dma_wait3A_47 : memref<72x128xf32, #tpu.memory_space<vmem_shared>>)
      tpu.yield
    }) : () -> ()
    %eq3A = arith.constant 0 : i32
    %eq3A_10 = arith.cmpi eq, %arg1, %eq3A : i32
    %convert_element_type3A = arith.extui %eq3A_10 : i1 to i32
    %cond3A = arith.constant 0 : i32
    %cond3A_11 = arith.cmpi ne, %convert_element_type3A, %cond3A : i32
    scf.if %cond3A_11 {
      "tpu.region"() ({
        %run_scoped3A = tpu.sem_alloc : memref<!tpu.dma_semaphore, #tpu.memory_space<semaphore_mem>>
        %dma_start3A_32 = arith.constant 0 : i32
        %dma_start3A_33 = arith.constant 0 : i32
        %dma_start3A_34 = tpu.memref_slice %arg7[%dma_start3A_32, %dma_start3A_33] : memref<80x128xf32, #tpu.memory_space<vmem>> -> memref<16x128xf32, #tpu.memory_space<vmem>>
        %dma_start3A_35 = arith.constant 4992 : i32
        %dma_start3A_36 = arith.constant 0 : i32
        %dma_start3A_37 = tpu.memref_slice %arg9[%dma_start3A_35, %dma_start3A_36] : memref<5008x128xf32, #tpu.memory_space<vmem_shared>> -> memref<16x128xf32, #tpu.memory_space<vmem_shared>>
        %dma_start3A_38 = arith.constant 4992 : i32
        %dma_start3A_39 = arith.constant 0 : i32
        %dma_start3A_40 = tpu.memref_slice %arg9[%dma_start3A_38, %dma_start3A_39] : memref<5008x128xf32, #tpu.memory_space<vmem_shared>> -> memref<16x128xf32, #tpu.memory_space<vmem_shared>>
        %dma_start3A_41 = arith.constant 0 : i32
        %dma_start3A_42 = arith.constant 0 : i32
        %dma_start3A_43 = tpu.memref_slice %arg7[%dma_start3A_41, %dma_start3A_42] : memref<80x128xf32, #tpu.memory_space<vmem>> -> memref<16x128xf32, #tpu.memory_space<vmem>>
        tpu.enqueue_dma source(%dma_start3A_43 : memref<16x128xf32, #tpu.memory_space<vmem>>) target(%dma_start3A_40 : memref<16x128xf32, #tpu.memory_space<vmem_shared>>) target_semaphore(%run_scoped3A : memref<!tpu.dma_semaphore, #tpu.memory_space<semaphore_mem>>)
        %dma_wait3A = arith.constant 0 : i32
        %dma_wait3A_44 = arith.constant 0 : i32
        %dma_wait3A_45 = tpu.memref_slice %arg7[%dma_wait3A, %dma_wait3A_44] : memref<80x128xf32, #tpu.memory_space<vmem>> -> memref<16x128xf32, #tpu.memory_space<vmem>>
        %dma_wait3A_46 = arith.constant 4992 : i32
        %dma_wait3A_47 = arith.constant 0 : i32
        %dma_wait3A_48 = tpu.memref_slice %arg9[%dma_wait3A_46, %dma_wait3A_47] : memref<5008x128xf32, #tpu.memory_space<vmem_shared>> -> memref<16x128xf32, #tpu.memory_space<vmem_shared>>
        %dma_wait3A_49 = arith.constant 4992 : i32
        %dma_wait3A_50 = arith.constant 0 : i32
        %dma_wait3A_51 = tpu.memref_slice %arg9[%dma_wait3A_49, %dma_wait3A_50] : memref<5008x128xf32, #tpu.memory_space<vmem_shared>> -> memref<16x128xf32, #tpu.memory_space<vmem_shared>>
        %dma_wait3A_52 = arith.constant 0 : i32
        %dma_wait3A_53 = arith.constant 0 : i32
        %dma_wait3A_54 = tpu.memref_slice %arg7[%dma_wait3A_52, %dma_wait3A_53] : memref<80x128xf32, #tpu.memory_space<vmem>> -> memref<16x128xf32, #tpu.memory_space<vmem>>
        tpu.wait_dma2 semaphore(%run_scoped3A : memref<!tpu.dma_semaphore, #tpu.memory_space<semaphore_mem>>) src(%dma_wait3A_54 : memref<16x128xf32, #tpu.memory_space<vmem>>) dst(%dma_wait3A_51 : memref<16x128xf32, #tpu.memory_space<vmem_shared>>)
        tpu.yield
      }) : () -> ()
    } else {
    }
    "tpu.region"() ({
      %run_scoped3A = tpu.sem_alloc : memref<!tpu.dma_semaphore, #tpu.memory_space<semaphore_mem>>
      %dma_start3A_32 = arith.constant 0 : i32
      %dma_start3A_33 = arith.constant 0 : i32
      %dma_start3A_34 = tpu.memref_slice %arg3[%arg1, %dma_start3A_32, %dma_start3A_33] : memref<16x250x80xi32, #tpu.memory_space<hbm>> -> memref<1x250x80xi32, #tpu.memory_space<hbm>>
      %dma_start3A_35 = tpu.memref_squeeze %dma_start3A_34 : memref<1x250x80xi32, #tpu.memory_space<hbm>> -> memref<250x80xi32, #tpu.memory_space<hbm>>
      %dma_start3A_36 = arith.constant 0 : i32
      %dma_start3A_37 = arith.constant 0 : i32
      %dma_start3A_38 = tpu.memref_slice %arg3[%arg1, %dma_start3A_36, %dma_start3A_37] : memref<16x250x80xi32, #tpu.memory_space<hbm>> -> memref<1x250x80xi32, #tpu.memory_space<hbm>>
      %dma_start3A_39 = tpu.memref_squeeze %dma_start3A_38 : memref<1x250x80xi32, #tpu.memory_space<hbm>> -> memref<250x80xi32, #tpu.memory_space<hbm>>
      tpu.enqueue_dma source(%dma_start3A_39 : memref<250x80xi32, #tpu.memory_space<hbm>>) target(%arg6 : memref<250x80xi32, #tpu.memory_space<vmem>>) target_semaphore(%run_scoped3A : memref<!tpu.dma_semaphore, #tpu.memory_space<semaphore_mem>>)
      %dma_wait3A = arith.constant 0 : i32
      %dma_wait3A_40 = arith.constant 0 : i32
      %dma_wait3A_41 = tpu.memref_slice %arg3[%arg1, %dma_wait3A, %dma_wait3A_40] : memref<16x250x80xi32, #tpu.memory_space<hbm>> -> memref<1x250x80xi32, #tpu.memory_space<hbm>>
      %dma_wait3A_42 = tpu.memref_squeeze %dma_wait3A_41 : memref<1x250x80xi32, #tpu.memory_space<hbm>> -> memref<250x80xi32, #tpu.memory_space<hbm>>
      %dma_wait3A_43 = arith.constant 0 : i32
      %dma_wait3A_44 = arith.constant 0 : i32
      %dma_wait3A_45 = tpu.memref_slice %arg3[%arg1, %dma_wait3A_43, %dma_wait3A_44] : memref<16x250x80xi32, #tpu.memory_space<hbm>> -> memref<1x250x80xi32, #tpu.memory_space<hbm>>
      %dma_wait3A_46 = tpu.memref_squeeze %dma_wait3A_45 : memref<1x250x80xi32, #tpu.memory_space<hbm>> -> memref<250x80xi32, #tpu.memory_space<hbm>>
      tpu.wait_dma2 semaphore(%run_scoped3A : memref<!tpu.dma_semaphore, #tpu.memory_space<semaphore_mem>>) src(%dma_wait3A_46 : memref<250x80xi32, #tpu.memory_space<hbm>>) dst(%arg6 : memref<250x80xi32, #tpu.memory_space<vmem>>)
      tpu.yield
    }) : () -> ()
    %scan3A = arith.constant 0 : i32
    %scan3A_12 = arith.constant 250 : i32
    %scan3A_13 = arith.addi %scan3A, %scan3A_12 : i32
    %scan3A_14 = arith.constant 1 : i32
    scf.for %scan3A_32 = %scan3A to %scan3A_13 step %scan3A_14  : i32 {
      %mul3A_33 = arith.constant 1 : i32
      %mul3A_34 = arith.muli %scan3A_32, %mul3A_33 : i32
      %add3A_35 = arith.constant 0 : i32
      %add3A_36 = arith.addi %add3A_35, %mul3A_34 : i32
      %get3A = arith.index_cast %add3A_36 : i32 to index
      %get3A_37 = arith.constant 0 : index
      %get3A_38 = tpu.vector_load %arg6[%get3A, %get3A_37] {strides = array<i32>} : memref<250x80xi32, #tpu.memory_space<vmem>>, vector<1x16xi32>,
      %get3A_39 = vector.shape_cast %get3A_38 : vector<1x16xi32> to vector<16xi32>
      %sub3A = vector.broadcast %mul3A_2 : i32 to vector<16xi32>
      %sub3A_40 = arith.subi %get3A_39, %sub3A : vector<16xi32>
      %ge3A = arith.constant 0 : i32
      %ge3A_41 = vector.broadcast %ge3A : i32 to vector<16xi32>
      %ge3A_42 = arith.cmpi sge, %sub3A_40, %ge3A_41 : vector<16xi32>
      %lt3A = arith.constant 5000 : i32
      %lt3A_43 = vector.broadcast %lt3A : i32 to vector<16xi32>
      %lt3A_44 = arith.cmpi slt, %sub3A_40, %lt3A_43 : vector<16xi32>
      %and3A = arith.andi %ge3A_42, %lt3A_44 : vector<16xi1>
      %jit3A = arith.constant 5000 : i32
      %broadcast_in_dim3A = vector.broadcast %jit3A : i32 to vector<16xi32>
      %select_n3A = arith.select %and3A, %sub3A_40, %broadcast_in_dim3A : vector<16xi1>, vector<16xi32>
      %swap3A = arith.index_cast %add3A_36 : i32 to index
      %swap3A_45 = arith.constant 0 : index
      %swap3A_46 = tpu.vector_load %arg6[%swap3A, %swap3A_45] {strides = array<i32>} : memref<250x80xi32, #tpu.memory_space<vmem>>, vector<1x16xi32>,
      %swap3A_47 = vector.shape_cast %swap3A_46 : vector<1x16xi32> to vector<16xi32>
      %swap3A_48 = vector.shape_cast %select_n3A : vector<16xi32> to vector<1x16xi32>
      tpu.vector_store %arg6[%swap3A, %swap3A_45], %swap3A_48 {strides = array<i32>} : memref<250x80xi32, #tpu.memory_space<vmem>>, vector<1x16xi32>,
      %get3A_49 = arith.index_cast %add3A_36 : i32 to index
      %get3A_50 = arith.constant 16 : index
      %get3A_51 = tpu.vector_load %arg6[%get3A_49, %get3A_50] {strides = array<i32>} : memref<250x80xi32, #tpu.memory_space<vmem>>, vector<1x16xi32>,
      %get3A_52 = vector.shape_cast %get3A_51 : vector<1x16xi32> to vector<16xi32>
      %sub3A_53 = vector.broadcast %mul3A_2 : i32 to vector<16xi32>
      %sub3A_54 = arith.subi %get3A_52, %sub3A_53 : vector<16xi32>
      %ge3A_55 = arith.constant 0 : i32
      %ge3A_56 = vector.broadcast %ge3A_55 : i32 to vector<16xi32>
      %ge3A_57 = arith.cmpi sge, %sub3A_54, %ge3A_56 : vector<16xi32>
      %lt3A_58 = arith.constant 5000 : i32
      %lt3A_59 = vector.broadcast %lt3A_58 : i32 to vector<16xi32>
      %lt3A_60 = arith.cmpi slt, %sub3A_54, %lt3A_59 : vector<16xi32>
      %and3A_61 = arith.andi %ge3A_57, %lt3A_60 : vector<16xi1>
      %jit3A_62 = arith.constant 5000 : i32
      %broadcast_in_dim3A_63 = vector.broadcast %jit3A_62 : i32 to vector<16xi32>
      %select_n3A_64 = arith.select %and3A_61, %sub3A_54, %broadcast_in_dim3A_63 : vector<16xi1>, vector<16xi32>
      %swap3A_65 = arith.index_cast %add3A_36 : i32 to index
      %swap3A_66 = arith.constant 16 : index
      %swap3A_67 = tpu.vector_load %arg6[%swap3A_65, %swap3A_66] {strides = array<i32>} : memref<250x80xi32, #tpu.memory_space<vmem>>, vector<1x16xi32>,
      %swap3A_68 = vector.shape_cast %swap3A_67 : vector<1x16xi32> to vector<16xi32>
      %swap3A_69 = vector.shape_cast %select_n3A_64 : vector<16xi32> to vector<1x16xi32>
      tpu.vector_store %arg6[%swap3A_65, %swap3A_66], %swap3A_69 {strides = array<i32>} : memref<250x80xi32, #tpu.memory_space<vmem>>, vector<1x16xi32>,
      %get3A_70 = arith.index_cast %add3A_36 : i32 to index
      %get3A_71 = arith.constant 32 : index
      %get3A_72 = tpu.vector_load %arg6[%get3A_70, %get3A_71] {strides = array<i32>} : memref<250x80xi32, #tpu.memory_space<vmem>>, vector<1x16xi32>,
      %get3A_73 = vector.shape_cast %get3A_72 : vector<1x16xi32> to vector<16xi32>
      %sub3A_74 = vector.broadcast %mul3A_2 : i32 to vector<16xi32>
      %sub3A_75 = arith.subi %get3A_73, %sub3A_74 : vector<16xi32>
      %ge3A_76 = arith.constant 0 : i32
      %ge3A_77 = vector.broadcast %ge3A_76 : i32 to vector<16xi32>
      %ge3A_78 = arith.cmpi sge, %sub3A_75, %ge3A_77 : vector<16xi32>
      %lt3A_79 = arith.constant 5000 : i32
      %lt3A_80 = vector.broadcast %lt3A_79 : i32 to vector<16xi32>
      %lt3A_81 = arith.cmpi slt, %sub3A_75, %lt3A_80 : vector<16xi32>
      %and3A_82 = arith.andi %ge3A_78, %lt3A_81 : vector<16xi1>
      %jit3A_83 = arith.constant 5000 : i32
      %broadcast_in_dim3A_84 = vector.broadcast %jit3A_83 : i32 to vector<16xi32>
      %select_n3A_85 = arith.select %and3A_82, %sub3A_75, %broadcast_in_dim3A_84 : vector<16xi1>, vector<16xi32>
      %swap3A_86 = arith.index_cast %add3A_36 : i32 to index
      %swap3A_87 = arith.constant 32 : index
      %swap3A_88 = tpu.vector_load %arg6[%swap3A_86, %swap3A_87] {strides = array<i32>} : memref<250x80xi32, #tpu.memory_space<vmem>>, vector<1x16xi32>,
      %swap3A_89 = vector.shape_cast %swap3A_88 : vector<1x16xi32> to vector<16xi32>
      %swap3A_90 = vector.shape_cast %select_n3A_85 : vector<16xi32> to vector<1x16xi32>
      tpu.vector_store %arg6[%swap3A_86, %swap3A_87], %swap3A_90 {strides = array<i32>} : memref<250x80xi32, #tpu.memory_space<vmem>>, vector<1x16xi32>,
      %get3A_91 = arith.index_cast %add3A_36 : i32 to index
      %get3A_92 = arith.constant 48 : index
      %get3A_93 = tpu.vector_load %arg6[%get3A_91, %get3A_92] {strides = array<i32>} : memref<250x80xi32, #tpu.memory_space<vmem>>, vector<1x16xi32>,
      %get3A_94 = vector.shape_cast %get3A_93 : vector<1x16xi32> to vector<16xi32>
      %sub3A_95 = vector.broadcast %mul3A_2 : i32 to vector<16xi32>
      %sub3A_96 = arith.subi %get3A_94, %sub3A_95 : vector<16xi32>
      %ge3A_97 = arith.constant 0 : i32
      %ge3A_98 = vector.broadcast %ge3A_97 : i32 to vector<16xi32>
      %ge3A_99 = arith.cmpi sge, %sub3A_96, %ge3A_98 : vector<16xi32>
      %lt3A_100 = arith.constant 5000 : i32
      %lt3A_101 = vector.broadcast %lt3A_100 : i32 to vector<16xi32>
      %lt3A_102 = arith.cmpi slt, %sub3A_96, %lt3A_101 : vector<16xi32>
      %and3A_103 = arith.andi %ge3A_99, %lt3A_102 : vector<16xi1>
      %jit3A_104 = arith.constant 5000 : i32
      %broadcast_in_dim3A_105 = vector.broadcast %jit3A_104 : i32 to vector<16xi32>
      %select_n3A_106 = arith.select %and3A_103, %sub3A_96, %broadcast_in_dim3A_105 : vector<16xi1>, vector<16xi32>
      %swap3A_107 = arith.index_cast %add3A_36 : i32 to index
      %swap3A_108 = arith.constant 48 : index
      %swap3A_109 = tpu.vector_load %arg6[%swap3A_107, %swap3A_108] {strides = array<i32>} : memref<250x80xi32, #tpu.memory_space<vmem>>, vector<1x16xi32>,
      %swap3A_110 = vector.shape_cast %swap3A_109 : vector<1x16xi32> to vector<16xi32>
      %swap3A_111 = vector.shape_cast %select_n3A_106 : vector<16xi32> to vector<1x16xi32>
      tpu.vector_store %arg6[%swap3A_107, %swap3A_108], %swap3A_111 {strides = array<i32>} : memref<250x80xi32, #tpu.memory_space<vmem>>, vector<1x16xi32>,
      %get3A_112 = arith.index_cast %add3A_36 : i32 to index
      %get3A_113 = arith.constant 64 : index
      %get3A_114 = tpu.vector_load %arg6[%get3A_112, %get3A_113] {strides = array<i32>} : memref<250x80xi32, #tpu.memory_space<vmem>>, vector<1x16xi32>,
      %get3A_115 = vector.shape_cast %get3A_114 : vector<1x16xi32> to vector<16xi32>
      %sub3A_116 = vector.broadcast %mul3A_2 : i32 to vector<16xi32>
      %sub3A_117 = arith.subi %get3A_115, %sub3A_116 : vector<16xi32>
      %ge3A_118 = arith.constant 0 : i32
      %ge3A_119 = vector.broadcast %ge3A_118 : i32 to vector<16xi32>
      %ge3A_120 = arith.cmpi sge, %sub3A_117, %ge3A_119 : vector<16xi32>
      %lt3A_121 = arith.constant 5000 : i32
      %lt3A_122 = vector.broadcast %lt3A_121 : i32 to vector<16xi32>
      %lt3A_123 = arith.cmpi slt, %sub3A_117, %lt3A_122 : vector<16xi32>
      %and3A_124 = arith.andi %ge3A_120, %lt3A_123 : vector<16xi1>
      %jit3A_125 = arith.constant 5000 : i32
      %broadcast_in_dim3A_126 = vector.broadcast %jit3A_125 : i32 to vector<16xi32>
      %select_n3A_127 = arith.select %and3A_124, %sub3A_117, %broadcast_in_dim3A_126 : vector<16xi1>, vector<16xi32>
      %swap3A_128 = arith.index_cast %add3A_36 : i32 to index
      %swap3A_129 = arith.constant 64 : index
      %swap3A_130 = tpu.vector_load %arg6[%swap3A_128, %swap3A_129] {strides = array<i32>} : memref<250x80xi32, #tpu.memory_space<vmem>>, vector<1x16xi32>,
      %swap3A_131 = vector.shape_cast %swap3A_130 : vector<1x16xi32> to vector<16xi32>
      %swap3A_132 = vector.shape_cast %select_n3A_127 : vector<16xi32> to vector<1x16xi32>
      tpu.vector_store %arg6[%swap3A_128, %swap3A_129], %swap3A_132 {strides = array<i32>} : memref<250x80xi32, #tpu.memory_space<vmem>>, vector<1x16xi32>,
    }
    %scan3A_15 = arith.constant 250 : i32
    %barrier3A = arith.constant 0 : index
    tpu.barrier barrier_id(%barrier3A)
    %mul3A_16 = arith.constant 20000 : i32
    %mul3A_17 = arith.muli %arg1, %mul3A_16 : i32
    %dma_start3A = arith.constant 0 : i32
    %dma_start3A_18 = tpu.memref_slice %arg2[%mul3A_17, %dma_start3A] : memref<320000x128xf32, #tpu.memory_space<hbm>> -> memref<80x128xf32, #tpu.memory_space<hbm>>
    %dma_start3A_19 = arith.constant 0 : i32
    %dma_start3A_20 = tpu.memref_slice %arg2[%mul3A_17, %dma_start3A_19] : memref<320000x128xf32, #tpu.memory_space<hbm>> -> memref<80x128xf32, #tpu.memory_space<hbm>>
    tpu.enqueue_dma source(%dma_start3A_20 : memref<80x128xf32, #tpu.memory_space<hbm>>) target(%arg7 : memref<80x128xf32, #tpu.memory_space<vmem>>) target_semaphore(%arg10 : memref<!tpu.dma_semaphore, #tpu.memory_space<semaphore_mem>>)
    %scan3A_21 = arith.constant 0 : i32
    %scan3A_22 = arith.constant 125 : i32
    %scan3A_23 = arith.addi %scan3A_21, %scan3A_22 : i32
    %scan3A_24 = arith.constant 1 : i32
    scf.for %scan3A_32 = %scan3A_21 to %scan3A_23 step %scan3A_24  : i32 {
      %mul3A_33 = arith.constant 1 : i32
      %mul3A_34 = arith.muli %scan3A_32, %mul3A_33 : i32
      %add3A_35 = arith.constant 0 : i32
      %add3A_36 = arith.addi %add3A_35, %mul3A_34 : i32
      %mul3A_37 = arith.constant 2 : i32
      %mul3A_38 = arith.muli %mul3A_37, %add3A_36 : i32
      %add3A_39 = arith.constant 1 : i32
      %add3A_40 = arith.addi %mul3A_38, %add3A_39 : i32
      %mul3A_41 = arith.constant 80 : i32
      %mul3A_42 = arith.muli %add3A_40, %mul3A_41 : i32
      %add3A_43 = arith.addi %mul3A_17, %mul3A_42 : i32
      %dma_start3A_44 = arith.constant 0 : i32
      %dma_start3A_45 = tpu.memref_slice %arg2[%add3A_43, %dma_start3A_44] : memref<320000x128xf32, #tpu.memory_space<hbm>> -> memref<80x128xf32, #tpu.memory_space<hbm>>
      %dma_start3A_46 = arith.constant 0 : i32
      %dma_start3A_47 = tpu.memref_slice %arg2[%add3A_43, %dma_start3A_46] : memref<320000x128xf32, #tpu.memory_space<hbm>> -> memref<80x128xf32, #tpu.memory_space<hbm>>
      tpu.enqueue_dma source(%dma_start3A_47 : memref<80x128xf32, #tpu.memory_space<hbm>>) target(%arg8 : memref<80x128xf32, #tpu.memory_space<vmem>>) target_semaphore(%arg11 : memref<!tpu.dma_semaphore, #tpu.memory_space<semaphore_mem>>)
      %dma_wait3A = arith.constant 0 : i32
      %dma_wait3A_48 = arith.constant 0 : i32
      %dma_wait3A_49 = tpu.memref_slice %arg2[%dma_wait3A, %dma_wait3A_48] : memref<320000x128xf32, #tpu.memory_space<hbm>> -> memref<80x128xf32, #tpu.memory_space<hbm>>
      %dma_wait3A_50 = arith.constant 0 : i32
      %dma_wait3A_51 = arith.constant 0 : i32
      %dma_wait3A_52 = tpu.memref_slice %arg2[%dma_wait3A_50, %dma_wait3A_51] : memref<320000x128xf32, #tpu.memory_space<hbm>> -> memref<80x128xf32, #tpu.memory_space<hbm>>
      tpu.wait_dma2 semaphore(%arg10 : memref<!tpu.dma_semaphore, #tpu.memory_space<semaphore_mem>>) src(%dma_wait3A_52 : memref<80x128xf32, #tpu.memory_space<hbm>>) dst(%arg7 : memref<80x128xf32, #tpu.memory_space<vmem>>)
      "tpu.region"() ({
        %run_scoped3A = tpu.sem_alloc : memref<!tpu.dma_semaphore, #tpu.memory_space<semaphore_mem>>
        %dma_start3A_67 = arith.constant 0 : i32
        %dma_start3A_68 = tpu.memref_slice %arg6[%mul3A_38, %dma_start3A_67] : memref<250x80xi32, #tpu.memory_space<vmem>> -> memref<1x80xi32, #tpu.memory_space<vmem>>
        %dma_start3A_69 = tpu.memref_squeeze %dma_start3A_68 : memref<1x80xi32, #tpu.memory_space<vmem>> -> memref<80xi32, #tpu.memory_space<vmem>>
        %dma_start3A_70 = arith.constant 0 : i32
        %dma_start3A_71 = arith.constant 0 : i32
        %dma_start3A_72 = tpu.memref_slice %arg9[%dma_start3A_70, %dma_start3A_71] : memref<5008x128xf32, #tpu.memory_space<vmem_shared>> -> memref<5008x128xf32, #tpu.memory_space<vmem_shared>>
        tpu.enqueue_indirect_dma source(%arg7 : memref<80x128xf32, #tpu.memory_space<vmem>>) target(%dma_start3A_72 : memref<5008x128xf32, #tpu.memory_space<vmem_shared>>) offsets(%dma_start3A_69 : memref<80xi32, #tpu.memory_space<vmem>>) semaphore(%run_scoped3A : memref<!tpu.dma_semaphore, #tpu.memory_space<semaphore_mem>>) {add = true}
        %dma_wait3A_73 = arith.constant 0 : i32
        %dma_wait3A_74 = tpu.memref_slice %arg6[%mul3A_38, %dma_wait3A_73] : memref<250x80xi32, #tpu.memory_space<vmem>> -> memref<1x80xi32, #tpu.memory_space<vmem>>
        %dma_wait3A_75 = tpu.memref_squeeze %dma_wait3A_74 : memref<1x80xi32, #tpu.memory_space<vmem>> -> memref<80xi32, #tpu.memory_space<vmem>>
        %dma_wait3A_76 = arith.constant 0 : i32
        %dma_wait3A_77 = arith.constant 0 : i32
        %dma_wait3A_78 = tpu.memref_slice %arg9[%dma_wait3A_76, %dma_wait3A_77] : memref<5008x128xf32, #tpu.memory_space<vmem_shared>> -> memref<5008x128xf32, #tpu.memory_space<vmem_shared>>
        tpu.wait_indirect_dma semaphore(%run_scoped3A : memref<!tpu.dma_semaphore, #tpu.memory_space<semaphore_mem>>) src(%arg7 : memref<80x128xf32, #tpu.memory_space<vmem>>) dst(%dma_wait3A_78 : memref<5008x128xf32, #tpu.memory_space<vmem_shared>>)
        tpu.yield
      }) : () -> ()
      %add3A_53 = arith.constant 2 : i32
      %add3A_54 = arith.addi %mul3A_38, %add3A_53 : i32
      %lt3A = arith.constant 250 : i32
      %lt3A_55 = arith.cmpi slt, %add3A_54, %lt3A : i32
      %convert_element_type3A_56 = arith.extui %lt3A_55 : i1 to i32
      %cond3A_57 = arith.constant 0 : i32
      %cond3A_58 = arith.cmpi ne, %convert_element_type3A_56, %cond3A_57 : i32
      scf.if %cond3A_58 {
        %add3A_67 = arith.constant 2 : i32
        %add3A_68 = arith.addi %mul3A_38, %add3A_67 : i32
        %mul3A_69 = arith.constant 80 : i32
        %mul3A_70 = arith.muli %add3A_68, %mul3A_69 : i32
        %add3A_71 = arith.addi %mul3A_17, %mul3A_70 : i32
        %dma_start3A_72 = arith.constant 0 : i32
        %dma_start3A_73 = tpu.memref_slice %arg2[%add3A_71, %dma_start3A_72] : memref<320000x128xf32, #tpu.memory_space<hbm>> -> memref<80x128xf32, #tpu.memory_space<hbm>>
        %dma_start3A_74 = arith.constant 0 : i32
        %dma_start3A_75 = tpu.memref_slice %arg2[%add3A_71, %dma_start3A_74] : memref<320000x128xf32, #tpu.memory_space<hbm>> -> memref<80x128xf32, #tpu.memory_space<hbm>>
        tpu.enqueue_dma source(%dma_start3A_75 : memref<80x128xf32, #tpu.memory_space<hbm>>) target(%arg7 : memref<80x128xf32, #tpu.memory_space<vmem>>) target_semaphore(%arg10 : memref<!tpu.dma_semaphore, #tpu.memory_space<semaphore_mem>>)
      } else {
      }
      %dma_wait3A_59 = arith.constant 0 : i32
      %dma_wait3A_60 = arith.constant 0 : i32
      %dma_wait3A_61 = tpu.memref_slice %arg2[%dma_wait3A_59, %dma_wait3A_60] : memref<320000x128xf32, #tpu.memory_space<hbm>> -> memref<80x128xf32, #tpu.memory_space<hbm>>
      %dma_wait3A_62 = arith.constant 0 : i32
      %dma_wait3A_63 = arith.constant 0 : i32
      %dma_wait3A_64 = tpu.memref_slice %arg2[%dma_wait3A_62, %dma_wait3A_63] : memref<320000x128xf32, #tpu.memory_space<hbm>> -> memref<80x128xf32, #tpu.memory_space<hbm>>
      tpu.wait_dma2 semaphore(%arg11 : memref<!tpu.dma_semaphore, #tpu.memory_space<semaphore_mem>>) src(%dma_wait3A_64 : memref<80x128xf32, #tpu.memory_space<hbm>>) dst(%arg8 : memref<80x128xf32, #tpu.memory_space<vmem>>)
      %add3A_65 = arith.constant 1 : i32
      %add3A_66 = arith.addi %mul3A_38, %add3A_65 : i32
      "tpu.region"() ({
        %run_scoped3A = tpu.sem_alloc : memref<!tpu.dma_semaphore, #tpu.memory_space<semaphore_mem>>
        %dma_start3A_67 = arith.constant 0 : i32
        %dma_start3A_68 = tpu.memref_slice %arg6[%add3A_66, %dma_start3A_67] : memref<250x80xi32, #tpu.memory_space<vmem>> -> memref<1x80xi32, #tpu.memory_space<vmem>>
        %dma_start3A_69 = tpu.memref_squeeze %dma_start3A_68 : memref<1x80xi32, #tpu.memory_space<vmem>> -> memref<80xi32, #tpu.memory_space<vmem>>
        %dma_start3A_70 = arith.constant 0 : i32
        %dma_start3A_71 = arith.constant 0 : i32
        %dma_start3A_72 = tpu.memref_slice %arg9[%dma_start3A_70, %dma_start3A_71] : memref<5008x128xf32, #tpu.memory_space<vmem_shared>> -> memref<5008x128xf32, #tpu.memory_space<vmem_shared>>
        tpu.enqueue_indirect_dma source(%arg8 : memref<80x128xf32, #tpu.memory_space<vmem>>) target(%dma_start3A_72 : memref<5008x128xf32, #tpu.memory_space<vmem_shared>>) offsets(%dma_start3A_69 : memref<80xi32, #tpu.memory_space<vmem>>) semaphore(%run_scoped3A : memref<!tpu.dma_semaphore, #tpu.memory_space<semaphore_mem>>) {add = true}
        %dma_wait3A_73 = arith.constant 0 : i32
        %dma_wait3A_74 = tpu.memref_slice %arg6[%add3A_66, %dma_wait3A_73] : memref<250x80xi32, #tpu.memory_space<vmem>> -> memref<1x80xi32, #tpu.memory_space<vmem>>
        %dma_wait3A_75 = tpu.memref_squeeze %dma_wait3A_74 : memref<1x80xi32, #tpu.memory_space<vmem>> -> memref<80xi32, #tpu.memory_space<vmem>>
        %dma_wait3A_76 = arith.constant 0 : i32
        %dma_wait3A_77 = arith.constant 0 : i32
        %dma_wait3A_78 = tpu.memref_slice %arg9[%dma_wait3A_76, %dma_wait3A_77] : memref<5008x128xf32, #tpu.memory_space<vmem_shared>> -> memref<5008x128xf32, #tpu.memory_space<vmem_shared>>
        tpu.wait_indirect_dma semaphore(%run_scoped3A : memref<!tpu.dma_semaphore, #tpu.memory_space<semaphore_mem>>) src(%arg8 : memref<80x128xf32, #tpu.memory_space<vmem>>) dst(%dma_wait3A_78 : memref<5008x128xf32, #tpu.memory_space<vmem_shared>>)
        tpu.yield
      }) : () -> ()
    }
    %scan3A_25 = arith.constant 125 : i32
    %barrier3A_26 = arith.constant 0 : index
    tpu.barrier barrier_id(%barrier3A_26)
    "tpu.region"() ({
      %run_scoped3A = tpu.sem_alloc : memref<!tpu.dma_semaphore, #tpu.memory_space<semaphore_mem>>
      %dma_start3A_32 = arith.constant 0 : i32
      %dma_start3A_33 = tpu.memref_slice %arg5[%arg0, %mul3A_0, %dma_start3A_32] : memref<2x5008x128xf32, #tpu.memory_space<hbm>> -> memref<1x312x128xf32, #tpu.memory_space<hbm>>
      %dma_start3A_34 = tpu.memref_squeeze %dma_start3A_33 : memref<1x312x128xf32, #tpu.memory_space<hbm>> -> memref<312x128xf32, #tpu.memory_space<hbm>>
      %dma_start3A_35 = arith.constant 0 : i32
      %dma_start3A_36 = tpu.memref_slice %arg9[%mul3A_0, %dma_start3A_35] : memref<5008x128xf32, #tpu.memory_space<vmem_shared>> -> memref<312x128xf32, #tpu.memory_space<vmem_shared>>
      tpu.enqueue_dma source(%dma_start3A_36 : memref<312x128xf32, #tpu.memory_space<vmem_shared>>) target(%dma_start3A_34 : memref<312x128xf32, #tpu.memory_space<hbm>>) target_semaphore(%run_scoped3A : memref<!tpu.dma_semaphore, #tpu.memory_space<semaphore_mem>>)
      %dma_wait3A = arith.constant 0 : i32
      %dma_wait3A_37 = tpu.memref_slice %arg5[%arg0, %mul3A_0, %dma_wait3A] : memref<2x5008x128xf32, #tpu.memory_space<hbm>> -> memref<1x312x128xf32, #tpu.memory_space<hbm>>
      %dma_wait3A_38 = tpu.memref_squeeze %dma_wait3A_37 : memref<1x312x128xf32, #tpu.memory_space<hbm>> -> memref<312x128xf32, #tpu.memory_space<hbm>>
      %dma_wait3A_39 = arith.constant 0 : i32
      %dma_wait3A_40 = tpu.memref_slice %arg9[%mul3A_0, %dma_wait3A_39] : memref<5008x128xf32, #tpu.memory_space<vmem_shared>> -> memref<312x128xf32, #tpu.memory_space<vmem_shared>>
      tpu.wait_dma2 semaphore(%run_scoped3A : memref<!tpu.dma_semaphore, #tpu.memory_space<semaphore_mem>>) src(%dma_wait3A_40 : memref<312x128xf32, #tpu.memory_space<vmem_shared>>) dst(%dma_wait3A_38 : memref<312x128xf32, #tpu.memory_space<hbm>>)
      tpu.yield
    }) : () -> ()
    %eq3A_27 = arith.constant 0 : i32
    %eq3A_28 = arith.cmpi eq, %arg1, %eq3A_27 : i32
    %convert_element_type3A_29 = arith.extui %eq3A_28 : i1 to i32
    %cond3A_30 = arith.constant 0 : i32
    %cond3A_31 = arith.cmpi ne, %convert_element_type3A_29, %cond3A_30 : i32
    scf.if %cond3A_31 {
      "tpu.region"() ({
        %run_scoped3A = tpu.sem_alloc : memref<!tpu.dma_semaphore, #tpu.memory_space<semaphore_mem>>
        %dma_start3A_32 = arith.constant 4992 : i32
        %dma_start3A_33 = arith.constant 0 : i32
        %dma_start3A_34 = tpu.memref_slice %arg5[%arg0, %dma_start3A_32, %dma_start3A_33] : memref<2x5008x128xf32, #tpu.memory_space<hbm>> -> memref<1x16x128xf32, #tpu.memory_space<hbm>>
        %dma_start3A_35 = tpu.memref_squeeze %dma_start3A_34 : memref<1x16x128xf32, #tpu.memory_space<hbm>> -> memref<16x128xf32, #tpu.memory_space<hbm>>
        %dma_start3A_36 = arith.constant 4992 : i32
        %dma_start3A_37 = arith.constant 0 : i32
        %dma_start3A_38 = tpu.memref_slice %arg9[%dma_start3A_36, %dma_start3A_37] : memref<5008x128xf32, #tpu.memory_space<vmem_shared>> -> memref<16x128xf32, #tpu.memory_space<vmem_shared>>
        tpu.enqueue_dma source(%dma_start3A_38 : memref<16x128xf32, #tpu.memory_space<vmem_shared>>) target(%dma_start3A_35 : memref<16x128xf32, #tpu.memory_space<hbm>>) target_semaphore(%run_scoped3A : memref<!tpu.dma_semaphore, #tpu.memory_space<semaphore_mem>>)
        %dma_wait3A = arith.constant 4992 : i32
        %dma_wait3A_39 = arith.constant 0 : i32
        %dma_wait3A_40 = tpu.memref_slice %arg5[%arg0, %dma_wait3A, %dma_wait3A_39] : memref<2x5008x128xf32, #tpu.memory_space<hbm>> -> memref<1x16x128xf32, #tpu.memory_space<hbm>>
        %dma_wait3A_41 = tpu.memref_squeeze %dma_wait3A_40 : memref<1x16x128xf32, #tpu.memory_space<hbm>> -> memref<16x128xf32, #tpu.memory_space<hbm>>
        %dma_wait3A_42 = arith.constant 4992 : i32
        %dma_wait3A_43 = arith.constant 0 : i32
        %dma_wait3A_44 = tpu.memref_slice %arg9[%dma_wait3A_42, %dma_wait3A_43] : memref<5008x128xf32, #tpu.memory_space<vmem_shared>> -> memref<16x128xf32, #tpu.memory_space<vmem_shared>>
        tpu.wait_dma2 semaphore(%run_scoped3A : memref<!tpu.dma_semaphore, #tpu.memory_space<semaphore_mem>>) src(%dma_wait3A_44 : memref<16x128xf32, #tpu.memory_space<vmem_shared>>) dst(%dma_wait3A_41 : memref<16x128xf32, #tpu.memory_space<hbm>>)
        tpu.yield
      }) : () -> ()
    } else {
    }
    return
  }
}

#map = affine_map<(d0, d1) -> (0, 0)>
#map1 = affine_map<(d0, d1) -> (0, 0, 0)>
module attributes {stable_mosaic.version = 14 : i64} {
  func.func @body(%arg0: i32, %arg1: i32, %arg2: memref<10000x128xf32, #tpu.memory_space<hbm>>, %arg3: memref<32x125x80xi32, #tpu.memory_space<hbm>>, %arg4: memref<320000x128xf32, #tpu.memory_space<hbm>>, %arg5: memref<125x80xi32, #tpu.memory_space<vmem>>, %arg6: memref<80x128xf32, #tpu.memory_space<vmem>>, %arg7: memref<80x128xf32, #tpu.memory_space<vmem>>, %arg8: memref<!tpu.dma_semaphore, #tpu.memory_space<semaphore_mem>>, %arg9: memref<!tpu.dma_semaphore, #tpu.memory_space<semaphore_mem>>) attributes {dimension_semantics = [#tpu.dimension_semantics<core_parallel>, #tpu.dimension_semantics<subcore_parallel>], iteration_bounds = array<i64: 2, 16>, scalar_prefetch = 0 : i64, scratch_operands = 5 : i64, tpu.core_type = #tpu.core_type<sc_vector_subcore>, window_params = [{transform_indices = #map}, {transform_indices = #map1}, {transform_indices = #map}]} {
    %mul3A = arith.constant 2 : i32
    %mul3A_0 = arith.muli %arg1, %mul3A : i32
    %add3A = arith.addi %mul3A_0, %arg0 : i32
    "tpu.region"() ({
      %run_scoped3A = tpu.sem_alloc : memref<!tpu.dma_semaphore, #tpu.memory_space<semaphore_mem>>
      %dma_start3A_22 = arith.constant 0 : i32
      %dma_start3A_23 = arith.constant 0 : i32
      %dma_start3A_24 = tpu.memref_slice %arg3[%add3A, %dma_start3A_22, %dma_start3A_23] : memref<32x125x80xi32, #tpu.memory_space<hbm>> -> memref<1x125x80xi32, #tpu.memory_space<hbm>>
      %dma_start3A_25 = tpu.memref_squeeze %dma_start3A_24 : memref<1x125x80xi32, #tpu.memory_space<hbm>> -> memref<125x80xi32, #tpu.memory_space<hbm>>
      %dma_start3A_26 = arith.constant 0 : i32
      %dma_start3A_27 = arith.constant 0 : i32
      %dma_start3A_28 = tpu.memref_slice %arg3[%add3A, %dma_start3A_26, %dma_start3A_27] : memref<32x125x80xi32, #tpu.memory_space<hbm>> -> memref<1x125x80xi32, #tpu.memory_space<hbm>>
      %dma_start3A_29 = tpu.memref_squeeze %dma_start3A_28 : memref<1x125x80xi32, #tpu.memory_space<hbm>> -> memref<125x80xi32, #tpu.memory_space<hbm>>
      tpu.enqueue_dma source(%dma_start3A_29 : memref<125x80xi32, #tpu.memory_space<hbm>>) target(%arg5 : memref<125x80xi32, #tpu.memory_space<vmem>>) target_semaphore(%run_scoped3A : memref<!tpu.dma_semaphore, #tpu.memory_space<semaphore_mem>>)
      %dma_wait3A_30 = arith.constant 0 : i32
      %dma_wait3A_31 = arith.constant 0 : i32
      %dma_wait3A_32 = tpu.memref_slice %arg3[%add3A, %dma_wait3A_30, %dma_wait3A_31] : memref<32x125x80xi32, #tpu.memory_space<hbm>> -> memref<1x125x80xi32, #tpu.memory_space<hbm>>
      %dma_wait3A_33 = tpu.memref_squeeze %dma_wait3A_32 : memref<1x125x80xi32, #tpu.memory_space<hbm>> -> memref<125x80xi32, #tpu.memory_space<hbm>>
      %dma_wait3A_34 = arith.constant 0 : i32
      %dma_wait3A_35 = arith.constant 0 : i32
      %dma_wait3A_36 = tpu.memref_slice %arg3[%add3A, %dma_wait3A_34, %dma_wait3A_35] : memref<32x125x80xi32, #tpu.memory_space<hbm>> -> memref<1x125x80xi32, #tpu.memory_space<hbm>>
      %dma_wait3A_37 = tpu.memref_squeeze %dma_wait3A_36 : memref<1x125x80xi32, #tpu.memory_space<hbm>> -> memref<125x80xi32, #tpu.memory_space<hbm>>
      tpu.wait_dma2 semaphore(%run_scoped3A : memref<!tpu.dma_semaphore, #tpu.memory_space<semaphore_mem>>) src(%dma_wait3A_37 : memref<125x80xi32, #tpu.memory_space<hbm>>) dst(%arg5 : memref<125x80xi32, #tpu.memory_space<vmem>>)
      tpu.yield
    }) : () -> ()
    %mul3A_1 = arith.constant 125 : i32
    %mul3A_2 = arith.muli %add3A, %mul3A_1 : i32
    %mul3A_3 = arith.constant 80 : i32
    %mul3A_4 = arith.muli %mul3A_2, %mul3A_3 : i32
    %dma_start3A = arith.constant 0 : i32
    %dma_start3A_5 = arith.constant 0 : i32
    %dma_start3A_6 = tpu.memref_slice %arg5[%dma_start3A, %dma_start3A_5] : memref<125x80xi32, #tpu.memory_space<vmem>> -> memref<1x80xi32, #tpu.memory_space<vmem>>
    %dma_start3A_7 = tpu.memref_squeeze %dma_start3A_6 : memref<1x80xi32, #tpu.memory_space<vmem>> -> memref<80xi32, #tpu.memory_space<vmem>>
    %dma_start3A_8 = arith.constant 0 : i32
    %dma_start3A_9 = arith.constant 0 : i32
    %dma_start3A_10 = tpu.memref_slice %arg2[%dma_start3A_8, %dma_start3A_9] : memref<10000x128xf32, #tpu.memory_space<hbm>> -> memref<10000x128xf32, #tpu.memory_space<hbm>>
    tpu.enqueue_indirect_dma source(%dma_start3A_10 : memref<10000x128xf32, #tpu.memory_space<hbm>>) target(%arg6 : memref<80x128xf32, #tpu.memory_space<vmem>>) offsets(%dma_start3A_7 : memref<80xi32, #tpu.memory_space<vmem>>) semaphore(%arg8 : memref<!tpu.dma_semaphore, #tpu.memory_space<semaphore_mem>>)
    %scan3A = arith.constant 0 : i32
    %scan3A_11 = arith.constant 62 : i32
    %scan3A_12 = arith.addi %scan3A, %scan3A_11 : i32
    %scan3A_13 = arith.constant 1 : i32
    scf.for %scan3A_22 = %scan3A to %scan3A_12 step %scan3A_13  : i32 {
      %mul3A_23 = arith.constant 1 : i32
      %mul3A_24 = arith.muli %scan3A_22, %mul3A_23 : i32
      %add3A_25 = arith.constant 0 : i32
      %add3A_26 = arith.addi %add3A_25, %mul3A_24 : i32
      %mul3A_27 = arith.constant 2 : i32
      %mul3A_28 = arith.muli %mul3A_27, %add3A_26 : i32
      %add3A_29 = arith.constant 1 : i32
      %add3A_30 = arith.addi %mul3A_28, %add3A_29 : i32
      %dma_start3A_31 = arith.constant 0 : i32
      %dma_start3A_32 = tpu.memref_slice %arg5[%add3A_30, %dma_start3A_31] : memref<125x80xi32, #tpu.memory_space<vmem>> -> memref<1x80xi32, #tpu.memory_space<vmem>>
      %dma_start3A_33 = tpu.memref_squeeze %dma_start3A_32 : memref<1x80xi32, #tpu.memory_space<vmem>> -> memref<80xi32, #tpu.memory_space<vmem>>
      %dma_start3A_34 = arith.constant 0 : i32
      %dma_start3A_35 = arith.constant 0 : i32
      %dma_start3A_36 = tpu.memref_slice %arg2[%dma_start3A_34, %dma_start3A_35] : memref<10000x128xf32, #tpu.memory_space<hbm>> -> memref<10000x128xf32, #tpu.memory_space<hbm>>
      tpu.enqueue_indirect_dma source(%dma_start3A_36 : memref<10000x128xf32, #tpu.memory_space<hbm>>) target(%arg7 : memref<80x128xf32, #tpu.memory_space<vmem>>) offsets(%dma_start3A_33 : memref<80xi32, #tpu.memory_space<vmem>>) semaphore(%arg9 : memref<!tpu.dma_semaphore, #tpu.memory_space<semaphore_mem>>)
      %dma_wait3A_37 = arith.constant 0 : i32
      %dma_wait3A_38 = arith.constant 0 : i32
      %dma_wait3A_39 = tpu.memref_slice %arg2[%dma_wait3A_37, %dma_wait3A_38] : memref<10000x128xf32, #tpu.memory_space<hbm>> -> memref<80x128xf32, #tpu.memory_space<hbm>>
      %dma_wait3A_40 = arith.constant 0 : i32
      %dma_wait3A_41 = arith.constant 0 : i32
      %dma_wait3A_42 = tpu.memref_slice %arg2[%dma_wait3A_40, %dma_wait3A_41] : memref<10000x128xf32, #tpu.memory_space<hbm>> -> memref<80x128xf32, #tpu.memory_space<hbm>>
      tpu.wait_dma2 semaphore(%arg8 : memref<!tpu.dma_semaphore, #tpu.memory_space<semaphore_mem>>) src(%dma_wait3A_42 : memref<80x128xf32, #tpu.memory_space<hbm>>) dst(%arg6 : memref<80x128xf32, #tpu.memory_space<vmem>>)
      %mul3A_43 = arith.constant 80 : i32
      %mul3A_44 = arith.muli %mul3A_28, %mul3A_43 : i32
      %add3A_45 = arith.addi %mul3A_4, %mul3A_44 : i32
      "tpu.region"() ({
        %run_scoped3A = tpu.sem_alloc : memref<!tpu.dma_semaphore, #tpu.memory_space<semaphore_mem>>
        %dma_start3A_61 = arith.constant 0 : i32
        %dma_start3A_62 = tpu.memref_slice %arg4[%add3A_45, %dma_start3A_61] : memref<320000x128xf32, #tpu.memory_space<hbm>> -> memref<80x128xf32, #tpu.memory_space<hbm>>
        %dma_start3A_63 = arith.constant 0 : i32
        %dma_start3A_64 = tpu.memref_slice %arg4[%add3A_45, %dma_start3A_63] : memref<320000x128xf32, #tpu.memory_space<hbm>> -> memref<80x128xf32, #tpu.memory_space<hbm>>
        tpu.enqueue_dma source(%arg6 : memref<80x128xf32, #tpu.memory_space<vmem>>) target(%dma_start3A_64 : memref<80x128xf32, #tpu.memory_space<hbm>>) target_semaphore(%run_scoped3A : memref<!tpu.dma_semaphore, #tpu.memory_space<semaphore_mem>>)
        %dma_wait3A_65 = arith.constant 0 : i32
        %dma_wait3A_66 = tpu.memref_slice %arg4[%add3A_45, %dma_wait3A_65] : memref<320000x128xf32, #tpu.memory_space<hbm>> -> memref<80x128xf32, #tpu.memory_space<hbm>>
        %dma_wait3A_67 = arith.constant 0 : i32
        %dma_wait3A_68 = tpu.memref_slice %arg4[%add3A_45, %dma_wait3A_67] : memref<320000x128xf32, #tpu.memory_space<hbm>> -> memref<80x128xf32, #tpu.memory_space<hbm>>
        tpu.wait_dma2 semaphore(%run_scoped3A : memref<!tpu.dma_semaphore, #tpu.memory_space<semaphore_mem>>) src(%arg6 : memref<80x128xf32, #tpu.memory_space<vmem>>) dst(%dma_wait3A_68 : memref<80x128xf32, #tpu.memory_space<hbm>>)
        tpu.yield
      }) : () -> ()
      %add3A_46 = arith.constant 2 : i32
      %add3A_47 = arith.addi %mul3A_28, %add3A_46 : i32
      %lt3A = arith.constant 125 : i32
      %lt3A_48 = arith.cmpi slt, %add3A_47, %lt3A : i32
      %convert_element_type3A = arith.extui %lt3A_48 : i1 to i32
      %cond3A = arith.constant 0 : i32
      %cond3A_49 = arith.cmpi ne, %convert_element_type3A, %cond3A : i32
      scf.if %cond3A_49 {
        %add3A_61 = arith.constant 2 : i32
        %add3A_62 = arith.addi %mul3A_28, %add3A_61 : i32
        %dma_start3A_63 = arith.constant 0 : i32
        %dma_start3A_64 = tpu.memref_slice %arg5[%add3A_62, %dma_start3A_63] : memref<125x80xi32, #tpu.memory_space<vmem>> -> memref<1x80xi32, #tpu.memory_space<vmem>>
        %dma_start3A_65 = tpu.memref_squeeze %dma_start3A_64 : memref<1x80xi32, #tpu.memory_space<vmem>> -> memref<80xi32, #tpu.memory_space<vmem>>
        %dma_start3A_66 = arith.constant 0 : i32
        %dma_start3A_67 = arith.constant 0 : i32
        %dma_start3A_68 = tpu.memref_slice %arg2[%dma_start3A_66, %dma_start3A_67] : memref<10000x128xf32, #tpu.memory_space<hbm>> -> memref<10000x128xf32, #tpu.memory_space<hbm>>
        tpu.enqueue_indirect_dma source(%dma_start3A_68 : memref<10000x128xf32, #tpu.memory_space<hbm>>) target(%arg6 : memref<80x128xf32, #tpu.memory_space<vmem>>) offsets(%dma_start3A_65 : memref<80xi32, #tpu.memory_space<vmem>>) semaphore(%arg8 : memref<!tpu.dma_semaphore, #tpu.memory_space<semaphore_mem>>)
      } else {
      }
      %dma_wait3A_50 = arith.constant 0 : i32
      %dma_wait3A_51 = arith.constant 0 : i32
      %dma_wait3A_52 = tpu.memref_slice %arg2[%dma_wait3A_50, %dma_wait3A_51] : memref<10000x128xf32, #tpu.memory_space<hbm>> -> memref<80x128xf32, #tpu.memory_space<hbm>>
      %dma_wait3A_53 = arith.constant 0 : i32
      %dma_wait3A_54 = arith.constant 0 : i32
      %dma_wait3A_55 = tpu.memref_slice %arg2[%dma_wait3A_53, %dma_wait3A_54] : memref<10000x128xf32, #tpu.memory_space<hbm>> -> memref<80x128xf32, #tpu.memory_space<hbm>>
      tpu.wait_dma2 semaphore(%arg9 : memref<!tpu.dma_semaphore, #tpu.memory_space<semaphore_mem>>) src(%dma_wait3A_55 : memref<80x128xf32, #tpu.memory_space<hbm>>) dst(%arg7 : memref<80x128xf32, #tpu.memory_space<vmem>>)
      %add3A_56 = arith.constant 1 : i32
      %add3A_57 = arith.addi %mul3A_28, %add3A_56 : i32
      %mul3A_58 = arith.constant 80 : i32
      %mul3A_59 = arith.muli %add3A_57, %mul3A_58 : i32
      %add3A_60 = arith.addi %mul3A_4, %mul3A_59 : i32
      "tpu.region"() ({
        %run_scoped3A = tpu.sem_alloc : memref<!tpu.dma_semaphore, #tpu.memory_space<semaphore_mem>>
        %dma_start3A_61 = arith.constant 0 : i32
        %dma_start3A_62 = tpu.memref_slice %arg4[%add3A_60, %dma_start3A_61] : memref<320000x128xf32, #tpu.memory_space<hbm>> -> memref<80x128xf32, #tpu.memory_space<hbm>>
        %dma_start3A_63 = arith.constant 0 : i32
        %dma_start3A_64 = tpu.memref_slice %arg4[%add3A_60, %dma_start3A_63] : memref<320000x128xf32, #tpu.memory_space<hbm>> -> memref<80x128xf32, #tpu.memory_space<hbm>>
        tpu.enqueue_dma source(%arg7 : memref<80x128xf32, #tpu.memory_space<vmem>>) target(%dma_start3A_64 : memref<80x128xf32, #tpu.memory_space<hbm>>) target_semaphore(%run_scoped3A : memref<!tpu.dma_semaphore, #tpu.memory_space<semaphore_mem>>)
        %dma_wait3A_65 = arith.constant 0 : i32
        %dma_wait3A_66 = tpu.memref_slice %arg4[%add3A_60, %dma_wait3A_65] : memref<320000x128xf32, #tpu.memory_space<hbm>> -> memref<80x128xf32, #tpu.memory_space<hbm>>
        %dma_wait3A_67 = arith.constant 0 : i32
        %dma_wait3A_68 = tpu.memref_slice %arg4[%add3A_60, %dma_wait3A_67] : memref<320000x128xf32, #tpu.memory_space<hbm>> -> memref<80x128xf32, #tpu.memory_space<hbm>>
        tpu.wait_dma2 semaphore(%run_scoped3A : memref<!tpu.dma_semaphore, #tpu.memory_space<semaphore_mem>>) src(%arg7 : memref<80x128xf32, #tpu.memory_space<vmem>>) dst(%dma_wait3A_68 : memref<80x128xf32, #tpu.memory_space<hbm>>)
        tpu.yield
      }) : () -> ()
    }
    %scan3A_14 = arith.constant 62 : i32
    %dma_wait3A = arith.constant 0 : i32
    %dma_wait3A_15 = arith.constant 0 : i32
    %dma_wait3A_16 = tpu.memref_slice %arg2[%dma_wait3A, %dma_wait3A_15] : memref<10000x128xf32, #tpu.memory_space<hbm>> -> memref<80x128xf32, #tpu.memory_space<hbm>>
    %dma_wait3A_17 = arith.constant 0 : i32
    %dma_wait3A_18 = arith.constant 0 : i32
    %dma_wait3A_19 = tpu.memref_slice %arg2[%dma_wait3A_17, %dma_wait3A_18] : memref<10000x128xf32, #tpu.memory_space<hbm>> -> memref<80x128xf32, #tpu.memory_space<hbm>>
    tpu.wait_dma2 semaphore(%arg8 : memref<!tpu.dma_semaphore, #tpu.memory_space<semaphore_mem>>) src(%dma_wait3A_19 : memref<80x128xf32, #tpu.memory_space<hbm>>) dst(%arg6 : memref<80x128xf32, #tpu.memory_space<vmem>>)
    %add3A_20 = arith.constant 9920 : i32
    %add3A_21 = arith.addi %mul3A_4, %add3A_20 : i32
    "tpu.region"() ({
      %run_scoped3A = tpu.sem_alloc : memref<!tpu.dma_semaphore, #tpu.memory_space<semaphore_mem>>
      %dma_start3A_22 = arith.constant 0 : i32
      %dma_start3A_23 = tpu.memref_slice %arg4[%add3A_21, %dma_start3A_22] : memref<320000x128xf32, #tpu.memory_space<hbm>> -> memref<80x128xf32, #tpu.memory_space<hbm>>
      %dma_start3A_24 = arith.constant 0 : i32
      %dma_start3A_25 = tpu.memref_slice %arg4[%add3A_21, %dma_start3A_24] : memref<320000x128xf32, #tpu.memory_space<hbm>> -> memref<80x128xf32, #tpu.memory_space<hbm>>
      tpu.enqueue_dma source(%arg6 : memref<80x128xf32, #tpu.memory_space<vmem>>) target(%dma_start3A_25 : memref<80x128xf32, #tpu.memory_space<hbm>>) target_semaphore(%run_scoped3A : memref<!tpu.dma_semaphore, #tpu.memory_space<semaphore_mem>>)
      %dma_wait3A_26 = arith.constant 0 : i32
      %dma_wait3A_27 = tpu.memref_slice %arg4[%add3A_21, %dma_wait3A_26] : memref<320000x128xf32, #tpu.memory_space<hbm>> -> memref<80x128xf32, #tpu.memory_space<hbm>>
      %dma_wait3A_28 = arith.constant 0 : i32
      %dma_wait3A_29 = tpu.memref_slice %arg4[%add3A_21, %dma_wait3A_28] : memref<320000x128xf32, #tpu.memory_space<hbm>> -> memref<80x128xf32, #tpu.memory_space<hbm>>
      tpu.wait_dma2 semaphore(%run_scoped3A : memref<!tpu.dma_semaphore, #tpu.memory_space<semaphore_mem>>) src(%arg6 : memref<80x128xf32, #tpu.memory_space<vmem>>) dst(%dma_wait3A_29 : memref<80x128xf32, #tpu.memory_space<hbm>>)
      tpu.yield
    }) : () -> ()
    return
  }
}

module attributes {stable_mosaic.version = 14 : i64} {
  func.func @_ea_stats_kernel(%arg0: i32, %arg1: memref<4000x128xf32, #tpu.memory_space<vmem>>, %arg2: memref<8x128xf32, #tpu.memory_space<vmem>>) attributes {dimension_semantics = [#tpu.dimension_semantics<arbitrary>], iteration_bounds = array<i64: 80>, scalar_prefetch = 0 : i64, scratch_operands = 0 : i64, tpu.core_type = #tpu.core_type<tc>, window_params = [{transform_indices = @transform_0, window_bounds = array<i64: 4000, 128>}, {pipeline_mode = #tpu.pipeline_mode<synchronous>, transform_indices = @transform_1, window_bounds = array<i64: 8, 128>}]} {
    %eq3A = arith.constant 0 : i32
    %eq3A_0 = arith.cmpi eq, %arg0, %eq3A : i32
    %convert_element_type3A = arith.extui %eq3A_0 : i1 to i32
    %cond3A = arith.constant 0 : i32
    %cond3A_1 = arith.cmpi ne, %convert_element_type3A, %cond3A : i32
    scf.if %cond3A_1 {
      %broadcast_in_dim3A_20 = arith.constant 0.000000e+00 : f32
      %broadcast_in_dim3A_21 = vector.broadcast %broadcast_in_dim3A_20 : f32 to vector<8x128xf32>
      %swap3A_22 = arith.constant 0 : index
      %swap3A_23 = arith.constant 0 : index
      %swap3A_24 = vector.load %arg2[%swap3A_22, %swap3A_23] : memref<8x128xf32, #tpu.memory_space<vmem>>, vector<8x128xf32>
      tpu.vector_store %arg2[%swap3A_22, %swap3A_23], %broadcast_in_dim3A_21 {strides = array<i32>} : memref<8x128xf32, #tpu.memory_space<vmem>>, vector<8x128xf32>,
    } else {
    }
    %get3A = arith.constant 0 : index
    %get3A_2 = arith.constant 0 : index
    %get3A_3 = vector.load %arg1[%get3A, %get3A_2] : memref<4000x128xf32, #tpu.memory_space<vmem>>, vector<4000x128xf32>
    %get3A_4 = arith.constant 0 : index
    %get3A_5 = arith.constant 0 : index
    %get3A_6 = vector.load %arg2[%get3A_4, %get3A_5] : memref<8x128xf32, #tpu.memory_space<vmem>>, vector<1x128xf32>
    %reduce_sum3A = arith.constant dense<0.000000e+00> : vector<128xf32>
    %reduce_sum3A_7 = vector.multi_reduction <add>, %get3A_3, %reduce_sum3A [0] : vector<4000x128xf32> to vector<128xf32>
    %broadcast_in_dim3A = vector.shape_cast %reduce_sum3A_7 : vector<128xf32> to vector<1x128xf32>
    %add3A = arith.addf %get3A_6, %broadcast_in_dim3A : vector<1x128xf32>
    %swap3A = arith.constant 0 : index
    %swap3A_8 = arith.constant 0 : index
    %swap3A_9 = vector.load %arg2[%swap3A, %swap3A_8] : memref<8x128xf32, #tpu.memory_space<vmem>>, vector<1x128xf32>
    tpu.vector_store %arg2[%swap3A, %swap3A_8], %add3A {strides = array<i32>} : memref<8x128xf32, #tpu.memory_space<vmem>>, vector<1x128xf32>,
    %get3A_10 = arith.constant 1 : index
    %get3A_11 = arith.constant 0 : index
    %get3A_12 = vector.load %arg2[%get3A_10, %get3A_11] : memref<8x128xf32, #tpu.memory_space<vmem>>, vector<1x128xf32>
    %mul3A = arith.mulf %get3A_3, %get3A_3 : vector<4000x128xf32>
    %reduce_sum3A_13 = arith.constant dense<0.000000e+00> : vector<128xf32>
    %reduce_sum3A_14 = vector.multi_reduction <add>, %mul3A, %reduce_sum3A_13 [0] : vector<4000x128xf32> to vector<128xf32>
    %broadcast_in_dim3A_15 = vector.shape_cast %reduce_sum3A_14 : vector<128xf32> to vector<1x128xf32>
    %add3A_16 = arith.addf %get3A_12, %broadcast_in_dim3A_15 : vector<1x128xf32>
    %swap3A_17 = arith.constant 1 : index
    %swap3A_18 = arith.constant 0 : index
    %swap3A_19 = vector.load %arg2[%swap3A_17, %swap3A_18] : memref<8x128xf32, #tpu.memory_space<vmem>>, vector<1x128xf32>
    tpu.vector_store %arg2[%swap3A_17, %swap3A_18], %add3A_16 {strides = array<i32>} : memref<8x128xf32, #tpu.memory_space<vmem>>, vector<1x128xf32>,
    return
  }
  func.func @transform_0(%arg0: i32) -> (i32, i32) {
    %c0_i32 = arith.constant 0 : i32
    %c0_i32_0 = arith.constant 0 : i32
    return %arg0, %c0_i32 : i32, i32
  }
  func.func @transform_1(%arg0: i32) -> (i32, i32) {
    %c0_i32 = arith.constant 0 : i32
    %c0_i32_0 = arith.constant 0 : i32
    %c0_i32_1 = arith.constant 0 : i32
    return %c0_i32, %c0_i32_0 : i32, i32
  }
}

module attributes {stable_mosaic.version = 14 : i64} {
  func.func @_bn_kernel(%arg0: memref<10000x128xf32, #tpu.memory_space<vmem>>, %arg1: memref<1x128xf32, #tpu.memory_space<vmem>>, %arg2: memref<1x128xf32, #tpu.memory_space<vmem>>, %arg3: memref<10000x128xf32, #tpu.memory_space<vmem>>) attributes {dimension_semantics = [], scalar_prefetch = 0 : i64, scratch_operands = 0 : i64, tpu.core_type = #tpu.core_type<tc>} {
    %get3A = arith.constant 0 : index
    %get3A_0 = arith.constant 0 : index
    %get3A_1 = vector.load %arg0[%get3A, %get3A_0] : memref<10000x128xf32, #tpu.memory_space<vmem>>, vector<10000x128xf32>
    %reduce_sum3A = arith.constant dense<0.000000e+00> : vector<128xf32>
    %reduce_sum3A_2 = vector.multi_reduction <add>, %get3A_1, %reduce_sum3A [0] : vector<10000x128xf32> to vector<128xf32>
    %broadcast_in_dim3A = vector.shape_cast %reduce_sum3A_2 : vector<128xf32> to vector<1x128xf32>
    %div3A = arith.constant 1.000000e+04 : f32
    %div3A_3 = vector.broadcast %div3A : f32 to vector<1x128xf32>
    %div3A_4 = arith.divf %broadcast_in_dim3A, %div3A_3 : vector<1x128xf32>
    %sub3A = vector.broadcast %div3A_4 : vector<1x128xf32> to vector<10000x128xf32>
    %sub3A_5 = arith.subf %get3A_1, %sub3A : vector<10000x128xf32>
    %integer_pow3A = arith.mulf %sub3A_5, %sub3A_5 : vector<10000x128xf32>
    %reduce_sum3A_6 = arith.constant dense<0.000000e+00> : vector<128xf32>
    %reduce_sum3A_7 = vector.multi_reduction <add>, %integer_pow3A, %reduce_sum3A_6 [0] : vector<10000x128xf32> to vector<128xf32>
    %broadcast_in_dim3A_8 = vector.shape_cast %reduce_sum3A_7 : vector<128xf32> to vector<1x128xf32>
    %div3A_9 = arith.constant 1.000000e+04 : f32
    %div3A_10 = vector.broadcast %div3A_9 : f32 to vector<1x128xf32>
    %div3A_11 = arith.divf %broadcast_in_dim3A_8, %div3A_10 : vector<1x128xf32>
    %sub3A_12 = vector.broadcast %div3A_4 : vector<1x128xf32> to vector<10000x128xf32>
    %sub3A_13 = arith.subf %get3A_1, %sub3A_12 : vector<10000x128xf32>
    %add3A = arith.constant 9.99999974E-6 : f32
    %add3A_14 = vector.broadcast %add3A : f32 to vector<1x128xf32>
    %add3A_15 = arith.addf %div3A_11, %add3A_14 : vector<1x128xf32>
    %sqrt3A = math.sqrt %add3A_15 : vector<1x128xf32>
    %div3A_16 = vector.broadcast %sqrt3A : vector<1x128xf32> to vector<10000x128xf32>
    %div3A_17 = arith.divf %sub3A_13, %div3A_16 : vector<10000x128xf32>
    %get3A_18 = arith.constant 0 : index
    %get3A_19 = arith.constant 0 : index
    %get3A_20 = vector.load %arg1[%get3A_18, %get3A_19] : memref<1x128xf32, #tpu.memory_space<vmem>>, vector<1x128xf32>
    %mul3A = vector.broadcast %get3A_20 : vector<1x128xf32> to vector<10000x128xf32>
    %mul3A_21 = arith.mulf %div3A_17, %mul3A : vector<10000x128xf32>
    %get3A_22 = arith.constant 0 : index
    %get3A_23 = arith.constant 0 : index
    %get3A_24 = vector.load %arg2[%get3A_22, %get3A_23] : memref<1x128xf32, #tpu.memory_space<vmem>>, vector<1x128xf32>
    %add3A_25 = vector.broadcast %get3A_24 : vector<1x128xf32> to vector<10000x128xf32>
    %add3A_26 = arith.addf %mul3A_21, %add3A_25 : vector<10000x128xf32>
    %swap3A = arith.constant 0 : index
    %swap3A_27 = arith.constant 0 : index
    %swap3A_28 = vector.load %arg3[%swap3A, %swap3A_27] : memref<10000x128xf32, #tpu.memory_space<vmem>>, vector<10000x128xf32>
    tpu.vector_store %arg3[%swap3A, %swap3A_27], %add3A_26 {strides = array<i32>} : memref<10000x128xf32, #tpu.memory_space<vmem>>, vector<10000x128xf32>,
    return
  }
}

module attributes {stable_mosaic.version = 14 : i64} {
  func.func @_edge_msg_kernel(%arg0: i32, %arg1: memref<4000x128xf32, #tpu.memory_space<vmem>>, %arg2: memref<4000x128xf32, #tpu.memory_space<vmem>>, %arg3: memref<1x128xf32, #tpu.memory_space<vmem>>, %arg4: memref<1x128xf32, #tpu.memory_space<vmem>>, %arg5: memref<1x128xf32, #tpu.memory_space<vmem>>, %arg6: memref<1x128xf32, #tpu.memory_space<vmem>>, %arg7: memref<128x128xbf16, #tpu.memory_space<vmem>>, %arg8: memref<1x128xf32, #tpu.memory_space<vmem>>, %arg9: memref<4000x128xf32, #tpu.memory_space<vmem>>) attributes {dimension_semantics = [#tpu.dimension_semantics<arbitrary>], iteration_bounds = array<i64: 80>, scalar_prefetch = 0 : i64, scratch_operands = 0 : i64, tpu.core_type = #tpu.core_type<tc>, window_params = [{transform_indices = @transform_0, window_bounds = array<i64: 4000, 128>}, {transform_indices = @transform_1, window_bounds = array<i64: 4000, 128>}, {pipeline_mode = #tpu.pipeline_mode<synchronous>, transform_indices = @transform_2, window_bounds = array<i64: 1, 128>}, {pipeline_mode = #tpu.pipeline_mode<synchronous>, transform_indices = @transform_3, window_bounds = array<i64: 1, 128>}, {pipeline_mode = #tpu.pipeline_mode<synchronous>, transform_indices = @transform_4, window_bounds = array<i64: 1, 128>}, {pipeline_mode = #tpu.pipeline_mode<synchronous>, transform_indices = @transform_5, window_bounds = array<i64: 1, 128>}, {pipeline_mode = #tpu.pipeline_mode<synchronous>, transform_indices = @transform_6, window_bounds = array<i64: 128, 128>}, {pipeline_mode = #tpu.pipeline_mode<synchronous>, transform_indices = @transform_7, window_bounds = array<i64: 1, 128>}, {transform_indices = @transform_8, window_bounds = array<i64: 4000, 128>}]} {
    %get3A = arith.constant 0 : index
    %get3A_0 = arith.constant 0 : index
    %get3A_1 = vector.load %arg1[%get3A, %get3A_0] : memref<4000x128xf32, #tpu.memory_space<vmem>>, vector<4000x128xf32>
    %get3A_2 = arith.constant 0 : index
    %get3A_3 = arith.constant 0 : index
    %get3A_4 = vector.load %arg3[%get3A_2, %get3A_3] : memref<1x128xf32, #tpu.memory_space<vmem>>, vector<1x128xf32>
    %sub3A = vector.broadcast %get3A_4 : vector<1x128xf32> to vector<4000x128xf32>
    %sub3A_5 = arith.subf %get3A_1, %sub3A : vector<4000x128xf32>
    %get3A_6 = arith.constant 0 : index
    %get3A_7 = arith.constant 0 : index
    %get3A_8 = vector.load %arg4[%get3A_6, %get3A_7] : memref<1x128xf32, #tpu.memory_space<vmem>>, vector<1x128xf32>
    %add3A = arith.constant 9.99999974E-6 : f32
    %add3A_9 = vector.broadcast %add3A : f32 to vector<1x128xf32>
    %add3A_10 = arith.addf %get3A_8, %add3A_9 : vector<1x128xf32>
    %sqrt3A = math.sqrt %add3A_10 : vector<1x128xf32>
    %div3A = vector.broadcast %sqrt3A : vector<1x128xf32> to vector<4000x128xf32>
    %div3A_11 = arith.divf %sub3A_5, %div3A : vector<4000x128xf32>
    %get3A_12 = arith.constant 0 : index
    %get3A_13 = arith.constant 0 : index
    %get3A_14 = vector.load %arg5[%get3A_12, %get3A_13] : memref<1x128xf32, #tpu.memory_space<vmem>>, vector<1x128xf32>
    %mul3A = vector.broadcast %get3A_14 : vector<1x128xf32> to vector<4000x128xf32>
    %mul3A_15 = arith.mulf %div3A_11, %mul3A : vector<4000x128xf32>
    %get3A_16 = arith.constant 0 : index
    %get3A_17 = arith.constant 0 : index
    %get3A_18 = vector.load %arg6[%get3A_16, %get3A_17] : memref<1x128xf32, #tpu.memory_space<vmem>>, vector<1x128xf32>
    %add3A_19 = vector.broadcast %get3A_18 : vector<1x128xf32> to vector<4000x128xf32>
    %add3A_20 = arith.addf %mul3A_15, %add3A_19 : vector<4000x128xf32>
    %get3A_21 = arith.constant 0 : index
    %get3A_22 = arith.constant 0 : index
    %get3A_23 = vector.load %arg7[%get3A_21, %get3A_22] : memref<128x128xbf16, #tpu.memory_space<vmem>>, vector<128x128xbf16>
    %convert_element_type3A = arith.truncf %add3A_20 : vector<4000x128xf32> to vector<4000x128xbf16>
    %dot_general3A = arith.constant dense<0.000000e+00> : vector<4000x128xf32>
    %dot_general3A_24 = tpu.matmul %convert_element_type3A, %get3A_23, %dot_general3A {dimension_numbers = #tpu.dot_dimension_numbers<[1], [0], [0], [1], [0, 0, 1, 1], [], []>, transpose_lhs_hint = false} : vector<4000x128xbf16>, vector<128x128xbf16>, vector<4000x128xf32> -> vector<4000x128xf32>
    %get3A_25 = arith.constant 0 : index
    %get3A_26 = arith.constant 0 : index
    %get3A_27 = vector.load %arg8[%get3A_25, %get3A_26] : memref<1x128xf32, #tpu.memory_space<vmem>>, vector<1x128xf32>
    %add3A_28 = vector.broadcast %get3A_27 : vector<1x128xf32> to vector<4000x128xf32>
    %add3A_29 = arith.addf %dot_general3A_24, %add3A_28 : vector<4000x128xf32>
    %get3A_30 = arith.constant 0 : index
    %get3A_31 = arith.constant 0 : index
    %get3A_32 = vector.load %arg2[%get3A_30, %get3A_31] : memref<4000x128xf32, #tpu.memory_space<vmem>>, vector<4000x128xf32>
    %add3A_33 = arith.addf %add3A_29, %get3A_32 : vector<4000x128xf32>
    %max3A = arith.constant 0.000000e+00 : f32
    %max3A_34 = vector.broadcast %max3A : f32 to vector<4000x128xf32>
    %max3A_35 = arith.maximumf %add3A_33, %max3A_34 : vector<4000x128xf32>
    %swap3A = arith.constant 0 : index
    %swap3A_36 = arith.constant 0 : index
    %swap3A_37 = vector.load %arg9[%swap3A, %swap3A_36] : memref<4000x128xf32, #tpu.memory_space<vmem>>, vector<4000x128xf32>
    tpu.vector_store %arg9[%swap3A, %swap3A_36], %max3A_35 {strides = array<i32>} : memref<4000x128xf32, #tpu.memory_space<vmem>>, vector<4000x128xf32>,
    return
  }
  func.func @transform_0(%arg0: i32) -> (i32, i32) {
    %c0_i32 = arith.constant 0 : i32
    %c0_i32_0 = arith.constant 0 : i32
    return %arg0, %c0_i32 : i32, i32
  }
  func.func @transform_1(%arg0: i32) -> (i32, i32) {
    %c0_i32 = arith.constant 0 : i32
    %c0_i32_0 = arith.constant 0 : i32
    return %arg0, %c0_i32 : i32, i32
  }
  func.func @transform_2(%arg0: i32) -> (i32, i32) {
    %c0_i32 = arith.constant 0 : i32
    %c0_i32_0 = arith.constant 0 : i32
    %c0_i32_1 = arith.constant 0 : i32
    return %c0_i32, %c0_i32_0 : i32, i32
  }
  func.func @transform_3(%arg0: i32) -> (i32, i32) {
    %c0_i32 = arith.constant 0 : i32
    %c0_i32_0 = arith.constant 0 : i32
    %c0_i32_1 = arith.constant 0 : i32
    return %c0_i32, %c0_i32_0 : i32, i32
  }
  func.func @transform_4(%arg0: i32) -> (i32, i32) {
    %c0_i32 = arith.constant 0 : i32
    %c0_i32_0 = arith.constant 0 : i32
    %c0_i32_1 = arith.constant 0 : i32
    return %c0_i32, %c0_i32_0 : i32, i32
  }
  func.func @transform_5(%arg0: i32) -> (i32, i32) {
    %c0_i32 = arith.constant 0 : i32
    %c0_i32_0 = arith.constant 0 : i32
    %c0_i32_1 = arith.constant 0 : i32
    return %c0_i32, %c0_i32_0 : i32, i32
  }
  func.func @transform_6(%arg0: i32) -> (i32, i32) {
    %c0_i32 = arith.constant 0 : i32
    %c0_i32_0 = arith.constant 0 : i32
    %c0_i32_1 = arith.constant 0 : i32
    return %c0_i32, %c0_i32_0 : i32, i32
  }
  func.func @transform_7(%arg0: i32) -> (i32, i32) {
    %c0_i32 = arith.constant 0 : i32
    %c0_i32_0 = arith.constant 0 : i32
    %c0_i32_1 = arith.constant 0 : i32
    return %c0_i32, %c0_i32_0 : i32, i32
  }
  func.func @transform_8(%arg0: i32) -> (i32, i32) {
    %c0_i32 = arith.constant 0 : i32
    %c0_i32_0 = arith.constant 0 : i32
    return %arg0, %c0_i32 : i32, i32
  }
}

module attributes {stable_mosaic.version = 14 : i64} {
  func.func @_node_mlp_kernel(%arg0: memref<10000x128xf32, #tpu.memory_space<vmem>>, %arg1: memref<10000x128xf32, #tpu.memory_space<vmem>>, %arg2: memref<128x128xbf16, #tpu.memory_space<vmem>>, %arg3: memref<1x128xf32, #tpu.memory_space<vmem>>, %arg4: memref<128x128xbf16, #tpu.memory_space<vmem>>, %arg5: memref<1x128xf32, #tpu.memory_space<vmem>>, %arg6: memref<10000x128xf32, #tpu.memory_space<vmem>>) attributes {dimension_semantics = [], scalar_prefetch = 0 : i64, scratch_operands = 0 : i64, tpu.core_type = #tpu.core_type<tc>} {
    %get3A = arith.constant 0 : index
    %get3A_0 = arith.constant 0 : index
    %get3A_1 = vector.load %arg0[%get3A, %get3A_0] : memref<10000x128xf32, #tpu.memory_space<vmem>>, vector<10000x128xf32>
    %get3A_2 = arith.constant 0 : index
    %get3A_3 = arith.constant 0 : index
    %get3A_4 = vector.load %arg1[%get3A_2, %get3A_3] : memref<10000x128xf32, #tpu.memory_space<vmem>>, vector<10000x128xf32>
    %add3A = arith.addf %get3A_1, %get3A_4 : vector<10000x128xf32>
    %get3A_5 = arith.constant 0 : index
    %get3A_6 = arith.constant 0 : index
    %get3A_7 = vector.load %arg2[%get3A_5, %get3A_6] : memref<128x128xbf16, #tpu.memory_space<vmem>>, vector<128x128xbf16>
    %convert_element_type3A = arith.truncf %add3A : vector<10000x128xf32> to vector<10000x128xbf16>
    %dot_general3A = arith.constant dense<0.000000e+00> : vector<10000x128xf32>
    %dot_general3A_8 = tpu.matmul %convert_element_type3A, %get3A_7, %dot_general3A {dimension_numbers = #tpu.dot_dimension_numbers<[1], [0], [0], [1], [0, 0, 1, 1], [], []>, transpose_lhs_hint = false} : vector<10000x128xbf16>, vector<128x128xbf16>, vector<10000x128xf32> -> vector<10000x128xf32>
    %get3A_9 = arith.constant 0 : index
    %get3A_10 = arith.constant 0 : index
    %get3A_11 = vector.load %arg3[%get3A_9, %get3A_10] : memref<1x128xf32, #tpu.memory_space<vmem>>, vector<1x128xf32>
    %add3A_12 = vector.broadcast %get3A_11 : vector<1x128xf32> to vector<10000x128xf32>
    %add3A_13 = arith.addf %dot_general3A_8, %add3A_12 : vector<10000x128xf32>
    %ge3A = arith.constant 0.000000e+00 : f32
    %ge3A_14 = vector.broadcast %ge3A : f32 to vector<10000x128xf32>
    %ge3A_15 = arith.cmpf oge, %add3A_13, %ge3A_14 : vector<10000x128xf32>
    %mul3A = arith.constant 0.00999999977 : f32
    %mul3A_16 = vector.broadcast %mul3A : f32 to vector<10000x128xf32>
    %mul3A_17 = arith.mulf %mul3A_16, %add3A_13 : vector<10000x128xf32>
    %select_n3A = arith.select %ge3A_15, %add3A_13, %mul3A_17 : vector<10000x128xi1>, vector<10000x128xf32>
    %get3A_18 = arith.constant 0 : index
    %get3A_19 = arith.constant 0 : index
    %get3A_20 = vector.load %arg4[%get3A_18, %get3A_19] : memref<128x128xbf16, #tpu.memory_space<vmem>>, vector<128x128xbf16>
    %convert_element_type3A_21 = arith.truncf %select_n3A : vector<10000x128xf32> to vector<10000x128xbf16>
    %dot_general3A_22 = arith.constant dense<0.000000e+00> : vector<10000x128xf32>
    %dot_general3A_23 = tpu.matmul %convert_element_type3A_21, %get3A_20, %dot_general3A_22 {dimension_numbers = #tpu.dot_dimension_numbers<[1], [0], [0], [1], [0, 0, 1, 1], [], []>, transpose_lhs_hint = false} : vector<10000x128xbf16>, vector<128x128xbf16>, vector<10000x128xf32> -> vector<10000x128xf32>
    %get3A_24 = arith.constant 0 : index
    %get3A_25 = arith.constant 0 : index
    %get3A_26 = vector.load %arg5[%get3A_24, %get3A_25] : memref<1x128xf32, #tpu.memory_space<vmem>>, vector<1x128xf32>
    %add3A_27 = vector.broadcast %get3A_26 : vector<1x128xf32> to vector<10000x128xf32>
    %add3A_28 = arith.addf %dot_general3A_23, %add3A_27 : vector<10000x128xf32>
    %max3A = arith.constant 0.000000e+00 : f32
    %max3A_29 = vector.broadcast %max3A : f32 to vector<10000x128xf32>
    %max3A_30 = arith.maximumf %add3A_28, %max3A_29 : vector<10000x128xf32>
    %swap3A = arith.constant 0 : index
    %swap3A_31 = arith.constant 0 : index
    %swap3A_32 = vector.load %arg6[%swap3A, %swap3A_31] : memref<10000x128xf32, #tpu.memory_space<vmem>>, vector<10000x128xf32>
    tpu.vector_store %arg6[%swap3A, %swap3A_31], %max3A_30 {strides = array<i32>} : memref<10000x128xf32, #tpu.memory_space<vmem>>, vector<10000x128xf32>,
    return
  }
}

module attributes {stable_mosaic.version = 14 : i64} {
  func.func @_mamba_pre_kernel(%arg0: i32, %arg1: memref<2000x128xf32, #tpu.memory_space<vmem>>, %arg2: memref<8x128xf32, #tpu.memory_space<vmem>>, %arg3: memref<2000x8xf32, #tpu.memory_space<vmem>>, %arg4: memref<1x128xf32, #tpu.memory_space<vmem>>, %arg5: memref<1x128xf32, #tpu.memory_space<vmem>>, %arg6: memref<128x512xbf16, #tpu.memory_space<vmem>>, %arg7: memref<8x256xf32, #tpu.memory_space<vmem>>, %arg8: memref<1x256xf32, #tpu.memory_space<vmem>>, %arg9: memref<256x128xbf16, #tpu.memory_space<vmem>>, %arg10: memref<128x256xbf16, #tpu.memory_space<vmem>>, %arg11: memref<1x256xf32, #tpu.memory_space<vmem>>, %arg12: memref<128x32xf32, #tpu.memory_space<vmem>>, %arg13: memref<2000x256xf32, #tpu.memory_space<vmem>>, %arg14: memref<2000x256xf32, #tpu.memory_space<vmem>>, %arg15: memref<2000x256xf32, #tpu.memory_space<vmem>>, %arg16: memref<2000x32xf32, #tpu.memory_space<vmem>>) attributes {dimension_semantics = [#tpu.dimension_semantics<arbitrary>], iteration_bounds = array<i64: 5>, scalar_prefetch = 0 : i64, scratch_operands = 0 : i64, tpu.core_type = #tpu.core_type<tc>, window_params = [{transform_indices = @transform_0, window_bounds = array<i64: 2000, 128>}, {transform_indices = @transform_1, window_bounds = array<i64: 8, 128>}, {transform_indices = @transform_2, window_bounds = array<i64: 2000, 8>}, {pipeline_mode = #tpu.pipeline_mode<synchronous>, transform_indices = @transform_3, window_bounds = array<i64: 1, 128>}, {pipeline_mode = #tpu.pipeline_mode<synchronous>, transform_indices = @transform_4, window_bounds = array<i64: 1, 128>}, {pipeline_mode = #tpu.pipeline_mode<synchronous>, transform_indices = @transform_5, window_bounds = array<i64: 128, 512>}, {pipeline_mode = #tpu.pipeline_mode<synchronous>, transform_indices = @transform_6, window_bounds = array<i64: 8, 256>}, {pipeline_mode = #tpu.pipeline_mode<synchronous>, transform_indices = @transform_7, window_bounds = array<i64: 1, 256>}, {pipeline_mode = #tpu.pipeline_mode<synchronous>, transform_indices = @transform_8, window_bounds = array<i64: 256, 128>}, {pipeline_mode = #tpu.pipeline_mode<synchronous>, transform_indices = @transform_9, window_bounds = array<i64: 128, 256>}, {pipeline_mode = #tpu.pipeline_mode<synchronous>, transform_indices = @transform_10, window_bounds = array<i64: 1, 256>}, {pipeline_mode = #tpu.pipeline_mode<synchronous>, transform_indices = @transform_11, window_bounds = array<i64: 128, 32>}, {transform_indices = @transform_12, window_bounds = array<i64: 2000, 256>}, {transform_indices = @transform_13, window_bounds = array<i64: 2000, 256>}, {transform_indices = @transform_14, window_bounds = array<i64: 2000, 256>}, {transform_indices = @transform_15, window_bounds = array<i64: 2000, 32>}]} {
    %get3A = arith.constant 0 : index
    %get3A_0 = arith.constant 0 : index
    %get3A_1 = vector.load %arg1[%get3A, %get3A_0] : memref<2000x128xf32, #tpu.memory_space<vmem>>, vector<2000x128xf32>
    %reduce_sum3A = arith.constant dense<0.000000e+00> : vector<2000xf32>
    %reduce_sum3A_2 = vector.multi_reduction <add>, %get3A_1, %reduce_sum3A [1] : vector<2000x128xf32> to vector<2000xf32>
    %broadcast_in_dim3A = vector.shape_cast %reduce_sum3A_2 : vector<2000xf32> to vector<2000x1xf32>
    %div3A = arith.constant 1.280000e+02 : f32
    %div3A_3 = vector.broadcast %div3A : f32 to vector<2000x1xf32>
    %div3A_4 = arith.divf %broadcast_in_dim3A, %div3A_3 : vector<2000x1xf32>
    %sub3A = vector.broadcast %div3A_4 : vector<2000x1xf32> to vector<2000x128xf32>
    %sub3A_5 = arith.subf %get3A_1, %sub3A : vector<2000x128xf32>
    %integer_pow3A = arith.mulf %sub3A_5, %sub3A_5 : vector<2000x128xf32>
    %reduce_sum3A_6 = arith.constant dense<0.000000e+00> : vector<2000xf32>
    %reduce_sum3A_7 = vector.multi_reduction <add>, %integer_pow3A, %reduce_sum3A_6 [1] : vector<2000x128xf32> to vector<2000xf32>
    %broadcast_in_dim3A_8 = vector.shape_cast %reduce_sum3A_7 : vector<2000xf32> to vector<2000x1xf32>
    %div3A_9 = arith.constant 1.280000e+02 : f32
    %div3A_10 = vector.broadcast %div3A_9 : f32 to vector<2000x1xf32>
    %div3A_11 = arith.divf %broadcast_in_dim3A_8, %div3A_10 : vector<2000x1xf32>
    %sub3A_12 = vector.broadcast %div3A_4 : vector<2000x1xf32> to vector<2000x128xf32>
    %sub3A_13 = arith.subf %get3A_1, %sub3A_12 : vector<2000x128xf32>
    %add3A = arith.constant 9.99999974E-6 : f32
    %add3A_14 = vector.broadcast %add3A : f32 to vector<2000x1xf32>
    %add3A_15 = arith.addf %div3A_11, %add3A_14 : vector<2000x1xf32>
    %sqrt3A = math.sqrt %add3A_15 : vector<2000x1xf32>
    %div3A_16 = vector.broadcast %sqrt3A : vector<2000x1xf32> to vector<2000x128xf32>
    %div3A_17 = arith.divf %sub3A_13, %div3A_16 : vector<2000x128xf32>
    %get3A_18 = arith.constant 0 : index
    %get3A_19 = arith.constant 0 : index
    %get3A_20 = vector.load %arg4[%get3A_18, %get3A_19] : memref<1x128xf32, #tpu.memory_space<vmem>>, vector<1x128xf32>
    %mul3A = vector.broadcast %get3A_20 : vector<1x128xf32> to vector<2000x128xf32>
    %mul3A_21 = arith.mulf %div3A_17, %mul3A : vector<2000x128xf32>
    %get3A_22 = arith.constant 0 : index
    %get3A_23 = arith.constant 0 : index
    %get3A_24 = vector.load %arg5[%get3A_22, %get3A_23] : memref<1x128xf32, #tpu.memory_space<vmem>>, vector<1x128xf32>
    %add3A_25 = vector.broadcast %get3A_24 : vector<1x128xf32> to vector<2000x128xf32>
    %add3A_26 = arith.addf %mul3A_21, %add3A_25 : vector<2000x128xf32>
    %get3A_27 = arith.constant 0 : index
    %get3A_28 = arith.constant 0 : index
    %get3A_29 = vector.load %arg2[%get3A_27, %get3A_28] : memref<8x128xf32, #tpu.memory_space<vmem>>, vector<8x128xf32>
    %reduce_sum3A_30 = arith.constant dense<0.000000e+00> : vector<8xf32>
    %reduce_sum3A_31 = vector.multi_reduction <add>, %get3A_29, %reduce_sum3A_30 [1] : vector<8x128xf32> to vector<8xf32>
    %broadcast_in_dim3A_32 = vector.shape_cast %reduce_sum3A_31 : vector<8xf32> to vector<8x1xf32>
    %div3A_33 = arith.constant 1.280000e+02 : f32
    %div3A_34 = vector.broadcast %div3A_33 : f32 to vector<8x1xf32>
    %div3A_35 = arith.divf %broadcast_in_dim3A_32, %div3A_34 : vector<8x1xf32>
    %sub3A_36 = vector.broadcast %div3A_35 : vector<8x1xf32> to vector<8x128xf32>
    %sub3A_37 = arith.subf %get3A_29, %sub3A_36 : vector<8x128xf32>
    %integer_pow3A_38 = arith.mulf %sub3A_37, %sub3A_37 : vector<8x128xf32>
    %reduce_sum3A_39 = arith.constant dense<0.000000e+00> : vector<8xf32>
    %reduce_sum3A_40 = vector.multi_reduction <add>, %integer_pow3A_38, %reduce_sum3A_39 [1] : vector<8x128xf32> to vector<8xf32>
    %broadcast_in_dim3A_41 = vector.shape_cast %reduce_sum3A_40 : vector<8xf32> to vector<8x1xf32>
    %div3A_42 = arith.constant 1.280000e+02 : f32
    %div3A_43 = vector.broadcast %div3A_42 : f32 to vector<8x1xf32>
    %div3A_44 = arith.divf %broadcast_in_dim3A_41, %div3A_43 : vector<8x1xf32>
    %sub3A_45 = vector.broadcast %div3A_35 : vector<8x1xf32> to vector<8x128xf32>
    %sub3A_46 = arith.subf %get3A_29, %sub3A_45 : vector<8x128xf32>
    %add3A_47 = arith.constant 9.99999974E-6 : f32
    %add3A_48 = vector.broadcast %add3A_47 : f32 to vector<8x1xf32>
    %add3A_49 = arith.addf %div3A_44, %add3A_48 : vector<8x1xf32>
    %sqrt3A_50 = math.sqrt %add3A_49 : vector<8x1xf32>
    %div3A_51 = vector.broadcast %sqrt3A_50 : vector<8x1xf32> to vector<8x128xf32>
    %div3A_52 = arith.divf %sub3A_46, %div3A_51 : vector<8x128xf32>
    %get3A_53 = arith.constant 0 : index
    %get3A_54 = arith.constant 0 : index
    %get3A_55 = vector.load %arg4[%get3A_53, %get3A_54] : memref<1x128xf32, #tpu.memory_space<vmem>>, vector<1x128xf32>
    %mul3A_56 = vector.broadcast %get3A_55 : vector<1x128xf32> to vector<8x128xf32>
    %mul3A_57 = arith.mulf %div3A_52, %mul3A_56 : vector<8x128xf32>
    %get3A_58 = arith.constant 0 : index
    %get3A_59 = arith.constant 0 : index
    %get3A_60 = vector.load %arg5[%get3A_58, %get3A_59] : memref<1x128xf32, #tpu.memory_space<vmem>>, vector<1x128xf32>
    %add3A_61 = vector.broadcast %get3A_60 : vector<1x128xf32> to vector<8x128xf32>
    %add3A_62 = arith.addf %mul3A_57, %add3A_61 : vector<8x128xf32>
    %get3A_63 = arith.constant 0 : index
    %get3A_64 = arith.constant 0 : index
    %get3A_65 = vector.load %arg6[%get3A_63, %get3A_64] : memref<128x512xbf16, #tpu.memory_space<vmem>>, vector<128x512xbf16>
    %convert_element_type3A = arith.truncf %add3A_26 : vector<2000x128xf32> to vector<2000x128xbf16>
    %dot_general3A = arith.constant dense<0.000000e+00> : vector<2000x512xf32>
    %dot_general3A_66 = tpu.matmul %convert_element_type3A, %get3A_65, %dot_general3A {dimension_numbers = #tpu.dot_dimension_numbers<[1], [0], [0], [1], [0, 0, 1, 1], [], []>, transpose_lhs_hint = false} : vector<2000x128xbf16>, vector<128x512xbf16>, vector<2000x512xf32> -> vector<2000x512xf32>
    %slice3A = vector.extract_strided_slice %dot_general3A_66 {offsets = [0, 0], sizes = [2000, 256], strides = [1, 1]} : vector<2000x512xf32> to vector<2000x256xf32>
    %slice3A_67 = vector.extract_strided_slice %dot_general3A_66 {offsets = [0, 256], sizes = [2000, 256], strides = [1, 1]} : vector<2000x512xf32> to vector<2000x256xf32>
    %get3A_68 = arith.constant 0 : index
    %get3A_69 = arith.constant 0 : index
    %get3A_70 = vector.load %arg6[%get3A_68, %get3A_69] : memref<128x512xbf16, #tpu.memory_space<vmem>>, vector<128x512xbf16>
    %convert_element_type3A_71 = arith.truncf %add3A_62 : vector<8x128xf32> to vector<8x128xbf16>
    %dot_general3A_72 = arith.constant dense<0.000000e+00> : vector<8x512xf32>
    %dot_general3A_73 = tpu.matmul %convert_element_type3A_71, %get3A_70, %dot_general3A_72 {dimension_numbers = #tpu.dot_dimension_numbers<[1], [0], [0], [1], [0, 0, 1, 1], [], []>, transpose_lhs_hint = false} : vector<8x128xbf16>, vector<128x512xbf16>, vector<8x512xf32> -> vector<8x512xf32>
    %slice3A_74 = vector.extract_strided_slice %dot_general3A_73 {offsets = [0, 0], sizes = [8, 256], strides = [1, 1]} : vector<8x512xf32> to vector<8x256xf32>
    %get3A_75 = arith.constant 3 : index
    %get3A_76 = arith.constant 0 : index
    %get3A_77 = vector.load %arg7[%get3A_75, %get3A_76] : memref<8x256xf32, #tpu.memory_space<vmem>>, vector<1x256xf32>
    %mul3A_78 = vector.broadcast %get3A_77 : vector<1x256xf32> to vector<2000x256xf32>
    %mul3A_79 = arith.mulf %slice3A, %mul3A_78 : vector<2000x256xf32>
    %slice3A_80 = vector.extract_strided_slice %slice3A_74 {offsets = [7, 0], sizes = [1, 256], strides = [1, 1]} : vector<8x256xf32> to vector<1x256xf32>
    %slice3A_81 = vector.extract_strided_slice %slice3A {offsets = [0, 0], sizes = [1999, 256], strides = [1, 1]} : vector<2000x256xf32> to vector<1999x256xf32>
    %concatenate3A = tpu.concatenate %slice3A_80, %slice3A_81 in 0 : vector<1x256xf32>, vector<1999x256xf32> -> vector<2000x256xf32>
    %get3A_82 = arith.constant 2 : index
    %get3A_83 = arith.constant 0 : index
    %get3A_84 = vector.load %arg7[%get3A_82, %get3A_83] : memref<8x256xf32, #tpu.memory_space<vmem>>, vector<1x256xf32>
    %mul3A_85 = vector.broadcast %get3A_84 : vector<1x256xf32> to vector<2000x256xf32>
    %mul3A_86 = arith.mulf %concatenate3A, %mul3A_85 : vector<2000x256xf32>
    %get3A_87 = arith.constant 0 : index
    %get3A_88 = arith.constant 0 : index
    %get3A_89 = vector.load %arg3[%get3A_87, %get3A_88] : memref<2000x8xf32, #tpu.memory_space<vmem>>, vector<2000x1xf32>
    %mul3A_90 = vector.broadcast %get3A_89 : vector<2000x1xf32> to vector<2000x256xf32>
    %mul3A_91 = arith.mulf %mul3A_86, %mul3A_90 : vector<2000x256xf32>
    %add3A_92 = arith.addf %mul3A_79, %mul3A_91 : vector<2000x256xf32>
    %slice3A_93 = vector.extract_strided_slice %slice3A_74 {offsets = [6, 0], sizes = [2, 256], strides = [1, 1]} : vector<8x256xf32> to vector<2x256xf32>
    %slice3A_94 = vector.extract_strided_slice %slice3A {offsets = [0, 0], sizes = [1998, 256], strides = [1, 1]} : vector<2000x256xf32> to vector<1998x256xf32>
    %concatenate3A_95 = tpu.concatenate %slice3A_93, %slice3A_94 in 0 : vector<2x256xf32>, vector<1998x256xf32> -> vector<2000x256xf32>
    %get3A_96 = arith.constant 1 : index
    %get3A_97 = arith.constant 0 : index
    %get3A_98 = vector.load %arg7[%get3A_96, %get3A_97] : memref<8x256xf32, #tpu.memory_space<vmem>>, vector<1x256xf32>
    %mul3A_99 = vector.broadcast %get3A_98 : vector<1x256xf32> to vector<2000x256xf32>
    %mul3A_100 = arith.mulf %concatenate3A_95, %mul3A_99 : vector<2000x256xf32>
    %get3A_101 = arith.constant 0 : index
    %get3A_102 = arith.constant 1 : index
    %get3A_103 = vector.load %arg3[%get3A_101, %get3A_102] : memref<2000x8xf32, #tpu.memory_space<vmem>>, vector<2000x1xf32>
    %mul3A_104 = vector.broadcast %get3A_103 : vector<2000x1xf32> to vector<2000x256xf32>
    %mul3A_105 = arith.mulf %mul3A_100, %mul3A_104 : vector<2000x256xf32>
    %add3A_106 = arith.addf %add3A_92, %mul3A_105 : vector<2000x256xf32>
    %slice3A_107 = vector.extract_strided_slice %slice3A_74 {offsets = [5, 0], sizes = [3, 256], strides = [1, 1]} : vector<8x256xf32> to vector<3x256xf32>
    %slice3A_108 = vector.extract_strided_slice %slice3A {offsets = [0, 0], sizes = [1997, 256], strides = [1, 1]} : vector<2000x256xf32> to vector<1997x256xf32>
    %concatenate3A_109 = tpu.concatenate %slice3A_107, %slice3A_108 in 0 : vector<3x256xf32>, vector<1997x256xf32> -> vector<2000x256xf32>
    %get3A_110 = arith.constant 0 : index
    %get3A_111 = arith.constant 0 : index
    %get3A_112 = vector.load %arg7[%get3A_110, %get3A_111] : memref<8x256xf32, #tpu.memory_space<vmem>>, vector<1x256xf32>
    %mul3A_113 = vector.broadcast %get3A_112 : vector<1x256xf32> to vector<2000x256xf32>
    %mul3A_114 = arith.mulf %concatenate3A_109, %mul3A_113 : vector<2000x256xf32>
    %get3A_115 = arith.constant 0 : index
    %get3A_116 = arith.constant 2 : index
    %get3A_117 = vector.load %arg3[%get3A_115, %get3A_116] : memref<2000x8xf32, #tpu.memory_space<vmem>>, vector<2000x1xf32>
    %mul3A_118 = vector.broadcast %get3A_117 : vector<2000x1xf32> to vector<2000x256xf32>
    %mul3A_119 = arith.mulf %mul3A_114, %mul3A_118 : vector<2000x256xf32>
    %add3A_120 = arith.addf %add3A_106, %mul3A_119 : vector<2000x256xf32>
    %get3A_121 = arith.constant 0 : index
    %get3A_122 = arith.constant 0 : index
    %get3A_123 = vector.load %arg8[%get3A_121, %get3A_122] : memref<1x256xf32, #tpu.memory_space<vmem>>, vector<1x256xf32>
    %add3A_124 = vector.broadcast %get3A_123 : vector<1x256xf32> to vector<2000x256xf32>
    %add3A_125 = arith.addf %add3A_120, %add3A_124 : vector<2000x256xf32>
    %logistic3A = arith.negf %add3A_125 : vector<2000x256xf32>
    %logistic3A_126 = math.exp %logistic3A : vector<2000x256xf32>
    %logistic3A_127 = arith.constant 1.000000e+00 : f32
    %logistic3A_128 = vector.broadcast %logistic3A_127 : f32 to vector<2000x256xf32>
    %logistic3A_129 = arith.addf %logistic3A_128, %logistic3A_126 : vector<2000x256xf32>
    %logistic3A_130 = arith.divf %logistic3A_128, %logistic3A_129 : vector<2000x256xf32>
    %mul3A_131 = arith.mulf %add3A_125, %logistic3A_130 : vector<2000x256xf32>
    %get3A_132 = arith.constant 0 : index
    %get3A_133 = arith.constant 0 : index
    %get3A_134 = vector.load %arg9[%get3A_132, %get3A_133] : memref<256x128xbf16, #tpu.memory_space<vmem>>, vector<256x128xbf16>
    %convert_element_type3A_135 = arith.truncf %mul3A_131 : vector<2000x256xf32> to vector<2000x256xbf16>
    %dot_general3A_136 = arith.constant dense<0.000000e+00> : vector<2000x128xf32>
    %dot_general3A_137 = tpu.matmul %convert_element_type3A_135, %get3A_134, %dot_general3A_136 {dimension_numbers = #tpu.dot_dimension_numbers<[1], [0], [0], [1], [0, 0, 1, 1], [], []>, transpose_lhs_hint = false} : vector<2000x256xbf16>, vector<256x128xbf16>, vector<2000x128xf32> -> vector<2000x128xf32>
    %get3A_138 = arith.constant 0 : index
    %get3A_139 = arith.constant 0 : index
    %get3A_140 = vector.load %arg10[%get3A_138, %get3A_139] : memref<128x256xbf16, #tpu.memory_space<vmem>>, vector<128x256xbf16>
    %convert_element_type3A_141 = arith.truncf %dot_general3A_137 : vector<2000x128xf32> to vector<2000x128xbf16>
    %dot_general3A_142 = arith.constant dense<0.000000e+00> : vector<2000x256xf32>
    %dot_general3A_143 = tpu.matmul %convert_element_type3A_141, %get3A_140, %dot_general3A_142 {dimension_numbers = #tpu.dot_dimension_numbers<[1], [0], [0], [1], [0, 0, 1, 1], [], []>, transpose_lhs_hint = false} : vector<2000x128xbf16>, vector<128x256xbf16>, vector<2000x256xf32> -> vector<2000x256xf32>
    %get3A_144 = arith.constant 0 : index
    %get3A_145 = arith.constant 0 : index
    %get3A_146 = vector.load %arg11[%get3A_144, %get3A_145] : memref<1x256xf32, #tpu.memory_space<vmem>>, vector<1x256xf32>
    %add3A_147 = vector.broadcast %get3A_146 : vector<1x256xf32> to vector<2000x256xf32>
    %add3A_148 = arith.addf %dot_general3A_143, %add3A_147 : vector<2000x256xf32>
    %custom_jvp_call3A = arith.constant 0.000000e+00 : f32
    %max3A = vector.broadcast %custom_jvp_call3A : f32 to vector<2000x256xf32>
    %max3A_149 = arith.maximumf %add3A_148, %max3A : vector<2000x256xf32>
    %sub3A_150 = vector.broadcast %custom_jvp_call3A : f32 to vector<2000x256xf32>
    %sub3A_151 = arith.subf %add3A_148, %sub3A_150 : vector<2000x256xf32>
    %ne3A = arith.cmpf one, %sub3A_151, %sub3A_151 : vector<2000x256xf32>
    %add3A_152 = vector.broadcast %custom_jvp_call3A : f32 to vector<2000x256xf32>
    %add3A_153 = arith.addf %add3A_148, %add3A_152 : vector<2000x256xf32>
    %abs3A = math.absf %sub3A_151 : vector<2000x256xf32>
    %neg3A = arith.constant 0.000000e+00 : f32
    %neg3A_154 = vector.broadcast %neg3A : f32 to vector<2000x256xf32>
    %neg3A_155 = arith.subf %neg3A_154, %abs3A : vector<2000x256xf32>
    %exp3A = math.exp %neg3A_155 : vector<2000x256xf32>
    %log1p3A = math.log1p %exp3A : vector<2000x256xf32>
    %add3A_156 = arith.addf %max3A_149, %log1p3A : vector<2000x256xf32>
    %select_n3A = arith.select %ne3A, %add3A_153, %add3A_156 : vector<2000x256xi1>, vector<2000x256xf32>
    %swap3A = arith.constant 0 : index
    %swap3A_157 = arith.constant 0 : index
    %swap3A_158 = vector.load %arg13[%swap3A, %swap3A_157] : memref<2000x256xf32, #tpu.memory_space<vmem>>, vector<2000x256xf32>
    tpu.vector_store %arg13[%swap3A, %swap3A_157], %select_n3A {strides = array<i32>} : memref<2000x256xf32, #tpu.memory_space<vmem>>, vector<2000x256xf32>,
    %swap3A_159 = arith.constant 0 : index
    %swap3A_160 = arith.constant 0 : index
    %swap3A_161 = vector.load %arg14[%swap3A_159, %swap3A_160] : memref<2000x256xf32, #tpu.memory_space<vmem>>, vector<2000x256xf32>
    tpu.vector_store %arg14[%swap3A_159, %swap3A_160], %mul3A_131 {strides = array<i32>} : memref<2000x256xf32, #tpu.memory_space<vmem>>, vector<2000x256xf32>,
    %logistic3A_162 = arith.negf %slice3A_67 : vector<2000x256xf32>
    %logistic3A_163 = math.exp %logistic3A_162 : vector<2000x256xf32>
    %logistic3A_164 = arith.constant 1.000000e+00 : f32
    %logistic3A_165 = vector.broadcast %logistic3A_164 : f32 to vector<2000x256xf32>
    %logistic3A_166 = arith.addf %logistic3A_165, %logistic3A_163 : vector<2000x256xf32>
    %logistic3A_167 = arith.divf %logistic3A_165, %logistic3A_166 : vector<2000x256xf32>
    %mul3A_168 = arith.mulf %slice3A_67, %logistic3A_167 : vector<2000x256xf32>
    %swap3A_169 = arith.constant 0 : index
    %swap3A_170 = arith.constant 0 : index
    %swap3A_171 = vector.load %arg15[%swap3A_169, %swap3A_170] : memref<2000x256xf32, #tpu.memory_space<vmem>>, vector<2000x256xf32>
    tpu.vector_store %arg15[%swap3A_169, %swap3A_170], %mul3A_168 {strides = array<i32>} : memref<2000x256xf32, #tpu.memory_space<vmem>>, vector<2000x256xf32>,
    %get3A_172 = arith.constant 0 : index
    %get3A_173 = arith.constant 0 : index
    %get3A_174 = vector.load %arg12[%get3A_172, %get3A_173] : memref<128x32xf32, #tpu.memory_space<vmem>>, vector<128x32xf32>
    %dot_general3A_175 = arith.constant dense<0.000000e+00> : vector<2000x32xf32>
    %dot_general3A_176 = tpu.matmul %dot_general3A_137, %get3A_174, %dot_general3A_175 {dimension_numbers = #tpu.dot_dimension_numbers<[1], [0], [0], [1], [0, 0, 1, 1], [], []>, precision = #tpu.contract_precision<fp32>, transpose_lhs_hint = false} : vector<2000x128xf32>, vector<128x32xf32>, vector<2000x32xf32> -> vector<2000x32xf32>
    %swap3A_177 = arith.constant 0 : index
    %swap3A_178 = arith.constant 0 : index
    %swap3A_179 = vector.load %arg16[%swap3A_177, %swap3A_178] : memref<2000x32xf32, #tpu.memory_space<vmem>>, vector<2000x32xf32>
    tpu.vector_store %arg16[%swap3A_177, %swap3A_178], %dot_general3A_176 {strides = array<i32>} : memref<2000x32xf32, #tpu.memory_space<vmem>>, vector<2000x32xf32>,
    return
  }
  func.func @transform_0(%arg0: i32) -> (i32, i32) {
    %c0_i32 = arith.constant 0 : i32
    %c0_i32_0 = arith.constant 0 : i32
    return %arg0, %c0_i32 : i32, i32
  }
  func.func @transform_1(%arg0: i32) -> (i32, i32) {
    %mul3A = arith.constant 250 : i32
    %mul3A_0 = arith.muli %arg0, %mul3A : i32
    %sub3A = arith.constant 1 : i32
    %sub3A_1 = arith.subi %mul3A_0, %sub3A : i32
    %max3A = arith.constant 0 : i32
    %max3A_2 = arith.maxsi %sub3A_1, %max3A : i32
    %c0_i32 = arith.constant 0 : i32
    %c0_i32_3 = arith.constant 0 : i32
    return %max3A_2, %c0_i32 : i32, i32
  }
  func.func @transform_2(%arg0: i32) -> (i32, i32) {
    %c0_i32 = arith.constant 0 : i32
    %c0_i32_0 = arith.constant 0 : i32
    return %arg0, %c0_i32 : i32, i32
  }
  func.func @transform_3(%arg0: i32) -> (i32, i32) {
    %c0_i32 = arith.constant 0 : i32
    %c0_i32_0 = arith.constant 0 : i32
    %c0_i32_1 = arith.constant 0 : i32
    return %c0_i32, %c0_i32_0 : i32, i32
  }
  func.func @transform_4(%arg0: i32) -> (i32, i32) {
    %c0_i32 = arith.constant 0 : i32
    %c0_i32_0 = arith.constant 0 : i32
    %c0_i32_1 = arith.constant 0 : i32
    return %c0_i32, %c0_i32_0 : i32, i32
  }
  func.func @transform_5(%arg0: i32) -> (i32, i32) {
    %c0_i32 = arith.constant 0 : i32
    %c0_i32_0 = arith.constant 0 : i32
    %c0_i32_1 = arith.constant 0 : i32
    return %c0_i32, %c0_i32_0 : i32, i32
  }
  func.func @transform_6(%arg0: i32) -> (i32, i32) {
    %c0_i32 = arith.constant 0 : i32
    %c0_i32_0 = arith.constant 0 : i32
    %c0_i32_1 = arith.constant 0 : i32
    return %c0_i32, %c0_i32_0 : i32, i32
  }
  func.func @transform_7(%arg0: i32) -> (i32, i32) {
    %c0_i32 = arith.constant 0 : i32
    %c0_i32_0 = arith.constant 0 : i32
    %c0_i32_1 = arith.constant 0 : i32
    return %c0_i32, %c0_i32_0 : i32, i32
  }
  func.func @transform_8(%arg0: i32) -> (i32, i32) {
    %c0_i32 = arith.constant 0 : i32
    %c0_i32_0 = arith.constant 0 : i32
    %c0_i32_1 = arith.constant 0 : i32
    return %c0_i32, %c0_i32_0 : i32, i32
  }
  func.func @transform_9(%arg0: i32) -> (i32, i32) {
    %c0_i32 = arith.constant 0 : i32
    %c0_i32_0 = arith.constant 0 : i32
    %c0_i32_1 = arith.constant 0 : i32
    return %c0_i32, %c0_i32_0 : i32, i32
  }
  func.func @transform_10(%arg0: i32) -> (i32, i32) {
    %c0_i32 = arith.constant 0 : i32
    %c0_i32_0 = arith.constant 0 : i32
    %c0_i32_1 = arith.constant 0 : i32
    return %c0_i32, %c0_i32_0 : i32, i32
  }
  func.func @transform_11(%arg0: i32) -> (i32, i32) {
    %c0_i32 = arith.constant 0 : i32
    %c0_i32_0 = arith.constant 0 : i32
    %c0_i32_1 = arith.constant 0 : i32
    return %c0_i32, %c0_i32_0 : i32, i32
  }
  func.func @transform_12(%arg0: i32) -> (i32, i32) {
    %c0_i32 = arith.constant 0 : i32
    %c0_i32_0 = arith.constant 0 : i32
    return %arg0, %c0_i32 : i32, i32
  }
  func.func @transform_13(%arg0: i32) -> (i32, i32) {
    %c0_i32 = arith.constant 0 : i32
    %c0_i32_0 = arith.constant 0 : i32
    return %arg0, %c0_i32 : i32, i32
  }
  func.func @transform_14(%arg0: i32) -> (i32, i32) {
    %c0_i32 = arith.constant 0 : i32
    %c0_i32_0 = arith.constant 0 : i32
    return %arg0, %c0_i32 : i32, i32
  }
  func.func @transform_15(%arg0: i32) -> (i32, i32) {
    %c0_i32 = arith.constant 0 : i32
    %c0_i32_0 = arith.constant 0 : i32
    return %arg0, %c0_i32 : i32, i32
  }
}

module attributes {stable_mosaic.version = 14 : i64} {
  func.func @_scan_kernel(%arg0: i32, %arg1: memref<40x256xf32, #tpu.memory_space<vmem>>, %arg2: memref<40x256xf32, #tpu.memory_space<vmem>>, %arg3: memref<1x16x80xf32, #tpu.memory_space<vmem>>, %arg4: memref<1x1x40xf32, #tpu.memory_space<vmem>>, %arg5: memref<16x256xf32, #tpu.memory_space<vmem>>, %arg6: memref<40x256xf32, #tpu.memory_space<vmem>>, %arg7: memref<16x256xf32, #tpu.memory_space<vmem>>) attributes {dimension_semantics = [#tpu.dimension_semantics<arbitrary>], iteration_bounds = array<i64: 250>, scalar_prefetch = 0 : i64, scratch_operands = 1 : i64, tpu.core_type = #tpu.core_type<tc>, window_params = [{transform_indices = @transform_0, window_bounds = array<i64: 40, 256>}, {transform_indices = @transform_1, window_bounds = array<i64: 40, 256>}, {transform_indices = @transform_2, window_bounds = array<i64: 1, 16, 80>}, {transform_indices = @transform_3, window_bounds = array<i64: 1, 1, 40>}, {pipeline_mode = #tpu.pipeline_mode<synchronous>, transform_indices = @transform_4, window_bounds = array<i64: 16, 256>}, {transform_indices = @transform_5, window_bounds = array<i64: 40, 256>}]} {
    %eq3A = arith.constant 0 : i32
    %eq3A_0 = arith.cmpi eq, %arg0, %eq3A : i32
    %convert_element_type3A = arith.extui %eq3A_0 : i1 to i32
    %cond3A = arith.constant 0 : i32
    %cond3A_1 = arith.cmpi ne, %convert_element_type3A, %cond3A : i32
    scf.if %cond3A_1 {
      %broadcast_in_dim3A_1487 = arith.constant 0.000000e+00 : f32
      %broadcast_in_dim3A_1488 = vector.broadcast %broadcast_in_dim3A_1487 : f32 to vector<16x256xf32>
      %swap3A_1489 = arith.constant 0 : index
      %swap3A_1490 = arith.constant 0 : index
      %swap3A_1491 = vector.load %arg7[%swap3A_1489, %swap3A_1490] : memref<16x256xf32, #tpu.memory_space<vmem>>, vector<16x256xf32>
      tpu.vector_store %arg7[%swap3A_1489, %swap3A_1490], %broadcast_in_dim3A_1488 {strides = array<i32>} : memref<16x256xf32, #tpu.memory_space<vmem>>, vector<16x256xf32>,
    } else {
    }
    %get3A = arith.constant 0 : index
    %get3A_2 = arith.constant 0 : index
    %get3A_3 = vector.load %arg7[%get3A, %get3A_2] : memref<16x256xf32, #tpu.memory_space<vmem>>, vector<16x256xf32>
    %get3A_4 = arith.constant 0 : index
    %get3A_5 = arith.constant 0 : index
    %get3A_6 = vector.load %arg5[%get3A_4, %get3A_5] : memref<16x256xf32, #tpu.memory_space<vmem>>, vector<16x256xf32>
    %get3A_7 = arith.constant 0 : index
    %get3A_8 = arith.constant 0 : index
    %get3A_9 = vector.load %arg1[%get3A_7, %get3A_8] : memref<40x256xf32, #tpu.memory_space<vmem>>, vector<1x256xf32>
    %mul3A = vector.broadcast %get3A_9 : vector<1x256xf32> to vector<16x256xf32>
    %mul3A_10 = arith.mulf %mul3A, %get3A_6 : vector<16x256xf32>
    %exp3A = math.exp %mul3A_10 : vector<16x256xf32>
    %get3A_11 = arith.constant 0 : index
    %get3A_12 = arith.constant 0 : index
    %get3A_13 = vector.load %arg2[%get3A_11, %get3A_12] : memref<40x256xf32, #tpu.memory_space<vmem>>, vector<1x256xf32>
    %mul3A_14 = arith.mulf %get3A_9, %get3A_13 : vector<1x256xf32>
    %get3A_15 = arith.constant 0 : index
    %get3A_16 = arith.constant 0 : index
    %get3A_17 = arith.constant 0 : index
    %get3A_18 = vector.load %arg3[%get3A_15, %get3A_16, %get3A_17] : memref<1x16x80xf32, #tpu.memory_space<vmem>>, vector<1x16x1xf32>
    %get3A_19 = vector.shape_cast %get3A_18 : vector<1x16x1xf32> to vector<16x1xf32>
    %get3A_20 = arith.constant 0 : index
    %get3A_21 = arith.constant 0 : index
    %get3A_22 = arith.constant 40 : index
    %get3A_23 = vector.load %arg3[%get3A_20, %get3A_21, %get3A_22] : memref<1x16x80xf32, #tpu.memory_space<vmem>>, vector<1x16x1xf32>
    %get3A_24 = vector.shape_cast %get3A_23 : vector<1x16x1xf32> to vector<16x1xf32>
    %get3A_25 = arith.constant 0 : index
    %get3A_26 = arith.constant 0 : index
    %get3A_27 = arith.constant 0 : index
    %get3A_28 = vector.load %arg4[%get3A_25, %get3A_26, %get3A_27] : memref<1x1x40xf32, #tpu.memory_space<vmem>>, vector<1x1x1xf32>
    %get3A_29 = vector.shape_cast %get3A_28 : vector<1x1x1xf32> to vector<1x1xf32>
    %mul3A_30 = vector.broadcast %get3A_29 : vector<1x1xf32> to vector<16x256xf32>
    %mul3A_31 = arith.mulf %get3A_3, %mul3A_30 : vector<16x256xf32>
    %mul3A_32 = arith.mulf %exp3A, %mul3A_31 : vector<16x256xf32>
    %mul3A_33 = vector.broadcast %mul3A_14 : vector<1x256xf32> to vector<16x256xf32>
    %mul3A_34 = vector.broadcast %get3A_19 : vector<16x1xf32> to vector<16x256xf32>
    %mul3A_35 = arith.mulf %mul3A_33, %mul3A_34 : vector<16x256xf32>
    %add3A = arith.addf %mul3A_32, %mul3A_35 : vector<16x256xf32>
    %mul3A_36 = vector.broadcast %get3A_24 : vector<16x1xf32> to vector<16x256xf32>
    %mul3A_37 = arith.mulf %add3A, %mul3A_36 : vector<16x256xf32>
    %reduce_sum3A = arith.constant dense<0.000000e+00> : vector<256xf32>
    %reduce_sum3A_38 = vector.multi_reduction <add>, %mul3A_37, %reduce_sum3A [0] : vector<16x256xf32> to vector<256xf32>
    %broadcast_in_dim3A = vector.shape_cast %reduce_sum3A_38 : vector<256xf32> to vector<1x256xf32>
    %get3A_39 = arith.constant 1 : index
    %get3A_40 = arith.constant 0 : index
    %get3A_41 = vector.load %arg1[%get3A_39, %get3A_40] : memref<40x256xf32, #tpu.memory_space<vmem>>, vector<1x256xf32>
    %mul3A_42 = vector.broadcast %get3A_41 : vector<1x256xf32> to vector<16x256xf32>
    %mul3A_43 = arith.mulf %mul3A_42, %get3A_6 : vector<16x256xf32>
    %exp3A_44 = math.exp %mul3A_43 : vector<16x256xf32>
    %get3A_45 = arith.constant 1 : index
    %get3A_46 = arith.constant 0 : index
    %get3A_47 = vector.load %arg2[%get3A_45, %get3A_46] : memref<40x256xf32, #tpu.memory_space<vmem>>, vector<1x256xf32>
    %mul3A_48 = arith.mulf %get3A_41, %get3A_47 : vector<1x256xf32>
    %get3A_49 = arith.constant 0 : index
    %get3A_50 = arith.constant 0 : index
    %get3A_51 = arith.constant 1 : index
    %get3A_52 = vector.load %arg3[%get3A_49, %get3A_50, %get3A_51] : memref<1x16x80xf32, #tpu.memory_space<vmem>>, vector<1x16x1xf32>
    %get3A_53 = vector.shape_cast %get3A_52 : vector<1x16x1xf32> to vector<16x1xf32>
    %get3A_54 = arith.constant 0 : index
    %get3A_55 = arith.constant 0 : index
    %get3A_56 = arith.constant 41 : index
    %get3A_57 = vector.load %arg3[%get3A_54, %get3A_55, %get3A_56] : memref<1x16x80xf32, #tpu.memory_space<vmem>>, vector<1x16x1xf32>
    %get3A_58 = vector.shape_cast %get3A_57 : vector<1x16x1xf32> to vector<16x1xf32>
    %get3A_59 = arith.constant 0 : index
    %get3A_60 = arith.constant 0 : index
    %get3A_61 = arith.constant 1 : index
    %get3A_62 = vector.load %arg4[%get3A_59, %get3A_60, %get3A_61] : memref<1x1x40xf32, #tpu.memory_space<vmem>>, vector<1x1x1xf32>
    %get3A_63 = vector.shape_cast %get3A_62 : vector<1x1x1xf32> to vector<1x1xf32>
    %mul3A_64 = vector.broadcast %get3A_63 : vector<1x1xf32> to vector<16x256xf32>
    %mul3A_65 = arith.mulf %add3A, %mul3A_64 : vector<16x256xf32>
    %mul3A_66 = arith.mulf %exp3A_44, %mul3A_65 : vector<16x256xf32>
    %mul3A_67 = vector.broadcast %mul3A_48 : vector<1x256xf32> to vector<16x256xf32>
    %mul3A_68 = vector.broadcast %get3A_53 : vector<16x1xf32> to vector<16x256xf32>
    %mul3A_69 = arith.mulf %mul3A_67, %mul3A_68 : vector<16x256xf32>
    %add3A_70 = arith.addf %mul3A_66, %mul3A_69 : vector<16x256xf32>
    %mul3A_71 = vector.broadcast %get3A_58 : vector<16x1xf32> to vector<16x256xf32>
    %mul3A_72 = arith.mulf %add3A_70, %mul3A_71 : vector<16x256xf32>
    %reduce_sum3A_73 = arith.constant dense<0.000000e+00> : vector<256xf32>
    %reduce_sum3A_74 = vector.multi_reduction <add>, %mul3A_72, %reduce_sum3A_73 [0] : vector<16x256xf32> to vector<256xf32>
    %broadcast_in_dim3A_75 = vector.shape_cast %reduce_sum3A_74 : vector<256xf32> to vector<1x256xf32>
    %get3A_76 = arith.constant 2 : index
    %get3A_77 = arith.constant 0 : index
    %get3A_78 = vector.load %arg1[%get3A_76, %get3A_77] : memref<40x256xf32, #tpu.memory_space<vmem>>, vector<1x256xf32>
    %mul3A_79 = vector.broadcast %get3A_78 : vector<1x256xf32> to vector<16x256xf32>
    %mul3A_80 = arith.mulf %mul3A_79, %get3A_6 : vector<16x256xf32>
    %exp3A_81 = math.exp %mul3A_80 : vector<16x256xf32>
    %get3A_82 = arith.constant 2 : index
    %get3A_83 = arith.constant 0 : index
    %get3A_84 = vector.load %arg2[%get3A_82, %get3A_83] : memref<40x256xf32, #tpu.memory_space<vmem>>, vector<1x256xf32>
    %mul3A_85 = arith.mulf %get3A_78, %get3A_84 : vector<1x256xf32>
    %get3A_86 = arith.constant 0 : index
    %get3A_87 = arith.constant 0 : index
    %get3A_88 = arith.constant 2 : index
    %get3A_89 = vector.load %arg3[%get3A_86, %get3A_87, %get3A_88] : memref<1x16x80xf32, #tpu.memory_space<vmem>>, vector<1x16x1xf32>
    %get3A_90 = vector.shape_cast %get3A_89 : vector<1x16x1xf32> to vector<16x1xf32>
    %get3A_91 = arith.constant 0 : index
    %get3A_92 = arith.constant 0 : index
    %get3A_93 = arith.constant 42 : index
    %get3A_94 = vector.load %arg3[%get3A_91, %get3A_92, %get3A_93] : memref<1x16x80xf32, #tpu.memory_space<vmem>>, vector<1x16x1xf32>
    %get3A_95 = vector.shape_cast %get3A_94 : vector<1x16x1xf32> to vector<16x1xf32>
    %get3A_96 = arith.constant 0 : index
    %get3A_97 = arith.constant 0 : index
    %get3A_98 = arith.constant 2 : index
    %get3A_99 = vector.load %arg4[%get3A_96, %get3A_97, %get3A_98] : memref<1x1x40xf32, #tpu.memory_space<vmem>>, vector<1x1x1xf32>
    %get3A_100 = vector.shape_cast %get3A_99 : vector<1x1x1xf32> to vector<1x1xf32>
    %mul3A_101 = vector.broadcast %get3A_100 : vector<1x1xf32> to vector<16x256xf32>
    %mul3A_102 = arith.mulf %add3A_70, %mul3A_101 : vector<16x256xf32>
    %mul3A_103 = arith.mulf %exp3A_81, %mul3A_102 : vector<16x256xf32>
    %mul3A_104 = vector.broadcast %mul3A_85 : vector<1x256xf32> to vector<16x256xf32>
    %mul3A_105 = vector.broadcast %get3A_90 : vector<16x1xf32> to vector<16x256xf32>
    %mul3A_106 = arith.mulf %mul3A_104, %mul3A_105 : vector<16x256xf32>
    %add3A_107 = arith.addf %mul3A_103, %mul3A_106 : vector<16x256xf32>
    %mul3A_108 = vector.broadcast %get3A_95 : vector<16x1xf32> to vector<16x256xf32>
    %mul3A_109 = arith.mulf %add3A_107, %mul3A_108 : vector<16x256xf32>
    %reduce_sum3A_110 = arith.constant dense<0.000000e+00> : vector<256xf32>
    %reduce_sum3A_111 = vector.multi_reduction <add>, %mul3A_109, %reduce_sum3A_110 [0] : vector<16x256xf32> to vector<256xf32>
    %broadcast_in_dim3A_112 = vector.shape_cast %reduce_sum3A_111 : vector<256xf32> to vector<1x256xf32>
    %get3A_113 = arith.constant 3 : index
    %get3A_114 = arith.constant 0 : index
    %get3A_115 = vector.load %arg1[%get3A_113, %get3A_114] : memref<40x256xf32, #tpu.memory_space<vmem>>, vector<1x256xf32>
    %mul3A_116 = vector.broadcast %get3A_115 : vector<1x256xf32> to vector<16x256xf32>
    %mul3A_117 = arith.mulf %mul3A_116, %get3A_6 : vector<16x256xf32>
    %exp3A_118 = math.exp %mul3A_117 : vector<16x256xf32>
    %get3A_119 = arith.constant 3 : index
    %get3A_120 = arith.constant 0 : index
    %get3A_121 = vector.load %arg2[%get3A_119, %get3A_120] : memref<40x256xf32, #tpu.memory_space<vmem>>, vector<1x256xf32>
    %mul3A_122 = arith.mulf %get3A_115, %get3A_121 : vector<1x256xf32>
    %get3A_123 = arith.constant 0 : index
    %get3A_124 = arith.constant 0 : index
    %get3A_125 = arith.constant 3 : index
    %get3A_126 = vector.load %arg3[%get3A_123, %get3A_124, %get3A_125] : memref<1x16x80xf32, #tpu.memory_space<vmem>>, vector<1x16x1xf32>
    %get3A_127 = vector.shape_cast %get3A_126 : vector<1x16x1xf32> to vector<16x1xf32>
    %get3A_128 = arith.constant 0 : index
    %get3A_129 = arith.constant 0 : index
    %get3A_130 = arith.constant 43 : index
    %get3A_131 = vector.load %arg3[%get3A_128, %get3A_129, %get3A_130] : memref<1x16x80xf32, #tpu.memory_space<vmem>>, vector<1x16x1xf32>
    %get3A_132 = vector.shape_cast %get3A_131 : vector<1x16x1xf32> to vector<16x1xf32>
    %get3A_133 = arith.constant 0 : index
    %get3A_134 = arith.constant 0 : index
    %get3A_135 = arith.constant 3 : index
    %get3A_136 = vector.load %arg4[%get3A_133, %get3A_134, %get3A_135] : memref<1x1x40xf32, #tpu.memory_space<vmem>>, vector<1x1x1xf32>
    %get3A_137 = vector.shape_cast %get3A_136 : vector<1x1x1xf32> to vector<1x1xf32>
    %mul3A_138 = vector.broadcast %get3A_137 : vector<1x1xf32> to vector<16x256xf32>
    %mul3A_139 = arith.mulf %add3A_107, %mul3A_138 : vector<16x256xf32>
    %mul3A_140 = arith.mulf %exp3A_118, %mul3A_139 : vector<16x256xf32>
    %mul3A_141 = vector.broadcast %mul3A_122 : vector<1x256xf32> to vector<16x256xf32>
    %mul3A_142 = vector.broadcast %get3A_127 : vector<16x1xf32> to vector<16x256xf32>
    %mul3A_143 = arith.mulf %mul3A_141, %mul3A_142 : vector<16x256xf32>
    %add3A_144 = arith.addf %mul3A_140, %mul3A_143 : vector<16x256xf32>
    %mul3A_145 = vector.broadcast %get3A_132 : vector<16x1xf32> to vector<16x256xf32>
    %mul3A_146 = arith.mulf %add3A_144, %mul3A_145 : vector<16x256xf32>
    %reduce_sum3A_147 = arith.constant dense<0.000000e+00> : vector<256xf32>
    %reduce_sum3A_148 = vector.multi_reduction <add>, %mul3A_146, %reduce_sum3A_147 [0] : vector<16x256xf32> to vector<256xf32>
    %broadcast_in_dim3A_149 = vector.shape_cast %reduce_sum3A_148 : vector<256xf32> to vector<1x256xf32>
    %get3A_150 = arith.constant 4 : index
    %get3A_151 = arith.constant 0 : index
    %get3A_152 = vector.load %arg1[%get3A_150, %get3A_151] : memref<40x256xf32, #tpu.memory_space<vmem>>, vector<1x256xf32>
    %mul3A_153 = vector.broadcast %get3A_152 : vector<1x256xf32> to vector<16x256xf32>
    %mul3A_154 = arith.mulf %mul3A_153, %get3A_6 : vector<16x256xf32>
    %exp3A_155 = math.exp %mul3A_154 : vector<16x256xf32>
    %get3A_156 = arith.constant 4 : index
    %get3A_157 = arith.constant 0 : index
    %get3A_158 = vector.load %arg2[%get3A_156, %get3A_157] : memref<40x256xf32, #tpu.memory_space<vmem>>, vector<1x256xf32>
    %mul3A_159 = arith.mulf %get3A_152, %get3A_158 : vector<1x256xf32>
    %get3A_160 = arith.constant 0 : index
    %get3A_161 = arith.constant 0 : index
    %get3A_162 = arith.constant 4 : index
    %get3A_163 = vector.load %arg3[%get3A_160, %get3A_161, %get3A_162] : memref<1x16x80xf32, #tpu.memory_space<vmem>>, vector<1x16x1xf32>
    %get3A_164 = vector.shape_cast %get3A_163 : vector<1x16x1xf32> to vector<16x1xf32>
    %get3A_165 = arith.constant 0 : index
    %get3A_166 = arith.constant 0 : index
    %get3A_167 = arith.constant 44 : index
    %get3A_168 = vector.load %arg3[%get3A_165, %get3A_166, %get3A_167] : memref<1x16x80xf32, #tpu.memory_space<vmem>>, vector<1x16x1xf32>
    %get3A_169 = vector.shape_cast %get3A_168 : vector<1x16x1xf32> to vector<16x1xf32>
    %get3A_170 = arith.constant 0 : index
    %get3A_171 = arith.constant 0 : index
    %get3A_172 = arith.constant 4 : index
    %get3A_173 = vector.load %arg4[%get3A_170, %get3A_171, %get3A_172] : memref<1x1x40xf32, #tpu.memory_space<vmem>>, vector<1x1x1xf32>
    %get3A_174 = vector.shape_cast %get3A_173 : vector<1x1x1xf32> to vector<1x1xf32>
    %mul3A_175 = vector.broadcast %get3A_174 : vector<1x1xf32> to vector<16x256xf32>
    %mul3A_176 = arith.mulf %add3A_144, %mul3A_175 : vector<16x256xf32>
    %mul3A_177 = arith.mulf %exp3A_155, %mul3A_176 : vector<16x256xf32>
    %mul3A_178 = vector.broadcast %mul3A_159 : vector<1x256xf32> to vector<16x256xf32>
    %mul3A_179 = vector.broadcast %get3A_164 : vector<16x1xf32> to vector<16x256xf32>
    %mul3A_180 = arith.mulf %mul3A_178, %mul3A_179 : vector<16x256xf32>
    %add3A_181 = arith.addf %mul3A_177, %mul3A_180 : vector<16x256xf32>
    %mul3A_182 = vector.broadcast %get3A_169 : vector<16x1xf32> to vector<16x256xf32>
    %mul3A_183 = arith.mulf %add3A_181, %mul3A_182 : vector<16x256xf32>
    %reduce_sum3A_184 = arith.constant dense<0.000000e+00> : vector<256xf32>
    %reduce_sum3A_185 = vector.multi_reduction <add>, %mul3A_183, %reduce_sum3A_184 [0] : vector<16x256xf32> to vector<256xf32>
    %broadcast_in_dim3A_186 = vector.shape_cast %reduce_sum3A_185 : vector<256xf32> to vector<1x256xf32>
    %get3A_187 = arith.constant 5 : index
    %get3A_188 = arith.constant 0 : index
    %get3A_189 = vector.load %arg1[%get3A_187, %get3A_188] : memref<40x256xf32, #tpu.memory_space<vmem>>, vector<1x256xf32>
    %mul3A_190 = vector.broadcast %get3A_189 : vector<1x256xf32> to vector<16x256xf32>
    %mul3A_191 = arith.mulf %mul3A_190, %get3A_6 : vector<16x256xf32>
    %exp3A_192 = math.exp %mul3A_191 : vector<16x256xf32>
    %get3A_193 = arith.constant 5 : index
    %get3A_194 = arith.constant 0 : index
    %get3A_195 = vector.load %arg2[%get3A_193, %get3A_194] : memref<40x256xf32, #tpu.memory_space<vmem>>, vector<1x256xf32>
    %mul3A_196 = arith.mulf %get3A_189, %get3A_195 : vector<1x256xf32>
    %get3A_197 = arith.constant 0 : index
    %get3A_198 = arith.constant 0 : index
    %get3A_199 = arith.constant 5 : index
    %get3A_200 = vector.load %arg3[%get3A_197, %get3A_198, %get3A_199] : memref<1x16x80xf32, #tpu.memory_space<vmem>>, vector<1x16x1xf32>
    %get3A_201 = vector.shape_cast %get3A_200 : vector<1x16x1xf32> to vector<16x1xf32>
    %get3A_202 = arith.constant 0 : index
    %get3A_203 = arith.constant 0 : index
    %get3A_204 = arith.constant 45 : index
    %get3A_205 = vector.load %arg3[%get3A_202, %get3A_203, %get3A_204] : memref<1x16x80xf32, #tpu.memory_space<vmem>>, vector<1x16x1xf32>
    %get3A_206 = vector.shape_cast %get3A_205 : vector<1x16x1xf32> to vector<16x1xf32>
    %get3A_207 = arith.constant 0 : index
    %get3A_208 = arith.constant 0 : index
    %get3A_209 = arith.constant 5 : index
    %get3A_210 = vector.load %arg4[%get3A_207, %get3A_208, %get3A_209] : memref<1x1x40xf32, #tpu.memory_space<vmem>>, vector<1x1x1xf32>
    %get3A_211 = vector.shape_cast %get3A_210 : vector<1x1x1xf32> to vector<1x1xf32>
    %mul3A_212 = vector.broadcast %get3A_211 : vector<1x1xf32> to vector<16x256xf32>
    %mul3A_213 = arith.mulf %add3A_181, %mul3A_212 : vector<16x256xf32>
    %mul3A_214 = arith.mulf %exp3A_192, %mul3A_213 : vector<16x256xf32>
    %mul3A_215 = vector.broadcast %mul3A_196 : vector<1x256xf32> to vector<16x256xf32>
    %mul3A_216 = vector.broadcast %get3A_201 : vector<16x1xf32> to vector<16x256xf32>
    %mul3A_217 = arith.mulf %mul3A_215, %mul3A_216 : vector<16x256xf32>
    %add3A_218 = arith.addf %mul3A_214, %mul3A_217 : vector<16x256xf32>
    %mul3A_219 = vector.broadcast %get3A_206 : vector<16x1xf32> to vector<16x256xf32>
    %mul3A_220 = arith.mulf %add3A_218, %mul3A_219 : vector<16x256xf32>
    %reduce_sum3A_221 = arith.constant dense<0.000000e+00> : vector<256xf32>
    %reduce_sum3A_222 = vector.multi_reduction <add>, %mul3A_220, %reduce_sum3A_221 [0] : vector<16x256xf32> to vector<256xf32>
    %broadcast_in_dim3A_223 = vector.shape_cast %reduce_sum3A_222 : vector<256xf32> to vector<1x256xf32>
    %get3A_224 = arith.constant 6 : index
    %get3A_225 = arith.constant 0 : index
    %get3A_226 = vector.load %arg1[%get3A_224, %get3A_225] : memref<40x256xf32, #tpu.memory_space<vmem>>, vector<1x256xf32>
    %mul3A_227 = vector.broadcast %get3A_226 : vector<1x256xf32> to vector<16x256xf32>
    %mul3A_228 = arith.mulf %mul3A_227, %get3A_6 : vector<16x256xf32>
    %exp3A_229 = math.exp %mul3A_228 : vector<16x256xf32>
    %get3A_230 = arith.constant 6 : index
    %get3A_231 = arith.constant 0 : index
    %get3A_232 = vector.load %arg2[%get3A_230, %get3A_231] : memref<40x256xf32, #tpu.memory_space<vmem>>, vector<1x256xf32>
    %mul3A_233 = arith.mulf %get3A_226, %get3A_232 : vector<1x256xf32>
    %get3A_234 = arith.constant 0 : index
    %get3A_235 = arith.constant 0 : index
    %get3A_236 = arith.constant 6 : index
    %get3A_237 = vector.load %arg3[%get3A_234, %get3A_235, %get3A_236] : memref<1x16x80xf32, #tpu.memory_space<vmem>>, vector<1x16x1xf32>
    %get3A_238 = vector.shape_cast %get3A_237 : vector<1x16x1xf32> to vector<16x1xf32>
    %get3A_239 = arith.constant 0 : index
    %get3A_240 = arith.constant 0 : index
    %get3A_241 = arith.constant 46 : index
    %get3A_242 = vector.load %arg3[%get3A_239, %get3A_240, %get3A_241] : memref<1x16x80xf32, #tpu.memory_space<vmem>>, vector<1x16x1xf32>
    %get3A_243 = vector.shape_cast %get3A_242 : vector<1x16x1xf32> to vector<16x1xf32>
    %get3A_244 = arith.constant 0 : index
    %get3A_245 = arith.constant 0 : index
    %get3A_246 = arith.constant 6 : index
    %get3A_247 = vector.load %arg4[%get3A_244, %get3A_245, %get3A_246] : memref<1x1x40xf32, #tpu.memory_space<vmem>>, vector<1x1x1xf32>
    %get3A_248 = vector.shape_cast %get3A_247 : vector<1x1x1xf32> to vector<1x1xf32>
    %mul3A_249 = vector.broadcast %get3A_248 : vector<1x1xf32> to vector<16x256xf32>
    %mul3A_250 = arith.mulf %add3A_218, %mul3A_249 : vector<16x256xf32>
    %mul3A_251 = arith.mulf %exp3A_229, %mul3A_250 : vector<16x256xf32>
    %mul3A_252 = vector.broadcast %mul3A_233 : vector<1x256xf32> to vector<16x256xf32>
    %mul3A_253 = vector.broadcast %get3A_238 : vector<16x1xf32> to vector<16x256xf32>
    %mul3A_254 = arith.mulf %mul3A_252, %mul3A_253 : vector<16x256xf32>
    %add3A_255 = arith.addf %mul3A_251, %mul3A_254 : vector<16x256xf32>
    %mul3A_256 = vector.broadcast %get3A_243 : vector<16x1xf32> to vector<16x256xf32>
    %mul3A_257 = arith.mulf %add3A_255, %mul3A_256 : vector<16x256xf32>
    %reduce_sum3A_258 = arith.constant dense<0.000000e+00> : vector<256xf32>
    %reduce_sum3A_259 = vector.multi_reduction <add>, %mul3A_257, %reduce_sum3A_258 [0] : vector<16x256xf32> to vector<256xf32>
    %broadcast_in_dim3A_260 = vector.shape_cast %reduce_sum3A_259 : vector<256xf32> to vector<1x256xf32>
    %get3A_261 = arith.constant 7 : index
    %get3A_262 = arith.constant 0 : index
    %get3A_263 = vector.load %arg1[%get3A_261, %get3A_262] : memref<40x256xf32, #tpu.memory_space<vmem>>, vector<1x256xf32>
    %mul3A_264 = vector.broadcast %get3A_263 : vector<1x256xf32> to vector<16x256xf32>
    %mul3A_265 = arith.mulf %mul3A_264, %get3A_6 : vector<16x256xf32>
    %exp3A_266 = math.exp %mul3A_265 : vector<16x256xf32>
    %get3A_267 = arith.constant 7 : index
    %get3A_268 = arith.constant 0 : index
    %get3A_269 = vector.load %arg2[%get3A_267, %get3A_268] : memref<40x256xf32, #tpu.memory_space<vmem>>, vector<1x256xf32>
    %mul3A_270 = arith.mulf %get3A_263, %get3A_269 : vector<1x256xf32>
    %get3A_271 = arith.constant 0 : index
    %get3A_272 = arith.constant 0 : index
    %get3A_273 = arith.constant 7 : index
    %get3A_274 = vector.load %arg3[%get3A_271, %get3A_272, %get3A_273] : memref<1x16x80xf32, #tpu.memory_space<vmem>>, vector<1x16x1xf32>
    %get3A_275 = vector.shape_cast %get3A_274 : vector<1x16x1xf32> to vector<16x1xf32>
    %get3A_276 = arith.constant 0 : index
    %get3A_277 = arith.constant 0 : index
    %get3A_278 = arith.constant 47 : index
    %get3A_279 = vector.load %arg3[%get3A_276, %get3A_277, %get3A_278] : memref<1x16x80xf32, #tpu.memory_space<vmem>>, vector<1x16x1xf32>
    %get3A_280 = vector.shape_cast %get3A_279 : vector<1x16x1xf32> to vector<16x1xf32>
    %get3A_281 = arith.constant 0 : index
    %get3A_282 = arith.constant 0 : index
    %get3A_283 = arith.constant 7 : index
    %get3A_284 = vector.load %arg4[%get3A_281, %get3A_282, %get3A_283] : memref<1x1x40xf32, #tpu.memory_space<vmem>>, vector<1x1x1xf32>
    %get3A_285 = vector.shape_cast %get3A_284 : vector<1x1x1xf32> to vector<1x1xf32>
    %mul3A_286 = vector.broadcast %get3A_285 : vector<1x1xf32> to vector<16x256xf32>
    %mul3A_287 = arith.mulf %add3A_255, %mul3A_286 : vector<16x256xf32>
    %mul3A_288 = arith.mulf %exp3A_266, %mul3A_287 : vector<16x256xf32>
    %mul3A_289 = vector.broadcast %mul3A_270 : vector<1x256xf32> to vector<16x256xf32>
    %mul3A_290 = vector.broadcast %get3A_275 : vector<16x1xf32> to vector<16x256xf32>
    %mul3A_291 = arith.mulf %mul3A_289, %mul3A_290 : vector<16x256xf32>
    %add3A_292 = arith.addf %mul3A_288, %mul3A_291 : vector<16x256xf32>
    %mul3A_293 = vector.broadcast %get3A_280 : vector<16x1xf32> to vector<16x256xf32>
    %mul3A_294 = arith.mulf %add3A_292, %mul3A_293 : vector<16x256xf32>
    %reduce_sum3A_295 = arith.constant dense<0.000000e+00> : vector<256xf32>
    %reduce_sum3A_296 = vector.multi_reduction <add>, %mul3A_294, %reduce_sum3A_295 [0] : vector<16x256xf32> to vector<256xf32>
    %broadcast_in_dim3A_297 = vector.shape_cast %reduce_sum3A_296 : vector<256xf32> to vector<1x256xf32>
    %get3A_298 = arith.constant 8 : index
    %get3A_299 = arith.constant 0 : index
    %get3A_300 = vector.load %arg1[%get3A_298, %get3A_299] : memref<40x256xf32, #tpu.memory_space<vmem>>, vector<1x256xf32>
    %mul3A_301 = vector.broadcast %get3A_300 : vector<1x256xf32> to vector<16x256xf32>
    %mul3A_302 = arith.mulf %mul3A_301, %get3A_6 : vector<16x256xf32>
    %exp3A_303 = math.exp %mul3A_302 : vector<16x256xf32>
    %get3A_304 = arith.constant 8 : index
    %get3A_305 = arith.constant 0 : index
    %get3A_306 = vector.load %arg2[%get3A_304, %get3A_305] : memref<40x256xf32, #tpu.memory_space<vmem>>, vector<1x256xf32>
    %mul3A_307 = arith.mulf %get3A_300, %get3A_306 : vector<1x256xf32>
    %get3A_308 = arith.constant 0 : index
    %get3A_309 = arith.constant 0 : index
    %get3A_310 = arith.constant 8 : index
    %get3A_311 = vector.load %arg3[%get3A_308, %get3A_309, %get3A_310] : memref<1x16x80xf32, #tpu.memory_space<vmem>>, vector<1x16x1xf32>
    %get3A_312 = vector.shape_cast %get3A_311 : vector<1x16x1xf32> to vector<16x1xf32>
    %get3A_313 = arith.constant 0 : index
    %get3A_314 = arith.constant 0 : index
    %get3A_315 = arith.constant 48 : index
    %get3A_316 = vector.load %arg3[%get3A_313, %get3A_314, %get3A_315] : memref<1x16x80xf32, #tpu.memory_space<vmem>>, vector<1x16x1xf32>
    %get3A_317 = vector.shape_cast %get3A_316 : vector<1x16x1xf32> to vector<16x1xf32>
    %get3A_318 = arith.constant 0 : index
    %get3A_319 = arith.constant 0 : index
    %get3A_320 = arith.constant 8 : index
    %get3A_321 = vector.load %arg4[%get3A_318, %get3A_319, %get3A_320] : memref<1x1x40xf32, #tpu.memory_space<vmem>>, vector<1x1x1xf32>
    %get3A_322 = vector.shape_cast %get3A_321 : vector<1x1x1xf32> to vector<1x1xf32>
    %mul3A_323 = vector.broadcast %get3A_322 : vector<1x1xf32> to vector<16x256xf32>
    %mul3A_324 = arith.mulf %add3A_292, %mul3A_323 : vector<16x256xf32>
    %mul3A_325 = arith.mulf %exp3A_303, %mul3A_324 : vector<16x256xf32>
    %mul3A_326 = vector.broadcast %mul3A_307 : vector<1x256xf32> to vector<16x256xf32>
    %mul3A_327 = vector.broadcast %get3A_312 : vector<16x1xf32> to vector<16x256xf32>
    %mul3A_328 = arith.mulf %mul3A_326, %mul3A_327 : vector<16x256xf32>
    %add3A_329 = arith.addf %mul3A_325, %mul3A_328 : vector<16x256xf32>
    %mul3A_330 = vector.broadcast %get3A_317 : vector<16x1xf32> to vector<16x256xf32>
    %mul3A_331 = arith.mulf %add3A_329, %mul3A_330 : vector<16x256xf32>
    %reduce_sum3A_332 = arith.constant dense<0.000000e+00> : vector<256xf32>
    %reduce_sum3A_333 = vector.multi_reduction <add>, %mul3A_331, %reduce_sum3A_332 [0] : vector<16x256xf32> to vector<256xf32>
    %broadcast_in_dim3A_334 = vector.shape_cast %reduce_sum3A_333 : vector<256xf32> to vector<1x256xf32>
    %get3A_335 = arith.constant 9 : index
    %get3A_336 = arith.constant 0 : index
    %get3A_337 = vector.load %arg1[%get3A_335, %get3A_336] : memref<40x256xf32, #tpu.memory_space<vmem>>, vector<1x256xf32>
    %mul3A_338 = vector.broadcast %get3A_337 : vector<1x256xf32> to vector<16x256xf32>
    %mul3A_339 = arith.mulf %mul3A_338, %get3A_6 : vector<16x256xf32>
    %exp3A_340 = math.exp %mul3A_339 : vector<16x256xf32>
    %get3A_341 = arith.constant 9 : index
    %get3A_342 = arith.constant 0 : index
    %get3A_343 = vector.load %arg2[%get3A_341, %get3A_342] : memref<40x256xf32, #tpu.memory_space<vmem>>, vector<1x256xf32>
    %mul3A_344 = arith.mulf %get3A_337, %get3A_343 : vector<1x256xf32>
    %get3A_345 = arith.constant 0 : index
    %get3A_346 = arith.constant 0 : index
    %get3A_347 = arith.constant 9 : index
    %get3A_348 = vector.load %arg3[%get3A_345, %get3A_346, %get3A_347] : memref<1x16x80xf32, #tpu.memory_space<vmem>>, vector<1x16x1xf32>
    %get3A_349 = vector.shape_cast %get3A_348 : vector<1x16x1xf32> to vector<16x1xf32>
    %get3A_350 = arith.constant 0 : index
    %get3A_351 = arith.constant 0 : index
    %get3A_352 = arith.constant 49 : index
    %get3A_353 = vector.load %arg3[%get3A_350, %get3A_351, %get3A_352] : memref<1x16x80xf32, #tpu.memory_space<vmem>>, vector<1x16x1xf32>
    %get3A_354 = vector.shape_cast %get3A_353 : vector<1x16x1xf32> to vector<16x1xf32>
    %get3A_355 = arith.constant 0 : index
    %get3A_356 = arith.constant 0 : index
    %get3A_357 = arith.constant 9 : index
    %get3A_358 = vector.load %arg4[%get3A_355, %get3A_356, %get3A_357] : memref<1x1x40xf32, #tpu.memory_space<vmem>>, vector<1x1x1xf32>
    %get3A_359 = vector.shape_cast %get3A_358 : vector<1x1x1xf32> to vector<1x1xf32>
    %mul3A_360 = vector.broadcast %get3A_359 : vector<1x1xf32> to vector<16x256xf32>
    %mul3A_361 = arith.mulf %add3A_329, %mul3A_360 : vector<16x256xf32>
    %mul3A_362 = arith.mulf %exp3A_340, %mul3A_361 : vector<16x256xf32>
    %mul3A_363 = vector.broadcast %mul3A_344 : vector<1x256xf32> to vector<16x256xf32>
    %mul3A_364 = vector.broadcast %get3A_349 : vector<16x1xf32> to vector<16x256xf32>
    %mul3A_365 = arith.mulf %mul3A_363, %mul3A_364 : vector<16x256xf32>
    %add3A_366 = arith.addf %mul3A_362, %mul3A_365 : vector<16x256xf32>
    %mul3A_367 = vector.broadcast %get3A_354 : vector<16x1xf32> to vector<16x256xf32>
    %mul3A_368 = arith.mulf %add3A_366, %mul3A_367 : vector<16x256xf32>
    %reduce_sum3A_369 = arith.constant dense<0.000000e+00> : vector<256xf32>
    %reduce_sum3A_370 = vector.multi_reduction <add>, %mul3A_368, %reduce_sum3A_369 [0] : vector<16x256xf32> to vector<256xf32>
    %broadcast_in_dim3A_371 = vector.shape_cast %reduce_sum3A_370 : vector<256xf32> to vector<1x256xf32>
    %get3A_372 = arith.constant 10 : index
    %get3A_373 = arith.constant 0 : index
    %get3A_374 = vector.load %arg1[%get3A_372, %get3A_373] : memref<40x256xf32, #tpu.memory_space<vmem>>, vector<1x256xf32>
    %mul3A_375 = vector.broadcast %get3A_374 : vector<1x256xf32> to vector<16x256xf32>
    %mul3A_376 = arith.mulf %mul3A_375, %get3A_6 : vector<16x256xf32>
    %exp3A_377 = math.exp %mul3A_376 : vector<16x256xf32>
    %get3A_378 = arith.constant 10 : index
    %get3A_379 = arith.constant 0 : index
    %get3A_380 = vector.load %arg2[%get3A_378, %get3A_379] : memref<40x256xf32, #tpu.memory_space<vmem>>, vector<1x256xf32>
    %mul3A_381 = arith.mulf %get3A_374, %get3A_380 : vector<1x256xf32>
    %get3A_382 = arith.constant 0 : index
    %get3A_383 = arith.constant 0 : index
    %get3A_384 = arith.constant 10 : index
    %get3A_385 = vector.load %arg3[%get3A_382, %get3A_383, %get3A_384] : memref<1x16x80xf32, #tpu.memory_space<vmem>>, vector<1x16x1xf32>
    %get3A_386 = vector.shape_cast %get3A_385 : vector<1x16x1xf32> to vector<16x1xf32>
    %get3A_387 = arith.constant 0 : index
    %get3A_388 = arith.constant 0 : index
    %get3A_389 = arith.constant 50 : index
    %get3A_390 = vector.load %arg3[%get3A_387, %get3A_388, %get3A_389] : memref<1x16x80xf32, #tpu.memory_space<vmem>>, vector<1x16x1xf32>
    %get3A_391 = vector.shape_cast %get3A_390 : vector<1x16x1xf32> to vector<16x1xf32>
    %get3A_392 = arith.constant 0 : index
    %get3A_393 = arith.constant 0 : index
    %get3A_394 = arith.constant 10 : index
    %get3A_395 = vector.load %arg4[%get3A_392, %get3A_393, %get3A_394] : memref<1x1x40xf32, #tpu.memory_space<vmem>>, vector<1x1x1xf32>
    %get3A_396 = vector.shape_cast %get3A_395 : vector<1x1x1xf32> to vector<1x1xf32>
    %mul3A_397 = vector.broadcast %get3A_396 : vector<1x1xf32> to vector<16x256xf32>
    %mul3A_398 = arith.mulf %add3A_366, %mul3A_397 : vector<16x256xf32>
    %mul3A_399 = arith.mulf %exp3A_377, %mul3A_398 : vector<16x256xf32>
    %mul3A_400 = vector.broadcast %mul3A_381 : vector<1x256xf32> to vector<16x256xf32>
    %mul3A_401 = vector.broadcast %get3A_386 : vector<16x1xf32> to vector<16x256xf32>
    %mul3A_402 = arith.mulf %mul3A_400, %mul3A_401 : vector<16x256xf32>
    %add3A_403 = arith.addf %mul3A_399, %mul3A_402 : vector<16x256xf32>
    %mul3A_404 = vector.broadcast %get3A_391 : vector<16x1xf32> to vector<16x256xf32>
    %mul3A_405 = arith.mulf %add3A_403, %mul3A_404 : vector<16x256xf32>
    %reduce_sum3A_406 = arith.constant dense<0.000000e+00> : vector<256xf32>
    %reduce_sum3A_407 = vector.multi_reduction <add>, %mul3A_405, %reduce_sum3A_406 [0] : vector<16x256xf32> to vector<256xf32>
    %broadcast_in_dim3A_408 = vector.shape_cast %reduce_sum3A_407 : vector<256xf32> to vector<1x256xf32>
    %get3A_409 = arith.constant 11 : index
    %get3A_410 = arith.constant 0 : index
    %get3A_411 = vector.load %arg1[%get3A_409, %get3A_410] : memref<40x256xf32, #tpu.memory_space<vmem>>, vector<1x256xf32>
    %mul3A_412 = vector.broadcast %get3A_411 : vector<1x256xf32> to vector<16x256xf32>
    %mul3A_413 = arith.mulf %mul3A_412, %get3A_6 : vector<16x256xf32>
    %exp3A_414 = math.exp %mul3A_413 : vector<16x256xf32>
    %get3A_415 = arith.constant 11 : index
    %get3A_416 = arith.constant 0 : index
    %get3A_417 = vector.load %arg2[%get3A_415, %get3A_416] : memref<40x256xf32, #tpu.memory_space<vmem>>, vector<1x256xf32>
    %mul3A_418 = arith.mulf %get3A_411, %get3A_417 : vector<1x256xf32>
    %get3A_419 = arith.constant 0 : index
    %get3A_420 = arith.constant 0 : index
    %get3A_421 = arith.constant 11 : index
    %get3A_422 = vector.load %arg3[%get3A_419, %get3A_420, %get3A_421] : memref<1x16x80xf32, #tpu.memory_space<vmem>>, vector<1x16x1xf32>
    %get3A_423 = vector.shape_cast %get3A_422 : vector<1x16x1xf32> to vector<16x1xf32>
    %get3A_424 = arith.constant 0 : index
    %get3A_425 = arith.constant 0 : index
    %get3A_426 = arith.constant 51 : index
    %get3A_427 = vector.load %arg3[%get3A_424, %get3A_425, %get3A_426] : memref<1x16x80xf32, #tpu.memory_space<vmem>>, vector<1x16x1xf32>
    %get3A_428 = vector.shape_cast %get3A_427 : vector<1x16x1xf32> to vector<16x1xf32>
    %get3A_429 = arith.constant 0 : index
    %get3A_430 = arith.constant 0 : index
    %get3A_431 = arith.constant 11 : index
    %get3A_432 = vector.load %arg4[%get3A_429, %get3A_430, %get3A_431] : memref<1x1x40xf32, #tpu.memory_space<vmem>>, vector<1x1x1xf32>
    %get3A_433 = vector.shape_cast %get3A_432 : vector<1x1x1xf32> to vector<1x1xf32>
    %mul3A_434 = vector.broadcast %get3A_433 : vector<1x1xf32> to vector<16x256xf32>
    %mul3A_435 = arith.mulf %add3A_403, %mul3A_434 : vector<16x256xf32>
    %mul3A_436 = arith.mulf %exp3A_414, %mul3A_435 : vector<16x256xf32>
    %mul3A_437 = vector.broadcast %mul3A_418 : vector<1x256xf32> to vector<16x256xf32>
    %mul3A_438 = vector.broadcast %get3A_423 : vector<16x1xf32> to vector<16x256xf32>
    %mul3A_439 = arith.mulf %mul3A_437, %mul3A_438 : vector<16x256xf32>
    %add3A_440 = arith.addf %mul3A_436, %mul3A_439 : vector<16x256xf32>
    %mul3A_441 = vector.broadcast %get3A_428 : vector<16x1xf32> to vector<16x256xf32>
    %mul3A_442 = arith.mulf %add3A_440, %mul3A_441 : vector<16x256xf32>
    %reduce_sum3A_443 = arith.constant dense<0.000000e+00> : vector<256xf32>
    %reduce_sum3A_444 = vector.multi_reduction <add>, %mul3A_442, %reduce_sum3A_443 [0] : vector<16x256xf32> to vector<256xf32>
    %broadcast_in_dim3A_445 = vector.shape_cast %reduce_sum3A_444 : vector<256xf32> to vector<1x256xf32>
    %get3A_446 = arith.constant 12 : index
    %get3A_447 = arith.constant 0 : index
    %get3A_448 = vector.load %arg1[%get3A_446, %get3A_447] : memref<40x256xf32, #tpu.memory_space<vmem>>, vector<1x256xf32>
    %mul3A_449 = vector.broadcast %get3A_448 : vector<1x256xf32> to vector<16x256xf32>
    %mul3A_450 = arith.mulf %mul3A_449, %get3A_6 : vector<16x256xf32>
    %exp3A_451 = math.exp %mul3A_450 : vector<16x256xf32>
    %get3A_452 = arith.constant 12 : index
    %get3A_453 = arith.constant 0 : index
    %get3A_454 = vector.load %arg2[%get3A_452, %get3A_453] : memref<40x256xf32, #tpu.memory_space<vmem>>, vector<1x256xf32>
    %mul3A_455 = arith.mulf %get3A_448, %get3A_454 : vector<1x256xf32>
    %get3A_456 = arith.constant 0 : index
    %get3A_457 = arith.constant 0 : index
    %get3A_458 = arith.constant 12 : index
    %get3A_459 = vector.load %arg3[%get3A_456, %get3A_457, %get3A_458] : memref<1x16x80xf32, #tpu.memory_space<vmem>>, vector<1x16x1xf32>
    %get3A_460 = vector.shape_cast %get3A_459 : vector<1x16x1xf32> to vector<16x1xf32>
    %get3A_461 = arith.constant 0 : index
    %get3A_462 = arith.constant 0 : index
    %get3A_463 = arith.constant 52 : index
    %get3A_464 = vector.load %arg3[%get3A_461, %get3A_462, %get3A_463] : memref<1x16x80xf32, #tpu.memory_space<vmem>>, vector<1x16x1xf32>
    %get3A_465 = vector.shape_cast %get3A_464 : vector<1x16x1xf32> to vector<16x1xf32>
    %get3A_466 = arith.constant 0 : index
    %get3A_467 = arith.constant 0 : index
    %get3A_468 = arith.constant 12 : index
    %get3A_469 = vector.load %arg4[%get3A_466, %get3A_467, %get3A_468] : memref<1x1x40xf32, #tpu.memory_space<vmem>>, vector<1x1x1xf32>
    %get3A_470 = vector.shape_cast %get3A_469 : vector<1x1x1xf32> to vector<1x1xf32>
    %mul3A_471 = vector.broadcast %get3A_470 : vector<1x1xf32> to vector<16x256xf32>
    %mul3A_472 = arith.mulf %add3A_440, %mul3A_471 : vector<16x256xf32>
    %mul3A_473 = arith.mulf %exp3A_451, %mul3A_472 : vector<16x256xf32>
    %mul3A_474 = vector.broadcast %mul3A_455 : vector<1x256xf32> to vector<16x256xf32>
    %mul3A_475 = vector.broadcast %get3A_460 : vector<16x1xf32> to vector<16x256xf32>
    %mul3A_476 = arith.mulf %mul3A_474, %mul3A_475 : vector<16x256xf32>
    %add3A_477 = arith.addf %mul3A_473, %mul3A_476 : vector<16x256xf32>
    %mul3A_478 = vector.broadcast %get3A_465 : vector<16x1xf32> to vector<16x256xf32>
    %mul3A_479 = arith.mulf %add3A_477, %mul3A_478 : vector<16x256xf32>
    %reduce_sum3A_480 = arith.constant dense<0.000000e+00> : vector<256xf32>
    %reduce_sum3A_481 = vector.multi_reduction <add>, %mul3A_479, %reduce_sum3A_480 [0] : vector<16x256xf32> to vector<256xf32>
    %broadcast_in_dim3A_482 = vector.shape_cast %reduce_sum3A_481 : vector<256xf32> to vector<1x256xf32>
    %get3A_483 = arith.constant 13 : index
    %get3A_484 = arith.constant 0 : index
    %get3A_485 = vector.load %arg1[%get3A_483, %get3A_484] : memref<40x256xf32, #tpu.memory_space<vmem>>, vector<1x256xf32>
    %mul3A_486 = vector.broadcast %get3A_485 : vector<1x256xf32> to vector<16x256xf32>
    %mul3A_487 = arith.mulf %mul3A_486, %get3A_6 : vector<16x256xf32>
    %exp3A_488 = math.exp %mul3A_487 : vector<16x256xf32>
    %get3A_489 = arith.constant 13 : index
    %get3A_490 = arith.constant 0 : index
    %get3A_491 = vector.load %arg2[%get3A_489, %get3A_490] : memref<40x256xf32, #tpu.memory_space<vmem>>, vector<1x256xf32>
    %mul3A_492 = arith.mulf %get3A_485, %get3A_491 : vector<1x256xf32>
    %get3A_493 = arith.constant 0 : index
    %get3A_494 = arith.constant 0 : index
    %get3A_495 = arith.constant 13 : index
    %get3A_496 = vector.load %arg3[%get3A_493, %get3A_494, %get3A_495] : memref<1x16x80xf32, #tpu.memory_space<vmem>>, vector<1x16x1xf32>
    %get3A_497 = vector.shape_cast %get3A_496 : vector<1x16x1xf32> to vector<16x1xf32>
    %get3A_498 = arith.constant 0 : index
    %get3A_499 = arith.constant 0 : index
    %get3A_500 = arith.constant 53 : index
    %get3A_501 = vector.load %arg3[%get3A_498, %get3A_499, %get3A_500] : memref<1x16x80xf32, #tpu.memory_space<vmem>>, vector<1x16x1xf32>
    %get3A_502 = vector.shape_cast %get3A_501 : vector<1x16x1xf32> to vector<16x1xf32>
    %get3A_503 = arith.constant 0 : index
    %get3A_504 = arith.constant 0 : index
    %get3A_505 = arith.constant 13 : index
    %get3A_506 = vector.load %arg4[%get3A_503, %get3A_504, %get3A_505] : memref<1x1x40xf32, #tpu.memory_space<vmem>>, vector<1x1x1xf32>
    %get3A_507 = vector.shape_cast %get3A_506 : vector<1x1x1xf32> to vector<1x1xf32>
    %mul3A_508 = vector.broadcast %get3A_507 : vector<1x1xf32> to vector<16x256xf32>
    %mul3A_509 = arith.mulf %add3A_477, %mul3A_508 : vector<16x256xf32>
    %mul3A_510 = arith.mulf %exp3A_488, %mul3A_509 : vector<16x256xf32>
    %mul3A_511 = vector.broadcast %mul3A_492 : vector<1x256xf32> to vector<16x256xf32>
    %mul3A_512 = vector.broadcast %get3A_497 : vector<16x1xf32> to vector<16x256xf32>
    %mul3A_513 = arith.mulf %mul3A_511, %mul3A_512 : vector<16x256xf32>
    %add3A_514 = arith.addf %mul3A_510, %mul3A_513 : vector<16x256xf32>
    %mul3A_515 = vector.broadcast %get3A_502 : vector<16x1xf32> to vector<16x256xf32>
    %mul3A_516 = arith.mulf %add3A_514, %mul3A_515 : vector<16x256xf32>
    %reduce_sum3A_517 = arith.constant dense<0.000000e+00> : vector<256xf32>
    %reduce_sum3A_518 = vector.multi_reduction <add>, %mul3A_516, %reduce_sum3A_517 [0] : vector<16x256xf32> to vector<256xf32>
    %broadcast_in_dim3A_519 = vector.shape_cast %reduce_sum3A_518 : vector<256xf32> to vector<1x256xf32>
    %get3A_520 = arith.constant 14 : index
    %get3A_521 = arith.constant 0 : index
    %get3A_522 = vector.load %arg1[%get3A_520, %get3A_521] : memref<40x256xf32, #tpu.memory_space<vmem>>, vector<1x256xf32>
    %mul3A_523 = vector.broadcast %get3A_522 : vector<1x256xf32> to vector<16x256xf32>
    %mul3A_524 = arith.mulf %mul3A_523, %get3A_6 : vector<16x256xf32>
    %exp3A_525 = math.exp %mul3A_524 : vector<16x256xf32>
    %get3A_526 = arith.constant 14 : index
    %get3A_527 = arith.constant 0 : index
    %get3A_528 = vector.load %arg2[%get3A_526, %get3A_527] : memref<40x256xf32, #tpu.memory_space<vmem>>, vector<1x256xf32>
    %mul3A_529 = arith.mulf %get3A_522, %get3A_528 : vector<1x256xf32>
    %get3A_530 = arith.constant 0 : index
    %get3A_531 = arith.constant 0 : index
    %get3A_532 = arith.constant 14 : index
    %get3A_533 = vector.load %arg3[%get3A_530, %get3A_531, %get3A_532] : memref<1x16x80xf32, #tpu.memory_space<vmem>>, vector<1x16x1xf32>
    %get3A_534 = vector.shape_cast %get3A_533 : vector<1x16x1xf32> to vector<16x1xf32>
    %get3A_535 = arith.constant 0 : index
    %get3A_536 = arith.constant 0 : index
    %get3A_537 = arith.constant 54 : index
    %get3A_538 = vector.load %arg3[%get3A_535, %get3A_536, %get3A_537] : memref<1x16x80xf32, #tpu.memory_space<vmem>>, vector<1x16x1xf32>
    %get3A_539 = vector.shape_cast %get3A_538 : vector<1x16x1xf32> to vector<16x1xf32>
    %get3A_540 = arith.constant 0 : index
    %get3A_541 = arith.constant 0 : index
    %get3A_542 = arith.constant 14 : index
    %get3A_543 = vector.load %arg4[%get3A_540, %get3A_541, %get3A_542] : memref<1x1x40xf32, #tpu.memory_space<vmem>>, vector<1x1x1xf32>
    %get3A_544 = vector.shape_cast %get3A_543 : vector<1x1x1xf32> to vector<1x1xf32>
    %mul3A_545 = vector.broadcast %get3A_544 : vector<1x1xf32> to vector<16x256xf32>
    %mul3A_546 = arith.mulf %add3A_514, %mul3A_545 : vector<16x256xf32>
    %mul3A_547 = arith.mulf %exp3A_525, %mul3A_546 : vector<16x256xf32>
    %mul3A_548 = vector.broadcast %mul3A_529 : vector<1x256xf32> to vector<16x256xf32>
    %mul3A_549 = vector.broadcast %get3A_534 : vector<16x1xf32> to vector<16x256xf32>
    %mul3A_550 = arith.mulf %mul3A_548, %mul3A_549 : vector<16x256xf32>
    %add3A_551 = arith.addf %mul3A_547, %mul3A_550 : vector<16x256xf32>
    %mul3A_552 = vector.broadcast %get3A_539 : vector<16x1xf32> to vector<16x256xf32>
    %mul3A_553 = arith.mulf %add3A_551, %mul3A_552 : vector<16x256xf32>
    %reduce_sum3A_554 = arith.constant dense<0.000000e+00> : vector<256xf32>
    %reduce_sum3A_555 = vector.multi_reduction <add>, %mul3A_553, %reduce_sum3A_554 [0] : vector<16x256xf32> to vector<256xf32>
    %broadcast_in_dim3A_556 = vector.shape_cast %reduce_sum3A_555 : vector<256xf32> to vector<1x256xf32>
    %get3A_557 = arith.constant 15 : index
    %get3A_558 = arith.constant 0 : index
    %get3A_559 = vector.load %arg1[%get3A_557, %get3A_558] : memref<40x256xf32, #tpu.memory_space<vmem>>, vector<1x256xf32>
    %mul3A_560 = vector.broadcast %get3A_559 : vector<1x256xf32> to vector<16x256xf32>
    %mul3A_561 = arith.mulf %mul3A_560, %get3A_6 : vector<16x256xf32>
    %exp3A_562 = math.exp %mul3A_561 : vector<16x256xf32>
    %get3A_563 = arith.constant 15 : index
    %get3A_564 = arith.constant 0 : index
    %get3A_565 = vector.load %arg2[%get3A_563, %get3A_564] : memref<40x256xf32, #tpu.memory_space<vmem>>, vector<1x256xf32>
    %mul3A_566 = arith.mulf %get3A_559, %get3A_565 : vector<1x256xf32>
    %get3A_567 = arith.constant 0 : index
    %get3A_568 = arith.constant 0 : index
    %get3A_569 = arith.constant 15 : index
    %get3A_570 = vector.load %arg3[%get3A_567, %get3A_568, %get3A_569] : memref<1x16x80xf32, #tpu.memory_space<vmem>>, vector<1x16x1xf32>
    %get3A_571 = vector.shape_cast %get3A_570 : vector<1x16x1xf32> to vector<16x1xf32>
    %get3A_572 = arith.constant 0 : index
    %get3A_573 = arith.constant 0 : index
    %get3A_574 = arith.constant 55 : index
    %get3A_575 = vector.load %arg3[%get3A_572, %get3A_573, %get3A_574] : memref<1x16x80xf32, #tpu.memory_space<vmem>>, vector<1x16x1xf32>
    %get3A_576 = vector.shape_cast %get3A_575 : vector<1x16x1xf32> to vector<16x1xf32>
    %get3A_577 = arith.constant 0 : index
    %get3A_578 = arith.constant 0 : index
    %get3A_579 = arith.constant 15 : index
    %get3A_580 = vector.load %arg4[%get3A_577, %get3A_578, %get3A_579] : memref<1x1x40xf32, #tpu.memory_space<vmem>>, vector<1x1x1xf32>
    %get3A_581 = vector.shape_cast %get3A_580 : vector<1x1x1xf32> to vector<1x1xf32>
    %mul3A_582 = vector.broadcast %get3A_581 : vector<1x1xf32> to vector<16x256xf32>
    %mul3A_583 = arith.mulf %add3A_551, %mul3A_582 : vector<16x256xf32>
    %mul3A_584 = arith.mulf %exp3A_562, %mul3A_583 : vector<16x256xf32>
    %mul3A_585 = vector.broadcast %mul3A_566 : vector<1x256xf32> to vector<16x256xf32>
    %mul3A_586 = vector.broadcast %get3A_571 : vector<16x1xf32> to vector<16x256xf32>
    %mul3A_587 = arith.mulf %mul3A_585, %mul3A_586 : vector<16x256xf32>
    %add3A_588 = arith.addf %mul3A_584, %mul3A_587 : vector<16x256xf32>
    %mul3A_589 = vector.broadcast %get3A_576 : vector<16x1xf32> to vector<16x256xf32>
    %mul3A_590 = arith.mulf %add3A_588, %mul3A_589 : vector<16x256xf32>
    %reduce_sum3A_591 = arith.constant dense<0.000000e+00> : vector<256xf32>
    %reduce_sum3A_592 = vector.multi_reduction <add>, %mul3A_590, %reduce_sum3A_591 [0] : vector<16x256xf32> to vector<256xf32>
    %broadcast_in_dim3A_593 = vector.shape_cast %reduce_sum3A_592 : vector<256xf32> to vector<1x256xf32>
    %get3A_594 = arith.constant 16 : index
    %get3A_595 = arith.constant 0 : index
    %get3A_596 = vector.load %arg1[%get3A_594, %get3A_595] : memref<40x256xf32, #tpu.memory_space<vmem>>, vector<1x256xf32>
    %mul3A_597 = vector.broadcast %get3A_596 : vector<1x256xf32> to vector<16x256xf32>
    %mul3A_598 = arith.mulf %mul3A_597, %get3A_6 : vector<16x256xf32>
    %exp3A_599 = math.exp %mul3A_598 : vector<16x256xf32>
    %get3A_600 = arith.constant 16 : index
    %get3A_601 = arith.constant 0 : index
    %get3A_602 = vector.load %arg2[%get3A_600, %get3A_601] : memref<40x256xf32, #tpu.memory_space<vmem>>, vector<1x256xf32>
    %mul3A_603 = arith.mulf %get3A_596, %get3A_602 : vector<1x256xf32>
    %get3A_604 = arith.constant 0 : index
    %get3A_605 = arith.constant 0 : index
    %get3A_606 = arith.constant 16 : index
    %get3A_607 = vector.load %arg3[%get3A_604, %get3A_605, %get3A_606] : memref<1x16x80xf32, #tpu.memory_space<vmem>>, vector<1x16x1xf32>
    %get3A_608 = vector.shape_cast %get3A_607 : vector<1x16x1xf32> to vector<16x1xf32>
    %get3A_609 = arith.constant 0 : index
    %get3A_610 = arith.constant 0 : index
    %get3A_611 = arith.constant 56 : index
    %get3A_612 = vector.load %arg3[%get3A_609, %get3A_610, %get3A_611] : memref<1x16x80xf32, #tpu.memory_space<vmem>>, vector<1x16x1xf32>
    %get3A_613 = vector.shape_cast %get3A_612 : vector<1x16x1xf32> to vector<16x1xf32>
    %get3A_614 = arith.constant 0 : index
    %get3A_615 = arith.constant 0 : index
    %get3A_616 = arith.constant 16 : index
    %get3A_617 = vector.load %arg4[%get3A_614, %get3A_615, %get3A_616] : memref<1x1x40xf32, #tpu.memory_space<vmem>>, vector<1x1x1xf32>
    %get3A_618 = vector.shape_cast %get3A_617 : vector<1x1x1xf32> to vector<1x1xf32>
    %mul3A_619 = vector.broadcast %get3A_618 : vector<1x1xf32> to vector<16x256xf32>
    %mul3A_620 = arith.mulf %add3A_588, %mul3A_619 : vector<16x256xf32>
    %mul3A_621 = arith.mulf %exp3A_599, %mul3A_620 : vector<16x256xf32>
    %mul3A_622 = vector.broadcast %mul3A_603 : vector<1x256xf32> to vector<16x256xf32>
    %mul3A_623 = vector.broadcast %get3A_608 : vector<16x1xf32> to vector<16x256xf32>
    %mul3A_624 = arith.mulf %mul3A_622, %mul3A_623 : vector<16x256xf32>
    %add3A_625 = arith.addf %mul3A_621, %mul3A_624 : vector<16x256xf32>
    %mul3A_626 = vector.broadcast %get3A_613 : vector<16x1xf32> to vector<16x256xf32>
    %mul3A_627 = arith.mulf %add3A_625, %mul3A_626 : vector<16x256xf32>
    %reduce_sum3A_628 = arith.constant dense<0.000000e+00> : vector<256xf32>
    %reduce_sum3A_629 = vector.multi_reduction <add>, %mul3A_627, %reduce_sum3A_628 [0] : vector<16x256xf32> to vector<256xf32>
    %broadcast_in_dim3A_630 = vector.shape_cast %reduce_sum3A_629 : vector<256xf32> to vector<1x256xf32>
    %get3A_631 = arith.constant 17 : index
    %get3A_632 = arith.constant 0 : index
    %get3A_633 = vector.load %arg1[%get3A_631, %get3A_632] : memref<40x256xf32, #tpu.memory_space<vmem>>, vector<1x256xf32>
    %mul3A_634 = vector.broadcast %get3A_633 : vector<1x256xf32> to vector<16x256xf32>
    %mul3A_635 = arith.mulf %mul3A_634, %get3A_6 : vector<16x256xf32>
    %exp3A_636 = math.exp %mul3A_635 : vector<16x256xf32>
    %get3A_637 = arith.constant 17 : index
    %get3A_638 = arith.constant 0 : index
    %get3A_639 = vector.load %arg2[%get3A_637, %get3A_638] : memref<40x256xf32, #tpu.memory_space<vmem>>, vector<1x256xf32>
    %mul3A_640 = arith.mulf %get3A_633, %get3A_639 : vector<1x256xf32>
    %get3A_641 = arith.constant 0 : index
    %get3A_642 = arith.constant 0 : index
    %get3A_643 = arith.constant 17 : index
    %get3A_644 = vector.load %arg3[%get3A_641, %get3A_642, %get3A_643] : memref<1x16x80xf32, #tpu.memory_space<vmem>>, vector<1x16x1xf32>
    %get3A_645 = vector.shape_cast %get3A_644 : vector<1x16x1xf32> to vector<16x1xf32>
    %get3A_646 = arith.constant 0 : index
    %get3A_647 = arith.constant 0 : index
    %get3A_648 = arith.constant 57 : index
    %get3A_649 = vector.load %arg3[%get3A_646, %get3A_647, %get3A_648] : memref<1x16x80xf32, #tpu.memory_space<vmem>>, vector<1x16x1xf32>
    %get3A_650 = vector.shape_cast %get3A_649 : vector<1x16x1xf32> to vector<16x1xf32>
    %get3A_651 = arith.constant 0 : index
    %get3A_652 = arith.constant 0 : index
    %get3A_653 = arith.constant 17 : index
    %get3A_654 = vector.load %arg4[%get3A_651, %get3A_652, %get3A_653] : memref<1x1x40xf32, #tpu.memory_space<vmem>>, vector<1x1x1xf32>
    %get3A_655 = vector.shape_cast %get3A_654 : vector<1x1x1xf32> to vector<1x1xf32>
    %mul3A_656 = vector.broadcast %get3A_655 : vector<1x1xf32> to vector<16x256xf32>
    %mul3A_657 = arith.mulf %add3A_625, %mul3A_656 : vector<16x256xf32>
    %mul3A_658 = arith.mulf %exp3A_636, %mul3A_657 : vector<16x256xf32>
    %mul3A_659 = vector.broadcast %mul3A_640 : vector<1x256xf32> to vector<16x256xf32>
    %mul3A_660 = vector.broadcast %get3A_645 : vector<16x1xf32> to vector<16x256xf32>
    %mul3A_661 = arith.mulf %mul3A_659, %mul3A_660 : vector<16x256xf32>
    %add3A_662 = arith.addf %mul3A_658, %mul3A_661 : vector<16x256xf32>
    %mul3A_663 = vector.broadcast %get3A_650 : vector<16x1xf32> to vector<16x256xf32>
    %mul3A_664 = arith.mulf %add3A_662, %mul3A_663 : vector<16x256xf32>
    %reduce_sum3A_665 = arith.constant dense<0.000000e+00> : vector<256xf32>
    %reduce_sum3A_666 = vector.multi_reduction <add>, %mul3A_664, %reduce_sum3A_665 [0] : vector<16x256xf32> to vector<256xf32>
    %broadcast_in_dim3A_667 = vector.shape_cast %reduce_sum3A_666 : vector<256xf32> to vector<1x256xf32>
    %get3A_668 = arith.constant 18 : index
    %get3A_669 = arith.constant 0 : index
    %get3A_670 = vector.load %arg1[%get3A_668, %get3A_669] : memref<40x256xf32, #tpu.memory_space<vmem>>, vector<1x256xf32>
    %mul3A_671 = vector.broadcast %get3A_670 : vector<1x256xf32> to vector<16x256xf32>
    %mul3A_672 = arith.mulf %mul3A_671, %get3A_6 : vector<16x256xf32>
    %exp3A_673 = math.exp %mul3A_672 : vector<16x256xf32>
    %get3A_674 = arith.constant 18 : index
    %get3A_675 = arith.constant 0 : index
    %get3A_676 = vector.load %arg2[%get3A_674, %get3A_675] : memref<40x256xf32, #tpu.memory_space<vmem>>, vector<1x256xf32>
    %mul3A_677 = arith.mulf %get3A_670, %get3A_676 : vector<1x256xf32>
    %get3A_678 = arith.constant 0 : index
    %get3A_679 = arith.constant 0 : index
    %get3A_680 = arith.constant 18 : index
    %get3A_681 = vector.load %arg3[%get3A_678, %get3A_679, %get3A_680] : memref<1x16x80xf32, #tpu.memory_space<vmem>>, vector<1x16x1xf32>
    %get3A_682 = vector.shape_cast %get3A_681 : vector<1x16x1xf32> to vector<16x1xf32>
    %get3A_683 = arith.constant 0 : index
    %get3A_684 = arith.constant 0 : index
    %get3A_685 = arith.constant 58 : index
    %get3A_686 = vector.load %arg3[%get3A_683, %get3A_684, %get3A_685] : memref<1x16x80xf32, #tpu.memory_space<vmem>>, vector<1x16x1xf32>
    %get3A_687 = vector.shape_cast %get3A_686 : vector<1x16x1xf32> to vector<16x1xf32>
    %get3A_688 = arith.constant 0 : index
    %get3A_689 = arith.constant 0 : index
    %get3A_690 = arith.constant 18 : index
    %get3A_691 = vector.load %arg4[%get3A_688, %get3A_689, %get3A_690] : memref<1x1x40xf32, #tpu.memory_space<vmem>>, vector<1x1x1xf32>
    %get3A_692 = vector.shape_cast %get3A_691 : vector<1x1x1xf32> to vector<1x1xf32>
    %mul3A_693 = vector.broadcast %get3A_692 : vector<1x1xf32> to vector<16x256xf32>
    %mul3A_694 = arith.mulf %add3A_662, %mul3A_693 : vector<16x256xf32>
    %mul3A_695 = arith.mulf %exp3A_673, %mul3A_694 : vector<16x256xf32>
    %mul3A_696 = vector.broadcast %mul3A_677 : vector<1x256xf32> to vector<16x256xf32>
    %mul3A_697 = vector.broadcast %get3A_682 : vector<16x1xf32> to vector<16x256xf32>
    %mul3A_698 = arith.mulf %mul3A_696, %mul3A_697 : vector<16x256xf32>
    %add3A_699 = arith.addf %mul3A_695, %mul3A_698 : vector<16x256xf32>
    %mul3A_700 = vector.broadcast %get3A_687 : vector<16x1xf32> to vector<16x256xf32>
    %mul3A_701 = arith.mulf %add3A_699, %mul3A_700 : vector<16x256xf32>
    %reduce_sum3A_702 = arith.constant dense<0.000000e+00> : vector<256xf32>
    %reduce_sum3A_703 = vector.multi_reduction <add>, %mul3A_701, %reduce_sum3A_702 [0] : vector<16x256xf32> to vector<256xf32>
    %broadcast_in_dim3A_704 = vector.shape_cast %reduce_sum3A_703 : vector<256xf32> to vector<1x256xf32>
    %get3A_705 = arith.constant 19 : index
    %get3A_706 = arith.constant 0 : index
    %get3A_707 = vector.load %arg1[%get3A_705, %get3A_706] : memref<40x256xf32, #tpu.memory_space<vmem>>, vector<1x256xf32>
    %mul3A_708 = vector.broadcast %get3A_707 : vector<1x256xf32> to vector<16x256xf32>
    %mul3A_709 = arith.mulf %mul3A_708, %get3A_6 : vector<16x256xf32>
    %exp3A_710 = math.exp %mul3A_709 : vector<16x256xf32>
    %get3A_711 = arith.constant 19 : index
    %get3A_712 = arith.constant 0 : index
    %get3A_713 = vector.load %arg2[%get3A_711, %get3A_712] : memref<40x256xf32, #tpu.memory_space<vmem>>, vector<1x256xf32>
    %mul3A_714 = arith.mulf %get3A_707, %get3A_713 : vector<1x256xf32>
    %get3A_715 = arith.constant 0 : index
    %get3A_716 = arith.constant 0 : index
    %get3A_717 = arith.constant 19 : index
    %get3A_718 = vector.load %arg3[%get3A_715, %get3A_716, %get3A_717] : memref<1x16x80xf32, #tpu.memory_space<vmem>>, vector<1x16x1xf32>
    %get3A_719 = vector.shape_cast %get3A_718 : vector<1x16x1xf32> to vector<16x1xf32>
    %get3A_720 = arith.constant 0 : index
    %get3A_721 = arith.constant 0 : index
    %get3A_722 = arith.constant 59 : index
    %get3A_723 = vector.load %arg3[%get3A_720, %get3A_721, %get3A_722] : memref<1x16x80xf32, #tpu.memory_space<vmem>>, vector<1x16x1xf32>
    %get3A_724 = vector.shape_cast %get3A_723 : vector<1x16x1xf32> to vector<16x1xf32>
    %get3A_725 = arith.constant 0 : index
    %get3A_726 = arith.constant 0 : index
    %get3A_727 = arith.constant 19 : index
    %get3A_728 = vector.load %arg4[%get3A_725, %get3A_726, %get3A_727] : memref<1x1x40xf32, #tpu.memory_space<vmem>>, vector<1x1x1xf32>
    %get3A_729 = vector.shape_cast %get3A_728 : vector<1x1x1xf32> to vector<1x1xf32>
    %mul3A_730 = vector.broadcast %get3A_729 : vector<1x1xf32> to vector<16x256xf32>
    %mul3A_731 = arith.mulf %add3A_699, %mul3A_730 : vector<16x256xf32>
    %mul3A_732 = arith.mulf %exp3A_710, %mul3A_731 : vector<16x256xf32>
    %mul3A_733 = vector.broadcast %mul3A_714 : vector<1x256xf32> to vector<16x256xf32>
    %mul3A_734 = vector.broadcast %get3A_719 : vector<16x1xf32> to vector<16x256xf32>
    %mul3A_735 = arith.mulf %mul3A_733, %mul3A_734 : vector<16x256xf32>
    %add3A_736 = arith.addf %mul3A_732, %mul3A_735 : vector<16x256xf32>
    %mul3A_737 = vector.broadcast %get3A_724 : vector<16x1xf32> to vector<16x256xf32>
    %mul3A_738 = arith.mulf %add3A_736, %mul3A_737 : vector<16x256xf32>
    %reduce_sum3A_739 = arith.constant dense<0.000000e+00> : vector<256xf32>
    %reduce_sum3A_740 = vector.multi_reduction <add>, %mul3A_738, %reduce_sum3A_739 [0] : vector<16x256xf32> to vector<256xf32>
    %broadcast_in_dim3A_741 = vector.shape_cast %reduce_sum3A_740 : vector<256xf32> to vector<1x256xf32>
    %get3A_742 = arith.constant 20 : index
    %get3A_743 = arith.constant 0 : index
    %get3A_744 = vector.load %arg1[%get3A_742, %get3A_743] : memref<40x256xf32, #tpu.memory_space<vmem>>, vector<1x256xf32>
    %mul3A_745 = vector.broadcast %get3A_744 : vector<1x256xf32> to vector<16x256xf32>
    %mul3A_746 = arith.mulf %mul3A_745, %get3A_6 : vector<16x256xf32>
    %exp3A_747 = math.exp %mul3A_746 : vector<16x256xf32>
    %get3A_748 = arith.constant 20 : index
    %get3A_749 = arith.constant 0 : index
    %get3A_750 = vector.load %arg2[%get3A_748, %get3A_749] : memref<40x256xf32, #tpu.memory_space<vmem>>, vector<1x256xf32>
    %mul3A_751 = arith.mulf %get3A_744, %get3A_750 : vector<1x256xf32>
    %get3A_752 = arith.constant 0 : index
    %get3A_753 = arith.constant 0 : index
    %get3A_754 = arith.constant 20 : index
    %get3A_755 = vector.load %arg3[%get3A_752, %get3A_753, %get3A_754] : memref<1x16x80xf32, #tpu.memory_space<vmem>>, vector<1x16x1xf32>
    %get3A_756 = vector.shape_cast %get3A_755 : vector<1x16x1xf32> to vector<16x1xf32>
    %get3A_757 = arith.constant 0 : index
    %get3A_758 = arith.constant 0 : index
    %get3A_759 = arith.constant 60 : index
    %get3A_760 = vector.load %arg3[%get3A_757, %get3A_758, %get3A_759] : memref<1x16x80xf32, #tpu.memory_space<vmem>>, vector<1x16x1xf32>
    %get3A_761 = vector.shape_cast %get3A_760 : vector<1x16x1xf32> to vector<16x1xf32>
    %get3A_762 = arith.constant 0 : index
    %get3A_763 = arith.constant 0 : index
    %get3A_764 = arith.constant 20 : index
    %get3A_765 = vector.load %arg4[%get3A_762, %get3A_763, %get3A_764] : memref<1x1x40xf32, #tpu.memory_space<vmem>>, vector<1x1x1xf32>
    %get3A_766 = vector.shape_cast %get3A_765 : vector<1x1x1xf32> to vector<1x1xf32>
    %mul3A_767 = vector.broadcast %get3A_766 : vector<1x1xf32> to vector<16x256xf32>
    %mul3A_768 = arith.mulf %add3A_736, %mul3A_767 : vector<16x256xf32>
    %mul3A_769 = arith.mulf %exp3A_747, %mul3A_768 : vector<16x256xf32>
    %mul3A_770 = vector.broadcast %mul3A_751 : vector<1x256xf32> to vector<16x256xf32>
    %mul3A_771 = vector.broadcast %get3A_756 : vector<16x1xf32> to vector<16x256xf32>
    %mul3A_772 = arith.mulf %mul3A_770, %mul3A_771 : vector<16x256xf32>
    %add3A_773 = arith.addf %mul3A_769, %mul3A_772 : vector<16x256xf32>
    %mul3A_774 = vector.broadcast %get3A_761 : vector<16x1xf32> to vector<16x256xf32>
    %mul3A_775 = arith.mulf %add3A_773, %mul3A_774 : vector<16x256xf32>
    %reduce_sum3A_776 = arith.constant dense<0.000000e+00> : vector<256xf32>
    %reduce_sum3A_777 = vector.multi_reduction <add>, %mul3A_775, %reduce_sum3A_776 [0] : vector<16x256xf32> to vector<256xf32>
    %broadcast_in_dim3A_778 = vector.shape_cast %reduce_sum3A_777 : vector<256xf32> to vector<1x256xf32>
    %get3A_779 = arith.constant 21 : index
    %get3A_780 = arith.constant 0 : index
    %get3A_781 = vector.load %arg1[%get3A_779, %get3A_780] : memref<40x256xf32, #tpu.memory_space<vmem>>, vector<1x256xf32>
    %mul3A_782 = vector.broadcast %get3A_781 : vector<1x256xf32> to vector<16x256xf32>
    %mul3A_783 = arith.mulf %mul3A_782, %get3A_6 : vector<16x256xf32>
    %exp3A_784 = math.exp %mul3A_783 : vector<16x256xf32>
    %get3A_785 = arith.constant 21 : index
    %get3A_786 = arith.constant 0 : index
    %get3A_787 = vector.load %arg2[%get3A_785, %get3A_786] : memref<40x256xf32, #tpu.memory_space<vmem>>, vector<1x256xf32>
    %mul3A_788 = arith.mulf %get3A_781, %get3A_787 : vector<1x256xf32>
    %get3A_789 = arith.constant 0 : index
    %get3A_790 = arith.constant 0 : index
    %get3A_791 = arith.constant 21 : index
    %get3A_792 = vector.load %arg3[%get3A_789, %get3A_790, %get3A_791] : memref<1x16x80xf32, #tpu.memory_space<vmem>>, vector<1x16x1xf32>
    %get3A_793 = vector.shape_cast %get3A_792 : vector<1x16x1xf32> to vector<16x1xf32>
    %get3A_794 = arith.constant 0 : index
    %get3A_795 = arith.constant 0 : index
    %get3A_796 = arith.constant 61 : index
    %get3A_797 = vector.load %arg3[%get3A_794, %get3A_795, %get3A_796] : memref<1x16x80xf32, #tpu.memory_space<vmem>>, vector<1x16x1xf32>
    %get3A_798 = vector.shape_cast %get3A_797 : vector<1x16x1xf32> to vector<16x1xf32>
    %get3A_799 = arith.constant 0 : index
    %get3A_800 = arith.constant 0 : index
    %get3A_801 = arith.constant 21 : index
    %get3A_802 = vector.load %arg4[%get3A_799, %get3A_800, %get3A_801] : memref<1x1x40xf32, #tpu.memory_space<vmem>>, vector<1x1x1xf32>
    %get3A_803 = vector.shape_cast %get3A_802 : vector<1x1x1xf32> to vector<1x1xf32>
    %mul3A_804 = vector.broadcast %get3A_803 : vector<1x1xf32> to vector<16x256xf32>
    %mul3A_805 = arith.mulf %add3A_773, %mul3A_804 : vector<16x256xf32>
    %mul3A_806 = arith.mulf %exp3A_784, %mul3A_805 : vector<16x256xf32>
    %mul3A_807 = vector.broadcast %mul3A_788 : vector<1x256xf32> to vector<16x256xf32>
    %mul3A_808 = vector.broadcast %get3A_793 : vector<16x1xf32> to vector<16x256xf32>
    %mul3A_809 = arith.mulf %mul3A_807, %mul3A_808 : vector<16x256xf32>
    %add3A_810 = arith.addf %mul3A_806, %mul3A_809 : vector<16x256xf32>
    %mul3A_811 = vector.broadcast %get3A_798 : vector<16x1xf32> to vector<16x256xf32>
    %mul3A_812 = arith.mulf %add3A_810, %mul3A_811 : vector<16x256xf32>
    %reduce_sum3A_813 = arith.constant dense<0.000000e+00> : vector<256xf32>
    %reduce_sum3A_814 = vector.multi_reduction <add>, %mul3A_812, %reduce_sum3A_813 [0] : vector<16x256xf32> to vector<256xf32>
    %broadcast_in_dim3A_815 = vector.shape_cast %reduce_sum3A_814 : vector<256xf32> to vector<1x256xf32>
    %get3A_816 = arith.constant 22 : index
    %get3A_817 = arith.constant 0 : index
    %get3A_818 = vector.load %arg1[%get3A_816, %get3A_817] : memref<40x256xf32, #tpu.memory_space<vmem>>, vector<1x256xf32>
    %mul3A_819 = vector.broadcast %get3A_818 : vector<1x256xf32> to vector<16x256xf32>
    %mul3A_820 = arith.mulf %mul3A_819, %get3A_6 : vector<16x256xf32>
    %exp3A_821 = math.exp %mul3A_820 : vector<16x256xf32>
    %get3A_822 = arith.constant 22 : index
    %get3A_823 = arith.constant 0 : index
    %get3A_824 = vector.load %arg2[%get3A_822, %get3A_823] : memref<40x256xf32, #tpu.memory_space<vmem>>, vector<1x256xf32>
    %mul3A_825 = arith.mulf %get3A_818, %get3A_824 : vector<1x256xf32>
    %get3A_826 = arith.constant 0 : index
    %get3A_827 = arith.constant 0 : index
    %get3A_828 = arith.constant 22 : index
    %get3A_829 = vector.load %arg3[%get3A_826, %get3A_827, %get3A_828] : memref<1x16x80xf32, #tpu.memory_space<vmem>>, vector<1x16x1xf32>
    %get3A_830 = vector.shape_cast %get3A_829 : vector<1x16x1xf32> to vector<16x1xf32>
    %get3A_831 = arith.constant 0 : index
    %get3A_832 = arith.constant 0 : index
    %get3A_833 = arith.constant 62 : index
    %get3A_834 = vector.load %arg3[%get3A_831, %get3A_832, %get3A_833] : memref<1x16x80xf32, #tpu.memory_space<vmem>>, vector<1x16x1xf32>
    %get3A_835 = vector.shape_cast %get3A_834 : vector<1x16x1xf32> to vector<16x1xf32>
    %get3A_836 = arith.constant 0 : index
    %get3A_837 = arith.constant 0 : index
    %get3A_838 = arith.constant 22 : index
    %get3A_839 = vector.load %arg4[%get3A_836, %get3A_837, %get3A_838] : memref<1x1x40xf32, #tpu.memory_space<vmem>>, vector<1x1x1xf32>
    %get3A_840 = vector.shape_cast %get3A_839 : vector<1x1x1xf32> to vector<1x1xf32>
    %mul3A_841 = vector.broadcast %get3A_840 : vector<1x1xf32> to vector<16x256xf32>
    %mul3A_842 = arith.mulf %add3A_810, %mul3A_841 : vector<16x256xf32>
    %mul3A_843 = arith.mulf %exp3A_821, %mul3A_842 : vector<16x256xf32>
    %mul3A_844 = vector.broadcast %mul3A_825 : vector<1x256xf32> to vector<16x256xf32>
    %mul3A_845 = vector.broadcast %get3A_830 : vector<16x1xf32> to vector<16x256xf32>
    %mul3A_846 = arith.mulf %mul3A_844, %mul3A_845 : vector<16x256xf32>
    %add3A_847 = arith.addf %mul3A_843, %mul3A_846 : vector<16x256xf32>
    %mul3A_848 = vector.broadcast %get3A_835 : vector<16x1xf32> to vector<16x256xf32>
    %mul3A_849 = arith.mulf %add3A_847, %mul3A_848 : vector<16x256xf32>
    %reduce_sum3A_850 = arith.constant dense<0.000000e+00> : vector<256xf32>
    %reduce_sum3A_851 = vector.multi_reduction <add>, %mul3A_849, %reduce_sum3A_850 [0] : vector<16x256xf32> to vector<256xf32>
    %broadcast_in_dim3A_852 = vector.shape_cast %reduce_sum3A_851 : vector<256xf32> to vector<1x256xf32>
    %get3A_853 = arith.constant 23 : index
    %get3A_854 = arith.constant 0 : index
    %get3A_855 = vector.load %arg1[%get3A_853, %get3A_854] : memref<40x256xf32, #tpu.memory_space<vmem>>, vector<1x256xf32>
    %mul3A_856 = vector.broadcast %get3A_855 : vector<1x256xf32> to vector<16x256xf32>
    %mul3A_857 = arith.mulf %mul3A_856, %get3A_6 : vector<16x256xf32>
    %exp3A_858 = math.exp %mul3A_857 : vector<16x256xf32>
    %get3A_859 = arith.constant 23 : index
    %get3A_860 = arith.constant 0 : index
    %get3A_861 = vector.load %arg2[%get3A_859, %get3A_860] : memref<40x256xf32, #tpu.memory_space<vmem>>, vector<1x256xf32>
    %mul3A_862 = arith.mulf %get3A_855, %get3A_861 : vector<1x256xf32>
    %get3A_863 = arith.constant 0 : index
    %get3A_864 = arith.constant 0 : index
    %get3A_865 = arith.constant 23 : index
    %get3A_866 = vector.load %arg3[%get3A_863, %get3A_864, %get3A_865] : memref<1x16x80xf32, #tpu.memory_space<vmem>>, vector<1x16x1xf32>
    %get3A_867 = vector.shape_cast %get3A_866 : vector<1x16x1xf32> to vector<16x1xf32>
    %get3A_868 = arith.constant 0 : index
    %get3A_869 = arith.constant 0 : index
    %get3A_870 = arith.constant 63 : index
    %get3A_871 = vector.load %arg3[%get3A_868, %get3A_869, %get3A_870] : memref<1x16x80xf32, #tpu.memory_space<vmem>>, vector<1x16x1xf32>
    %get3A_872 = vector.shape_cast %get3A_871 : vector<1x16x1xf32> to vector<16x1xf32>
    %get3A_873 = arith.constant 0 : index
    %get3A_874 = arith.constant 0 : index
    %get3A_875 = arith.constant 23 : index
    %get3A_876 = vector.load %arg4[%get3A_873, %get3A_874, %get3A_875] : memref<1x1x40xf32, #tpu.memory_space<vmem>>, vector<1x1x1xf32>
    %get3A_877 = vector.shape_cast %get3A_876 : vector<1x1x1xf32> to vector<1x1xf32>
    %mul3A_878 = vector.broadcast %get3A_877 : vector<1x1xf32> to vector<16x256xf32>
    %mul3A_879 = arith.mulf %add3A_847, %mul3A_878 : vector<16x256xf32>
    %mul3A_880 = arith.mulf %exp3A_858, %mul3A_879 : vector<16x256xf32>
    %mul3A_881 = vector.broadcast %mul3A_862 : vector<1x256xf32> to vector<16x256xf32>
    %mul3A_882 = vector.broadcast %get3A_867 : vector<16x1xf32> to vector<16x256xf32>
    %mul3A_883 = arith.mulf %mul3A_881, %mul3A_882 : vector<16x256xf32>
    %add3A_884 = arith.addf %mul3A_880, %mul3A_883 : vector<16x256xf32>
    %mul3A_885 = vector.broadcast %get3A_872 : vector<16x1xf32> to vector<16x256xf32>
    %mul3A_886 = arith.mulf %add3A_884, %mul3A_885 : vector<16x256xf32>
    %reduce_sum3A_887 = arith.constant dense<0.000000e+00> : vector<256xf32>
    %reduce_sum3A_888 = vector.multi_reduction <add>, %mul3A_886, %reduce_sum3A_887 [0] : vector<16x256xf32> to vector<256xf32>
    %broadcast_in_dim3A_889 = vector.shape_cast %reduce_sum3A_888 : vector<256xf32> to vector<1x256xf32>
    %get3A_890 = arith.constant 24 : index
    %get3A_891 = arith.constant 0 : index
    %get3A_892 = vector.load %arg1[%get3A_890, %get3A_891] : memref<40x256xf32, #tpu.memory_space<vmem>>, vector<1x256xf32>
    %mul3A_893 = vector.broadcast %get3A_892 : vector<1x256xf32> to vector<16x256xf32>
    %mul3A_894 = arith.mulf %mul3A_893, %get3A_6 : vector<16x256xf32>
    %exp3A_895 = math.exp %mul3A_894 : vector<16x256xf32>
    %get3A_896 = arith.constant 24 : index
    %get3A_897 = arith.constant 0 : index
    %get3A_898 = vector.load %arg2[%get3A_896, %get3A_897] : memref<40x256xf32, #tpu.memory_space<vmem>>, vector<1x256xf32>
    %mul3A_899 = arith.mulf %get3A_892, %get3A_898 : vector<1x256xf32>
    %get3A_900 = arith.constant 0 : index
    %get3A_901 = arith.constant 0 : index
    %get3A_902 = arith.constant 24 : index
    %get3A_903 = vector.load %arg3[%get3A_900, %get3A_901, %get3A_902] : memref<1x16x80xf32, #tpu.memory_space<vmem>>, vector<1x16x1xf32>
    %get3A_904 = vector.shape_cast %get3A_903 : vector<1x16x1xf32> to vector<16x1xf32>
    %get3A_905 = arith.constant 0 : index
    %get3A_906 = arith.constant 0 : index
    %get3A_907 = arith.constant 64 : index
    %get3A_908 = vector.load %arg3[%get3A_905, %get3A_906, %get3A_907] : memref<1x16x80xf32, #tpu.memory_space<vmem>>, vector<1x16x1xf32>
    %get3A_909 = vector.shape_cast %get3A_908 : vector<1x16x1xf32> to vector<16x1xf32>
    %get3A_910 = arith.constant 0 : index
    %get3A_911 = arith.constant 0 : index
    %get3A_912 = arith.constant 24 : index
    %get3A_913 = vector.load %arg4[%get3A_910, %get3A_911, %get3A_912] : memref<1x1x40xf32, #tpu.memory_space<vmem>>, vector<1x1x1xf32>
    %get3A_914 = vector.shape_cast %get3A_913 : vector<1x1x1xf32> to vector<1x1xf32>
    %mul3A_915 = vector.broadcast %get3A_914 : vector<1x1xf32> to vector<16x256xf32>
    %mul3A_916 = arith.mulf %add3A_884, %mul3A_915 : vector<16x256xf32>
    %mul3A_917 = arith.mulf %exp3A_895, %mul3A_916 : vector<16x256xf32>
    %mul3A_918 = vector.broadcast %mul3A_899 : vector<1x256xf32> to vector<16x256xf32>
    %mul3A_919 = vector.broadcast %get3A_904 : vector<16x1xf32> to vector<16x256xf32>
    %mul3A_920 = arith.mulf %mul3A_918, %mul3A_919 : vector<16x256xf32>
    %add3A_921 = arith.addf %mul3A_917, %mul3A_920 : vector<16x256xf32>
    %mul3A_922 = vector.broadcast %get3A_909 : vector<16x1xf32> to vector<16x256xf32>
    %mul3A_923 = arith.mulf %add3A_921, %mul3A_922 : vector<16x256xf32>
    %reduce_sum3A_924 = arith.constant dense<0.000000e+00> : vector<256xf32>
    %reduce_sum3A_925 = vector.multi_reduction <add>, %mul3A_923, %reduce_sum3A_924 [0] : vector<16x256xf32> to vector<256xf32>
    %broadcast_in_dim3A_926 = vector.shape_cast %reduce_sum3A_925 : vector<256xf32> to vector<1x256xf32>
    %get3A_927 = arith.constant 25 : index
    %get3A_928 = arith.constant 0 : index
    %get3A_929 = vector.load %arg1[%get3A_927, %get3A_928] : memref<40x256xf32, #tpu.memory_space<vmem>>, vector<1x256xf32>
    %mul3A_930 = vector.broadcast %get3A_929 : vector<1x256xf32> to vector<16x256xf32>
    %mul3A_931 = arith.mulf %mul3A_930, %get3A_6 : vector<16x256xf32>
    %exp3A_932 = math.exp %mul3A_931 : vector<16x256xf32>
    %get3A_933 = arith.constant 25 : index
    %get3A_934 = arith.constant 0 : index
    %get3A_935 = vector.load %arg2[%get3A_933, %get3A_934] : memref<40x256xf32, #tpu.memory_space<vmem>>, vector<1x256xf32>
    %mul3A_936 = arith.mulf %get3A_929, %get3A_935 : vector<1x256xf32>
    %get3A_937 = arith.constant 0 : index
    %get3A_938 = arith.constant 0 : index
    %get3A_939 = arith.constant 25 : index
    %get3A_940 = vector.load %arg3[%get3A_937, %get3A_938, %get3A_939] : memref<1x16x80xf32, #tpu.memory_space<vmem>>, vector<1x16x1xf32>
    %get3A_941 = vector.shape_cast %get3A_940 : vector<1x16x1xf32> to vector<16x1xf32>
    %get3A_942 = arith.constant 0 : index
    %get3A_943 = arith.constant 0 : index
    %get3A_944 = arith.constant 65 : index
    %get3A_945 = vector.load %arg3[%get3A_942, %get3A_943, %get3A_944] : memref<1x16x80xf32, #tpu.memory_space<vmem>>, vector<1x16x1xf32>
    %get3A_946 = vector.shape_cast %get3A_945 : vector<1x16x1xf32> to vector<16x1xf32>
    %get3A_947 = arith.constant 0 : index
    %get3A_948 = arith.constant 0 : index
    %get3A_949 = arith.constant 25 : index
    %get3A_950 = vector.load %arg4[%get3A_947, %get3A_948, %get3A_949] : memref<1x1x40xf32, #tpu.memory_space<vmem>>, vector<1x1x1xf32>
    %get3A_951 = vector.shape_cast %get3A_950 : vector<1x1x1xf32> to vector<1x1xf32>
    %mul3A_952 = vector.broadcast %get3A_951 : vector<1x1xf32> to vector<16x256xf32>
    %mul3A_953 = arith.mulf %add3A_921, %mul3A_952 : vector<16x256xf32>
    %mul3A_954 = arith.mulf %exp3A_932, %mul3A_953 : vector<16x256xf32>
    %mul3A_955 = vector.broadcast %mul3A_936 : vector<1x256xf32> to vector<16x256xf32>
    %mul3A_956 = vector.broadcast %get3A_941 : vector<16x1xf32> to vector<16x256xf32>
    %mul3A_957 = arith.mulf %mul3A_955, %mul3A_956 : vector<16x256xf32>
    %add3A_958 = arith.addf %mul3A_954, %mul3A_957 : vector<16x256xf32>
    %mul3A_959 = vector.broadcast %get3A_946 : vector<16x1xf32> to vector<16x256xf32>
    %mul3A_960 = arith.mulf %add3A_958, %mul3A_959 : vector<16x256xf32>
    %reduce_sum3A_961 = arith.constant dense<0.000000e+00> : vector<256xf32>
    %reduce_sum3A_962 = vector.multi_reduction <add>, %mul3A_960, %reduce_sum3A_961 [0] : vector<16x256xf32> to vector<256xf32>
    %broadcast_in_dim3A_963 = vector.shape_cast %reduce_sum3A_962 : vector<256xf32> to vector<1x256xf32>
    %get3A_964 = arith.constant 26 : index
    %get3A_965 = arith.constant 0 : index
    %get3A_966 = vector.load %arg1[%get3A_964, %get3A_965] : memref<40x256xf32, #tpu.memory_space<vmem>>, vector<1x256xf32>
    %mul3A_967 = vector.broadcast %get3A_966 : vector<1x256xf32> to vector<16x256xf32>
    %mul3A_968 = arith.mulf %mul3A_967, %get3A_6 : vector<16x256xf32>
    %exp3A_969 = math.exp %mul3A_968 : vector<16x256xf32>
    %get3A_970 = arith.constant 26 : index
    %get3A_971 = arith.constant 0 : index
    %get3A_972 = vector.load %arg2[%get3A_970, %get3A_971] : memref<40x256xf32, #tpu.memory_space<vmem>>, vector<1x256xf32>
    %mul3A_973 = arith.mulf %get3A_966, %get3A_972 : vector<1x256xf32>
    %get3A_974 = arith.constant 0 : index
    %get3A_975 = arith.constant 0 : index
    %get3A_976 = arith.constant 26 : index
    %get3A_977 = vector.load %arg3[%get3A_974, %get3A_975, %get3A_976] : memref<1x16x80xf32, #tpu.memory_space<vmem>>, vector<1x16x1xf32>
    %get3A_978 = vector.shape_cast %get3A_977 : vector<1x16x1xf32> to vector<16x1xf32>
    %get3A_979 = arith.constant 0 : index
    %get3A_980 = arith.constant 0 : index
    %get3A_981 = arith.constant 66 : index
    %get3A_982 = vector.load %arg3[%get3A_979, %get3A_980, %get3A_981] : memref<1x16x80xf32, #tpu.memory_space<vmem>>, vector<1x16x1xf32>
    %get3A_983 = vector.shape_cast %get3A_982 : vector<1x16x1xf32> to vector<16x1xf32>
    %get3A_984 = arith.constant 0 : index
    %get3A_985 = arith.constant 0 : index
    %get3A_986 = arith.constant 26 : index
    %get3A_987 = vector.load %arg4[%get3A_984, %get3A_985, %get3A_986] : memref<1x1x40xf32, #tpu.memory_space<vmem>>, vector<1x1x1xf32>
    %get3A_988 = vector.shape_cast %get3A_987 : vector<1x1x1xf32> to vector<1x1xf32>
    %mul3A_989 = vector.broadcast %get3A_988 : vector<1x1xf32> to vector<16x256xf32>
    %mul3A_990 = arith.mulf %add3A_958, %mul3A_989 : vector<16x256xf32>
    %mul3A_991 = arith.mulf %exp3A_969, %mul3A_990 : vector<16x256xf32>
    %mul3A_992 = vector.broadcast %mul3A_973 : vector<1x256xf32> to vector<16x256xf32>
    %mul3A_993 = vector.broadcast %get3A_978 : vector<16x1xf32> to vector<16x256xf32>
    %mul3A_994 = arith.mulf %mul3A_992, %mul3A_993 : vector<16x256xf32>
    %add3A_995 = arith.addf %mul3A_991, %mul3A_994 : vector<16x256xf32>
    %mul3A_996 = vector.broadcast %get3A_983 : vector<16x1xf32> to vector<16x256xf32>
    %mul3A_997 = arith.mulf %add3A_995, %mul3A_996 : vector<16x256xf32>
    %reduce_sum3A_998 = arith.constant dense<0.000000e+00> : vector<256xf32>
    %reduce_sum3A_999 = vector.multi_reduction <add>, %mul3A_997, %reduce_sum3A_998 [0] : vector<16x256xf32> to vector<256xf32>
    %broadcast_in_dim3A_1000 = vector.shape_cast %reduce_sum3A_999 : vector<256xf32> to vector<1x256xf32>
    %get3A_1001 = arith.constant 27 : index
    %get3A_1002 = arith.constant 0 : index
    %get3A_1003 = vector.load %arg1[%get3A_1001, %get3A_1002] : memref<40x256xf32, #tpu.memory_space<vmem>>, vector<1x256xf32>
    %mul3A_1004 = vector.broadcast %get3A_1003 : vector<1x256xf32> to vector<16x256xf32>
    %mul3A_1005 = arith.mulf %mul3A_1004, %get3A_6 : vector<16x256xf32>
    %exp3A_1006 = math.exp %mul3A_1005 : vector<16x256xf32>
    %get3A_1007 = arith.constant 27 : index
    %get3A_1008 = arith.constant 0 : index
    %get3A_1009 = vector.load %arg2[%get3A_1007, %get3A_1008] : memref<40x256xf32, #tpu.memory_space<vmem>>, vector<1x256xf32>
    %mul3A_1010 = arith.mulf %get3A_1003, %get3A_1009 : vector<1x256xf32>
    %get3A_1011 = arith.constant 0 : index
    %get3A_1012 = arith.constant 0 : index
    %get3A_1013 = arith.constant 27 : index
    %get3A_1014 = vector.load %arg3[%get3A_1011, %get3A_1012, %get3A_1013] : memref<1x16x80xf32, #tpu.memory_space<vmem>>, vector<1x16x1xf32>
    %get3A_1015 = vector.shape_cast %get3A_1014 : vector<1x16x1xf32> to vector<16x1xf32>
    %get3A_1016 = arith.constant 0 : index
    %get3A_1017 = arith.constant 0 : index
    %get3A_1018 = arith.constant 67 : index
    %get3A_1019 = vector.load %arg3[%get3A_1016, %get3A_1017, %get3A_1018] : memref<1x16x80xf32, #tpu.memory_space<vmem>>, vector<1x16x1xf32>
    %get3A_1020 = vector.shape_cast %get3A_1019 : vector<1x16x1xf32> to vector<16x1xf32>
    %get3A_1021 = arith.constant 0 : index
    %get3A_1022 = arith.constant 0 : index
    %get3A_1023 = arith.constant 27 : index
    %get3A_1024 = vector.load %arg4[%get3A_1021, %get3A_1022, %get3A_1023] : memref<1x1x40xf32, #tpu.memory_space<vmem>>, vector<1x1x1xf32>
    %get3A_1025 = vector.shape_cast %get3A_1024 : vector<1x1x1xf32> to vector<1x1xf32>
    %mul3A_1026 = vector.broadcast %get3A_1025 : vector<1x1xf32> to vector<16x256xf32>
    %mul3A_1027 = arith.mulf %add3A_995, %mul3A_1026 : vector<16x256xf32>
    %mul3A_1028 = arith.mulf %exp3A_1006, %mul3A_1027 : vector<16x256xf32>
    %mul3A_1029 = vector.broadcast %mul3A_1010 : vector<1x256xf32> to vector<16x256xf32>
    %mul3A_1030 = vector.broadcast %get3A_1015 : vector<16x1xf32> to vector<16x256xf32>
    %mul3A_1031 = arith.mulf %mul3A_1029, %mul3A_1030 : vector<16x256xf32>
    %add3A_1032 = arith.addf %mul3A_1028, %mul3A_1031 : vector<16x256xf32>
    %mul3A_1033 = vector.broadcast %get3A_1020 : vector<16x1xf32> to vector<16x256xf32>
    %mul3A_1034 = arith.mulf %add3A_1032, %mul3A_1033 : vector<16x256xf32>
    %reduce_sum3A_1035 = arith.constant dense<0.000000e+00> : vector<256xf32>
    %reduce_sum3A_1036 = vector.multi_reduction <add>, %mul3A_1034, %reduce_sum3A_1035 [0] : vector<16x256xf32> to vector<256xf32>
    %broadcast_in_dim3A_1037 = vector.shape_cast %reduce_sum3A_1036 : vector<256xf32> to vector<1x256xf32>
    %get3A_1038 = arith.constant 28 : index
    %get3A_1039 = arith.constant 0 : index
    %get3A_1040 = vector.load %arg1[%get3A_1038, %get3A_1039] : memref<40x256xf32, #tpu.memory_space<vmem>>, vector<1x256xf32>
    %mul3A_1041 = vector.broadcast %get3A_1040 : vector<1x256xf32> to vector<16x256xf32>
    %mul3A_1042 = arith.mulf %mul3A_1041, %get3A_6 : vector<16x256xf32>
    %exp3A_1043 = math.exp %mul3A_1042 : vector<16x256xf32>
    %get3A_1044 = arith.constant 28 : index
    %get3A_1045 = arith.constant 0 : index
    %get3A_1046 = vector.load %arg2[%get3A_1044, %get3A_1045] : memref<40x256xf32, #tpu.memory_space<vmem>>, vector<1x256xf32>
    %mul3A_1047 = arith.mulf %get3A_1040, %get3A_1046 : vector<1x256xf32>
    %get3A_1048 = arith.constant 0 : index
    %get3A_1049 = arith.constant 0 : index
    %get3A_1050 = arith.constant 28 : index
    %get3A_1051 = vector.load %arg3[%get3A_1048, %get3A_1049, %get3A_1050] : memref<1x16x80xf32, #tpu.memory_space<vmem>>, vector<1x16x1xf32>
    %get3A_1052 = vector.shape_cast %get3A_1051 : vector<1x16x1xf32> to vector<16x1xf32>
    %get3A_1053 = arith.constant 0 : index
    %get3A_1054 = arith.constant 0 : index
    %get3A_1055 = arith.constant 68 : index
    %get3A_1056 = vector.load %arg3[%get3A_1053, %get3A_1054, %get3A_1055] : memref<1x16x80xf32, #tpu.memory_space<vmem>>, vector<1x16x1xf32>
    %get3A_1057 = vector.shape_cast %get3A_1056 : vector<1x16x1xf32> to vector<16x1xf32>
    %get3A_1058 = arith.constant 0 : index
    %get3A_1059 = arith.constant 0 : index
    %get3A_1060 = arith.constant 28 : index
    %get3A_1061 = vector.load %arg4[%get3A_1058, %get3A_1059, %get3A_1060] : memref<1x1x40xf32, #tpu.memory_space<vmem>>, vector<1x1x1xf32>
    %get3A_1062 = vector.shape_cast %get3A_1061 : vector<1x1x1xf32> to vector<1x1xf32>
    %mul3A_1063 = vector.broadcast %get3A_1062 : vector<1x1xf32> to vector<16x256xf32>
    %mul3A_1064 = arith.mulf %add3A_1032, %mul3A_1063 : vector<16x256xf32>
    %mul3A_1065 = arith.mulf %exp3A_1043, %mul3A_1064 : vector<16x256xf32>
    %mul3A_1066 = vector.broadcast %mul3A_1047 : vector<1x256xf32> to vector<16x256xf32>
    %mul3A_1067 = vector.broadcast %get3A_1052 : vector<16x1xf32> to vector<16x256xf32>
    %mul3A_1068 = arith.mulf %mul3A_1066, %mul3A_1067 : vector<16x256xf32>
    %add3A_1069 = arith.addf %mul3A_1065, %mul3A_1068 : vector<16x256xf32>
    %mul3A_1070 = vector.broadcast %get3A_1057 : vector<16x1xf32> to vector<16x256xf32>
    %mul3A_1071 = arith.mulf %add3A_1069, %mul3A_1070 : vector<16x256xf32>
    %reduce_sum3A_1072 = arith.constant dense<0.000000e+00> : vector<256xf32>
    %reduce_sum3A_1073 = vector.multi_reduction <add>, %mul3A_1071, %reduce_sum3A_1072 [0] : vector<16x256xf32> to vector<256xf32>
    %broadcast_in_dim3A_1074 = vector.shape_cast %reduce_sum3A_1073 : vector<256xf32> to vector<1x256xf32>
    %get3A_1075 = arith.constant 29 : index
    %get3A_1076 = arith.constant 0 : index
    %get3A_1077 = vector.load %arg1[%get3A_1075, %get3A_1076] : memref<40x256xf32, #tpu.memory_space<vmem>>, vector<1x256xf32>
    %mul3A_1078 = vector.broadcast %get3A_1077 : vector<1x256xf32> to vector<16x256xf32>
    %mul3A_1079 = arith.mulf %mul3A_1078, %get3A_6 : vector<16x256xf32>
    %exp3A_1080 = math.exp %mul3A_1079 : vector<16x256xf32>
    %get3A_1081 = arith.constant 29 : index
    %get3A_1082 = arith.constant 0 : index
    %get3A_1083 = vector.load %arg2[%get3A_1081, %get3A_1082] : memref<40x256xf32, #tpu.memory_space<vmem>>, vector<1x256xf32>
    %mul3A_1084 = arith.mulf %get3A_1077, %get3A_1083 : vector<1x256xf32>
    %get3A_1085 = arith.constant 0 : index
    %get3A_1086 = arith.constant 0 : index
    %get3A_1087 = arith.constant 29 : index
    %get3A_1088 = vector.load %arg3[%get3A_1085, %get3A_1086, %get3A_1087] : memref<1x16x80xf32, #tpu.memory_space<vmem>>, vector<1x16x1xf32>
    %get3A_1089 = vector.shape_cast %get3A_1088 : vector<1x16x1xf32> to vector<16x1xf32>
    %get3A_1090 = arith.constant 0 : index
    %get3A_1091 = arith.constant 0 : index
    %get3A_1092 = arith.constant 69 : index
    %get3A_1093 = vector.load %arg3[%get3A_1090, %get3A_1091, %get3A_1092] : memref<1x16x80xf32, #tpu.memory_space<vmem>>, vector<1x16x1xf32>
    %get3A_1094 = vector.shape_cast %get3A_1093 : vector<1x16x1xf32> to vector<16x1xf32>
    %get3A_1095 = arith.constant 0 : index
    %get3A_1096 = arith.constant 0 : index
    %get3A_1097 = arith.constant 29 : index
    %get3A_1098 = vector.load %arg4[%get3A_1095, %get3A_1096, %get3A_1097] : memref<1x1x40xf32, #tpu.memory_space<vmem>>, vector<1x1x1xf32>
    %get3A_1099 = vector.shape_cast %get3A_1098 : vector<1x1x1xf32> to vector<1x1xf32>
    %mul3A_1100 = vector.broadcast %get3A_1099 : vector<1x1xf32> to vector<16x256xf32>
    %mul3A_1101 = arith.mulf %add3A_1069, %mul3A_1100 : vector<16x256xf32>
    %mul3A_1102 = arith.mulf %exp3A_1080, %mul3A_1101 : vector<16x256xf32>
    %mul3A_1103 = vector.broadcast %mul3A_1084 : vector<1x256xf32> to vector<16x256xf32>
    %mul3A_1104 = vector.broadcast %get3A_1089 : vector<16x1xf32> to vector<16x256xf32>
    %mul3A_1105 = arith.mulf %mul3A_1103, %mul3A_1104 : vector<16x256xf32>
    %add3A_1106 = arith.addf %mul3A_1102, %mul3A_1105 : vector<16x256xf32>
    %mul3A_1107 = vector.broadcast %get3A_1094 : vector<16x1xf32> to vector<16x256xf32>
    %mul3A_1108 = arith.mulf %add3A_1106, %mul3A_1107 : vector<16x256xf32>
    %reduce_sum3A_1109 = arith.constant dense<0.000000e+00> : vector<256xf32>
    %reduce_sum3A_1110 = vector.multi_reduction <add>, %mul3A_1108, %reduce_sum3A_1109 [0] : vector<16x256xf32> to vector<256xf32>
    %broadcast_in_dim3A_1111 = vector.shape_cast %reduce_sum3A_1110 : vector<256xf32> to vector<1x256xf32>
    %get3A_1112 = arith.constant 30 : index
    %get3A_1113 = arith.constant 0 : index
    %get3A_1114 = vector.load %arg1[%get3A_1112, %get3A_1113] : memref<40x256xf32, #tpu.memory_space<vmem>>, vector<1x256xf32>
    %mul3A_1115 = vector.broadcast %get3A_1114 : vector<1x256xf32> to vector<16x256xf32>
    %mul3A_1116 = arith.mulf %mul3A_1115, %get3A_6 : vector<16x256xf32>
    %exp3A_1117 = math.exp %mul3A_1116 : vector<16x256xf32>
    %get3A_1118 = arith.constant 30 : index
    %get3A_1119 = arith.constant 0 : index
    %get3A_1120 = vector.load %arg2[%get3A_1118, %get3A_1119] : memref<40x256xf32, #tpu.memory_space<vmem>>, vector<1x256xf32>
    %mul3A_1121 = arith.mulf %get3A_1114, %get3A_1120 : vector<1x256xf32>
    %get3A_1122 = arith.constant 0 : index
    %get3A_1123 = arith.constant 0 : index
    %get3A_1124 = arith.constant 30 : index
    %get3A_1125 = vector.load %arg3[%get3A_1122, %get3A_1123, %get3A_1124] : memref<1x16x80xf32, #tpu.memory_space<vmem>>, vector<1x16x1xf32>
    %get3A_1126 = vector.shape_cast %get3A_1125 : vector<1x16x1xf32> to vector<16x1xf32>
    %get3A_1127 = arith.constant 0 : index
    %get3A_1128 = arith.constant 0 : index
    %get3A_1129 = arith.constant 70 : index
    %get3A_1130 = vector.load %arg3[%get3A_1127, %get3A_1128, %get3A_1129] : memref<1x16x80xf32, #tpu.memory_space<vmem>>, vector<1x16x1xf32>
    %get3A_1131 = vector.shape_cast %get3A_1130 : vector<1x16x1xf32> to vector<16x1xf32>
    %get3A_1132 = arith.constant 0 : index
    %get3A_1133 = arith.constant 0 : index
    %get3A_1134 = arith.constant 30 : index
    %get3A_1135 = vector.load %arg4[%get3A_1132, %get3A_1133, %get3A_1134] : memref<1x1x40xf32, #tpu.memory_space<vmem>>, vector<1x1x1xf32>
    %get3A_1136 = vector.shape_cast %get3A_1135 : vector<1x1x1xf32> to vector<1x1xf32>
    %mul3A_1137 = vector.broadcast %get3A_1136 : vector<1x1xf32> to vector<16x256xf32>
    %mul3A_1138 = arith.mulf %add3A_1106, %mul3A_1137 : vector<16x256xf32>
    %mul3A_1139 = arith.mulf %exp3A_1117, %mul3A_1138 : vector<16x256xf32>
    %mul3A_1140 = vector.broadcast %mul3A_1121 : vector<1x256xf32> to vector<16x256xf32>
    %mul3A_1141 = vector.broadcast %get3A_1126 : vector<16x1xf32> to vector<16x256xf32>
    %mul3A_1142 = arith.mulf %mul3A_1140, %mul3A_1141 : vector<16x256xf32>
    %add3A_1143 = arith.addf %mul3A_1139, %mul3A_1142 : vector<16x256xf32>
    %mul3A_1144 = vector.broadcast %get3A_1131 : vector<16x1xf32> to vector<16x256xf32>
    %mul3A_1145 = arith.mulf %add3A_1143, %mul3A_1144 : vector<16x256xf32>
    %reduce_sum3A_1146 = arith.constant dense<0.000000e+00> : vector<256xf32>
    %reduce_sum3A_1147 = vector.multi_reduction <add>, %mul3A_1145, %reduce_sum3A_1146 [0] : vector<16x256xf32> to vector<256xf32>
    %broadcast_in_dim3A_1148 = vector.shape_cast %reduce_sum3A_1147 : vector<256xf32> to vector<1x256xf32>
    %get3A_1149 = arith.constant 31 : index
    %get3A_1150 = arith.constant 0 : index
    %get3A_1151 = vector.load %arg1[%get3A_1149, %get3A_1150] : memref<40x256xf32, #tpu.memory_space<vmem>>, vector<1x256xf32>
    %mul3A_1152 = vector.broadcast %get3A_1151 : vector<1x256xf32> to vector<16x256xf32>
    %mul3A_1153 = arith.mulf %mul3A_1152, %get3A_6 : vector<16x256xf32>
    %exp3A_1154 = math.exp %mul3A_1153 : vector<16x256xf32>
    %get3A_1155 = arith.constant 31 : index
    %get3A_1156 = arith.constant 0 : index
    %get3A_1157 = vector.load %arg2[%get3A_1155, %get3A_1156] : memref<40x256xf32, #tpu.memory_space<vmem>>, vector<1x256xf32>
    %mul3A_1158 = arith.mulf %get3A_1151, %get3A_1157 : vector<1x256xf32>
    %get3A_1159 = arith.constant 0 : index
    %get3A_1160 = arith.constant 0 : index
    %get3A_1161 = arith.constant 31 : index
    %get3A_1162 = vector.load %arg3[%get3A_1159, %get3A_1160, %get3A_1161] : memref<1x16x80xf32, #tpu.memory_space<vmem>>, vector<1x16x1xf32>
    %get3A_1163 = vector.shape_cast %get3A_1162 : vector<1x16x1xf32> to vector<16x1xf32>
    %get3A_1164 = arith.constant 0 : index
    %get3A_1165 = arith.constant 0 : index
    %get3A_1166 = arith.constant 71 : index
    %get3A_1167 = vector.load %arg3[%get3A_1164, %get3A_1165, %get3A_1166] : memref<1x16x80xf32, #tpu.memory_space<vmem>>, vector<1x16x1xf32>
    %get3A_1168 = vector.shape_cast %get3A_1167 : vector<1x16x1xf32> to vector<16x1xf32>
    %get3A_1169 = arith.constant 0 : index
    %get3A_1170 = arith.constant 0 : index
    %get3A_1171 = arith.constant 31 : index
    %get3A_1172 = vector.load %arg4[%get3A_1169, %get3A_1170, %get3A_1171] : memref<1x1x40xf32, #tpu.memory_space<vmem>>, vector<1x1x1xf32>
    %get3A_1173 = vector.shape_cast %get3A_1172 : vector<1x1x1xf32> to vector<1x1xf32>
    %mul3A_1174 = vector.broadcast %get3A_1173 : vector<1x1xf32> to vector<16x256xf32>
    %mul3A_1175 = arith.mulf %add3A_1143, %mul3A_1174 : vector<16x256xf32>
    %mul3A_1176 = arith.mulf %exp3A_1154, %mul3A_1175 : vector<16x256xf32>
    %mul3A_1177 = vector.broadcast %mul3A_1158 : vector<1x256xf32> to vector<16x256xf32>
    %mul3A_1178 = vector.broadcast %get3A_1163 : vector<16x1xf32> to vector<16x256xf32>
    %mul3A_1179 = arith.mulf %mul3A_1177, %mul3A_1178 : vector<16x256xf32>
    %add3A_1180 = arith.addf %mul3A_1176, %mul3A_1179 : vector<16x256xf32>
    %mul3A_1181 = vector.broadcast %get3A_1168 : vector<16x1xf32> to vector<16x256xf32>
    %mul3A_1182 = arith.mulf %add3A_1180, %mul3A_1181 : vector<16x256xf32>
    %reduce_sum3A_1183 = arith.constant dense<0.000000e+00> : vector<256xf32>
    %reduce_sum3A_1184 = vector.multi_reduction <add>, %mul3A_1182, %reduce_sum3A_1183 [0] : vector<16x256xf32> to vector<256xf32>
    %broadcast_in_dim3A_1185 = vector.shape_cast %reduce_sum3A_1184 : vector<256xf32> to vector<1x256xf32>
    %get3A_1186 = arith.constant 32 : index
    %get3A_1187 = arith.constant 0 : index
    %get3A_1188 = vector.load %arg1[%get3A_1186, %get3A_1187] : memref<40x256xf32, #tpu.memory_space<vmem>>, vector<1x256xf32>
    %mul3A_1189 = vector.broadcast %get3A_1188 : vector<1x256xf32> to vector<16x256xf32>
    %mul3A_1190 = arith.mulf %mul3A_1189, %get3A_6 : vector<16x256xf32>
    %exp3A_1191 = math.exp %mul3A_1190 : vector<16x256xf32>
    %get3A_1192 = arith.constant 32 : index
    %get3A_1193 = arith.constant 0 : index
    %get3A_1194 = vector.load %arg2[%get3A_1192, %get3A_1193] : memref<40x256xf32, #tpu.memory_space<vmem>>, vector<1x256xf32>
    %mul3A_1195 = arith.mulf %get3A_1188, %get3A_1194 : vector<1x256xf32>
    %get3A_1196 = arith.constant 0 : index
    %get3A_1197 = arith.constant 0 : index
    %get3A_1198 = arith.constant 32 : index
    %get3A_1199 = vector.load %arg3[%get3A_1196, %get3A_1197, %get3A_1198] : memref<1x16x80xf32, #tpu.memory_space<vmem>>, vector<1x16x1xf32>
    %get3A_1200 = vector.shape_cast %get3A_1199 : vector<1x16x1xf32> to vector<16x1xf32>
    %get3A_1201 = arith.constant 0 : index
    %get3A_1202 = arith.constant 0 : index
    %get3A_1203 = arith.constant 72 : index
    %get3A_1204 = vector.load %arg3[%get3A_1201, %get3A_1202, %get3A_1203] : memref<1x16x80xf32, #tpu.memory_space<vmem>>, vector<1x16x1xf32>
    %get3A_1205 = vector.shape_cast %get3A_1204 : vector<1x16x1xf32> to vector<16x1xf32>
    %get3A_1206 = arith.constant 0 : index
    %get3A_1207 = arith.constant 0 : index
    %get3A_1208 = arith.constant 32 : index
    %get3A_1209 = vector.load %arg4[%get3A_1206, %get3A_1207, %get3A_1208] : memref<1x1x40xf32, #tpu.memory_space<vmem>>, vector<1x1x1xf32>
    %get3A_1210 = vector.shape_cast %get3A_1209 : vector<1x1x1xf32> to vector<1x1xf32>
    %mul3A_1211 = vector.broadcast %get3A_1210 : vector<1x1xf32> to vector<16x256xf32>
    %mul3A_1212 = arith.mulf %add3A_1180, %mul3A_1211 : vector<16x256xf32>
    %mul3A_1213 = arith.mulf %exp3A_1191, %mul3A_1212 : vector<16x256xf32>
    %mul3A_1214 = vector.broadcast %mul3A_1195 : vector<1x256xf32> to vector<16x256xf32>
    %mul3A_1215 = vector.broadcast %get3A_1200 : vector<16x1xf32> to vector<16x256xf32>
    %mul3A_1216 = arith.mulf %mul3A_1214, %mul3A_1215 : vector<16x256xf32>
    %add3A_1217 = arith.addf %mul3A_1213, %mul3A_1216 : vector<16x256xf32>
    %mul3A_1218 = vector.broadcast %get3A_1205 : vector<16x1xf32> to vector<16x256xf32>
    %mul3A_1219 = arith.mulf %add3A_1217, %mul3A_1218 : vector<16x256xf32>
    %reduce_sum3A_1220 = arith.constant dense<0.000000e+00> : vector<256xf32>
    %reduce_sum3A_1221 = vector.multi_reduction <add>, %mul3A_1219, %reduce_sum3A_1220 [0] : vector<16x256xf32> to vector<256xf32>
    %broadcast_in_dim3A_1222 = vector.shape_cast %reduce_sum3A_1221 : vector<256xf32> to vector<1x256xf32>
    %get3A_1223 = arith.constant 33 : index
    %get3A_1224 = arith.constant 0 : index
    %get3A_1225 = vector.load %arg1[%get3A_1223, %get3A_1224] : memref<40x256xf32, #tpu.memory_space<vmem>>, vector<1x256xf32>
    %mul3A_1226 = vector.broadcast %get3A_1225 : vector<1x256xf32> to vector<16x256xf32>
    %mul3A_1227 = arith.mulf %mul3A_1226, %get3A_6 : vector<16x256xf32>
    %exp3A_1228 = math.exp %mul3A_1227 : vector<16x256xf32>
    %get3A_1229 = arith.constant 33 : index
    %get3A_1230 = arith.constant 0 : index
    %get3A_1231 = vector.load %arg2[%get3A_1229, %get3A_1230] : memref<40x256xf32, #tpu.memory_space<vmem>>, vector<1x256xf32>
    %mul3A_1232 = arith.mulf %get3A_1225, %get3A_1231 : vector<1x256xf32>
    %get3A_1233 = arith.constant 0 : index
    %get3A_1234 = arith.constant 0 : index
    %get3A_1235 = arith.constant 33 : index
    %get3A_1236 = vector.load %arg3[%get3A_1233, %get3A_1234, %get3A_1235] : memref<1x16x80xf32, #tpu.memory_space<vmem>>, vector<1x16x1xf32>
    %get3A_1237 = vector.shape_cast %get3A_1236 : vector<1x16x1xf32> to vector<16x1xf32>
    %get3A_1238 = arith.constant 0 : index
    %get3A_1239 = arith.constant 0 : index
    %get3A_1240 = arith.constant 73 : index
    %get3A_1241 = vector.load %arg3[%get3A_1238, %get3A_1239, %get3A_1240] : memref<1x16x80xf32, #tpu.memory_space<vmem>>, vector<1x16x1xf32>
    %get3A_1242 = vector.shape_cast %get3A_1241 : vector<1x16x1xf32> to vector<16x1xf32>
    %get3A_1243 = arith.constant 0 : index
    %get3A_1244 = arith.constant 0 : index
    %get3A_1245 = arith.constant 33 : index
    %get3A_1246 = vector.load %arg4[%get3A_1243, %get3A_1244, %get3A_1245] : memref<1x1x40xf32, #tpu.memory_space<vmem>>, vector<1x1x1xf32>
    %get3A_1247 = vector.shape_cast %get3A_1246 : vector<1x1x1xf32> to vector<1x1xf32>
    %mul3A_1248 = vector.broadcast %get3A_1247 : vector<1x1xf32> to vector<16x256xf32>
    %mul3A_1249 = arith.mulf %add3A_1217, %mul3A_1248 : vector<16x256xf32>
    %mul3A_1250 = arith.mulf %exp3A_1228, %mul3A_1249 : vector<16x256xf32>
    %mul3A_1251 = vector.broadcast %mul3A_1232 : vector<1x256xf32> to vector<16x256xf32>
    %mul3A_1252 = vector.broadcast %get3A_1237 : vector<16x1xf32> to vector<16x256xf32>
    %mul3A_1253 = arith.mulf %mul3A_1251, %mul3A_1252 : vector<16x256xf32>
    %add3A_1254 = arith.addf %mul3A_1250, %mul3A_1253 : vector<16x256xf32>
    %mul3A_1255 = vector.broadcast %get3A_1242 : vector<16x1xf32> to vector<16x256xf32>
    %mul3A_1256 = arith.mulf %add3A_1254, %mul3A_1255 : vector<16x256xf32>
    %reduce_sum3A_1257 = arith.constant dense<0.000000e+00> : vector<256xf32>
    %reduce_sum3A_1258 = vector.multi_reduction <add>, %mul3A_1256, %reduce_sum3A_1257 [0] : vector<16x256xf32> to vector<256xf32>
    %broadcast_in_dim3A_1259 = vector.shape_cast %reduce_sum3A_1258 : vector<256xf32> to vector<1x256xf32>
    %get3A_1260 = arith.constant 34 : index
    %get3A_1261 = arith.constant 0 : index
    %get3A_1262 = vector.load %arg1[%get3A_1260, %get3A_1261] : memref<40x256xf32, #tpu.memory_space<vmem>>, vector<1x256xf32>
    %mul3A_1263 = vector.broadcast %get3A_1262 : vector<1x256xf32> to vector<16x256xf32>
    %mul3A_1264 = arith.mulf %mul3A_1263, %get3A_6 : vector<16x256xf32>
    %exp3A_1265 = math.exp %mul3A_1264 : vector<16x256xf32>
    %get3A_1266 = arith.constant 34 : index
    %get3A_1267 = arith.constant 0 : index
    %get3A_1268 = vector.load %arg2[%get3A_1266, %get3A_1267] : memref<40x256xf32, #tpu.memory_space<vmem>>, vector<1x256xf32>
    %mul3A_1269 = arith.mulf %get3A_1262, %get3A_1268 : vector<1x256xf32>
    %get3A_1270 = arith.constant 0 : index
    %get3A_1271 = arith.constant 0 : index
    %get3A_1272 = arith.constant 34 : index
    %get3A_1273 = vector.load %arg3[%get3A_1270, %get3A_1271, %get3A_1272] : memref<1x16x80xf32, #tpu.memory_space<vmem>>, vector<1x16x1xf32>
    %get3A_1274 = vector.shape_cast %get3A_1273 : vector<1x16x1xf32> to vector<16x1xf32>
    %get3A_1275 = arith.constant 0 : index
    %get3A_1276 = arith.constant 0 : index
    %get3A_1277 = arith.constant 74 : index
    %get3A_1278 = vector.load %arg3[%get3A_1275, %get3A_1276, %get3A_1277] : memref<1x16x80xf32, #tpu.memory_space<vmem>>, vector<1x16x1xf32>
    %get3A_1279 = vector.shape_cast %get3A_1278 : vector<1x16x1xf32> to vector<16x1xf32>
    %get3A_1280 = arith.constant 0 : index
    %get3A_1281 = arith.constant 0 : index
    %get3A_1282 = arith.constant 34 : index
    %get3A_1283 = vector.load %arg4[%get3A_1280, %get3A_1281, %get3A_1282] : memref<1x1x40xf32, #tpu.memory_space<vmem>>, vector<1x1x1xf32>
    %get3A_1284 = vector.shape_cast %get3A_1283 : vector<1x1x1xf32> to vector<1x1xf32>
    %mul3A_1285 = vector.broadcast %get3A_1284 : vector<1x1xf32> to vector<16x256xf32>
    %mul3A_1286 = arith.mulf %add3A_1254, %mul3A_1285 : vector<16x256xf32>
    %mul3A_1287 = arith.mulf %exp3A_1265, %mul3A_1286 : vector<16x256xf32>
    %mul3A_1288 = vector.broadcast %mul3A_1269 : vector<1x256xf32> to vector<16x256xf32>
    %mul3A_1289 = vector.broadcast %get3A_1274 : vector<16x1xf32> to vector<16x256xf32>
    %mul3A_1290 = arith.mulf %mul3A_1288, %mul3A_1289 : vector<16x256xf32>
    %add3A_1291 = arith.addf %mul3A_1287, %mul3A_1290 : vector<16x256xf32>
    %mul3A_1292 = vector.broadcast %get3A_1279 : vector<16x1xf32> to vector<16x256xf32>
    %mul3A_1293 = arith.mulf %add3A_1291, %mul3A_1292 : vector<16x256xf32>
    %reduce_sum3A_1294 = arith.constant dense<0.000000e+00> : vector<256xf32>
    %reduce_sum3A_1295 = vector.multi_reduction <add>, %mul3A_1293, %reduce_sum3A_1294 [0] : vector<16x256xf32> to vector<256xf32>
    %broadcast_in_dim3A_1296 = vector.shape_cast %reduce_sum3A_1295 : vector<256xf32> to vector<1x256xf32>
    %get3A_1297 = arith.constant 35 : index
    %get3A_1298 = arith.constant 0 : index
    %get3A_1299 = vector.load %arg1[%get3A_1297, %get3A_1298] : memref<40x256xf32, #tpu.memory_space<vmem>>, vector<1x256xf32>
    %mul3A_1300 = vector.broadcast %get3A_1299 : vector<1x256xf32> to vector<16x256xf32>
    %mul3A_1301 = arith.mulf %mul3A_1300, %get3A_6 : vector<16x256xf32>
    %exp3A_1302 = math.exp %mul3A_1301 : vector<16x256xf32>
    %get3A_1303 = arith.constant 35 : index
    %get3A_1304 = arith.constant 0 : index
    %get3A_1305 = vector.load %arg2[%get3A_1303, %get3A_1304] : memref<40x256xf32, #tpu.memory_space<vmem>>, vector<1x256xf32>
    %mul3A_1306 = arith.mulf %get3A_1299, %get3A_1305 : vector<1x256xf32>
    %get3A_1307 = arith.constant 0 : index
    %get3A_1308 = arith.constant 0 : index
    %get3A_1309 = arith.constant 35 : index
    %get3A_1310 = vector.load %arg3[%get3A_1307, %get3A_1308, %get3A_1309] : memref<1x16x80xf32, #tpu.memory_space<vmem>>, vector<1x16x1xf32>
    %get3A_1311 = vector.shape_cast %get3A_1310 : vector<1x16x1xf32> to vector<16x1xf32>
    %get3A_1312 = arith.constant 0 : index
    %get3A_1313 = arith.constant 0 : index
    %get3A_1314 = arith.constant 75 : index
    %get3A_1315 = vector.load %arg3[%get3A_1312, %get3A_1313, %get3A_1314] : memref<1x16x80xf32, #tpu.memory_space<vmem>>, vector<1x16x1xf32>
    %get3A_1316 = vector.shape_cast %get3A_1315 : vector<1x16x1xf32> to vector<16x1xf32>
    %get3A_1317 = arith.constant 0 : index
    %get3A_1318 = arith.constant 0 : index
    %get3A_1319 = arith.constant 35 : index
    %get3A_1320 = vector.load %arg4[%get3A_1317, %get3A_1318, %get3A_1319] : memref<1x1x40xf32, #tpu.memory_space<vmem>>, vector<1x1x1xf32>
    %get3A_1321 = vector.shape_cast %get3A_1320 : vector<1x1x1xf32> to vector<1x1xf32>
    %mul3A_1322 = vector.broadcast %get3A_1321 : vector<1x1xf32> to vector<16x256xf32>
    %mul3A_1323 = arith.mulf %add3A_1291, %mul3A_1322 : vector<16x256xf32>
    %mul3A_1324 = arith.mulf %exp3A_1302, %mul3A_1323 : vector<16x256xf32>
    %mul3A_1325 = vector.broadcast %mul3A_1306 : vector<1x256xf32> to vector<16x256xf32>
    %mul3A_1326 = vector.broadcast %get3A_1311 : vector<16x1xf32> to vector<16x256xf32>
    %mul3A_1327 = arith.mulf %mul3A_1325, %mul3A_1326 : vector<16x256xf32>
    %add3A_1328 = arith.addf %mul3A_1324, %mul3A_1327 : vector<16x256xf32>
    %mul3A_1329 = vector.broadcast %get3A_1316 : vector<16x1xf32> to vector<16x256xf32>
    %mul3A_1330 = arith.mulf %add3A_1328, %mul3A_1329 : vector<16x256xf32>
    %reduce_sum3A_1331 = arith.constant dense<0.000000e+00> : vector<256xf32>
    %reduce_sum3A_1332 = vector.multi_reduction <add>, %mul3A_1330, %reduce_sum3A_1331 [0] : vector<16x256xf32> to vector<256xf32>
    %broadcast_in_dim3A_1333 = vector.shape_cast %reduce_sum3A_1332 : vector<256xf32> to vector<1x256xf32>
    %get3A_1334 = arith.constant 36 : index
    %get3A_1335 = arith.constant 0 : index
    %get3A_1336 = vector.load %arg1[%get3A_1334, %get3A_1335] : memref<40x256xf32, #tpu.memory_space<vmem>>, vector<1x256xf32>
    %mul3A_1337 = vector.broadcast %get3A_1336 : vector<1x256xf32> to vector<16x256xf32>
    %mul3A_1338 = arith.mulf %mul3A_1337, %get3A_6 : vector<16x256xf32>
    %exp3A_1339 = math.exp %mul3A_1338 : vector<16x256xf32>
    %get3A_1340 = arith.constant 36 : index
    %get3A_1341 = arith.constant 0 : index
    %get3A_1342 = vector.load %arg2[%get3A_1340, %get3A_1341] : memref<40x256xf32, #tpu.memory_space<vmem>>, vector<1x256xf32>
    %mul3A_1343 = arith.mulf %get3A_1336, %get3A_1342 : vector<1x256xf32>
    %get3A_1344 = arith.constant 0 : index
    %get3A_1345 = arith.constant 0 : index
    %get3A_1346 = arith.constant 36 : index
    %get3A_1347 = vector.load %arg3[%get3A_1344, %get3A_1345, %get3A_1346] : memref<1x16x80xf32, #tpu.memory_space<vmem>>, vector<1x16x1xf32>
    %get3A_1348 = vector.shape_cast %get3A_1347 : vector<1x16x1xf32> to vector<16x1xf32>
    %get3A_1349 = arith.constant 0 : index
    %get3A_1350 = arith.constant 0 : index
    %get3A_1351 = arith.constant 76 : index
    %get3A_1352 = vector.load %arg3[%get3A_1349, %get3A_1350, %get3A_1351] : memref<1x16x80xf32, #tpu.memory_space<vmem>>, vector<1x16x1xf32>
    %get3A_1353 = vector.shape_cast %get3A_1352 : vector<1x16x1xf32> to vector<16x1xf32>
    %get3A_1354 = arith.constant 0 : index
    %get3A_1355 = arith.constant 0 : index
    %get3A_1356 = arith.constant 36 : index
    %get3A_1357 = vector.load %arg4[%get3A_1354, %get3A_1355, %get3A_1356] : memref<1x1x40xf32, #tpu.memory_space<vmem>>, vector<1x1x1xf32>
    %get3A_1358 = vector.shape_cast %get3A_1357 : vector<1x1x1xf32> to vector<1x1xf32>
    %mul3A_1359 = vector.broadcast %get3A_1358 : vector<1x1xf32> to vector<16x256xf32>
    %mul3A_1360 = arith.mulf %add3A_1328, %mul3A_1359 : vector<16x256xf32>
    %mul3A_1361 = arith.mulf %exp3A_1339, %mul3A_1360 : vector<16x256xf32>
    %mul3A_1362 = vector.broadcast %mul3A_1343 : vector<1x256xf32> to vector<16x256xf32>
    %mul3A_1363 = vector.broadcast %get3A_1348 : vector<16x1xf32> to vector<16x256xf32>
    %mul3A_1364 = arith.mulf %mul3A_1362, %mul3A_1363 : vector<16x256xf32>
    %add3A_1365 = arith.addf %mul3A_1361, %mul3A_1364 : vector<16x256xf32>
    %mul3A_1366 = vector.broadcast %get3A_1353 : vector<16x1xf32> to vector<16x256xf32>
    %mul3A_1367 = arith.mulf %add3A_1365, %mul3A_1366 : vector<16x256xf32>
    %reduce_sum3A_1368 = arith.constant dense<0.000000e+00> : vector<256xf32>
    %reduce_sum3A_1369 = vector.multi_reduction <add>, %mul3A_1367, %reduce_sum3A_1368 [0] : vector<16x256xf32> to vector<256xf32>
    %broadcast_in_dim3A_1370 = vector.shape_cast %reduce_sum3A_1369 : vector<256xf32> to vector<1x256xf32>
    %get3A_1371 = arith.constant 37 : index
    %get3A_1372 = arith.constant 0 : index
    %get3A_1373 = vector.load %arg1[%get3A_1371, %get3A_1372] : memref<40x256xf32, #tpu.memory_space<vmem>>, vector<1x256xf32>
    %mul3A_1374 = vector.broadcast %get3A_1373 : vector<1x256xf32> to vector<16x256xf32>
    %mul3A_1375 = arith.mulf %mul3A_1374, %get3A_6 : vector<16x256xf32>
    %exp3A_1376 = math.exp %mul3A_1375 : vector<16x256xf32>
    %get3A_1377 = arith.constant 37 : index
    %get3A_1378 = arith.constant 0 : index
    %get3A_1379 = vector.load %arg2[%get3A_1377, %get3A_1378] : memref<40x256xf32, #tpu.memory_space<vmem>>, vector<1x256xf32>
    %mul3A_1380 = arith.mulf %get3A_1373, %get3A_1379 : vector<1x256xf32>
    %get3A_1381 = arith.constant 0 : index
    %get3A_1382 = arith.constant 0 : index
    %get3A_1383 = arith.constant 37 : index
    %get3A_1384 = vector.load %arg3[%get3A_1381, %get3A_1382, %get3A_1383] : memref<1x16x80xf32, #tpu.memory_space<vmem>>, vector<1x16x1xf32>
    %get3A_1385 = vector.shape_cast %get3A_1384 : vector<1x16x1xf32> to vector<16x1xf32>
    %get3A_1386 = arith.constant 0 : index
    %get3A_1387 = arith.constant 0 : index
    %get3A_1388 = arith.constant 77 : index
    %get3A_1389 = vector.load %arg3[%get3A_1386, %get3A_1387, %get3A_1388] : memref<1x16x80xf32, #tpu.memory_space<vmem>>, vector<1x16x1xf32>
    %get3A_1390 = vector.shape_cast %get3A_1389 : vector<1x16x1xf32> to vector<16x1xf32>
    %get3A_1391 = arith.constant 0 : index
    %get3A_1392 = arith.constant 0 : index
    %get3A_1393 = arith.constant 37 : index
    %get3A_1394 = vector.load %arg4[%get3A_1391, %get3A_1392, %get3A_1393] : memref<1x1x40xf32, #tpu.memory_space<vmem>>, vector<1x1x1xf32>
    %get3A_1395 = vector.shape_cast %get3A_1394 : vector<1x1x1xf32> to vector<1x1xf32>
    %mul3A_1396 = vector.broadcast %get3A_1395 : vector<1x1xf32> to vector<16x256xf32>
    %mul3A_1397 = arith.mulf %add3A_1365, %mul3A_1396 : vector<16x256xf32>
    %mul3A_1398 = arith.mulf %exp3A_1376, %mul3A_1397 : vector<16x256xf32>
    %mul3A_1399 = vector.broadcast %mul3A_1380 : vector<1x256xf32> to vector<16x256xf32>
    %mul3A_1400 = vector.broadcast %get3A_1385 : vector<16x1xf32> to vector<16x256xf32>
    %mul3A_1401 = arith.mulf %mul3A_1399, %mul3A_1400 : vector<16x256xf32>
    %add3A_1402 = arith.addf %mul3A_1398, %mul3A_1401 : vector<16x256xf32>
    %mul3A_1403 = vector.broadcast %get3A_1390 : vector<16x1xf32> to vector<16x256xf32>
    %mul3A_1404 = arith.mulf %add3A_1402, %mul3A_1403 : vector<16x256xf32>
    %reduce_sum3A_1405 = arith.constant dense<0.000000e+00> : vector<256xf32>
    %reduce_sum3A_1406 = vector.multi_reduction <add>, %mul3A_1404, %reduce_sum3A_1405 [0] : vector<16x256xf32> to vector<256xf32>
    %broadcast_in_dim3A_1407 = vector.shape_cast %reduce_sum3A_1406 : vector<256xf32> to vector<1x256xf32>
    %get3A_1408 = arith.constant 38 : index
    %get3A_1409 = arith.constant 0 : index
    %get3A_1410 = vector.load %arg1[%get3A_1408, %get3A_1409] : memref<40x256xf32, #tpu.memory_space<vmem>>, vector<1x256xf32>
    %mul3A_1411 = vector.broadcast %get3A_1410 : vector<1x256xf32> to vector<16x256xf32>
    %mul3A_1412 = arith.mulf %mul3A_1411, %get3A_6 : vector<16x256xf32>
    %exp3A_1413 = math.exp %mul3A_1412 : vector<16x256xf32>
    %get3A_1414 = arith.constant 38 : index
    %get3A_1415 = arith.constant 0 : index
    %get3A_1416 = vector.load %arg2[%get3A_1414, %get3A_1415] : memref<40x256xf32, #tpu.memory_space<vmem>>, vector<1x256xf32>
    %mul3A_1417 = arith.mulf %get3A_1410, %get3A_1416 : vector<1x256xf32>
    %get3A_1418 = arith.constant 0 : index
    %get3A_1419 = arith.constant 0 : index
    %get3A_1420 = arith.constant 38 : index
    %get3A_1421 = vector.load %arg3[%get3A_1418, %get3A_1419, %get3A_1420] : memref<1x16x80xf32, #tpu.memory_space<vmem>>, vector<1x16x1xf32>
    %get3A_1422 = vector.shape_cast %get3A_1421 : vector<1x16x1xf32> to vector<16x1xf32>
    %get3A_1423 = arith.constant 0 : index
    %get3A_1424 = arith.constant 0 : index
    %get3A_1425 = arith.constant 78 : index
    %get3A_1426 = vector.load %arg3[%get3A_1423, %get3A_1424, %get3A_1425] : memref<1x16x80xf32, #tpu.memory_space<vmem>>, vector<1x16x1xf32>
    %get3A_1427 = vector.shape_cast %get3A_1426 : vector<1x16x1xf32> to vector<16x1xf32>
    %get3A_1428 = arith.constant 0 : index
    %get3A_1429 = arith.constant 0 : index
    %get3A_1430 = arith.constant 38 : index
    %get3A_1431 = vector.load %arg4[%get3A_1428, %get3A_1429, %get3A_1430] : memref<1x1x40xf32, #tpu.memory_space<vmem>>, vector<1x1x1xf32>
    %get3A_1432 = vector.shape_cast %get3A_1431 : vector<1x1x1xf32> to vector<1x1xf32>
    %mul3A_1433 = vector.broadcast %get3A_1432 : vector<1x1xf32> to vector<16x256xf32>
    %mul3A_1434 = arith.mulf %add3A_1402, %mul3A_1433 : vector<16x256xf32>
    %mul3A_1435 = arith.mulf %exp3A_1413, %mul3A_1434 : vector<16x256xf32>
    %mul3A_1436 = vector.broadcast %mul3A_1417 : vector<1x256xf32> to vector<16x256xf32>
    %mul3A_1437 = vector.broadcast %get3A_1422 : vector<16x1xf32> to vector<16x256xf32>
    %mul3A_1438 = arith.mulf %mul3A_1436, %mul3A_1437 : vector<16x256xf32>
    %add3A_1439 = arith.addf %mul3A_1435, %mul3A_1438 : vector<16x256xf32>
    %mul3A_1440 = vector.broadcast %get3A_1427 : vector<16x1xf32> to vector<16x256xf32>
    %mul3A_1441 = arith.mulf %add3A_1439, %mul3A_1440 : vector<16x256xf32>
    %reduce_sum3A_1442 = arith.constant dense<0.000000e+00> : vector<256xf32>
    %reduce_sum3A_1443 = vector.multi_reduction <add>, %mul3A_1441, %reduce_sum3A_1442 [0] : vector<16x256xf32> to vector<256xf32>
    %broadcast_in_dim3A_1444 = vector.shape_cast %reduce_sum3A_1443 : vector<256xf32> to vector<1x256xf32>
    %get3A_1445 = arith.constant 39 : index
    %get3A_1446 = arith.constant 0 : index
    %get3A_1447 = vector.load %arg1[%get3A_1445, %get3A_1446] : memref<40x256xf32, #tpu.memory_space<vmem>>, vector<1x256xf32>
    %mul3A_1448 = vector.broadcast %get3A_1447 : vector<1x256xf32> to vector<16x256xf32>
    %mul3A_1449 = arith.mulf %mul3A_1448, %get3A_6 : vector<16x256xf32>
    %exp3A_1450 = math.exp %mul3A_1449 : vector<16x256xf32>
    %get3A_1451 = arith.constant 39 : index
    %get3A_1452 = arith.constant 0 : index
    %get3A_1453 = vector.load %arg2[%get3A_1451, %get3A_1452] : memref<40x256xf32, #tpu.memory_space<vmem>>, vector<1x256xf32>
    %mul3A_1454 = arith.mulf %get3A_1447, %get3A_1453 : vector<1x256xf32>
    %get3A_1455 = arith.constant 0 : index
    %get3A_1456 = arith.constant 0 : index
    %get3A_1457 = arith.constant 39 : index
    %get3A_1458 = vector.load %arg3[%get3A_1455, %get3A_1456, %get3A_1457] : memref<1x16x80xf32, #tpu.memory_space<vmem>>, vector<1x16x1xf32>
    %get3A_1459 = vector.shape_cast %get3A_1458 : vector<1x16x1xf32> to vector<16x1xf32>
    %get3A_1460 = arith.constant 0 : index
    %get3A_1461 = arith.constant 0 : index
    %get3A_1462 = arith.constant 79 : index
    %get3A_1463 = vector.load %arg3[%get3A_1460, %get3A_1461, %get3A_1462] : memref<1x16x80xf32, #tpu.memory_space<vmem>>, vector<1x16x1xf32>
    %get3A_1464 = vector.shape_cast %get3A_1463 : vector<1x16x1xf32> to vector<16x1xf32>
    %get3A_1465 = arith.constant 0 : index
    %get3A_1466 = arith.constant 0 : index
    %get3A_1467 = arith.constant 39 : index
    %get3A_1468 = vector.load %arg4[%get3A_1465, %get3A_1466, %get3A_1467] : memref<1x1x40xf32, #tpu.memory_space<vmem>>, vector<1x1x1xf32>
    %get3A_1469 = vector.shape_cast %get3A_1468 : vector<1x1x1xf32> to vector<1x1xf32>
    %mul3A_1470 = vector.broadcast %get3A_1469 : vector<1x1xf32> to vector<16x256xf32>
    %mul3A_1471 = arith.mulf %add3A_1439, %mul3A_1470 : vector<16x256xf32>
    %mul3A_1472 = arith.mulf %exp3A_1450, %mul3A_1471 : vector<16x256xf32>
    %mul3A_1473 = vector.broadcast %mul3A_1454 : vector<1x256xf32> to vector<16x256xf32>
    %mul3A_1474 = vector.broadcast %get3A_1459 : vector<16x1xf32> to vector<16x256xf32>
    %mul3A_1475 = arith.mulf %mul3A_1473, %mul3A_1474 : vector<16x256xf32>
    %add3A_1476 = arith.addf %mul3A_1472, %mul3A_1475 : vector<16x256xf32>
    %mul3A_1477 = vector.broadcast %get3A_1464 : vector<16x1xf32> to vector<16x256xf32>
    %mul3A_1478 = arith.mulf %add3A_1476, %mul3A_1477 : vector<16x256xf32>
    %reduce_sum3A_1479 = arith.constant dense<0.000000e+00> : vector<256xf32>
    %reduce_sum3A_1480 = vector.multi_reduction <add>, %mul3A_1478, %reduce_sum3A_1479 [0] : vector<16x256xf32> to vector<256xf32>
    %broadcast_in_dim3A_1481 = vector.shape_cast %reduce_sum3A_1480 : vector<256xf32> to vector<1x256xf32>
    %concatenate3A = tpu.concatenate %broadcast_in_dim3A, %broadcast_in_dim3A_75, %broadcast_in_dim3A_112, %broadcast_in_dim3A_149, %broadcast_in_dim3A_186, %broadcast_in_dim3A_223, %broadcast_in_dim3A_260, %broadcast_in_dim3A_297, %broadcast_in_dim3A_334, %broadcast_in_dim3A_371, %broadcast_in_dim3A_408, %broadcast_in_dim3A_445, %broadcast_in_dim3A_482, %broadcast_in_dim3A_519, %broadcast_in_dim3A_556, %broadcast_in_dim3A_593, %broadcast_in_dim3A_630, %broadcast_in_dim3A_667, %broadcast_in_dim3A_704, %broadcast_in_dim3A_741, %broadcast_in_dim3A_778, %broadcast_in_dim3A_815, %broadcast_in_dim3A_852, %broadcast_in_dim3A_889, %broadcast_in_dim3A_926, %broadcast_in_dim3A_963, %broadcast_in_dim3A_1000, %broadcast_in_dim3A_1037, %broadcast_in_dim3A_1074, %broadcast_in_dim3A_1111, %broadcast_in_dim3A_1148, %broadcast_in_dim3A_1185, %broadcast_in_dim3A_1222, %broadcast_in_dim3A_1259, %broadcast_in_dim3A_1296, %broadcast_in_dim3A_1333, %broadcast_in_dim3A_1370, %broadcast_in_dim3A_1407, %broadcast_in_dim3A_1444, %broadcast_in_dim3A_1481 in 0 : vector<1x256xf32>, vector<1x256xf32>, vector<1x256xf32>, vector<1x256xf32>, vector<1x256xf32>, vector<1x256xf32>, vector<1x256xf32>, vector<1x256xf32>, vector<1x256xf32>, vector<1x256xf32>, vector<1x256xf32>, vector<1x256xf32>, vector<1x256xf32>, vector<1x256xf32>, vector<1x256xf32>, vector<1x256xf32>, vector<1x256xf32>, vector<1x256xf32>, vector<1x256xf32>, vector<1x256xf32>, vector<1x256xf32>, vector<1x256xf32>, vector<1x256xf32>, vector<1x256xf32>, vector<1x256xf32>, vector<1x256xf32>, vector<1x256xf32>, vector<1x256xf32>, vector<1x256xf32>, vector<1x256xf32>, vector<1x256xf32>, vector<1x256xf32>, vector<1x256xf32>, vector<1x256xf32>, vector<1x256xf32>, vector<1x256xf32>, vector<1x256xf32>, vector<1x256xf32>, vector<1x256xf32>, vector<1x256xf32> -> vector<40x256xf32>
    %swap3A = arith.constant 0 : index
    %swap3A_1482 = arith.constant 0 : index
    %swap3A_1483 = vector.load %arg6[%swap3A, %swap3A_1482] : memref<40x256xf32, #tpu.memory_space<vmem>>, vector<40x256xf32>
    tpu.vector_store %arg6[%swap3A, %swap3A_1482], %concatenate3A {strides = array<i32>} : memref<40x256xf32, #tpu.memory_space<vmem>>, vector<40x256xf32>,
    %swap3A_1484 = arith.constant 0 : index
    %swap3A_1485 = arith.constant 0 : index
    %swap3A_1486 = vector.load %arg7[%swap3A_1484, %swap3A_1485] : memref<16x256xf32, #tpu.memory_space<vmem>>, vector<16x256xf32>
    tpu.vector_store %arg7[%swap3A_1484, %swap3A_1485], %add3A_1476 {strides = array<i32>} : memref<16x256xf32, #tpu.memory_space<vmem>>, vector<16x256xf32>,
    return
  }
  func.func @transform_0(%arg0: i32) -> (i32, i32) {
    %c0_i32 = arith.constant 0 : i32
    %c0_i32_0 = arith.constant 0 : i32
    return %arg0, %c0_i32 : i32, i32
  }
  func.func @transform_1(%arg0: i32) -> (i32, i32) {
    %c0_i32 = arith.constant 0 : i32
    %c0_i32_0 = arith.constant 0 : i32
    return %arg0, %c0_i32 : i32, i32
  }
  func.func @transform_2(%arg0: i32) -> (i32, i32, i32) {
    %c0_i32 = arith.constant 0 : i32
    %c0_i32_0 = arith.constant 0 : i32
    %c0_i32_1 = arith.constant 0 : i32
    return %arg0, %c0_i32, %c0_i32_0 : i32, i32, i32
  }
  func.func @transform_3(%arg0: i32) -> (i32, i32, i32) {
    %c0_i32 = arith.constant 0 : i32
    %c0_i32_0 = arith.constant 0 : i32
    %c0_i32_1 = arith.constant 0 : i32
    return %arg0, %c0_i32, %c0_i32_0 : i32, i32, i32
  }
  func.func @transform_4(%arg0: i32) -> (i32, i32) {
    %c0_i32 = arith.constant 0 : i32
    %c0_i32_0 = arith.constant 0 : i32
    %c0_i32_1 = arith.constant 0 : i32
    return %c0_i32, %c0_i32_0 : i32, i32
  }
  func.func @transform_5(%arg0: i32) -> (i32, i32) {
    %c0_i32 = arith.constant 0 : i32
    %c0_i32_0 = arith.constant 0 : i32
    return %arg0, %c0_i32 : i32, i32
  }
}

module attributes {stable_mosaic.version = 14 : i64} {
  func.func @_mamba_post_kernel(%arg0: i32, %arg1: memref<2000x256xf32, #tpu.memory_space<vmem>>, %arg2: memref<2000x256xf32, #tpu.memory_space<vmem>>, %arg3: memref<2000x256xf32, #tpu.memory_space<vmem>>, %arg4: memref<1x256xf32, #tpu.memory_space<vmem>>, %arg5: memref<256x128xbf16, #tpu.memory_space<vmem>>, %arg6: memref<2000x128xf32, #tpu.memory_space<vmem>>, %arg7: memref<2000x128xf32, #tpu.memory_space<vmem>>) attributes {dimension_semantics = [#tpu.dimension_semantics<arbitrary>], iteration_bounds = array<i64: 5>, scalar_prefetch = 0 : i64, scratch_operands = 0 : i64, tpu.core_type = #tpu.core_type<tc>, window_params = [{transform_indices = @transform_0, window_bounds = array<i64: 2000, 256>}, {transform_indices = @transform_1, window_bounds = array<i64: 2000, 256>}, {transform_indices = @transform_2, window_bounds = array<i64: 2000, 256>}, {pipeline_mode = #tpu.pipeline_mode<synchronous>, transform_indices = @transform_3, window_bounds = array<i64: 1, 256>}, {pipeline_mode = #tpu.pipeline_mode<synchronous>, transform_indices = @transform_4, window_bounds = array<i64: 256, 128>}, {transform_indices = @transform_5, window_bounds = array<i64: 2000, 128>}, {transform_indices = @transform_6, window_bounds = array<i64: 2000, 128>}]} {
    %get3A = arith.constant 0 : index
    %get3A_0 = arith.constant 0 : index
    %get3A_1 = vector.load %arg1[%get3A, %get3A_0] : memref<2000x256xf32, #tpu.memory_space<vmem>>, vector<2000x256xf32>
    %get3A_2 = arith.constant 0 : index
    %get3A_3 = arith.constant 0 : index
    %get3A_4 = vector.load %arg2[%get3A_2, %get3A_3] : memref<2000x256xf32, #tpu.memory_space<vmem>>, vector<2000x256xf32>
    %get3A_5 = arith.constant 0 : index
    %get3A_6 = arith.constant 0 : index
    %get3A_7 = vector.load %arg4[%get3A_5, %get3A_6] : memref<1x256xf32, #tpu.memory_space<vmem>>, vector<1x256xf32>
    %mul3A = vector.broadcast %get3A_7 : vector<1x256xf32> to vector<2000x256xf32>
    %mul3A_8 = arith.mulf %get3A_4, %mul3A : vector<2000x256xf32>
    %add3A = arith.addf %get3A_1, %mul3A_8 : vector<2000x256xf32>
    %get3A_9 = arith.constant 0 : index
    %get3A_10 = arith.constant 0 : index
    %get3A_11 = vector.load %arg3[%get3A_9, %get3A_10] : memref<2000x256xf32, #tpu.memory_space<vmem>>, vector<2000x256xf32>
    %mul3A_12 = arith.mulf %add3A, %get3A_11 : vector<2000x256xf32>
    %get3A_13 = arith.constant 0 : index
    %get3A_14 = arith.constant 0 : index
    %get3A_15 = vector.load %arg5[%get3A_13, %get3A_14] : memref<256x128xbf16, #tpu.memory_space<vmem>>, vector<256x128xbf16>
    %convert_element_type3A = arith.truncf %mul3A_12 : vector<2000x256xf32> to vector<2000x256xbf16>
    %dot_general3A = arith.constant dense<0.000000e+00> : vector<2000x128xf32>
    %dot_general3A_16 = tpu.matmul %convert_element_type3A, %get3A_15, %dot_general3A {dimension_numbers = #tpu.dot_dimension_numbers<[1], [0], [0], [1], [0, 0, 1, 1], [], []>, transpose_lhs_hint = false} : vector<2000x256xbf16>, vector<256x128xbf16>, vector<2000x128xf32> -> vector<2000x128xf32>
    %get3A_17 = arith.constant 0 : index
    %get3A_18 = arith.constant 0 : index
    %get3A_19 = vector.load %arg6[%get3A_17, %get3A_18] : memref<2000x128xf32, #tpu.memory_space<vmem>>, vector<2000x128xf32>
    %add3A_20 = arith.addf %dot_general3A_16, %get3A_19 : vector<2000x128xf32>
    %swap3A = arith.constant 0 : index
    %swap3A_21 = arith.constant 0 : index
    %swap3A_22 = vector.load %arg7[%swap3A, %swap3A_21] : memref<2000x128xf32, #tpu.memory_space<vmem>>, vector<2000x128xf32>
    tpu.vector_store %arg7[%swap3A, %swap3A_21], %add3A_20 {strides = array<i32>} : memref<2000x128xf32, #tpu.memory_space<vmem>>, vector<2000x128xf32>,
    return
  }
  func.func @transform_0(%arg0: i32) -> (i32, i32) {
    %c0_i32 = arith.constant 0 : i32
    %c0_i32_0 = arith.constant 0 : i32
    return %arg0, %c0_i32 : i32, i32
  }
  func.func @transform_1(%arg0: i32) -> (i32, i32) {
    %c0_i32 = arith.constant 0 : i32
    %c0_i32_0 = arith.constant 0 : i32
    return %arg0, %c0_i32 : i32, i32
  }
  func.func @transform_2(%arg0: i32) -> (i32, i32) {
    %c0_i32 = arith.constant 0 : i32
    %c0_i32_0 = arith.constant 0 : i32
    return %arg0, %c0_i32 : i32, i32
  }
  func.func @transform_3(%arg0: i32) -> (i32, i32) {
    %c0_i32 = arith.constant 0 : i32
    %c0_i32_0 = arith.constant 0 : i32
    %c0_i32_1 = arith.constant 0 : i32
    return %c0_i32, %c0_i32_0 : i32, i32
  }
  func.func @transform_4(%arg0: i32) -> (i32, i32) {
    %c0_i32 = arith.constant 0 : i32
    %c0_i32_0 = arith.constant 0 : i32
    %c0_i32_1 = arith.constant 0 : i32
    return %c0_i32, %c0_i32_0 : i32, i32
  }
  func.func @transform_5(%arg0: i32) -> (i32, i32) {
    %c0_i32 = arith.constant 0 : i32
    %c0_i32_0 = arith.constant 0 : i32
    return %arg0, %c0_i32 : i32, i32
  }
  func.func @transform_6(%arg0: i32) -> (i32, i32) {
    %c0_i32 = arith.constant 0 : i32
    %c0_i32_0 = arith.constant 0 : i32
    return %arg0, %c0_i32 : i32, i32
  }
}

module attributes {stable_mosaic.version = 14 : i64} {
  func.func @_cls_kernel(%arg0: i32, %arg1: memref<4000x128xf32, #tpu.memory_space<vmem>>, %arg2: memref<4000x128xf32, #tpu.memory_space<vmem>>, %arg3: memref<1x256xf32, #tpu.memory_space<vmem>>, %arg4: memref<1x256xf32, #tpu.memory_space<vmem>>, %arg5: memref<256x256xbf16, #tpu.memory_space<vmem>>, %arg6: memref<1x256xf32, #tpu.memory_space<vmem>>, %arg7: memref<1x256xf32, #tpu.memory_space<vmem>>, %arg8: memref<1x256xf32, #tpu.memory_space<vmem>>, %arg9: memref<256x128xbf16, #tpu.memory_space<vmem>>, %arg10: memref<1x128xf32, #tpu.memory_space<vmem>>, %arg11: memref<1x128xf32, #tpu.memory_space<vmem>>, %arg12: memref<1x128xf32, #tpu.memory_space<vmem>>, %arg13: memref<128x128xbf16, #tpu.memory_space<vmem>>, %arg14: memref<1x128xf32, #tpu.memory_space<vmem>>, %arg15: memref<4000x2xf32, #tpu.memory_space<vmem>>) attributes {dimension_semantics = [#tpu.dimension_semantics<arbitrary>], iteration_bounds = array<i64: 40>, scalar_prefetch = 0 : i64, scratch_operands = 0 : i64, tpu.core_type = #tpu.core_type<tc>, window_params = [{transform_indices = @transform_0, window_bounds = array<i64: 4000, 128>}, {transform_indices = @transform_1, window_bounds = array<i64: 4000, 128>}, {pipeline_mode = #tpu.pipeline_mode<synchronous>, transform_indices = @transform_2, window_bounds = array<i64: 1, 256>}, {pipeline_mode = #tpu.pipeline_mode<synchronous>, transform_indices = @transform_3, window_bounds = array<i64: 1, 256>}, {pipeline_mode = #tpu.pipeline_mode<synchronous>, transform_indices = @transform_4, window_bounds = array<i64: 256, 256>}, {pipeline_mode = #tpu.pipeline_mode<synchronous>, transform_indices = @transform_5, window_bounds = array<i64: 1, 256>}, {pipeline_mode = #tpu.pipeline_mode<synchronous>, transform_indices = @transform_6, window_bounds = array<i64: 1, 256>}, {pipeline_mode = #tpu.pipeline_mode<synchronous>, transform_indices = @transform_7, window_bounds = array<i64: 1, 256>}, {pipeline_mode = #tpu.pipeline_mode<synchronous>, transform_indices = @transform_8, window_bounds = array<i64: 256, 128>}, {pipeline_mode = #tpu.pipeline_mode<synchronous>, transform_indices = @transform_9, window_bounds = array<i64: 1, 128>}, {pipeline_mode = #tpu.pipeline_mode<synchronous>, transform_indices = @transform_10, window_bounds = array<i64: 1, 128>}, {pipeline_mode = #tpu.pipeline_mode<synchronous>, transform_indices = @transform_11, window_bounds = array<i64: 1, 128>}, {pipeline_mode = #tpu.pipeline_mode<synchronous>, transform_indices = @transform_12, window_bounds = array<i64: 128, 128>}, {pipeline_mode = #tpu.pipeline_mode<synchronous>, transform_indices = @transform_13, window_bounds = array<i64: 1, 128>}, {transform_indices = @transform_14, window_bounds = array<i64: 4000, 2>}]} {
    %get3A = arith.constant 0 : index
    %get3A_0 = arith.constant 0 : index
    %get3A_1 = vector.load %arg1[%get3A, %get3A_0] : memref<4000x128xf32, #tpu.memory_space<vmem>>, vector<4000x128xf32>
    %get3A_2 = arith.constant 0 : index
    %get3A_3 = arith.constant 0 : index
    %get3A_4 = vector.load %arg2[%get3A_2, %get3A_3] : memref<4000x128xf32, #tpu.memory_space<vmem>>, vector<4000x128xf32>
    %concatenate3A = tpu.concatenate %get3A_1, %get3A_4 in 1 : vector<4000x128xf32>, vector<4000x128xf32> -> vector<4000x256xf32>
    %get3A_5 = arith.constant 0 : index
    %get3A_6 = arith.constant 0 : index
    %get3A_7 = vector.load %arg3[%get3A_5, %get3A_6] : memref<1x256xf32, #tpu.memory_space<vmem>>, vector<1x256xf32>
    %get3A_8 = arith.constant 0 : index
    %get3A_9 = arith.constant 0 : index
    %get3A_10 = vector.load %arg4[%get3A_8, %get3A_9] : memref<1x256xf32, #tpu.memory_space<vmem>>, vector<1x256xf32>
    %reduce_sum3A = arith.constant dense<0.000000e+00> : vector<4000xf32>
    %reduce_sum3A_11 = vector.multi_reduction <add>, %concatenate3A, %reduce_sum3A [1] : vector<4000x256xf32> to vector<4000xf32>
    %broadcast_in_dim3A = vector.shape_cast %reduce_sum3A_11 : vector<4000xf32> to vector<4000x1xf32>
    %div3A = arith.constant 2.560000e+02 : f32
    %div3A_12 = vector.broadcast %div3A : f32 to vector<4000x1xf32>
    %div3A_13 = arith.divf %broadcast_in_dim3A, %div3A_12 : vector<4000x1xf32>
    %sub3A = vector.broadcast %div3A_13 : vector<4000x1xf32> to vector<4000x256xf32>
    %sub3A_14 = arith.subf %concatenate3A, %sub3A : vector<4000x256xf32>
    %integer_pow3A = arith.mulf %sub3A_14, %sub3A_14 : vector<4000x256xf32>
    %reduce_sum3A_15 = arith.constant dense<0.000000e+00> : vector<4000xf32>
    %reduce_sum3A_16 = vector.multi_reduction <add>, %integer_pow3A, %reduce_sum3A_15 [1] : vector<4000x256xf32> to vector<4000xf32>
    %broadcast_in_dim3A_17 = vector.shape_cast %reduce_sum3A_16 : vector<4000xf32> to vector<4000x1xf32>
    %div3A_18 = arith.constant 2.560000e+02 : f32
    %div3A_19 = vector.broadcast %div3A_18 : f32 to vector<4000x1xf32>
    %div3A_20 = arith.divf %broadcast_in_dim3A_17, %div3A_19 : vector<4000x1xf32>
    %sub3A_21 = vector.broadcast %div3A_13 : vector<4000x1xf32> to vector<4000x256xf32>
    %sub3A_22 = arith.subf %concatenate3A, %sub3A_21 : vector<4000x256xf32>
    %add3A = arith.constant 9.99999974E-6 : f32
    %add3A_23 = vector.broadcast %add3A : f32 to vector<4000x1xf32>
    %add3A_24 = arith.addf %div3A_20, %add3A_23 : vector<4000x1xf32>
    %sqrt3A = math.sqrt %add3A_24 : vector<4000x1xf32>
    %div3A_25 = vector.broadcast %sqrt3A : vector<4000x1xf32> to vector<4000x256xf32>
    %div3A_26 = arith.divf %sub3A_22, %div3A_25 : vector<4000x256xf32>
    %mul3A = vector.broadcast %get3A_7 : vector<1x256xf32> to vector<4000x256xf32>
    %mul3A_27 = arith.mulf %div3A_26, %mul3A : vector<4000x256xf32>
    %add3A_28 = vector.broadcast %get3A_10 : vector<1x256xf32> to vector<4000x256xf32>
    %add3A_29 = arith.addf %mul3A_27, %add3A_28 : vector<4000x256xf32>
    %get3A_30 = arith.constant 0 : index
    %get3A_31 = arith.constant 0 : index
    %get3A_32 = vector.load %arg5[%get3A_30, %get3A_31] : memref<256x256xbf16, #tpu.memory_space<vmem>>, vector<256x256xbf16>
    %convert_element_type3A = arith.truncf %add3A_29 : vector<4000x256xf32> to vector<4000x256xbf16>
    %dot_general3A = arith.constant dense<0.000000e+00> : vector<4000x256xf32>
    %dot_general3A_33 = tpu.matmul %convert_element_type3A, %get3A_32, %dot_general3A {dimension_numbers = #tpu.dot_dimension_numbers<[1], [0], [0], [1], [0, 0, 1, 1], [], []>, transpose_lhs_hint = false} : vector<4000x256xbf16>, vector<256x256xbf16>, vector<4000x256xf32> -> vector<4000x256xf32>
    %get3A_34 = arith.constant 0 : index
    %get3A_35 = arith.constant 0 : index
    %get3A_36 = vector.load %arg6[%get3A_34, %get3A_35] : memref<1x256xf32, #tpu.memory_space<vmem>>, vector<1x256xf32>
    %add3A_37 = vector.broadcast %get3A_36 : vector<1x256xf32> to vector<4000x256xf32>
    %add3A_38 = arith.addf %dot_general3A_33, %add3A_37 : vector<4000x256xf32>
    %ge3A = arith.constant 0.000000e+00 : f32
    %ge3A_39 = vector.broadcast %ge3A : f32 to vector<4000x256xf32>
    %ge3A_40 = arith.cmpf oge, %add3A_38, %ge3A_39 : vector<4000x256xf32>
    %mul3A_41 = arith.constant 0.00999999977 : f32
    %mul3A_42 = vector.broadcast %mul3A_41 : f32 to vector<4000x256xf32>
    %mul3A_43 = arith.mulf %mul3A_42, %add3A_38 : vector<4000x256xf32>
    %select_n3A = arith.select %ge3A_40, %add3A_38, %mul3A_43 : vector<4000x256xi1>, vector<4000x256xf32>
    %get3A_44 = arith.constant 0 : index
    %get3A_45 = arith.constant 0 : index
    %get3A_46 = vector.load %arg7[%get3A_44, %get3A_45] : memref<1x256xf32, #tpu.memory_space<vmem>>, vector<1x256xf32>
    %get3A_47 = arith.constant 0 : index
    %get3A_48 = arith.constant 0 : index
    %get3A_49 = vector.load %arg8[%get3A_47, %get3A_48] : memref<1x256xf32, #tpu.memory_space<vmem>>, vector<1x256xf32>
    %reduce_sum3A_50 = arith.constant dense<0.000000e+00> : vector<4000xf32>
    %reduce_sum3A_51 = vector.multi_reduction <add>, %select_n3A, %reduce_sum3A_50 [1] : vector<4000x256xf32> to vector<4000xf32>
    %broadcast_in_dim3A_52 = vector.shape_cast %reduce_sum3A_51 : vector<4000xf32> to vector<4000x1xf32>
    %div3A_53 = arith.constant 2.560000e+02 : f32
    %div3A_54 = vector.broadcast %div3A_53 : f32 to vector<4000x1xf32>
    %div3A_55 = arith.divf %broadcast_in_dim3A_52, %div3A_54 : vector<4000x1xf32>
    %sub3A_56 = vector.broadcast %div3A_55 : vector<4000x1xf32> to vector<4000x256xf32>
    %sub3A_57 = arith.subf %select_n3A, %sub3A_56 : vector<4000x256xf32>
    %integer_pow3A_58 = arith.mulf %sub3A_57, %sub3A_57 : vector<4000x256xf32>
    %reduce_sum3A_59 = arith.constant dense<0.000000e+00> : vector<4000xf32>
    %reduce_sum3A_60 = vector.multi_reduction <add>, %integer_pow3A_58, %reduce_sum3A_59 [1] : vector<4000x256xf32> to vector<4000xf32>
    %broadcast_in_dim3A_61 = vector.shape_cast %reduce_sum3A_60 : vector<4000xf32> to vector<4000x1xf32>
    %div3A_62 = arith.constant 2.560000e+02 : f32
    %div3A_63 = vector.broadcast %div3A_62 : f32 to vector<4000x1xf32>
    %div3A_64 = arith.divf %broadcast_in_dim3A_61, %div3A_63 : vector<4000x1xf32>
    %sub3A_65 = vector.broadcast %div3A_55 : vector<4000x1xf32> to vector<4000x256xf32>
    %sub3A_66 = arith.subf %select_n3A, %sub3A_65 : vector<4000x256xf32>
    %add3A_67 = arith.constant 9.99999974E-6 : f32
    %add3A_68 = vector.broadcast %add3A_67 : f32 to vector<4000x1xf32>
    %add3A_69 = arith.addf %div3A_64, %add3A_68 : vector<4000x1xf32>
    %sqrt3A_70 = math.sqrt %add3A_69 : vector<4000x1xf32>
    %div3A_71 = vector.broadcast %sqrt3A_70 : vector<4000x1xf32> to vector<4000x256xf32>
    %div3A_72 = arith.divf %sub3A_66, %div3A_71 : vector<4000x256xf32>
    %mul3A_73 = vector.broadcast %get3A_46 : vector<1x256xf32> to vector<4000x256xf32>
    %mul3A_74 = arith.mulf %div3A_72, %mul3A_73 : vector<4000x256xf32>
    %add3A_75 = vector.broadcast %get3A_49 : vector<1x256xf32> to vector<4000x256xf32>
    %add3A_76 = arith.addf %mul3A_74, %add3A_75 : vector<4000x256xf32>
    %get3A_77 = arith.constant 0 : index
    %get3A_78 = arith.constant 0 : index
    %get3A_79 = vector.load %arg9[%get3A_77, %get3A_78] : memref<256x128xbf16, #tpu.memory_space<vmem>>, vector<256x128xbf16>
    %convert_element_type3A_80 = arith.truncf %add3A_76 : vector<4000x256xf32> to vector<4000x256xbf16>
    %dot_general3A_81 = arith.constant dense<0.000000e+00> : vector<4000x128xf32>
    %dot_general3A_82 = tpu.matmul %convert_element_type3A_80, %get3A_79, %dot_general3A_81 {dimension_numbers = #tpu.dot_dimension_numbers<[1], [0], [0], [1], [0, 0, 1, 1], [], []>, transpose_lhs_hint = false} : vector<4000x256xbf16>, vector<256x128xbf16>, vector<4000x128xf32> -> vector<4000x128xf32>
    %get3A_83 = arith.constant 0 : index
    %get3A_84 = arith.constant 0 : index
    %get3A_85 = vector.load %arg10[%get3A_83, %get3A_84] : memref<1x128xf32, #tpu.memory_space<vmem>>, vector<1x128xf32>
    %add3A_86 = vector.broadcast %get3A_85 : vector<1x128xf32> to vector<4000x128xf32>
    %add3A_87 = arith.addf %dot_general3A_82, %add3A_86 : vector<4000x128xf32>
    %ge3A_88 = arith.constant 0.000000e+00 : f32
    %ge3A_89 = vector.broadcast %ge3A_88 : f32 to vector<4000x128xf32>
    %ge3A_90 = arith.cmpf oge, %add3A_87, %ge3A_89 : vector<4000x128xf32>
    %mul3A_91 = arith.constant 0.00999999977 : f32
    %mul3A_92 = vector.broadcast %mul3A_91 : f32 to vector<4000x128xf32>
    %mul3A_93 = arith.mulf %mul3A_92, %add3A_87 : vector<4000x128xf32>
    %select_n3A_94 = arith.select %ge3A_90, %add3A_87, %mul3A_93 : vector<4000x128xi1>, vector<4000x128xf32>
    %get3A_95 = arith.constant 0 : index
    %get3A_96 = arith.constant 0 : index
    %get3A_97 = vector.load %arg11[%get3A_95, %get3A_96] : memref<1x128xf32, #tpu.memory_space<vmem>>, vector<1x128xf32>
    %get3A_98 = arith.constant 0 : index
    %get3A_99 = arith.constant 0 : index
    %get3A_100 = vector.load %arg12[%get3A_98, %get3A_99] : memref<1x128xf32, #tpu.memory_space<vmem>>, vector<1x128xf32>
    %reduce_sum3A_101 = arith.constant dense<0.000000e+00> : vector<4000xf32>
    %reduce_sum3A_102 = vector.multi_reduction <add>, %select_n3A_94, %reduce_sum3A_101 [1] : vector<4000x128xf32> to vector<4000xf32>
    %broadcast_in_dim3A_103 = vector.shape_cast %reduce_sum3A_102 : vector<4000xf32> to vector<4000x1xf32>
    %div3A_104 = arith.constant 1.280000e+02 : f32
    %div3A_105 = vector.broadcast %div3A_104 : f32 to vector<4000x1xf32>
    %div3A_106 = arith.divf %broadcast_in_dim3A_103, %div3A_105 : vector<4000x1xf32>
    %sub3A_107 = vector.broadcast %div3A_106 : vector<4000x1xf32> to vector<4000x128xf32>
    %sub3A_108 = arith.subf %select_n3A_94, %sub3A_107 : vector<4000x128xf32>
    %integer_pow3A_109 = arith.mulf %sub3A_108, %sub3A_108 : vector<4000x128xf32>
    %reduce_sum3A_110 = arith.constant dense<0.000000e+00> : vector<4000xf32>
    %reduce_sum3A_111 = vector.multi_reduction <add>, %integer_pow3A_109, %reduce_sum3A_110 [1] : vector<4000x128xf32> to vector<4000xf32>
    %broadcast_in_dim3A_112 = vector.shape_cast %reduce_sum3A_111 : vector<4000xf32> to vector<4000x1xf32>
    %div3A_113 = arith.constant 1.280000e+02 : f32
    %div3A_114 = vector.broadcast %div3A_113 : f32 to vector<4000x1xf32>
    %div3A_115 = arith.divf %broadcast_in_dim3A_112, %div3A_114 : vector<4000x1xf32>
    %sub3A_116 = vector.broadcast %div3A_106 : vector<4000x1xf32> to vector<4000x128xf32>
    %sub3A_117 = arith.subf %select_n3A_94, %sub3A_116 : vector<4000x128xf32>
    %add3A_118 = arith.constant 9.99999974E-6 : f32
    %add3A_119 = vector.broadcast %add3A_118 : f32 to vector<4000x1xf32>
    %add3A_120 = arith.addf %div3A_115, %add3A_119 : vector<4000x1xf32>
    %sqrt3A_121 = math.sqrt %add3A_120 : vector<4000x1xf32>
    %div3A_122 = vector.broadcast %sqrt3A_121 : vector<4000x1xf32> to vector<4000x128xf32>
    %div3A_123 = arith.divf %sub3A_117, %div3A_122 : vector<4000x128xf32>
    %mul3A_124 = vector.broadcast %get3A_97 : vector<1x128xf32> to vector<4000x128xf32>
    %mul3A_125 = arith.mulf %div3A_123, %mul3A_124 : vector<4000x128xf32>
    %add3A_126 = vector.broadcast %get3A_100 : vector<1x128xf32> to vector<4000x128xf32>
    %add3A_127 = arith.addf %mul3A_125, %add3A_126 : vector<4000x128xf32>
    %get3A_128 = arith.constant 0 : index
    %get3A_129 = arith.constant 0 : index
    %get3A_130 = vector.load %arg13[%get3A_128, %get3A_129] : memref<128x128xbf16, #tpu.memory_space<vmem>>, vector<128x128xbf16>
    %convert_element_type3A_131 = arith.truncf %add3A_127 : vector<4000x128xf32> to vector<4000x128xbf16>
    %dot_general3A_132 = arith.constant dense<0.000000e+00> : vector<4000x128xf32>
    %dot_general3A_133 = tpu.matmul %convert_element_type3A_131, %get3A_130, %dot_general3A_132 {dimension_numbers = #tpu.dot_dimension_numbers<[1], [0], [0], [1], [0, 0, 1, 1], [], []>, transpose_lhs_hint = false} : vector<4000x128xbf16>, vector<128x128xbf16>, vector<4000x128xf32> -> vector<4000x128xf32>
    %get3A_134 = arith.constant 0 : index
    %get3A_135 = arith.constant 0 : index
    %get3A_136 = vector.load %arg14[%get3A_134, %get3A_135] : memref<1x128xf32, #tpu.memory_space<vmem>>, vector<1x128xf32>
    %add3A_137 = vector.broadcast %get3A_136 : vector<1x128xf32> to vector<4000x128xf32>
    %add3A_138 = arith.addf %dot_general3A_133, %add3A_137 : vector<4000x128xf32>
    %slice3A = vector.extract_strided_slice %add3A_138 {offsets = [0, 0], sizes = [4000, 2], strides = [1, 1]} : vector<4000x128xf32> to vector<4000x2xf32>
    %swap3A = arith.constant 0 : index
    %swap3A_139 = arith.constant 0 : index
    %swap3A_140 = vector.load %arg15[%swap3A, %swap3A_139] : memref<4000x2xf32, #tpu.memory_space<vmem>>, vector<4000x2xf32>
    tpu.vector_store %arg15[%swap3A, %swap3A_139], %slice3A {strides = array<i32>} : memref<4000x2xf32, #tpu.memory_space<vmem>>, vector<4000x2xf32>,
    return
  }
  func.func @transform_0(%arg0: i32) -> (i32, i32) {
    %c0_i32 = arith.constant 0 : i32
    %c0_i32_0 = arith.constant 0 : i32
    return %arg0, %c0_i32 : i32, i32
  }
  func.func @transform_1(%arg0: i32) -> (i32, i32) {
    %add3A = arith.constant 40 : i32
    %add3A_0 = arith.addi %arg0, %add3A : i32
    %c0_i32 = arith.constant 0 : i32
    %c0_i32_1 = arith.constant 0 : i32
    return %add3A_0, %c0_i32 : i32, i32
  }
  func.func @transform_2(%arg0: i32) -> (i32, i32) {
    %c0_i32 = arith.constant 0 : i32
    %c0_i32_0 = arith.constant 0 : i32
    %c0_i32_1 = arith.constant 0 : i32
    return %c0_i32, %c0_i32_0 : i32, i32
  }
  func.func @transform_3(%arg0: i32) -> (i32, i32) {
    %c0_i32 = arith.constant 0 : i32
    %c0_i32_0 = arith.constant 0 : i32
    %c0_i32_1 = arith.constant 0 : i32
    return %c0_i32, %c0_i32_0 : i32, i32
  }
  func.func @transform_4(%arg0: i32) -> (i32, i32) {
    %c0_i32 = arith.constant 0 : i32
    %c0_i32_0 = arith.constant 0 : i32
    %c0_i32_1 = arith.constant 0 : i32
    return %c0_i32, %c0_i32_0 : i32, i32
  }
  func.func @transform_5(%arg0: i32) -> (i32, i32) {
    %c0_i32 = arith.constant 0 : i32
    %c0_i32_0 = arith.constant 0 : i32
    %c0_i32_1 = arith.constant 0 : i32
    return %c0_i32, %c0_i32_0 : i32, i32
  }
  func.func @transform_6(%arg0: i32) -> (i32, i32) {
    %c0_i32 = arith.constant 0 : i32
    %c0_i32_0 = arith.constant 0 : i32
    %c0_i32_1 = arith.constant 0 : i32
    return %c0_i32, %c0_i32_0 : i32, i32
  }
  func.func @transform_7(%arg0: i32) -> (i32, i32) {
    %c0_i32 = arith.constant 0 : i32
    %c0_i32_0 = arith.constant 0 : i32
    %c0_i32_1 = arith.constant 0 : i32
    return %c0_i32, %c0_i32_0 : i32, i32
  }
  func.func @transform_8(%arg0: i32) -> (i32, i32) {
    %c0_i32 = arith.constant 0 : i32
    %c0_i32_0 = arith.constant 0 : i32
    %c0_i32_1 = arith.constant 0 : i32
    return %c0_i32, %c0_i32_0 : i32, i32
  }
  func.func @transform_9(%arg0: i32) -> (i32, i32) {
    %c0_i32 = arith.constant 0 : i32
    %c0_i32_0 = arith.constant 0 : i32
    %c0_i32_1 = arith.constant 0 : i32
    return %c0_i32, %c0_i32_0 : i32, i32
  }
  func.func @transform_10(%arg0: i32) -> (i32, i32) {
    %c0_i32 = arith.constant 0 : i32
    %c0_i32_0 = arith.constant 0 : i32
    %c0_i32_1 = arith.constant 0 : i32
    return %c0_i32, %c0_i32_0 : i32, i32
  }
  func.func @transform_11(%arg0: i32) -> (i32, i32) {
    %c0_i32 = arith.constant 0 : i32
    %c0_i32_0 = arith.constant 0 : i32
    %c0_i32_1 = arith.constant 0 : i32
    return %c0_i32, %c0_i32_0 : i32, i32
  }
  func.func @transform_12(%arg0: i32) -> (i32, i32) {
    %c0_i32 = arith.constant 0 : i32
    %c0_i32_0 = arith.constant 0 : i32
    %c0_i32_1 = arith.constant 0 : i32
    return %c0_i32, %c0_i32_0 : i32, i32
  }
  func.func @transform_13(%arg0: i32) -> (i32, i32) {
    %c0_i32 = arith.constant 0 : i32
    %c0_i32_0 = arith.constant 0 : i32
    %c0_i32_1 = arith.constant 0 : i32
    return %c0_i32, %c0_i32_0 : i32, i32
  }
  func.func @transform_14(%arg0: i32) -> (i32, i32) {
    %c0_i32 = arith.constant 0 : i32
    %c0_i32_0 = arith.constant 0 : i32
    return %arg0, %c0_i32 : i32, i32
  }
}

</mosaic_0001>

<sc_bundles>
// kernel: kernel.18.cloned.1.call-start
scs
__scs_entry_jumppad:
0x0: {  	(pc) =	sbr.rel $0x88, $3  }
0x1: {  	(tag) =	ssettag $0x0;
	lr =	simm.s32 $0x1  }
0x2: {  	[smem:$0x3F7C] =	sst lr;
	_ =	strace $0xD0000000  }
0x3: {  	_ = 	snop  }
0x4: {  	_ = 	snop  }
0x5: {  	_ = 	snop  }
0x6: {  	_ = 	snop  }
0x7: {  	_ = 	snop  }
__scs_overlays_trampoline_lowered:
0x8: {  	[smem:$0x3F8B] =	sst s0  }
0x9: {  	[smem:$0x3F8C] =	sst s1  }
0xa: {  	[smem:$0x3F8D] =	sst s2  }
0xb: {  	[smem:$0x3F8E] =	sst s3  }
0xc: {  	[smem:$0x3F8F] =	sst s4  }
0xd: {  	[smem:$0x3F90] =	sst s5  }
0xe: {  	[smem:$0x3F91] =	sst s6  }
0xf: {  	[smem:$0x3F92] =	sst s7  }
0x10: {  	[smem:$0x3F93] =	sst s8  }
0x11: {  	[smem:$0x3F94] =	sst s9;
	s0 =	simm.s32 @!p0 $0x0  }
0x12: {  	s1 =	sld [smem:$0x3F7A];
	s0 =	simm.s32 @p0 $0x1  }
0x13: {  	[smem:$0x3F95] =	sst s0;
	s0 =	simm.s32 @!p1 $0x0  }
0x14: {  	s2 =	sld [smem:$0x3F79];
	s0 =	simm.s32 @p1 $0x1  }
0x15: {  	[smem:$0x3F96] =	sst s0;
	s0 =	simm.s32 @!p2 $0x0  }
0x16: {  	s3 =	sld [smem:$0x3FDB];
	s0 =	simm.s32 @p2 $0x1  }
0x17: {  	s4 =	simm.s32 $0x1BF5;
	[smem:$0x3F98] =	sst s0  }
0x18: {  	s0 =	sld [smem:$0x3F7B];
	_ =	swait.ge [sflag:s4], $0x0  }
0x19: {  	s7 =	sld [smem:$0x3F7C]  }
0x1a: {  	s8 =	sadd.s32 $0xFFFFE003, lr  }
0x1b: {  	s9 =	sadd.s32 $0xFFFFFEF7, lr;
	s5 =	simm.s32 $0xFFFFFFFF;
	p2 =	slt.u32 s8, $0xFFFFF086  }
0x1c: {  	p1 =	slt.u32 s9, $0xF7A;
	s5 =	simm.s32 @!p2 $0x0  }
0x1d: {  	s5 =	simm.s32 @p1 $0x1;
	p0 =	seq.s32 s7, s2  }
0x1e: {  	s7 =	smul.u32 @!p0 $0xF7A, s2;
	p2 =	seq.s32 @!p0 s5, $0x0  }
0x1f: {  	s9 =	smul.u32 $0xF7A, s1;
	s8 =	simm.s32 @!p0 $0x1BF5;
	p2 =	por !p2, p0  }
0x20: {  	[sflag:s8] =	ssyncset.s32 @!p0 $0xFFFFF086;
	s6 =	sadd.s32 @!p0 s3, s7;
	s7 =	simm.s32 @!p0 $0x108  }
0x21: {  	s3 =	sadd.s32 s3, s9;
	s6 =	sadd.s32 @!p0 $0x88, s6;
	s7 =	simm.s32 @p2 $0x1082  }
0x22: {  	[simem:s7], [sflag:s8] =	dma.local @!p0 [hbm:s6], $0xF7A  }
0x23: {  	s9 =	sor.u32 $0xD0000000, s2;
	s6 =	simm.s32 $0x108;
	_ =	swait.ge @!p0 [sflag:s8], $0x0  }
0x24: {  	s3 =	sadd.s32 $0x88, s3;
	s6 =	simm.s32 @!p1 $0x1082;
	[sflag:s4] =	ssyncset.s32 $0xFFFFF086  }
0x25: {  	[simem:s6], [sflag:s4] =	dma.local [hbm:s3], $0xF7A  }
0x26: {  	[smem:$0x3F7C] =	sst s1;
	(tag) =	ssettag s2;
	_ =	strace s9  }
0x27: {  	s1 =	sld [smem:$0x3F8C]  }
0x28: {  	s2 =	sld [smem:$0x3F8D]  }
0x29: {  	s4 =	sld [smem:$0x3F8F]  }
0x2a: {  	p0 =	seq.s32 s5, $0x0;
	s5 =	sld [smem:$0x3F90]  }
0x2b: {  	s6 =	sld [smem:$0x3F91]  }
0x2c: {  	s7 =	sld [smem:$0x3F92]  }
0x2d: {  	s3 =	simm.s32 $0x108;
	s8 =	sld [smem:$0x3F93]  }
0x2e: {  	s3 =	simm.s32 @!p0 $0x1082;
	s9 =	sld [smem:$0x3F94]  }
0x2f: {  	lr =	sadd.s32 s0, s3;
	s0 =	sld [smem:$0x3F8B]  }
0x30: {  	s3 =	sld [smem:$0x3F8E]  }
0x31: {  	[smem:$0x3F97] =	sst s10  }
0x32: {  	s10 =	sld [smem:$0x3F95];
	_ =	sdelay $0x3  }
0x33: {  	p0 =	seq.s32 s10, $0x1;
	s10 =	sld [smem:$0x3F97];
	_ =	sdelay $0x3  }
0x34: {  	[smem:$0x3F97] =	sst s10  }
0x35: {  	s10 =	sld [smem:$0x3F96];
	_ =	sdelay $0x3  }
0x36: {  	p1 =	seq.s32 s10, $0x1;
	s10 =	sld [smem:$0x3F97];
	_ =	sdelay $0x3  }
0x37: {  	[smem:$0x3F97] =	sst s10  }
0x38: {  	s10 =	sld [smem:$0x3F98]  }
0x39: {  	_ = 	snop;
	(pc) =	sbr.ind lr, $3  }
0x3a: {  	_ = 	snop  }
0x3b: {  	_ = 	snop  }
0x3c: {  	p2 =	seq.s32 s10, $0x1;
	s10 =	sld [smem:$0x3F97]  }
0x3d: {  	_ =	shalt  }
0x3e: {  	_ =	shalt  }
0x3f: {  	_ =	shalt  }
0x40: {  	_ =	shalt  }
0x41: {  	_ =	shalt  }
0x42: {  	_ =	shalt  }
0x43: {  	_ =	shalt  }
0x44: {  	_ =	shalt  }
0x45: {  	_ =	shalt  }
0x46: {  	_ =	shalt  }
0x47: {  	_ =	shalt  }
0x48: {  	_ =	shalt  }
0x49: {  	_ =	shalt  }
0x4a: {  	_ =	shalt  }
0x4b: {  	_ =	shalt  }
0x4c: {  	_ =	shalt  }
0x4d: {  	_ =	shalt  }
0x4e: {  	_ =	shalt  }
0x4f: {  	_ =	shalt  }
0x50: {  	_ =	shalt  }
0x51: {  	_ =	shalt  }
0x52: {  	_ =	shalt  }
0x53: {  	_ =	shalt  }
0x54: {  	_ =	shalt  }
0x55: {  	_ =	shalt  }
0x56: {  	_ =	shalt  }
0x57: {  	_ =	shalt  }
0x58: {  	_ =	shalt  }
0x59: {  	_ =	shalt  }
0x5a: {  	_ =	shalt  }
0x5b: {  	_ =	shalt  }
0x5c: {  	_ =	shalt  }
0x5d: {  	_ =	shalt  }
0x5e: {  	_ =	shalt  }
0x5f: {  	_ =	shalt  }
0x60: {  	_ =	shalt  }
0x61: {  	_ =	shalt  }
0x62: {  	_ =	shalt  }
0x63: {  	_ =	shalt  }
0x64: {  	_ =	shalt  }
0x65: {  	_ =	shalt  }
0x66: {  	_ =	shalt  }
0x67: {  	_ =	shalt  }
0x68: {  	_ =	shalt  }
0x69: {  	_ =	shalt  }
0x6a: {  	_ =	shalt  }
0x6b: {  	_ =	shalt  }
0x6c: {  	_ =	shalt  }
0x6d: {  	_ =	shalt  }
0x6e: {  	_ =	shalt  }
0x6f: {  	_ =	shalt  }
0x70: {  	_ =	shalt  }
0x71: {  	_ =	shalt  }
0x72: {  	_ =	shalt  }
0x73: {  	_ =	shalt  }
0x74: {  	_ =	shalt  }
0x75: {  	_ =	shalt  }
0x76: {  	_ =	shalt  }
0x77: {  	_ =	shalt  }
0x78: {  	_ =	shalt  }
0x79: {  	_ =	shalt  }
0x7a: {  	_ =	shalt  }
0x7b: {  	_ =	shalt  }
0x7c: {  	_ =	shalt  }
0x7d: {  	_ =	shalt  }
0x7e: {  	_ =	shalt  }
0x7f: {  	_ =	shalt  }
0x80: {  	_ =	shalt  }
0x81: {  	_ =	shalt  }
0x82: {  	_ =	shalt  }
0x83: {  	_ =	shalt  }
0x84: {  	_ =	shalt  }
0x85: {  	_ =	shalt  }
0x86: {  	_ =	shalt  }
0x87: {  	_ =	shalt  }
.Lfunc_end0:
.L_simem_size_0:
called_computation_lowered:
.L_overlay_start_0:
0x88: {  	s2 =	sld [smem:$0x3FD9]  }
0x89: {  	s3 =	sld [smem:$0x3FFE];
	_ =	sdelay $0x1  }
0x8a: {  	s1 =	srdreg.scid  }
0x8b: {  	s0 =	sand.u32 $0x1, s1  }
0x8c: {  	s17 =	sshll.u32 s0, $0xA;
	s2 =	sadd.s32 s3, s2  }
0x8d: {  	s2 =	sadd.s32 s2, s17  }
0x8e: {  	[smem:$0x3FA3] =	sst s2  }
0x8f: {  	_ = 	snop  }
0x90: {  	s2 =	sld [smem:$0x3FD0];
	(tm) =	ssettm $0x1  }
0x91: {  	s18 =	sld [smem:$0x3FFB];
	_ =	sdelay $0x3  }
0x92: {  	_ =	strace s18  }
0x93: {  	s3 =	sld [smem:$0x3FFC];
	_ =	sdelay $0x3  }
0x94: {  	_ =	strace s3  }
0x95: {  	s3 =	sld [smem:$0x3FFD];
	_ =	sdelay $0x3  }
0x96: {  	_ =	strace s3  }
0x97: {  	_ =	strace $0x8FFFFFFF  }
0x98: {  	s19 =	sld [smem:$0x3FDB];
	_ =	sdelay $0x1  }
0x99: {  	s4 =	simm.s32 $_scs_section_size  }
0x9a: {  	s5 =	simm.s32 $_size__tile_overlayer_lowered;
	s6 =	simm.s32 $_tile_overlayer_lowered  }
0x9b: {  	s22 =	simm.s32 $0x1BFF;
	s21 =	sshll.u32 s6, $0x1;
	s3 =	sadd.s32 s4, s19  }
0x9c: {  	s7 =	simm.s32 $0x0;
	s20 =	sshll.u32 s5, $0x1;
	s5 =	sadd.s32 s21, s3  }
0x9d: {  	[timem:s7], [sflag:s22] =	dma.local [hbm:s5], s20  }
0x9e: {  	_ =	swait.ge [sflag:s22], s20  }
0x9f: {  	s4 =	ssub.s32 $0x0, s20;
	[sflag:s22] =	ssyncset.done $0x0  }
0xa0: {  	[sflag:s22] =	ssyncadd.s32 s4;
	_ =	sdelay $0x1  }
0xa1: {  	s23 =	simm.s32 $0x1B8B  }
0xa2: {  	_ =	swait.ge [sflag:s23], $0x1  }
0xa3: {  	[sflag:s23] =	ssyncset.done $0x0  }
0xa4: {  	s25 =	simm.s32 $0x1B8E;
	s24 =	sld [smem:$0x3FFE];
	[sflag:s23] =	ssyncadd.s32 $0xFFFFFFFF  }
0xa5: {  	s26 =	simm.s32 $execute0_lowered;
	[smem:$0x3FD2] =	sst s25  }
0xa6: {  	s5 =	sshll.u32 s26, $0x1;
	_ =	strace $0x80000046;
	[dreg:$0x1] =	wrdreg $0xFFFFFFFF  }
0xa7: {  	s28 =	simm.s32 $_size_execute0_lowered;
	s3 =	sadd.s32 s3, s5;
	[dreg:$0x0] =	wrdreg $0x0  }
0xa8: {  	s5 =	sshll.u32 s28, $0x1;
	[dreg:$0x2] =	wrdreg s3  }
0xa9: {  	[dreg:$0x3] =	wrdreg s5  }
0xaa: {  	[dreg:$0x4] =	wrdreg $0xC0  }
0xab: {  	_ =	task [dreg:s7], $0x5FFFF  }
0xac: {  	[dreg:$0x1] =	wrdreg $0xFFFFFFFF  }
0xad: {  	[dreg:$0x0] =	wrdreg $0x60  }
0xae: {  	[dreg:$0x2] =	wrdreg s24  }
0xaf: {  	[dreg:$0x3] =	wrdreg s2  }
0xb0: {  	[dreg:$0x4] =	wrdreg $0x9  }
0xb1: {  	_ =	task.clear_ibuf [dreg:s7], $0x5FFFF;
	_ =	strace $0x90000046  }
0xb2: {  	s29 =	simm.s32 $0x9;
	_ =	strace $0x80000048  }
0xb3: {  	_ =	swait.ge [sflag:s29], $0x1  }
0xb4: {  	[sflag:s29] =	ssyncadd.s32 $0xFFFFFFFF  }
0xb5: {  	_ =	strace $0x90000048  }
0xb6: {  	_ =	sfence  }
0xb7: {  	s30 =	sld [smem:$0x0];
	_ =	sdelay $0x2  }
0xb8: {  	s31 =	sshll.u32 s1, $0xD;
	s1 =	sshrl.u32 s1, $0x2  }
0xb9: {  	s3 =	sand.u32 $0x4000, s31;
	s1 =	sadd.s32 s1, s30  }
0xba: {  	s0 =	sor.u32 s3, s0;
	s1 =	sshll.u32 s1, $0x11  }
0xbb: {  	s0 =	sor.u32 s1, s0  }
0xbc: {  	s0 =	sadd.s32 $0x8F2B, s0  }
0xbd: {  	[sflag:s0] =	ssyncadd.remote.s32 $0x1  }
0xbe: {  	_ =	sfence.sel $0xFFFF  }
0xbf: {  	[dreg:$0x0] =	wrdreg $0xFFFFFFFF;
	(pc) =	sbr.abs _section_cstart, $3  }
0xc0: {  	[dreg:$0x1] =	wrdreg $0xFFFFFFFF  }
0xc1: {  	_ =	task.clear_ibuf [dreg:s7], $0x2FFFF;
	_ =	strace $0x9FFFFFFF  }
0xc2: {  	(tm) =	ssettm $0x7FFFFFFF  }
0xc3: {  	_ =	shalt  }
tec
execute0_lowered:
.L_overlay_start_1:
0x0: {  	(tag) =	ssettag $0x1  }
0x1: {  	s4 =	rddreg [dreg:$0x0]  }
0x2: {  	s5 =	rddreg [dreg:$0x1]  }
0x3: {  	s0 =	rddreg [dreg:$0x2];
	s3 =	srdreg.scid  }
0x4: {  	s1 =	stileid.u32;
	s2 =	simm.s32 $0x0;
	s13 =	simm.s32 $0x2  }
0x5: {  	s14 =	simm.s32 $0x0;
	s6 =	sand.u32 $0x1, s3;
	s26 =	sshll.u32 s1, $0x1  }
0x6: {  	[smem:$0x7FF] =	sst s2;
	s3 =	sadd.s32 $0xFE00, s4;
	s30 =	smul.u32 $0x4E200, s1  }
0x7: {  	s10 =	sadd.s32 $0x37000, s4;
	s7 =	sor.u32 s6, s26;
	s12 =	smul.u32 $0x27100, s6  }
0x8: {  	_ =	strace $0x80000047;
	s8 =	ssub.s32 $0x2, s6;
	s9 =	smul.u32 $0x138800, s7  }
0x9: {  	s28 =	sshrl.u32 s8, $0x1;
	s7 =	sshll.u32 s7, $0xB;
	s31 =	sadd.s32 s30, s10  }
0xa: {  	s8 =	ssub.s32 s8, s28;
	s4 =	sadd.s32 s5, s7;
	s7 =	sadd.s32 s12, s31  }
0xb: {  	s12 =	simm.s32 $0x1;
	s29 =	sshrl.u32 s9, $0x3;
	s6 =	smax.u32 s8, $0x1  }
0xc: {  	s8 =	simm.s32 $0x3;
	s9 =	simm.s32 $0x50;
	s11 =	sadd.s32 s10, s29  }
0xd: {  	s10 =	simm.s32 $0x4000;
	s5 =	sadd.s32 $0x26C00, s11;
	s11 =	simm.s32 $0x6800  }
.LBB2_1:
0xe: {  	[tilespmem:s2], [sflag:$0x3] =	stream.linear.gather [hbm4b:s4+s2], $0x3E80, $0x38;
	[tilespmem:$0x9000] =	vst v63  }
0xf: {  	_ =	swait.ge [sflag:s8], $0x3E80  }
0x10: {  	[sflag:s8] =	ssyncset.done $0x0  }
0x11: {  	[sflag:s8] =	ssyncadd.s32 $0xFFFFC180  }
0x12: {  	[tilespmem:s10], [sflag:$0x1] =	stream.indirect.gather [hbm4b:s3+s9], $0x80, s2, s9, $0xb8;
	[tilespmem:$0x9000] =	vst v63  }
0x13: {  	s15 =	simm.s32 $0x80  }
0x14: {  	[tilespmem:s11], [sflag:$0x2] =	stream.indirect.gather [hbm4b:s3+s9], $0x80, s15, s9, $0xb8;
	[tilespmem:$0x9000] =	vst v63  }
0x15: {  	_ =	swait.ge [sflag:s12], $0x2800  }
0x16: {  	[sflag:s12] =	ssyncset.done $0x0  }
0x17: {  	s16 =	sadd.s32 $0x0, s7;
	[sflag:s12] =	ssyncadd.s32 $0xFFFFD800  }
0x18: {  	[hbm4b:s16+s2] =	stream.linear.scatter [tilespmem:s10], [sflag:$0x3], $0x2800, $0x38;
	[tilespmem:$0x9000] =	vst v63  }
0x19: {  	_ =	swait.ge [sflag:s8], $0x2800  }
0x1a: {  	[sflag:s8] =	ssyncset.done $0x0  }
0x1b: {  	s17 =	simm.s32 $0x100;
	[sflag:s8] =	ssyncadd.s32 $0xFFFFD800  }
0x1c: {  	[tilespmem:s10], [sflag:$0x1] =	stream.indirect.gather [hbm4b:s3+s9], $0x80, s17, s9, $0xb8;
	[tilespmem:$0x9000] =	vst v63  }
0x1d: {  	_ =	swait.ge [sflag:s13], $0x2800  }
0x1e: {  	[sflag:s13] =	ssyncset.done $0x0  }
0x1f: {  	s16 =	sadd.s32 $0x500, s16;
	[sflag:s13] =	ssyncadd.s32 $0xFFFFD800  }
0x20: {  	[hbm4b:s16+s2] =	stream.linear.scatter [tilespmem:s11], [sflag:$0x3], $0x2800, $0x38;
	[tilespmem:$0x9000] =	vst v63  }
0x21: {  	_ =	swait.ge [sflag:s8], $0x2800  }
0x22: {  	s16 =	simm.s32 $0xA00;
	[sflag:s8] =	ssyncset.done $0x0  }
.LBB2_2:
0x23: {  	p0 =	sne.s32 s16, $0x26200;
	[sflag:s8] =	ssyncadd.s32 $0xFFFFD800;
	s15 =	sadd.s32 $0x100, s15  }
0x24: {  	[tilespmem:s11], [sflag:$0x2] =	stream.indirect.gather [hbm4b:s3+s9], $0x80, s15, s9, $0xb8;
	[tilespmem:$0x9000] =	vst v63  }
0x25: {  	s17 =	smov.u32 s16;
	s16 =	sadd.s32 $0xA00, s16;
	_ =	swait.ge [sflag:s12], $0x2800  }
0x26: {  	[sflag:s12] =	ssyncset.done $0x0  }
0x27: {  	s17 =	sadd.s32 s17, s7;
	[sflag:s12] =	ssyncadd.s32 $0xFFFFD800  }
0x28: {  	[hbm4b:s17+s2] =	stream.linear.scatter [tilespmem:s10], [sflag:$0x3], $0x2800, $0x38;
	[tilespmem:$0x9000] =	vst v63  }
0x29: {  	_ =	swait.ge [sflag:s8], $0x2800  }
0x2a: {  	[sflag:s8] =	ssyncset.done $0x0  }
0x2b: {  	s18 =	sadd.s32 $0x80, s15;
	[sflag:s8] =	ssyncadd.s32 $0xFFFFD800  }
0x2c: {  	[tilespmem:s10], [sflag:$0x1] =	stream.indirect.gather [hbm4b:s3+s9], $0x80, s18, s9, $0xb8;
	[tilespmem:$0x9000] =	vst v63  }
0x2d: {  	_ =	swait.ge [sflag:s13], $0x2800  }
.Ltmp0:
0x2e: {  	[sflag:s13] =	ssyncset.done $0x0;
	(pc) =	sbr.rel @p0 .LBB2_2-.Ltmp0, $4  }
0x2f: {  	s17 =	sadd.s32 $0x500, s17;
	[sflag:s13] =	ssyncadd.s32 $0xFFFFD800  }
0x30: {  	[hbm4b:s17+s2] =	stream.linear.scatter [tilespmem:s11], [sflag:$0x3], $0x2800, $0x38;
	[tilespmem:$0x9000] =	vst v63  }
0x31: {  	_ =	swait.ge [sflag:s8], $0x2800  }
0x32: {  	[sflag:s8] =	ssyncset.done $0x0  }
0x33: {  	[sflag:s8] =	ssyncadd.s32 $0xFFFFD800  }
0x34: {  	s14 =	sadd.s32 $0x1, s14;
	_ =	swait.ge [sflag:s12], $0x2800  }
0x35: {  	p0 =	sne.s32 s14, s6;
	[sflag:s12] =	ssyncset.done $0x0  }
.Ltmp1:
0x36: {  	[sflag:s12] =	ssyncadd.s32 $0xFFFFD800;
	(pc) =	sbr.rel @p0 .LBB2_1-.Ltmp1, $4  }
0x37: {  	[hbm4b:s5+s2] =	stream.linear.scatter [tilespmem:s10], [sflag:$0x3], $0x2800, $0x38;
	[tilespmem:$0x9000] =	vst v63  }
0x38: {  	_ =	swait.ge [sflag:s8], $0x2800  }
0x39: {  	[sflag:s8] =	ssyncset.done $0x0  }
0x3a: {  	[sflag:s8] =	ssyncadd.s32 $0xFFFFD800  }
0x3b: {  	_ =	sfence.sel $0x180000  }
0x3c: {  	[bflag:$0x0] =	sbarrier.arrive $0xFFFF  }
0x3d: {  	p0 =	sne.s32 s1, $0x0;
	_ =	strace $0x90000047  }
0x3e: {  	s0 =	sadd.s32 @!p0 $0x100000, s0;
	[bflag:$0x2] =	sbarrier.arrive $0xFFFF  }
0x3f: {  	[sflag:s0] =	ssyncadd.tile.s32 @!p0 $0x1;
	_ =	shalt  }
.Lfunc_end2:
_tile_overlayer_lowered:
.L_overlay_start_2:
0x40: {  	(tag) =	ssettag $0x2  }
0x41: {  	s0 =	rddreg [dreg:$0x0];
	s2 =	stileid.u32  }
0x42: {  	s1 =	rddreg [dreg:$0x1];
	p0 =	sne.s32 s2, $0x0  }
0x43: {  	s3 =	rddreg [dreg:$0x2];
	[bflag:$0x3] =	sbarrier.arrive $0xFFFF;
	s2 =	simm.s32 @!p0 $0x1C03  }
0x44: {  	[timem:s3], [sflag:s2] =	dma.local @!p0 [hbm:s0], s1  }
0x45: {  	s0 =	simm.s32 @!p0 $0x3  }
0x46: {  	_ =	swait.ge @!p0 [sflag:s0], s1  }
0x47: {  	s1 =	ssub.s32 @!p0 $0x0, s1;
	[sflag:s0] =	ssyncset.done @!p0 $0x0  }
0x48: {  	[sflag:s0] =	ssyncadd.s32 @!p0 s1  }
0x49: {  	[bflag:$0x3] =	sbarrier.arrive $0xFFFF  }
0x4a: {  	_ =	shalt  }

// kernel: kernel.21.cloned.1.call-start
scs
__scs_entry_jumppad:
0x0: {  	(pc) =	sbr.rel $0x88, $3  }
0x1: {  	(tag) =	ssettag $0x0;
	lr =	simm.s32 $0x1  }
0x2: {  	[smem:$0x3F7C] =	sst lr;
	_ =	strace $0xD0000000  }
0x3: {  	_ = 	snop  }
0x4: {  	_ = 	snop  }
0x5: {  	_ = 	snop  }
0x6: {  	_ = 	snop  }
0x7: {  	_ = 	snop  }
__scs_overlays_trampoline_lowered:
0x8: {  	[smem:$0x3F8B] =	sst s0  }
0x9: {  	[smem:$0x3F8C] =	sst s1  }
0xa: {  	[smem:$0x3F8D] =	sst s2  }
0xb: {  	[smem:$0x3F8E] =	sst s3  }
0xc: {  	[smem:$0x3F8F] =	sst s4  }
0xd: {  	[smem:$0x3F90] =	sst s5  }
0xe: {  	[smem:$0x3F91] =	sst s6  }
0xf: {  	[smem:$0x3F92] =	sst s7  }
0x10: {  	[smem:$0x3F93] =	sst s8  }
0x11: {  	[smem:$0x3F94] =	sst s9;
	s0 =	simm.s32 @!p0 $0x0  }
0x12: {  	s1 =	sld [smem:$0x3F7A];
	s0 =	simm.s32 @p0 $0x1  }
0x13: {  	[smem:$0x3F95] =	sst s0;
	s0 =	simm.s32 @!p1 $0x0  }
0x14: {  	s2 =	sld [smem:$0x3F79];
	s0 =	simm.s32 @p1 $0x1  }
0x15: {  	[smem:$0x3F96] =	sst s0;
	s0 =	simm.s32 @!p2 $0x0  }
0x16: {  	s3 =	sld [smem:$0x3FDB];
	s0 =	simm.s32 @p2 $0x1  }
0x17: {  	s4 =	simm.s32 $0x1BF5;
	[smem:$0x3F98] =	sst s0  }
0x18: {  	s0 =	sld [smem:$0x3F7B];
	_ =	swait.ge [sflag:s4], $0x0  }
0x19: {  	s7 =	sld [smem:$0x3F7C]  }
0x1a: {  	s8 =	sadd.s32 $0xFFFFE003, lr  }
0x1b: {  	s9 =	sadd.s32 $0xFFFFFEF7, lr;
	s5 =	simm.s32 $0xFFFFFFFF;
	p2 =	slt.u32 s8, $0xFFFFF086  }
0x1c: {  	p1 =	slt.u32 s9, $0xF7A;
	s5 =	simm.s32 @!p2 $0x0  }
0x1d: {  	s5 =	simm.s32 @p1 $0x1;
	p0 =	seq.s32 s7, s2  }
0x1e: {  	s7 =	smul.u32 @!p0 $0xF7A, s2;
	p2 =	seq.s32 @!p0 s5, $0x0  }
0x1f: {  	s9 =	smul.u32 $0xF7A, s1;
	s8 =	simm.s32 @!p0 $0x1BF5;
	p2 =	por !p2, p0  }
0x20: {  	[sflag:s8] =	ssyncset.s32 @!p0 $0xFFFFF086;
	s6 =	sadd.s32 @!p0 s3, s7;
	s7 =	simm.s32 @!p0 $0x108  }
0x21: {  	s3 =	sadd.s32 s3, s9;
	s6 =	sadd.s32 @!p0 $0x88, s6;
	s7 =	simm.s32 @p2 $0x1082  }
0x22: {  	[simem:s7], [sflag:s8] =	dma.local @!p0 [hbm:s6], $0xF7A  }
0x23: {  	s9 =	sor.u32 $0xD0000000, s2;
	s6 =	simm.s32 $0x108;
	_ =	swait.ge @!p0 [sflag:s8], $0x0  }
0x24: {  	s3 =	sadd.s32 $0x88, s3;
	s6 =	simm.s32 @!p1 $0x1082;
	[sflag:s4] =	ssyncset.s32 $0xFFFFF086  }
0x25: {  	[simem:s6], [sflag:s4] =	dma.local [hbm:s3], $0xF7A  }
0x26: {  	[smem:$0x3F7C] =	sst s1;
	(tag) =	ssettag s2;
	_ =	strace s9  }
0x27: {  	s1 =	sld [smem:$0x3F8C]  }
0x28: {  	s2 =	sld [smem:$0x3F8D]  }
0x29: {  	s4 =	sld [smem:$0x3F8F]  }
0x2a: {  	p0 =	seq.s32 s5, $0x0;
	s5 =	sld [smem:$0x3F90]  }
0x2b: {  	s6 =	sld [smem:$0x3F91]  }
0x2c: {  	s7 =	sld [smem:$0x3F92]  }
0x2d: {  	s3 =	simm.s32 $0x108;
	s8 =	sld [smem:$0x3F93]  }
0x2e: {  	s3 =	simm.s32 @!p0 $0x1082;
	s9 =	sld [smem:$0x3F94]  }
0x2f: {  	lr =	sadd.s32 s0, s3;
	s0 =	sld [smem:$0x3F8B]  }
0x30: {  	s3 =	sld [smem:$0x3F8E]  }
0x31: {  	[smem:$0x3F97] =	sst s10  }
0x32: {  	s10 =	sld [smem:$0x3F95];
	_ =	sdelay $0x3  }
0x33: {  	p0 =	seq.s32 s10, $0x1;
	s10 =	sld [smem:$0x3F97];
	_ =	sdelay $0x3  }
0x34: {  	[smem:$0x3F97] =	sst s10  }
0x35: {  	s10 =	sld [smem:$0x3F96];
	_ =	sdelay $0x3  }
0x36: {  	p1 =	seq.s32 s10, $0x1;
	s10 =	sld [smem:$0x3F97];
	_ =	sdelay $0x3  }
0x37: {  	[smem:$0x3F97] =	sst s10  }
0x38: {  	s10 =	sld [smem:$0x3F98]  }
0x39: {  	_ = 	snop;
	(pc) =	sbr.ind lr, $3  }
0x3a: {  	_ = 	snop  }
0x3b: {  	_ = 	snop  }
0x3c: {  	p2 =	seq.s32 s10, $0x1;
	s10 =	sld [smem:$0x3F97]  }
0x3d: {  	_ =	shalt  }
0x3e: {  	_ =	shalt  }
0x3f: {  	_ =	shalt  }
0x40: {  	_ =	shalt  }
0x41: {  	_ =	shalt  }
0x42: {  	_ =	shalt  }
0x43: {  	_ =	shalt  }
0x44: {  	_ =	shalt  }
0x45: {  	_ =	shalt  }
0x46: {  	_ =	shalt  }
0x47: {  	_ =	shalt  }
0x48: {  	_ =	shalt  }
0x49: {  	_ =	shalt  }
0x4a: {  	_ =	shalt  }
0x4b: {  	_ =	shalt  }
0x4c: {  	_ =	shalt  }
0x4d: {  	_ =	shalt  }
0x4e: {  	_ =	shalt  }
0x4f: {  	_ =	shalt  }
0x50: {  	_ =	shalt  }
0x51: {  	_ =	shalt  }
0x52: {  	_ =	shalt  }
0x53: {  	_ =	shalt  }
0x54: {  	_ =	shalt  }
0x55: {  	_ =	shalt  }
0x56: {  	_ =	shalt  }
0x57: {  	_ =	shalt  }
0x58: {  	_ =	shalt  }
0x59: {  	_ =	shalt  }
0x5a: {  	_ =	shalt  }
0x5b: {  	_ =	shalt  }
0x5c: {  	_ =	shalt  }
0x5d: {  	_ =	shalt  }
0x5e: {  	_ =	shalt  }
0x5f: {  	_ =	shalt  }
0x60: {  	_ =	shalt  }
0x61: {  	_ =	shalt  }
0x62: {  	_ =	shalt  }
0x63: {  	_ =	shalt  }
0x64: {  	_ =	shalt  }
0x65: {  	_ =	shalt  }
0x66: {  	_ =	shalt  }
0x67: {  	_ =	shalt  }
0x68: {  	_ =	shalt  }
0x69: {  	_ =	shalt  }
0x6a: {  	_ =	shalt  }
0x6b: {  	_ =	shalt  }
0x6c: {  	_ =	shalt  }
0x6d: {  	_ =	shalt  }
0x6e: {  	_ =	shalt  }
0x6f: {  	_ =	shalt  }
0x70: {  	_ =	shalt  }
0x71: {  	_ =	shalt  }
0x72: {  	_ =	shalt  }
0x73: {  	_ =	shalt  }
0x74: {  	_ =	shalt  }
0x75: {  	_ =	shalt  }
0x76: {  	_ =	shalt  }
0x77: {  	_ =	shalt  }
0x78: {  	_ =	shalt  }
0x79: {  	_ =	shalt  }
0x7a: {  	_ =	shalt  }
0x7b: {  	_ =	shalt  }
0x7c: {  	_ =	shalt  }
0x7d: {  	_ =	shalt  }
0x7e: {  	_ =	shalt  }
0x7f: {  	_ =	shalt  }
0x80: {  	_ =	shalt  }
0x81: {  	_ =	shalt  }
0x82: {  	_ =	shalt  }
0x83: {  	_ =	shalt  }
0x84: {  	_ =	shalt  }
0x85: {  	_ =	shalt  }
0x86: {  	_ =	shalt  }
0x87: {  	_ =	shalt  }
.Lfunc_end0:
.L_simem_size_0:
called_computation.1_lowered:
.L_overlay_start_0:
0x88: {  	s2 =	sld [smem:$0x3FD9]  }
0x89: {  	s3 =	sld [smem:$0x3FFE];
	_ =	sdelay $0x1  }
0x8a: {  	s1 =	srdreg.scid  }
0x8b: {  	s0 =	sand.u32 $0x1, s1  }
0x8c: {  	s16 =	sshll.u32 s0, $0xA;
	s2 =	sadd.s32 s3, s2  }
0x8d: {  	s2 =	sadd.s32 s2, s16  }
0x8e: {  	[smem:$0x3FA3] =	sst s2  }
0x8f: {  	_ = 	snop  }
0x90: {  	(tm) =	ssettm $0x1  }
0x91: {  	s17 =	sld [smem:$0x3FFB];
	_ =	sdelay $0x3  }
0x92: {  	_ =	strace s17  }
0x93: {  	s2 =	sld [smem:$0x3FFC];
	_ =	sdelay $0x3  }
0x94: {  	_ =	strace s2  }
0x95: {  	s2 =	sld [smem:$0x3FFD];
	_ =	sdelay $0x3  }
0x96: {  	_ =	strace s2  }
0x97: {  	_ =	strace $0x8FFFFFFF  }
0x98: {  	s18 =	sld [smem:$0x3FDB];
	_ =	sdelay $0x1  }
0x99: {  	s19 =	simm.s32 $_scs_section_size  }
0x9a: {  	s4 =	simm.s32 $_size__tile_overlayer_lowered;
	s5 =	simm.s32 $_tile_overlayer_lowered  }
0x9b: {  	s22 =	simm.s32 $0x1BFF;
	s21 =	sshll.u32 s5, $0x1;
	s2 =	sadd.s32 s19, s18  }
0x9c: {  	s6 =	simm.s32 $0x0;
	s20 =	sshll.u32 s4, $0x1;
	s4 =	sadd.s32 s21, s2  }
0x9d: {  	[timem:s6], [sflag:s22] =	dma.local [hbm:s4], s20  }
0x9e: {  	_ =	swait.ge [sflag:s22], s20  }
0x9f: {  	s3 =	ssub.s32 $0x0, s20;
	[sflag:s22] =	ssyncset.done $0x0  }
0xa0: {  	[sflag:s22] =	ssyncadd.s32 s3;
	_ =	sdelay $0x1  }
0xa1: {  	s23 =	simm.s32 $0x1B8B  }
0xa2: {  	_ =	swait.ge [sflag:s23], $0x1  }
0xa3: {  	[sflag:s23] =	ssyncset.done $0x0  }
0xa4: {  	s25 =	simm.s32 $0x1B8E;
	s24 =	sld [smem:$0x3FFE];
	[sflag:s23] =	ssyncadd.s32 $0xFFFFFFFF  }
0xa5: {  	s26 =	simm.s32 $execute0_lowered;
	[smem:$0x3FD2] =	sst s25  }
0xa6: {  	s4 =	sshll.u32 s26, $0x1;
	_ =	strace $0x80000049;
	[dreg:$0x1] =	wrdreg $0xFFFFFFFF  }
0xa7: {  	s28 =	simm.s32 $_size_execute0_lowered;
	s2 =	sadd.s32 s2, s4;
	[dreg:$0x0] =	wrdreg $0x0  }
0xa8: {  	s4 =	sshll.u32 s28, $0x1;
	[dreg:$0x2] =	wrdreg s2  }
0xa9: {  	[dreg:$0x3] =	wrdreg s4  }
0xaa: {  	[dreg:$0x4] =	wrdreg $0xC0  }
0xab: {  	_ =	task [dreg:s6], $0x5FFFF  }
0xac: {  	[dreg:$0x1] =	wrdreg $0xFFFFFFFF  }
0xad: {  	[dreg:$0x0] =	wrdreg $0x60  }
0xae: {  	[dreg:$0x2] =	wrdreg s24  }
0xaf: {  	[dreg:$0x3] =	wrdreg $0xD0000  }
0xb0: {  	[dreg:$0x4] =	wrdreg $0x9  }
0xb1: {  	_ =	task.clear_ibuf [dreg:s6], $0x5FFFF;
	_ =	strace $0x90000049  }
0xb2: {  	s29 =	simm.s32 $0x9;
	_ =	strace $0x8000004B  }
0xb3: {  	_ =	swait.ge [sflag:s29], $0x1  }
0xb4: {  	[sflag:s29] =	ssyncadd.s32 $0xFFFFFFFF  }
0xb5: {  	_ =	strace $0x9000004B  }
0xb6: {  	_ =	sfence  }
0xb7: {  	s30 =	sld [smem:$0x0];
	_ =	sdelay $0x2  }
0xb8: {  	s31 =	sshll.u32 s1, $0xD;
	s1 =	sshrl.u32 s1, $0x2  }
0xb9: {  	s3 =	sand.u32 $0x4000, s31;
	s1 =	sadd.s32 s1, s30  }
0xba: {  	s0 =	sor.u32 s3, s0;
	s1 =	sshll.u32 s1, $0x11  }
0xbb: {  	s0 =	sor.u32 s1, s0  }
0xbc: {  	s0 =	sadd.s32 $0x8F2B, s0  }
0xbd: {  	[sflag:s0] =	ssyncadd.remote.s32 $0x1  }
0xbe: {  	_ =	sfence.sel $0xFFFF  }
0xbf: {  	[dreg:$0x0] =	wrdreg $0xFFFFFFFF;
	(pc) =	sbr.abs _section_cstart, $3  }
0xc0: {  	[dreg:$0x1] =	wrdreg $0xFFFFFFFF  }
0xc1: {  	_ =	task.clear_ibuf [dreg:s6], $0x2FFFF;
	_ =	strace $0x9FFFFFFF  }
0xc2: {  	(tm) =	ssettm $0x7FFFFFFF  }
0xc3: {  	_ =	shalt  }
tec
execute0_lowered:
.L_overlay_start_1:
0x0: {  	(tag) =	ssettag $0x1  }
0x1: {  	s5 =	rddreg [dreg:$0x0]  }
0x2: {  	s1 =	rddreg [dreg:$0x1]  }
0x3: {  	s2 =	stileid.u32;
	s0 =	rddreg [dreg:$0x2]  }
0x4: {  	s3 =	simm.s32 $0x0;
	s6 =	srdreg.scid;
	s17 =	simm.s32 $0x8000  }
0x5: {  	s18 =	simm.s32 $0x3;
	s19 =	simm.s32 $0xA800;
	s20 =	simm.s32 $0x1  }
0x6: {  	s21 =	simm.s32 $0x50;
	s22 =	simm.s32 $0x2;
	s24 =	simm.s32 $0x7C80  }
0x7: {  	s25 =	simm.s32 $0x0;
	s4 =	smul.u32 $0x4E200, s2;
	[smem:$0x7FF] =	sst s3  }
0x8: {  	s29 =	sshll.u32 s2, $0xC;
	s7 =	smul.u32 $0x27000, s2;
	s12 =	sadd.s32 $0x37600, s5  }
0x9: {  	s6 =	sand.u32 $0x1, s6;
	s13 =	smul.u32 $0x9C00, s2;
	s9 =	sadd.s32 $0x9C000, s1  }
0xa: {  	p0 =	sne.s32 s2, $0x0;
	_ =	strace $0x8000004A;
	s23 =	smul.u32 $0x1388, s6  }
0xb: {  	s10 =	sadd.s32 s29, s5;
	s8 =	ssub.s32 $0x2, s6;
	s11 =	smul.u32 $0x9C800, s6  }
0xc: {  	s16 =	sadd.s32 s4, s5;
	s4 =	sadd.s32 $0x37000, s5;
	s30 =	sshrl.u32 s7, $0x2  }
0xd: {  	s31 =	sshrl.u32 s8, $0x1;
	s10 =	sadd.s32 $0x519000, s10;
	s5 =	sadd.s32 s30, s1  }
0xe: {  	s14 =	ssub.s32 s8, s31;
	s13 =	sadd.s32 s13, s11;
	s15 =	sshrl.u32 s11, $0x3  }
0xf: {  	s11 =	sadd.s32 $0x529000, s16;
	v0 =	vmov s23;
	s23 =	simm.s32 $0x7C00;
	s6 =	sadd.s32 $0x2800, s5  }
0x10: {  	s7 =	sadd.s32 $0x5000, s5;
	s13 =	sshrl.u32 s13, $0x3;
	s15 =	sadd.s32 s12, s15  }
0x11: {  	s8 =	sadd.s32 $0x7800, s5;
	s12 =	sadd.s32 s12, s13;
	s13 =	sadd.s32 $0x13800, s15  }
0x12: {  	s14 =	smax.u32 s14, $0x1;
	s15 =	sadd.s32 $0x576D00, s16;
	s16 =	sadd.s32 $0x529500, s16  }
.LBB2_1:
0x13: {  	[tilespmem:s17], [sflag:$0x3] =	stream.linear.gather [hbm4b:s4+s3], $0x2800, $0x38;
	[tilespmem:$0x16C80] =	vst v63  }
0x14: {  	_ =	swait.ge [sflag:s18], $0x2800  }
0x15: {  	[sflag:s18] =	ssyncset.done $0x0  }
0x16: {  	[sflag:s18] =	ssyncadd.s32 $0xFFFFD800  }
0x17: {  	[spmem:s5] =	stream.linear.scatter [tilespmem:s17], [sflag:$0x3], $0x2800, $0x38;
	[tilespmem:$0x16C80] =	vst v63  }
0x18: {  	_ =	swait.ge [sflag:s18], $0x2800  }
0x19: {  	[sflag:s18] =	ssyncset.done $0x0  }
0x1a: {  	[sflag:s18] =	ssyncadd.s32 $0xFFFFD800  }
0x1b: {  	[spmem:s6] =	stream.linear.scatter [tilespmem:s17], [sflag:$0x3], $0x2800, $0x38;
	[tilespmem:$0x16C80] =	vst v63  }
0x1c: {  	_ =	swait.ge [sflag:s18], $0x2800  }
0x1d: {  	[sflag:s18] =	ssyncset.done $0x0  }
0x1e: {  	[sflag:s18] =	ssyncadd.s32 $0xFFFFD800  }
0x1f: {  	[spmem:s7] =	stream.linear.scatter [tilespmem:s17], [sflag:$0x3], $0x2800, $0x38;
	[tilespmem:$0x16C80] =	vst v63  }
0x20: {  	_ =	swait.ge [sflag:s18], $0x2800  }
0x21: {  	[sflag:s18] =	ssyncset.done $0x0  }
0x22: {  	[sflag:s18] =	ssyncadd.s32 $0xFFFFD800  }
0x23: {  	[spmem:s8] =	stream.linear.scatter [tilespmem:s17], [sflag:$0x3], $0x2400, $0x38;
	[tilespmem:$0x16C80] =	vst v63  }
0x24: {  	_ =	swait.ge [sflag:s18], $0x2400  }
0x25: {  	[sflag:s18] =	ssyncset.done $0x0  }
0x26: {  	s26 =	simm.s32 @!p0 $0x8000;
	[sflag:s18] =	ssyncadd.s32 $0xFFFFDC00  }
0x27: {  	[spmem:s9] =	stream.linear.scatter @!p0 [tilespmem:s26], [sflag:$0x3], $0x800, $0x38;
	[tilespmem:$0x16C80] =	vst v63  }
0x28: {  	s26 =	simm.s32 @!p0 $0x3  }
0x29: {  	_ =	swait.ge @!p0 [sflag:s26], $0x800  }
0x2a: {  	[sflag:s26] =	ssyncset.done @!p0 $0x0  }
0x2b: {  	[sflag:s26] =	ssyncadd.s32 @!p0 $0xFFFFF800  }
0x2c: {  	[tilespmem:s3], [sflag:$0x3] =	stream.linear.gather [hbm4b:s10+s3], $0x7D00, $0x38;
	[tilespmem:$0x16C80] =	vst v63  }
0x2d: {  	_ =	swait.ge [sflag:s18], $0x7D00  }
0x2e: {  	[sflag:s18] =	ssyncset.done $0x0  }
0x2f: {  	s26 =	simm.s32 $0x0;
	[sflag:s18] =	ssyncadd.s32 $0xFFFF8300  }
0x30: {  	v3 =	vld [tilespmem:s26+$0x0]  }
0x31: {  	v4 =	vld [tilespmem:s26+$0x10]  }
0x32: {  	v2 =	vld [tilespmem:s26+$0x20]  }
0x33: {  	s28 =	simm.s32 $0x200;
	v1 =	vld [tilespmem:s26+$0x30]  }
.LBB2_2:
0x34: {  	p1 =	sne.s32 s28, $0x1F200;
	v5 =	vld [tilespmem:s26+$0x40]  }
0x35: {  	v3 =	vsub.s32 v3, v0  }
0x36: {  	v3 =	vmin.u32 v3, $0x1388;
	v4 =	vsub.s32 v4, v0  }
.Ltmp0:
0x37: {  	s29 =	sshra.s32 s28, $0x2;
	[tilespmem:s26+$0x0] =	vst v3;
	v4 =	vmin.u32 v4, $0x1388;
	v2 =	vsub.s32 v2, v0;
	(pc) =	sbr.rel @p1 .LBB2_2-.Ltmp0, $4  }
0x38: {  	v3 =	vld [tilespmem:s29+$0x0];
	[tilespmem:s26+$0x10] =	vst v4;
	v2 =	vmin.u32 v2, $0x1388;
	v1 =	vsub.s32 v1, v0  }
0x39: {  	v4 =	vld [tilespmem:s29+$0x10];
	[tilespmem:s26+$0x20] =	vst v2;
	v1 =	vmin.u32 v1, $0x1388;
	v5 =	vsub.s32 v5, v0  }
0x3a: {  	v2 =	vld [tilespmem:s29+$0x20];
	[tilespmem:s26+$0x30] =	vst v1;
	v5 =	vmin.u32 v5, $0x1388  }
0x3b: {  	s28 =	sadd.s32 $0x200, s28;
	v1 =	vld [tilespmem:s29+$0x30];
	[tilespmem:s26+$0x40] =	vst v5;
	s26 =	smov.u32 s29  }
0x3c: {  	v5 =	vld [tilespmem:s26+$0x40]  }
0x3d: {  	v3 =	vsub.s32 v3, v0  }
0x3e: {  	v3 =	vmin.u32 v3, $0x1388;
	v4 =	vsub.s32 v4, v0  }
0x3f: {  	[tilespmem:s26+$0x0] =	vst v3;
	v3 =	vmin.u32 v4, $0x1388;
	v2 =	vsub.s32 v2, v0  }
0x40: {  	[tilespmem:s26+$0x10] =	vst v3;
	v2 =	vmin.u32 v2, $0x1388;
	v1 =	vsub.s32 v1, v0  }
0x41: {  	[tilespmem:s26+$0x20] =	vst v2;
	v1 =	vmin.u32 v1, $0x1388;
	v2 =	vsub.s32 v5, v0  }
0x42: {  	[tilespmem:s26+$0x30] =	vst v1;
	v1 =	vmin.u32 v2, $0x1388  }
0x43: {  	[tilespmem:s26+$0x40] =	vst v1  }
0x44: {  	s31 =	simm.s32 $0x0;
	[bflag:$0x0] =	sbarrier.arrive $0xFFFF  }
0x45: {  	[tilespmem:s17], [sflag:$0x1] =	stream.linear.gather [hbm4b:s11+s31], $0x2800, $0x38;
	[tilespmem:$0x16C80] =	vst v63  }
0x46: {  	_ = 	snop  }
0x47: {  	[tilespmem:s19], [sflag:$0x2] =	stream.linear.gather [hbm4b:s16+s3], $0x2800, $0x38;
	[tilespmem:$0x16C80] =	vst v63  }
0x48: {  	_ =	swait.ge [sflag:s20], $0x2800  }
0x49: {  	[sflag:s20] =	ssyncset.done $0x0  }
0x4a: {  	s29 =	simm.s32 $0x0;
	[sflag:s20] =	ssyncadd.s32 $0xFFFFD800  }
0x4b: {  	[spmem:s1] =	stream.indirect.scatter.add.f32 [tilespmem:s17], [sflag:$0x3], $0x80, s29, s21, $0xb8;
	[tilespmem:$0x16C80] =	vst v63  }
0x4c: {  	_ =	swait.ge [sflag:s18], $0x2800  }
0x4d: {  	[sflag:s18] =	ssyncset.done $0x0  }
0x4e: {  	s30 =	sadd.s32 $0x500, s16;
	[sflag:s18] =	ssyncadd.s32 $0xFFFFD800  }
0x4f: {  	[tilespmem:s17], [sflag:$0x1] =	stream.linear.gather [hbm4b:s30+s3], $0x2800, $0x38;
	[tilespmem:$0x16C80] =	vst v63  }
0x50: {  	_ =	swait.ge [sflag:s22], $0x2800  }
0x51: {  	[sflag:s22] =	ssyncset.done $0x0  }
0x52: {  	s31 =	simm.s32 $0x80;
	[sflag:s22] =	ssyncadd.s32 $0xFFFFD800  }
0x53: {  	[spmem:s1] =	stream.indirect.scatter.add.f32 [tilespmem:s19], [sflag:$0x3], $0x80, s31, s21, $0xb8;
	[tilespmem:$0x16C80] =	vst v63  }
0x54: {  	_ =	swait.ge [sflag:s18], $0x2800  }
0x55: {  	s28 =	smov.u32 s16;
	s26 =	simm.s32 $0x400;
	[sflag:s18] =	ssyncset.done $0x0  }
.LBB2_4:
0x56: {  	p1 =	sne.s32 s26, $0x1EC00;
	[sflag:s18] =	ssyncadd.s32 $0xFFFFD800;
	s28 =	sadd.s32 $0xA00, s28  }
0x57: {  	[tilespmem:s19], [sflag:$0x2] =	stream.linear.gather [hbm4b:s28+s3], $0x2800, $0x38;
	[tilespmem:$0x16C80] =	vst v63  }
0x58: {  	s29 =	smov.u32 s26;
	s26 =	sadd.s32 $0x400, s26;
	_ =	swait.ge [sflag:s20], $0x2800  }
0x59: {  	[sflag:s20] =	ssyncset.done $0x0  }
0x5a: {  	s29 =	sshra.s32 s29, $0x2;
	[sflag:s20] =	ssyncadd.s32 $0xFFFFD800  }
0x5b: {  	[spmem:s1] =	stream.indirect.scatter.add.f32 [tilespmem:s17], [sflag:$0x3], $0x80, s29, s21, $0xb8;
	[tilespmem:$0x16C80] =	vst v63  }
0x5c: {  	_ =	swait.ge [sflag:s18], $0x2800  }
0x5d: {  	[sflag:s18] =	ssyncset.done $0x0  }
0x5e: {  	s30 =	sadd.s32 $0x500, s28;
	[sflag:s18] =	ssyncadd.s32 $0xFFFFD800  }
0x5f: {  	[tilespmem:s17], [sflag:$0x1] =	stream.linear.gather [hbm4b:s30+s3], $0x2800, $0x38;
	[tilespmem:$0x16C80] =	vst v63  }
0x60: {  	_ =	swait.ge [sflag:s22], $0x2800  }
.Ltmp1:
0x61: {  	[sflag:s22] =	ssyncset.done $0x0;
	(pc) =	sbr.rel @p1 .LBB2_4-.Ltmp1, $4  }
0x62: {  	s29 =	sadd.s32 $0x80, s29;
	[sflag:s22] =	ssyncadd.s32 $0xFFFFD800  }
0x63: {  	[spmem:s1] =	stream.indirect.scatter.add.f32 [tilespmem:s19], [sflag:$0x3], $0x80, s29, s21, $0xb8;
	[tilespmem:$0x16C80] =	vst v63  }
0x64: {  	_ =	swait.ge [sflag:s18], $0x2800  }
0x65: {  	[sflag:s18] =	ssyncset.done $0x0  }
0x66: {  	[sflag:s18] =	ssyncadd.s32 $0xFFFFD800  }
0x67: {  	[tilespmem:s19], [sflag:$0x2] =	stream.linear.gather [hbm4b:s15+s3], $0x2800, $0x38;
	[tilespmem:$0x16C80] =	vst v63  }
0x68: {  	_ =	swait.ge [sflag:s20], $0x2800  }
0x69: {  	[sflag:s20] =	ssyncset.done $0x0  }
0x6a: {  	[sflag:s20] =	ssyncadd.s32 $0xFFFFD800  }
0x6b: {  	[spmem:s1] =	stream.indirect.scatter.add.f32 [tilespmem:s17], [sflag:$0x3], $0x80, s23, s21, $0xb8;
	[tilespmem:$0x16C80] =	vst v63  }
0x6c: {  	_ =	swait.ge [sflag:s18], $0x2800  }
0x6d: {  	[sflag:s18] =	ssyncset.done $0x0  }
0x6e: {  	[sflag:s18] =	ssyncadd.s32 $0xFFFFD800  }
0x6f: {  	_ =	swait.ge [sflag:s22], $0x2800  }
0x70: {  	[sflag:s22] =	ssyncset.done $0x0  }
0x71: {  	[sflag:s22] =	ssyncadd.s32 $0xFFFFD800  }
0x72: {  	[spmem:s1] =	stream.indirect.scatter.add.f32 [tilespmem:s19], [sflag:$0x3], $0x80, s24, s21, $0xb8;
	[tilespmem:$0x16C80] =	vst v63  }
0x73: {  	_ =	swait.ge [sflag:s18], $0x2800  }
0x74: {  	[sflag:s18] =	ssyncset.done $0x0  }
0x75: {  	s26 =	sshll.u32 s2, $0x6;
	[sflag:s18] =	ssyncadd.s32 $0xFFFFD800  }
0x76: {  	s28 =	sshrl.u32 s5, $0x3;
	s26 =	sor.u32 $0x1C03, s26;
	[bflag:$0x0] =	sbarrier.arrive $0xFFFF  }
0x77: {  	[hbm:s12], [sflag:s26] =	dma.local [spmem:s28], $0x1380  }
0x78: {  	_ =	swait.ge [sflag:s18], $0x1380  }
0x79: {  	s25 =	sadd.s32 $0x1, s25;
	[sflag:s18] =	ssyncset.done $0x0  }
0x7a: {  	p1 =	sne.s32 s25, s14;
	s28 =	sshrl.u32 @!p0 s9, $0x3;
	[sflag:s18] =	ssyncadd.s32 $0xFFFFEC80  }
0x7b: {  	[hbm:s13], [sflag:s26] =	dma.local @!p0 [spmem:s28], $0x100  }
.Ltmp2:
0x7c: {  	_ = 	snop;
	(pc) =	sbr.rel @p1 .LBB2_1-.Ltmp2, $4  }
0x7d: {  	s26 =	simm.s32 @!p0 $0x3  }
0x7e: {  	_ =	swait.ge @!p0 [sflag:s26], $0x100  }
0x7f: {  	[sflag:s26] =	ssyncset.done @!p0 $0x0  }
0x80: {  	[sflag:s26] =	ssyncadd.s32 @!p0 $0xFFFFFF00  }
0x81: {  	_ =	sfence.sel $0x180000  }
0x82: {  	[bflag:$0x0] =	sbarrier.arrive $0xFFFF  }
0x83: {  	_ =	strace $0x9000004A  }
0x84: {  	s0 =	sadd.s32 @!p0 $0x100000, s0;
	[bflag:$0x2] =	sbarrier.arrive $0xFFFF  }
0x85: {  	[sflag:s0] =	ssyncadd.tile.s32 @!p0 $0x1;
	_ =	shalt  }
.Lfunc_end2:
_tile_overlayer_lowered:
.L_overlay_start_2:
0x86: {  	(tag) =	ssettag $0x2  }
0x87: {  	s0 =	rddreg [dreg:$0x0];
	s2 =	stileid.u32  }
0x88: {  	s1 =	rddreg [dreg:$0x1];
	p0 =	sne.s32 s2, $0x0  }
0x89: {  	s3 =	rddreg [dreg:$0x2];
	[bflag:$0x3] =	sbarrier.arrive $0xFFFF;
	s2 =	simm.s32 @!p0 $0x1C03  }
0x8a: {  	[timem:s3], [sflag:s2] =	dma.local @!p0 [hbm:s0], s1  }
0x8b: {  	s0 =	simm.s32 @!p0 $0x3  }
0x8c: {  	_ =	swait.ge @!p0 [sflag:s0], s1  }
0x8d: {  	s1 =	ssub.s32 @!p0 $0x0, s1;
	[sflag:s0] =	ssyncset.done @!p0 $0x0  }
0x8e: {  	[sflag:s0] =	ssyncadd.s32 @!p0 s1  }
0x8f: {  	[bflag:$0x3] =	sbarrier.arrive $0xFFFF  }
0x90: {  	_ =	shalt  }

// kernel: kernel.24.cloned.1.call-start
scs
__scs_entry_jumppad:
0x0: {  	(pc) =	sbr.rel $0x88, $3  }
0x1: {  	(tag) =	ssettag $0x0;
	lr =	simm.s32 $0x1  }
0x2: {  	[smem:$0x3F7C] =	sst lr;
	_ =	strace $0xD0000000  }
0x3: {  	_ = 	snop  }
0x4: {  	_ = 	snop  }
0x5: {  	_ = 	snop  }
0x6: {  	_ = 	snop  }
0x7: {  	_ = 	snop  }
__scs_overlays_trampoline_lowered:
0x8: {  	[smem:$0x3F8B] =	sst s0  }
0x9: {  	[smem:$0x3F8C] =	sst s1  }
0xa: {  	[smem:$0x3F8D] =	sst s2  }
0xb: {  	[smem:$0x3F8E] =	sst s3  }
0xc: {  	[smem:$0x3F8F] =	sst s4  }
0xd: {  	[smem:$0x3F90] =	sst s5  }
0xe: {  	[smem:$0x3F91] =	sst s6  }
0xf: {  	[smem:$0x3F92] =	sst s7  }
0x10: {  	[smem:$0x3F93] =	sst s8  }
0x11: {  	[smem:$0x3F94] =	sst s9;
	s0 =	simm.s32 @!p0 $0x0  }
0x12: {  	s1 =	sld [smem:$0x3F7A];
	s0 =	simm.s32 @p0 $0x1  }
0x13: {  	[smem:$0x3F95] =	sst s0;
	s0 =	simm.s32 @!p1 $0x0  }
0x14: {  	s2 =	sld [smem:$0x3F79];
	s0 =	simm.s32 @p1 $0x1  }
0x15: {  	[smem:$0x3F96] =	sst s0;
	s0 =	simm.s32 @!p2 $0x0  }
0x16: {  	s3 =	sld [smem:$0x3FDB];
	s0 =	simm.s32 @p2 $0x1  }
0x17: {  	s4 =	simm.s32 $0x1BF5;
	[smem:$0x3F98] =	sst s0  }
0x18: {  	s0 =	sld [smem:$0x3F7B];
	_ =	swait.ge [sflag:s4], $0x0  }
0x19: {  	s7 =	sld [smem:$0x3F7C]  }
0x1a: {  	s8 =	sadd.s32 $0xFFFFE003, lr  }
0x1b: {  	s9 =	sadd.s32 $0xFFFFFEF7, lr;
	s5 =	simm.s32 $0xFFFFFFFF;
	p2 =	slt.u32 s8, $0xFFFFF086  }
0x1c: {  	p1 =	slt.u32 s9, $0xF7A;
	s5 =	simm.s32 @!p2 $0x0  }
0x1d: {  	s5 =	simm.s32 @p1 $0x1;
	p0 =	seq.s32 s7, s2  }
0x1e: {  	s7 =	smul.u32 @!p0 $0xF7A, s2;
	p2 =	seq.s32 @!p0 s5, $0x0  }
0x1f: {  	s9 =	smul.u32 $0xF7A, s1;
	s8 =	simm.s32 @!p0 $0x1BF5;
	p2 =	por !p2, p0  }
0x20: {  	[sflag:s8] =	ssyncset.s32 @!p0 $0xFFFFF086;
	s6 =	sadd.s32 @!p0 s3, s7;
	s7 =	simm.s32 @!p0 $0x108  }
0x21: {  	s3 =	sadd.s32 s3, s9;
	s6 =	sadd.s32 @!p0 $0x88, s6;
	s7 =	simm.s32 @p2 $0x1082  }
0x22: {  	[simem:s7], [sflag:s8] =	dma.local @!p0 [hbm:s6], $0xF7A  }
0x23: {  	s9 =	sor.u32 $0xD0000000, s2;
	s6 =	simm.s32 $0x108;
	_ =	swait.ge @!p0 [sflag:s8], $0x0  }
0x24: {  	s3 =	sadd.s32 $0x88, s3;
	s6 =	simm.s32 @!p1 $0x1082;
	[sflag:s4] =	ssyncset.s32 $0xFFFFF086  }
0x25: {  	[simem:s6], [sflag:s4] =	dma.local [hbm:s3], $0xF7A  }
0x26: {  	[smem:$0x3F7C] =	sst s1;
	(tag) =	ssettag s2;
	_ =	strace s9  }
0x27: {  	s1 =	sld [smem:$0x3F8C]  }
0x28: {  	s2 =	sld [smem:$0x3F8D]  }
0x29: {  	s4 =	sld [smem:$0x3F8F]  }
0x2a: {  	p0 =	seq.s32 s5, $0x0;
	s5 =	sld [smem:$0x3F90]  }
0x2b: {  	s6 =	sld [smem:$0x3F91]  }
0x2c: {  	s7 =	sld [smem:$0x3F92]  }
0x2d: {  	s3 =	simm.s32 $0x108;
	s8 =	sld [smem:$0x3F93]  }
0x2e: {  	s3 =	simm.s32 @!p0 $0x1082;
	s9 =	sld [smem:$0x3F94]  }
0x2f: {  	lr =	sadd.s32 s0, s3;
	s0 =	sld [smem:$0x3F8B]  }
0x30: {  	s3 =	sld [smem:$0x3F8E]  }
0x31: {  	[smem:$0x3F97] =	sst s10  }
0x32: {  	s10 =	sld [smem:$0x3F95];
	_ =	sdelay $0x3  }
0x33: {  	p0 =	seq.s32 s10, $0x1;
	s10 =	sld [smem:$0x3F97];
	_ =	sdelay $0x3  }
0x34: {  	[smem:$0x3F97] =	sst s10  }
0x35: {  	s10 =	sld [smem:$0x3F96];
	_ =	sdelay $0x3  }
0x36: {  	p1 =	seq.s32 s10, $0x1;
	s10 =	sld [smem:$0x3F97];
	_ =	sdelay $0x3  }
0x37: {  	[smem:$0x3F97] =	sst s10  }
0x38: {  	s10 =	sld [smem:$0x3F98]  }
0x39: {  	_ = 	snop;
	(pc) =	sbr.ind lr, $3  }
0x3a: {  	_ = 	snop  }
0x3b: {  	_ = 	snop  }
0x3c: {  	p2 =	seq.s32 s10, $0x1;
	s10 =	sld [smem:$0x3F97]  }
0x3d: {  	_ =	shalt  }
0x3e: {  	_ =	shalt  }
0x3f: {  	_ =	shalt  }
0x40: {  	_ =	shalt  }
0x41: {  	_ =	shalt  }
0x42: {  	_ =	shalt  }
0x43: {  	_ =	shalt  }
0x44: {  	_ =	shalt  }
0x45: {  	_ =	shalt  }
0x46: {  	_ =	shalt  }
0x47: {  	_ =	shalt  }
0x48: {  	_ =	shalt  }
0x49: {  	_ =	shalt  }
0x4a: {  	_ =	shalt  }
0x4b: {  	_ =	shalt  }
0x4c: {  	_ =	shalt  }
0x4d: {  	_ =	shalt  }
0x4e: {  	_ =	shalt  }
0x4f: {  	_ =	shalt  }
0x50: {  	_ =	shalt  }
0x51: {  	_ =	shalt  }
0x52: {  	_ =	shalt  }
0x53: {  	_ =	shalt  }
0x54: {  	_ =	shalt  }
0x55: {  	_ =	shalt  }
0x56: {  	_ =	shalt  }
0x57: {  	_ =	shalt  }
0x58: {  	_ =	shalt  }
0x59: {  	_ =	shalt  }
0x5a: {  	_ =	shalt  }
0x5b: {  	_ =	shalt  }
0x5c: {  	_ =	shalt  }
0x5d: {  	_ =	shalt  }
0x5e: {  	_ =	shalt  }
0x5f: {  	_ =	shalt  }
0x60: {  	_ =	shalt  }
0x61: {  	_ =	shalt  }
0x62: {  	_ =	shalt  }
0x63: {  	_ =	shalt  }
0x64: {  	_ =	shalt  }
0x65: {  	_ =	shalt  }
0x66: {  	_ =	shalt  }
0x67: {  	_ =	shalt  }
0x68: {  	_ =	shalt  }
0x69: {  	_ =	shalt  }
0x6a: {  	_ =	shalt  }
0x6b: {  	_ =	shalt  }
0x6c: {  	_ =	shalt  }
0x6d: {  	_ =	shalt  }
0x6e: {  	_ =	shalt  }
0x6f: {  	_ =	shalt  }
0x70: {  	_ =	shalt  }
0x71: {  	_ =	shalt  }
0x72: {  	_ =	shalt  }
0x73: {  	_ =	shalt  }
0x74: {  	_ =	shalt  }
0x75: {  	_ =	shalt  }
0x76: {  	_ =	shalt  }
0x77: {  	_ =	shalt  }
0x78: {  	_ =	shalt  }
0x79: {  	_ =	shalt  }
0x7a: {  	_ =	shalt  }
0x7b: {  	_ =	shalt  }
0x7c: {  	_ =	shalt  }
0x7d: {  	_ =	shalt  }
0x7e: {  	_ =	shalt  }
0x7f: {  	_ =	shalt  }
0x80: {  	_ =	shalt  }
0x81: {  	_ =	shalt  }
0x82: {  	_ =	shalt  }
0x83: {  	_ =	shalt  }
0x84: {  	_ =	shalt  }
0x85: {  	_ =	shalt  }
0x86: {  	_ =	shalt  }
0x87: {  	_ =	shalt  }
.Lfunc_end0:
.L_simem_size_0:
called_computation.2_lowered:
.L_overlay_start_0:
0x88: {  	s2 =	sld [smem:$0x3FD9]  }
0x89: {  	s3 =	sld [smem:$0x3FFE];
	_ =	sdelay $0x1  }
0x8a: {  	s1 =	srdreg.scid  }
0x8b: {  	s0 =	sand.u32 $0x1, s1  }
0x8c: {  	s16 =	sshll.u32 s0, $0xA;
	s2 =	sadd.s32 s3, s2  }
0x8d: {  	s2 =	sadd.s32 s2, s16  }
0x8e: {  	[smem:$0x3FA3] =	sst s2  }
0x8f: {  	_ = 	snop  }
0x90: {  	(tm) =	ssettm $0x1  }
0x91: {  	s17 =	sld [smem:$0x3FFB];
	_ =	sdelay $0x3  }
0x92: {  	_ =	strace s17  }
0x93: {  	s2 =	sld [smem:$0x3FFC];
	_ =	sdelay $0x3  }
0x94: {  	_ =	strace s2  }
0x95: {  	s2 =	sld [smem:$0x3FFD];
	_ =	sdelay $0x3  }
0x96: {  	_ =	strace s2  }
0x97: {  	_ =	strace $0x8FFFFFFF  }
0x98: {  	s18 =	sld [smem:$0x3FDB];
	_ =	sdelay $0x1  }
0x99: {  	s19 =	simm.s32 $_scs_section_size  }
0x9a: {  	s4 =	simm.s32 $_size__tile_overlayer_lowered;
	s5 =	simm.s32 $_tile_overlayer_lowered  }
0x9b: {  	s22 =	simm.s32 $0x1BFF;
	s21 =	sshll.u32 s5, $0x1;
	s2 =	sadd.s32 s19, s18  }
0x9c: {  	s6 =	simm.s32 $0x0;
	s20 =	sshll.u32 s4, $0x1;
	s4 =	sadd.s32 s21, s2  }
0x9d: {  	[timem:s6], [sflag:s22] =	dma.local [hbm:s4], s20  }
0x9e: {  	_ =	swait.ge [sflag:s22], s20  }
0x9f: {  	s3 =	ssub.s32 $0x0, s20;
	[sflag:s22] =	ssyncset.done $0x0  }
0xa0: {  	[sflag:s22] =	ssyncadd.s32 s3;
	_ =	sdelay $0x1  }
0xa1: {  	s23 =	simm.s32 $0x1B8B  }
0xa2: {  	_ =	swait.ge [sflag:s23], $0x1  }
0xa3: {  	[sflag:s23] =	ssyncset.done $0x0  }
0xa4: {  	s25 =	simm.s32 $0x1B8E;
	s24 =	sld [smem:$0x3FFE];
	[sflag:s23] =	ssyncadd.s32 $0xFFFFFFFF  }
0xa5: {  	s26 =	simm.s32 $execute0_lowered;
	[smem:$0x3FD2] =	sst s25  }
0xa6: {  	s4 =	sshll.u32 s26, $0x1;
	_ =	strace $0x8000004C;
	[dreg:$0x1] =	wrdreg $0xFFFFFFFF  }
0xa7: {  	s28 =	simm.s32 $_size_execute0_lowered;
	s2 =	sadd.s32 s2, s4;
	[dreg:$0x0] =	wrdreg $0x0  }
0xa8: {  	s4 =	sshll.u32 s28, $0x1;
	[dreg:$0x2] =	wrdreg s2  }
0xa9: {  	[dreg:$0x3] =	wrdreg s4  }
0xaa: {  	[dreg:$0x4] =	wrdreg $0xC0  }
0xab: {  	_ =	task [dreg:s6], $0x5FFFF  }
0xac: {  	[dreg:$0x1] =	wrdreg $0xFFFFFFFF  }
0xad: {  	[dreg:$0x0] =	wrdreg $0x60  }
0xae: {  	[dreg:$0x2] =	wrdreg s24  }
0xaf: {  	[dreg:$0x3] =	wrdreg $0x9  }
0xb0: {  	_ =	task.clear_ibuf [dreg:s6], $0x4FFFF;
	_ =	strace $0x9000004C  }
0xb1: {  	s29 =	simm.s32 $0x9;
	_ =	strace $0x8000004E  }
0xb2: {  	_ =	swait.ge [sflag:s29], $0x1  }
0xb3: {  	[sflag:s29] =	ssyncadd.s32 $0xFFFFFFFF  }
0xb4: {  	_ =	strace $0x9000004E  }
0xb5: {  	_ =	sfence  }
0xb6: {  	s30 =	sld [smem:$0x0];
	_ =	sdelay $0x2  }
0xb7: {  	s31 =	sshll.u32 s1, $0xD;
	s1 =	sshrl.u32 s1, $0x2  }
0xb8: {  	s3 =	sand.u32 $0x4000, s31;
	s1 =	sadd.s32 s1, s30  }
0xb9: {  	s0 =	sor.u32 s3, s0;
	s1 =	sshll.u32 s1, $0x11  }
0xba: {  	s0 =	sor.u32 s1, s0  }
0xbb: {  	s0 =	sadd.s32 $0x8F2B, s0  }
0xbc: {  	[sflag:s0] =	ssyncadd.remote.s32 $0x1  }
0xbd: {  	_ =	sfence.sel $0xFFFF  }
0xbe: {  	[dreg:$0x0] =	wrdreg $0xFFFFFFFF;
	(pc) =	sbr.abs _section_cstart, $3  }
0xbf: {  	[dreg:$0x1] =	wrdreg $0xFFFFFFFF  }
0xc0: {  	_ =	task.clear_ibuf [dreg:s6], $0x2FFFF;
	_ =	strace $0x9FFFFFFF  }
0xc1: {  	(tm) =	ssettm $0x7FFFFFFF  }
tec
execute0_lowered:
.L_overlay_start_1:
0x0: {  	(tag) =	ssettag $0x1  }
0x1: {  	s4 =	rddreg [dreg:$0x0]  }
0x2: {  	s0 =	rddreg [dreg:$0x1];
	s2 =	simm.s32 $0x0;
	s3 =	srdreg.scid  }
0x3: {  	s1 =	stileid.u32;
	s12 =	simm.s32 $0x1;
	s13 =	simm.s32 $0x2  }
0x4: {  	s14 =	simm.s32 $0x0;
	[smem:$0x7FF] =	sst s2;
	s5 =	sand.u32 $0x1, s3  }
0x5: {  	s29 =	sshll.u32 s1, $0x1;
	s3 =	sadd.s32 $0xFE00, s4;
	s8 =	sadd.s32 $0x6E800, s4  }
0x6: {  	s10 =	smul.u32 $0x4E200, s1;
	_ =	strace $0x8000004D;
	s6 =	sor.u32 s5, s29  }
0x7: {  	s30 =	ssub.s32 $0x2, s5;
	s11 =	smul.u32 $0x27100, s5;
	s7 =	sshll.u32 s6, $0xB  }
0x8: {  	s6 =	smul.u32 $0x138800, s6;
	s9 =	sshrl.u32 s30, $0x1;
	s31 =	sadd.s32 s10, s8  }
0x9: {  	s10 =	simm.s32 $0x4000;
	s7 =	sadd.s32 s7, s4;
	s9 =	ssub.s32 s30, s9  }
0xa: {  	s6 =	sshrl.u32 s6, $0x3;
	s4 =	sadd.s32 $0x5E800, s7;
	s7 =	sadd.s32 s11, s31  }
0xb: {  	s11 =	simm.s32 $0x6800;
	s6 =	sadd.s32 s8, s6;
	s8 =	simm.s32 $0x3  }
0xc: {  	s5 =	sadd.s32 $0x26C00, s6;
	s6 =	smax.u32 s9, $0x1;
	s9 =	simm.s32 $0x50  }
.LBB2_1:
0xd: {  	[tilespmem:s2], [sflag:$0x3] =	stream.linear.gather [hbm4b:s4+s2], $0x3E80, $0x38;
	[tilespmem:$0x9000] =	vst v63  }
0xe: {  	_ =	swait.ge [sflag:s8], $0x3E80  }
0xf: {  	[sflag:s8] =	ssyncset.done $0x0  }
0x10: {  	[sflag:s8] =	ssyncadd.s32 $0xFFFFC180  }
0x11: {  	[tilespmem:s10], [sflag:$0x1] =	stream.indirect.gather [hbm4b:s3+s9], $0x80, s2, s9, $0xb8;
	[tilespmem:$0x9000] =	vst v63  }
0x12: {  	s15 =	simm.s32 $0x80  }
0x13: {  	[tilespmem:s11], [sflag:$0x2] =	stream.indirect.gather [hbm4b:s3+s9], $0x80, s15, s9, $0xb8;
	[tilespmem:$0x9000] =	vst v63  }
0x14: {  	_ =	swait.ge [sflag:s12], $0x2800  }
0x15: {  	[sflag:s12] =	ssyncset.done $0x0  }
0x16: {  	s16 =	sadd.s32 $0x0, s7;
	[sflag:s12] =	ssyncadd.s32 $0xFFFFD800  }
0x17: {  	[hbm4b:s16+s2] =	stream.linear.scatter [tilespmem:s10], [sflag:$0x3], $0x2800, $0x38;
	[tilespmem:$0x9000] =	vst v63  }
0x18: {  	_ =	swait.ge [sflag:s8], $0x2800  }
0x19: {  	[sflag:s8] =	ssyncset.done $0x0  }
0x1a: {  	s17 =	simm.s32 $0x100;
	[sflag:s8] =	ssyncadd.s32 $0xFFFFD800  }
0x1b: {  	[tilespmem:s10], [sflag:$0x1] =	stream.indirect.gather [hbm4b:s3+s9], $0x80, s17, s9, $0xb8;
	[tilespmem:$0x9000] =	vst v63  }
0x1c: {  	_ =	swait.ge [sflag:s13], $0x2800  }
0x1d: {  	[sflag:s13] =	ssyncset.done $0x0  }
0x1e: {  	s16 =	sadd.s32 $0x500, s16;
	[sflag:s13] =	ssyncadd.s32 $0xFFFFD800  }
0x1f: {  	[hbm4b:s16+s2] =	stream.linear.scatter [tilespmem:s11], [sflag:$0x3], $0x2800, $0x38;
	[tilespmem:$0x9000] =	vst v63  }
0x20: {  	_ =	swait.ge [sflag:s8], $0x2800  }
0x21: {  	s16 =	simm.s32 $0xA00;
	[sflag:s8] =	ssyncset.done $0x0  }
.LBB2_2:
0x22: {  	p0 =	sne.s32 s16, $0x26200;
	[sflag:s8] =	ssyncadd.s32 $0xFFFFD800;
	s15 =	sadd.s32 $0x100, s15  }
0x23: {  	[tilespmem:s11], [sflag:$0x2] =	stream.indirect.gather [hbm4b:s3+s9], $0x80, s15, s9, $0xb8;
	[tilespmem:$0x9000] =	vst v63  }
0x24: {  	s17 =	smov.u32 s16;
	s16 =	sadd.s32 $0xA00, s16;
	_ =	swait.ge [sflag:s12], $0x2800  }
0x25: {  	[sflag:s12] =	ssyncset.done $0x0  }
0x26: {  	s17 =	sadd.s32 s17, s7;
	[sflag:s12] =	ssyncadd.s32 $0xFFFFD800  }
0x27: {  	[hbm4b:s17+s2] =	stream.linear.scatter [tilespmem:s10], [sflag:$0x3], $0x2800, $0x38;
	[tilespmem:$0x9000] =	vst v63  }
0x28: {  	_ =	swait.ge [sflag:s8], $0x2800  }
0x29: {  	[sflag:s8] =	ssyncset.done $0x0  }
0x2a: {  	s18 =	sadd.s32 $0x80, s15;
	[sflag:s8] =	ssyncadd.s32 $0xFFFFD800  }
0x2b: {  	[tilespmem:s10], [sflag:$0x1] =	stream.indirect.gather [hbm4b:s3+s9], $0x80, s18, s9, $0xb8;
	[tilespmem:$0x9000] =	vst v63  }
0x2c: {  	_ =	swait.ge [sflag:s13], $0x2800  }
.Ltmp0:
0x2d: {  	[sflag:s13] =	ssyncset.done $0x0;
	(pc) =	sbr.rel @p0 .LBB2_2-.Ltmp0, $4  }
0x2e: {  	s17 =	sadd.s32 $0x500, s17;
	[sflag:s13] =	ssyncadd.s32 $0xFFFFD800  }
0x2f: {  	[hbm4b:s17+s2] =	stream.linear.scatter [tilespmem:s11], [sflag:$0x3], $0x2800, $0x38;
	[tilespmem:$0x9000] =	vst v63  }
0x30: {  	_ =	swait.ge [sflag:s8], $0x2800  }
0x31: {  	[sflag:s8] =	ssyncset.done $0x0  }
0x32: {  	[sflag:s8] =	ssyncadd.s32 $0xFFFFD800  }
0x33: {  	s14 =	sadd.s32 $0x1, s14;
	_ =	swait.ge [sflag:s12], $0x2800  }
0x34: {  	p0 =	sne.s32 s14, s6;
	[sflag:s12] =	ssyncset.done $0x0  }
.Ltmp1:
0x35: {  	[sflag:s12] =	ssyncadd.s32 $0xFFFFD800;
	(pc) =	sbr.rel @p0 .LBB2_1-.Ltmp1, $4  }
0x36: {  	[hbm4b:s5+s2] =	stream.linear.scatter [tilespmem:s10], [sflag:$0x3], $0x2800, $0x38;
	[tilespmem:$0x9000] =	vst v63  }
0x37: {  	_ =	swait.ge [sflag:s8], $0x2800  }
0x38: {  	[sflag:s8] =	ssyncset.done $0x0  }
0x39: {  	[sflag:s8] =	ssyncadd.s32 $0xFFFFD800  }
0x3a: {  	_ =	sfence.sel $0x180000  }
0x3b: {  	[bflag:$0x0] =	sbarrier.arrive $0xFFFF  }
0x3c: {  	p0 =	sne.s32 s1, $0x0;
	_ =	strace $0x9000004D  }
0x3d: {  	s0 =	sadd.s32 @!p0 $0x100000, s0;
	[bflag:$0x2] =	sbarrier.arrive $0xFFFF  }
0x3e: {  	[sflag:s0] =	ssyncadd.tile.s32 @!p0 $0x1;
	_ =	shalt  }
.Lfunc_end2:
_tile_overlayer_lowered:
.L_overlay_start_2:
0x3f: {  	(tag) =	ssettag $0x2  }
0x40: {  	s0 =	rddreg [dreg:$0x0];
	s2 =	stileid.u32  }
0x41: {  	s1 =	rddreg [dreg:$0x1];
	p0 =	sne.s32 s2, $0x0  }
0x42: {  	s3 =	rddreg [dreg:$0x2];
	[bflag:$0x3] =	sbarrier.arrive $0xFFFF;
	s2 =	simm.s32 @!p0 $0x1C03  }
0x43: {  	[timem:s3], [sflag:s2] =	dma.local @!p0 [hbm:s0], s1  }
0x44: {  	s0 =	simm.s32 @!p0 $0x3  }
0x45: {  	_ =	swait.ge @!p0 [sflag:s0], s1  }
0x46: {  	s1 =	ssub.s32 @!p0 $0x0, s1;
	[sflag:s0] =	ssyncset.done @!p0 $0x0  }
0x47: {  	[sflag:s0] =	ssyncadd.s32 @!p0 s1  }
0x48: {  	[bflag:$0x3] =	sbarrier.arrive $0xFFFF  }
0x49: {  	_ =	shalt  }

// kernel: kernel.27.cloned.1.call-start
scs
__scs_entry_jumppad:
0x0: {  	(pc) =	sbr.rel $0x88, $3  }
0x1: {  	(tag) =	ssettag $0x0;
	lr =	simm.s32 $0x1  }
0x2: {  	[smem:$0x3F7C] =	sst lr;
	_ =	strace $0xD0000000  }
0x3: {  	_ = 	snop  }
0x4: {  	_ = 	snop  }
0x5: {  	_ = 	snop  }
0x6: {  	_ = 	snop  }
0x7: {  	_ = 	snop  }
__scs_overlays_trampoline_lowered:
0x8: {  	[smem:$0x3F8B] =	sst s0  }
0x9: {  	[smem:$0x3F8C] =	sst s1  }
0xa: {  	[smem:$0x3F8D] =	sst s2  }
0xb: {  	[smem:$0x3F8E] =	sst s3  }
0xc: {  	[smem:$0x3F8F] =	sst s4  }
0xd: {  	[smem:$0x3F90] =	sst s5  }
0xe: {  	[smem:$0x3F91] =	sst s6  }
0xf: {  	[smem:$0x3F92] =	sst s7  }
0x10: {  	[smem:$0x3F93] =	sst s8  }
0x11: {  	[smem:$0x3F94] =	sst s9;
	s0 =	simm.s32 @!p0 $0x0  }
0x12: {  	s1 =	sld [smem:$0x3F7A];
	s0 =	simm.s32 @p0 $0x1  }
0x13: {  	[smem:$0x3F95] =	sst s0;
	s0 =	simm.s32 @!p1 $0x0  }
0x14: {  	s2 =	sld [smem:$0x3F79];
	s0 =	simm.s32 @p1 $0x1  }
0x15: {  	[smem:$0x3F96] =	sst s0;
	s0 =	simm.s32 @!p2 $0x0  }
0x16: {  	s3 =	sld [smem:$0x3FDB];
	s0 =	simm.s32 @p2 $0x1  }
0x17: {  	s4 =	simm.s32 $0x1BF5;
	[smem:$0x3F98] =	sst s0  }
0x18: {  	s0 =	sld [smem:$0x3F7B];
	_ =	swait.ge [sflag:s4], $0x0  }
0x19: {  	s7 =	sld [smem:$0x3F7C]  }
0x1a: {  	s8 =	sadd.s32 $0xFFFFE003, lr  }
0x1b: {  	s9 =	sadd.s32 $0xFFFFFEF7, lr;
	s5 =	simm.s32 $0xFFFFFFFF;
	p2 =	slt.u32 s8, $0xFFFFF086  }
0x1c: {  	p1 =	slt.u32 s9, $0xF7A;
	s5 =	simm.s32 @!p2 $0x0  }
0x1d: {  	s5 =	simm.s32 @p1 $0x1;
	p0 =	seq.s32 s7, s2  }
0x1e: {  	s7 =	smul.u32 @!p0 $0xF7A, s2;
	p2 =	seq.s32 @!p0 s5, $0x0  }
0x1f: {  	s9 =	smul.u32 $0xF7A, s1;
	s8 =	simm.s32 @!p0 $0x1BF5;
	p2 =	por !p2, p0  }
0x20: {  	[sflag:s8] =	ssyncset.s32 @!p0 $0xFFFFF086;
	s6 =	sadd.s32 @!p0 s3, s7;
	s7 =	simm.s32 @!p0 $0x108  }
0x21: {  	s3 =	sadd.s32 s3, s9;
	s6 =	sadd.s32 @!p0 $0x88, s6;
	s7 =	simm.s32 @p2 $0x1082  }
0x22: {  	[simem:s7], [sflag:s8] =	dma.local @!p0 [hbm:s6], $0xF7A  }
0x23: {  	s9 =	sor.u32 $0xD0000000, s2;
	s6 =	simm.s32 $0x108;
	_ =	swait.ge @!p0 [sflag:s8], $0x0  }
0x24: {  	s3 =	sadd.s32 $0x88, s3;
	s6 =	simm.s32 @!p1 $0x1082;
	[sflag:s4] =	ssyncset.s32 $0xFFFFF086  }
0x25: {  	[simem:s6], [sflag:s4] =	dma.local [hbm:s3], $0xF7A  }
0x26: {  	[smem:$0x3F7C] =	sst s1;
	(tag) =	ssettag s2;
	_ =	strace s9  }
0x27: {  	s1 =	sld [smem:$0x3F8C]  }
0x28: {  	s2 =	sld [smem:$0x3F8D]  }
0x29: {  	s4 =	sld [smem:$0x3F8F]  }
0x2a: {  	p0 =	seq.s32 s5, $0x0;
	s5 =	sld [smem:$0x3F90]  }
0x2b: {  	s6 =	sld [smem:$0x3F91]  }
0x2c: {  	s7 =	sld [smem:$0x3F92]  }
0x2d: {  	s3 =	simm.s32 $0x108;
	s8 =	sld [smem:$0x3F93]  }
0x2e: {  	s3 =	simm.s32 @!p0 $0x1082;
	s9 =	sld [smem:$0x3F94]  }
0x2f: {  	lr =	sadd.s32 s0, s3;
	s0 =	sld [smem:$0x3F8B]  }
0x30: {  	s3 =	sld [smem:$0x3F8E]  }
0x31: {  	[smem:$0x3F97] =	sst s10  }
0x32: {  	s10 =	sld [smem:$0x3F95];
	_ =	sdelay $0x3  }
0x33: {  	p0 =	seq.s32 s10, $0x1;
	s10 =	sld [smem:$0x3F97];
	_ =	sdelay $0x3  }
0x34: {  	[smem:$0x3F97] =	sst s10  }
0x35: {  	s10 =	sld [smem:$0x3F96];
	_ =	sdelay $0x3  }
0x36: {  	p1 =	seq.s32 s10, $0x1;
	s10 =	sld [smem:$0x3F97];
	_ =	sdelay $0x3  }
0x37: {  	[smem:$0x3F97] =	sst s10  }
0x38: {  	s10 =	sld [smem:$0x3F98]  }
0x39: {  	_ = 	snop;
	(pc) =	sbr.ind lr, $3  }
0x3a: {  	_ = 	snop  }
0x3b: {  	_ = 	snop  }
0x3c: {  	p2 =	seq.s32 s10, $0x1;
	s10 =	sld [smem:$0x3F97]  }
0x3d: {  	_ =	shalt  }
0x3e: {  	_ =	shalt  }
0x3f: {  	_ =	shalt  }
0x40: {  	_ =	shalt  }
0x41: {  	_ =	shalt  }
0x42: {  	_ =	shalt  }
0x43: {  	_ =	shalt  }
0x44: {  	_ =	shalt  }
0x45: {  	_ =	shalt  }
0x46: {  	_ =	shalt  }
0x47: {  	_ =	shalt  }
0x48: {  	_ =	shalt  }
0x49: {  	_ =	shalt  }
0x4a: {  	_ =	shalt  }
0x4b: {  	_ =	shalt  }
0x4c: {  	_ =	shalt  }
0x4d: {  	_ =	shalt  }
0x4e: {  	_ =	shalt  }
0x4f: {  	_ =	shalt  }
0x50: {  	_ =	shalt  }
0x51: {  	_ =	shalt  }
0x52: {  	_ =	shalt  }
0x53: {  	_ =	shalt  }
0x54: {  	_ =	shalt  }
0x55: {  	_ =	shalt  }
0x56: {  	_ =	shalt  }
0x57: {  	_ =	shalt  }
0x58: {  	_ =	shalt  }
0x59: {  	_ =	shalt  }
0x5a: {  	_ =	shalt  }
0x5b: {  	_ =	shalt  }
0x5c: {  	_ =	shalt  }
0x5d: {  	_ =	shalt  }
0x5e: {  	_ =	shalt  }
0x5f: {  	_ =	shalt  }
0x60: {  	_ =	shalt  }
0x61: {  	_ =	shalt  }
0x62: {  	_ =	shalt  }
0x63: {  	_ =	shalt  }
0x64: {  	_ =	shalt  }
0x65: {  	_ =	shalt  }
0x66: {  	_ =	shalt  }
0x67: {  	_ =	shalt  }
0x68: {  	_ =	shalt  }
0x69: {  	_ =	shalt  }
0x6a: {  	_ =	shalt  }
0x6b: {  	_ =	shalt  }
0x6c: {  	_ =	shalt  }
0x6d: {  	_ =	shalt  }
0x6e: {  	_ =	shalt  }
0x6f: {  	_ =	shalt  }
0x70: {  	_ =	shalt  }
0x71: {  	_ =	shalt  }
0x72: {  	_ =	shalt  }
0x73: {  	_ =	shalt  }
0x74: {  	_ =	shalt  }
0x75: {  	_ =	shalt  }
0x76: {  	_ =	shalt  }
0x77: {  	_ =	shalt  }
0x78: {  	_ =	shalt  }
0x79: {  	_ =	shalt  }
0x7a: {  	_ =	shalt  }
0x7b: {  	_ =	shalt  }
0x7c: {  	_ =	shalt  }
0x7d: {  	_ =	shalt  }
0x7e: {  	_ =	shalt  }
0x7f: {  	_ =	shalt  }
0x80: {  	_ =	shalt  }
0x81: {  	_ =	shalt  }
0x82: {  	_ =	shalt  }
0x83: {  	_ =	shalt  }
0x84: {  	_ =	shalt  }
0x85: {  	_ =	shalt  }
0x86: {  	_ =	shalt  }
0x87: {  	_ =	shalt  }
.Lfunc_end0:
.L_simem_size_0:
called_computation.3_lowered:
.L_overlay_start_0:
0x88: {  	s2 =	sld [smem:$0x3FD9]  }
0x89: {  	s3 =	sld [smem:$0x3FFE];
	_ =	sdelay $0x1  }
0x8a: {  	s1 =	srdreg.scid  }
0x8b: {  	s0 =	sand.u32 $0x1, s1  }
0x8c: {  	s17 =	sshll.u32 s0, $0xA;
	s2 =	sadd.s32 s3, s2  }
0x8d: {  	s2 =	sadd.s32 s2, s17  }
0x8e: {  	[smem:$0x3FA3] =	sst s2  }
0x8f: {  	_ = 	snop  }
0x90: {  	s18 =	sld [smem:$0x3FD0];
	(tm) =	ssettm $0x1  }
0x91: {  	s19 =	sld [smem:$0x3FFB];
	_ =	sdelay $0x3  }
0x92: {  	_ =	strace s19  }
0x93: {  	s2 =	sld [smem:$0x3FFC];
	_ =	sdelay $0x3  }
0x94: {  	_ =	strace s2  }
0x95: {  	s2 =	sld [smem:$0x3FFD];
	_ =	sdelay $0x3  }
0x96: {  	_ =	strace s2  }
0x97: {  	_ =	strace $0x8FFFFFFF  }
0x98: {  	s20 =	sld [smem:$0x3FDB];
	_ =	sdelay $0x1  }
0x99: {  	s4 =	simm.s32 $_scs_section_size  }
0x9a: {  	s5 =	simm.s32 $_size__tile_overlayer_lowered;
	s6 =	simm.s32 $_tile_overlayer_lowered  }
0x9b: {  	s7 =	simm.s32 $0x1BFF;
	s21 =	sshll.u32 s6, $0x1;
	s4 =	sadd.s32 s4, s20  }
0x9c: {  	s22 =	simm.s32 $0x0;
	s5 =	sshll.u32 s5, $0x1;
	s6 =	sadd.s32 s21, s4  }
0x9d: {  	[timem:s22], [sflag:s7] =	dma.local [hbm:s6], s5  }
0x9e: {  	_ =	swait.ge [sflag:s7], s5  }
0x9f: {  	s5 =	ssub.s32 $0x0, s5;
	[sflag:s7] =	ssyncset.done $0x0  }
0xa0: {  	[sflag:s7] =	ssyncadd.s32 s5;
	_ =	sdelay $0x1  }
0xa1: {  	s23 =	simm.s32 $0x1B8B  }
0xa2: {  	_ =	swait.ge [sflag:s23], $0x1  }
0xa3: {  	[sflag:s23] =	ssyncset.done $0x0  }
0xa4: {  	[sflag:s23] =	ssyncadd.s32 $0xFFFFFFFF  }
0xa5: {  	s5 =	sld [smem:$0x0]  }
0xa6: {  	s6 =	sand.u32 $0xFFFFFFFE, s1  }
0xa7: {  	p0 =	sne.s32 s1, s6  }
0xa8: {  	s6 =	sshll.u32 @p0 s6, $0xE  }
0xa9: {  	s6 =	sadd.s32 @p0 $0x11B8D, s6;
	s7 =	sshll.u32 @p0 s5, $0x11  }
0xaa: {  	s6 =	sor.u32 @p0 s7, s6  }
0xab: {  	[sflag:s6] =	ssyncadd.remote.s32 @p0 $0x1;
	_ =	sdelay $0x1  }
0xac: {  	s6 =	simm.s32 @p0 $0x1B8D  }
0xad: {  	_ =	swait.eq @p0 [sflag:s6], $0x1  }
0xae: {  	[sflag:s6] =	ssyncadd.s32 @p0 $0xFFFFFFFF  }
0xaf: {  	s7 =	sshll.u32 @!p0 s1, $0xE  }
0xb0: {  	s7 =	sor.u32 @!p0 $0x4000, s7;
	s6 =	simm.s32 @!p0 $0x1B8D  }
0xb1: {  	s5 =	sshll.u32 @!p0 s5, $0x11;
	s7 =	sadd.s32 @!p0 $0x11B8D, s7;
	_ =	swait.eq @!p0 [sflag:s6], $0x1  }
0xb2: {  	s5 =	sor.u32 @!p0 s5, s7;
	[sflag:s6] =	ssyncadd.s32 @!p0 $0xFFFFFFFF  }
0xb3: {  	s25 =	simm.s32 $0x1B8E;
	s24 =	sld [smem:$0x3FFE];
	[sflag:s5] =	ssyncadd.remote.s32 @!p0 $0x1  }
0xb4: {  	s26 =	simm.s32 $execute0_lowered;
	[smem:$0x3FD2] =	sst s25  }
0xb5: {  	s6 =	sshll.u32 s26, $0x1;
	_ =	strace $0x8000004F;
	[dreg:$0x1] =	wrdreg $0xFFFFFFFF  }
0xb6: {  	s28 =	simm.s32 $_size_execute0_lowered;
	s4 =	sadd.s32 s4, s6;
	[dreg:$0x0] =	wrdreg $0x0  }
0xb7: {  	s6 =	sshll.u32 s28, $0x1;
	[dreg:$0x2] =	wrdreg s4  }
0xb8: {  	[dreg:$0x3] =	wrdreg s6  }
0xb9: {  	[dreg:$0x4] =	wrdreg $0xC0  }
0xba: {  	_ =	task [dreg:s22], $0x5FFFF  }
0xbb: {  	[dreg:$0x1] =	wrdreg $0xFFFFFFFF  }
0xbc: {  	[dreg:$0x0] =	wrdreg $0x60  }
0xbd: {  	[dreg:$0x2] =	wrdreg s24  }
0xbe: {  	[dreg:$0x3] =	wrdreg s18  }
0xbf: {  	[dreg:$0x4] =	wrdreg $0xA  }
0xc0: {  	_ =	task.clear_ibuf [dreg:s22], $0x5FFFF;
	_ =	strace $0x9000004F  }
0xc1: {  	s29 =	simm.s32 $0xA;
	_ =	strace $0x80000051  }
0xc2: {  	_ =	swait.ge [sflag:s29], $0x1  }
0xc3: {  	[sflag:s29] =	ssyncadd.s32 $0xFFFFFFFF  }
0xc4: {  	_ =	strace $0x90000051  }
0xc5: {  	_ =	sfence  }
0xc6: {  	s30 =	sld [smem:$0x0];
	_ =	sdelay $0x2  }
0xc7: {  	s31 =	sshll.u32 s1, $0xD;
	s1 =	sshrl.u32 s1, $0x2  }
0xc8: {  	s4 =	sand.u32 $0x4000, s31;
	s1 =	sadd.s32 s1, s30  }
0xc9: {  	s0 =	sor.u32 s4, s0;
	s1 =	sshll.u32 s1, $0x11  }
0xca: {  	s0 =	sor.u32 s1, s0  }
0xcb: {  	s0 =	sadd.s32 $0x8F2B, s0  }
0xcc: {  	[sflag:s0] =	ssyncadd.remote.s32 $0x1  }
0xcd: {  	_ =	sfence.sel $0xFFFF  }
0xce: {  	[dreg:$0x0] =	wrdreg $0xFFFFFFFF;
	(pc) =	sbr.abs _section_cstart, $3  }
0xcf: {  	[dreg:$0x1] =	wrdreg $0xFFFFFFFF  }
0xd0: {  	_ =	task.clear_ibuf [dreg:s22], $0x2FFFF;
	_ =	strace $0x9FFFFFFF  }
0xd1: {  	(tm) =	ssettm $0x7FFFFFFF  }
tec
execute0_lowered:
.L_overlay_start_1:
0x0: {  	(tag) =	ssettag $0x1  }
0x1: {  	s4 =	rddreg [dreg:$0x0]  }
0x2: {  	s5 =	rddreg [dreg:$0x1]  }
0x3: {  	s0 =	rddreg [dreg:$0x2];
	s3 =	srdreg.scid  }
0x4: {  	s1 =	stileid.u32;
	s2 =	simm.s32 $0x0;
	s13 =	simm.s32 $0x2  }
0x5: {  	s14 =	simm.s32 $0x0;
	s6 =	sand.u32 $0x1, s3;
	s26 =	sshll.u32 s1, $0x1  }
0x6: {  	[smem:$0x7FF] =	sst s2;
	s3 =	sadd.s32 $0xFE00, s4;
	s30 =	smul.u32 $0x4E200, s1  }
0x7: {  	s10 =	sadd.s32 $0x550800, s4;
	s7 =	sor.u32 s6, s26;
	s12 =	smul.u32 $0x27100, s6  }
0x8: {  	_ =	strace $0x80000050;
	s8 =	ssub.s32 $0x2, s6;
	s9 =	smul.u32 $0x138800, s7  }
0x9: {  	s28 =	sshrl.u32 s8, $0x1;
	s7 =	sshll.u32 s7, $0xB;
	s31 =	sadd.s32 s30, s10  }
0xa: {  	s8 =	ssub.s32 s8, s28;
	s4 =	sadd.s32 s5, s7;
	s7 =	sadd.s32 s12, s31  }
0xb: {  	s12 =	simm.s32 $0x1;
	s29 =	sshrl.u32 s9, $0x3;
	s6 =	smax.u32 s8, $0x1  }
0xc: {  	s8 =	simm.s32 $0x3;
	s9 =	simm.s32 $0x50;
	s11 =	sadd.s32 s10, s29  }
0xd: {  	s10 =	simm.s32 $0x4000;
	s5 =	sadd.s32 $0x26C00, s11;
	s11 =	simm.s32 $0x6800  }
.LBB2_1:
0xe: {  	[tilespmem:s2], [sflag:$0x3] =	stream.linear.gather [hbm4b:s4+s2], $0x3E80, $0x38;
	[tilespmem:$0x9000] =	vst v63  }
0xf: {  	_ =	swait.ge [sflag:s8], $0x3E80  }
0x10: {  	[sflag:s8] =	ssyncset.done $0x0  }
0x11: {  	[sflag:s8] =	ssyncadd.s32 $0xFFFFC180  }
0x12: {  	[tilespmem:s10], [sflag:$0x1] =	stream.indirect.gather [hbm4b:s3+s9], $0x80, s2, s9, $0xb8;
	[tilespmem:$0x9000] =	vst v63  }
0x13: {  	s15 =	simm.s32 $0x80  }
0x14: {  	[tilespmem:s11], [sflag:$0x2] =	stream.indirect.gather [hbm4b:s3+s9], $0x80, s15, s9, $0xb8;
	[tilespmem:$0x9000] =	vst v63  }
0x15: {  	_ =	swait.ge [sflag:s12], $0x2800  }
0x16: {  	[sflag:s12] =	ssyncset.done $0x0  }
0x17: {  	s16 =	sadd.s32 $0x0, s7;
	[sflag:s12] =	ssyncadd.s32 $0xFFFFD800  }
0x18: {  	[hbm4b:s16+s2] =	stream.linear.scatter [tilespmem:s10], [sflag:$0x3], $0x2800, $0x38;
	[tilespmem:$0x9000] =	vst v63  }
0x19: {  	_ =	swait.ge [sflag:s8], $0x2800  }
0x1a: {  	[sflag:s8] =	ssyncset.done $0x0  }
0x1b: {  	s17 =	simm.s32 $0x100;
	[sflag:s8] =	ssyncadd.s32 $0xFFFFD800  }
0x1c: {  	[tilespmem:s10], [sflag:$0x1] =	stream.indirect.gather [hbm4b:s3+s9], $0x80, s17, s9, $0xb8;
	[tilespmem:$0x9000] =	vst v63  }
0x1d: {  	_ =	swait.ge [sflag:s13], $0x2800  }
0x1e: {  	[sflag:s13] =	ssyncset.done $0x0  }
0x1f: {  	s16 =	sadd.s32 $0x500, s16;
	[sflag:s13] =	ssyncadd.s32 $0xFFFFD800  }
0x20: {  	[hbm4b:s16+s2] =	stream.linear.scatter [tilespmem:s11], [sflag:$0x3], $0x2800, $0x38;
	[tilespmem:$0x9000] =	vst v63  }
0x21: {  	_ =	swait.ge [sflag:s8], $0x2800  }
0x22: {  	s16 =	simm.s32 $0xA00;
	[sflag:s8] =	ssyncset.done $0x0  }
.LBB2_2:
0x23: {  	p0 =	sne.s32 s16, $0x26200;
	[sflag:s8] =	ssyncadd.s32 $0xFFFFD800;
	s15 =	sadd.s32 $0x100, s15  }
0x24: {  	[tilespmem:s11], [sflag:$0x2] =	stream.indirect.gather [hbm4b:s3+s9], $0x80, s15, s9, $0xb8;
	[tilespmem:$0x9000] =	vst v63  }
0x25: {  	s17 =	smov.u32 s16;
	s16 =	sadd.s32 $0xA00, s16;
	_ =	swait.ge [sflag:s12], $0x2800  }
0x26: {  	[sflag:s12] =	ssyncset.done $0x0  }
0x27: {  	s17 =	sadd.s32 s17, s7;
	[sflag:s12] =	ssyncadd.s32 $0xFFFFD800  }
0x28: {  	[hbm4b:s17+s2] =	stream.linear.scatter [tilespmem:s10], [sflag:$0x3], $0x2800, $0x38;
	[tilespmem:$0x9000] =	vst v63  }
0x29: {  	_ =	swait.ge [sflag:s8], $0x2800  }
0x2a: {  	[sflag:s8] =	ssyncset.done $0x0  }
0x2b: {  	s18 =	sadd.s32 $0x80, s15;
	[sflag:s8] =	ssyncadd.s32 $0xFFFFD800  }
0x2c: {  	[tilespmem:s10], [sflag:$0x1] =	stream.indirect.gather [hbm4b:s3+s9], $0x80, s18, s9, $0xb8;
	[tilespmem:$0x9000] =	vst v63  }
0x2d: {  	_ =	swait.ge [sflag:s13], $0x2800  }
.Ltmp0:
0x2e: {  	[sflag:s13] =	ssyncset.done $0x0;
	(pc) =	sbr.rel @p0 .LBB2_2-.Ltmp0, $4  }
0x2f: {  	s17 =	sadd.s32 $0x500, s17;
	[sflag:s13] =	ssyncadd.s32 $0xFFFFD800  }
0x30: {  	[hbm4b:s17+s2] =	stream.linear.scatter [tilespmem:s11], [sflag:$0x3], $0x2800, $0x38;
	[tilespmem:$0x9000] =	vst v63  }
0x31: {  	_ =	swait.ge [sflag:s8], $0x2800  }
0x32: {  	[sflag:s8] =	ssyncset.done $0x0  }
0x33: {  	[sflag:s8] =	ssyncadd.s32 $0xFFFFD800  }
0x34: {  	s14 =	sadd.s32 $0x1, s14;
	_ =	swait.ge [sflag:s12], $0x2800  }
0x35: {  	p0 =	sne.s32 s14, s6;
	[sflag:s12] =	ssyncset.done $0x0  }
.Ltmp1:
0x36: {  	[sflag:s12] =	ssyncadd.s32 $0xFFFFD800;
	(pc) =	sbr.rel @p0 .LBB2_1-.Ltmp1, $4  }
0x37: {  	[hbm4b:s5+s2] =	stream.linear.scatter [tilespmem:s10], [sflag:$0x3], $0x2800, $0x38;
	[tilespmem:$0x9000] =	vst v63  }
0x38: {  	_ =	swait.ge [sflag:s8], $0x2800  }
0x39: {  	[sflag:s8] =	ssyncset.done $0x0  }
0x3a: {  	[sflag:s8] =	ssyncadd.s32 $0xFFFFD800  }
0x3b: {  	_ =	sfence.sel $0x180000  }
0x3c: {  	[bflag:$0x0] =	sbarrier.arrive $0xFFFF  }
0x3d: {  	p0 =	sne.s32 s1, $0x0;
	_ =	strace $0x90000050  }
0x3e: {  	s0 =	sadd.s32 @!p0 $0x100000, s0;
	[bflag:$0x2] =	sbarrier.arrive $0xFFFF  }
0x3f: {  	[sflag:s0] =	ssyncadd.tile.s32 @!p0 $0x1;
	_ =	shalt  }
.Lfunc_end2:
_tile_overlayer_lowered:
.L_overlay_start_2:
0x40: {  	(tag) =	ssettag $0x2  }
0x41: {  	s0 =	rddreg [dreg:$0x0];
	s2 =	stileid.u32  }
0x42: {  	s1 =	rddreg [dreg:$0x1];
	p0 =	sne.s32 s2, $0x0  }
0x43: {  	s3 =	rddreg [dreg:$0x2];
	[bflag:$0x3] =	sbarrier.arrive $0xFFFF;
	s2 =	simm.s32 @!p0 $0x1C03  }
0x44: {  	[timem:s3], [sflag:s2] =	dma.local @!p0 [hbm:s0], s1  }
0x45: {  	s0 =	simm.s32 @!p0 $0x3  }
0x46: {  	_ =	swait.ge @!p0 [sflag:s0], s1  }
0x47: {  	s1 =	ssub.s32 @!p0 $0x0, s1;
	[sflag:s0] =	ssyncset.done @!p0 $0x0  }
0x48: {  	[sflag:s0] =	ssyncadd.s32 @!p0 s1  }
0x49: {  	[bflag:$0x3] =	sbarrier.arrive $0xFFFF  }
0x4a: {  	_ =	shalt  }

</sc_bundles>
